<compile_context>
chip_gen: v7x
topology: tpu7x:2x2x1
jax: 0.10.2.dev20260603
libtpu: 0.0.44.dev20260713+nightly
codegen_flags: <defaults>
</compile_context>

<pallas_src>
import functools

import jax
import jax.numpy as jnp
import numpy as np
from jax import lax
from jax.experimental import pallas as pl
from jax.experimental.pallas import tpu as pltpu
from jax.experimental.pallas import tpu_sc as plsc

_EPS = 1e-5


def _logits_kernel(x_ref, rw_ref, rb_ref, lt_ref):
    logits = jnp.dot(x_ref[...], rw_ref[...],
                     preferred_element_type=jnp.float32)
    logits = logits + rb_ref[...]
    lt_ref[...] = logits.T


def _sc_routing_body(lt_hbm, gates_hbm, buf, obuf, *, E, TPW, k_top, nc):
    wid = lax.axis_index("s") * nc + lax.axis_index("c")
    base = wid * TPW
    pltpu.sync_copy(lt_hbm.at[:, pl.ds(base, TPW)], buf)

    @pl.loop(0, TPW // 16)
    def _group(g):
            sl = pl.ds(g * 16, 16)
            l = [buf[j, sl] for j in range(E)]
            orig = list(l)
            sel = [None] * E
            mx = None
            for k in range(k_top):
                m = l[0]
                arg = jnp.zeros((16,), jnp.float32)
                for j in range(1, E):
                    better = l[j] > m
                    m = jnp.where(better, l[j], m)
                    arg = jnp.where(better, float(j), arg)
                if k == 0:
                    mx = m
                for j in range(E):
                    pick = arg == float(j)
                    sel[j] = pick if sel[j] is None else (sel[j] | pick)
                    l[j] = jnp.where(pick, -1.0e30, l[j])
            ssum = jnp.zeros((16,), jnp.float32)
            es = []
            for j in range(E):
                e = jnp.where(sel[j], jnp.exp(orig[j] - mx), 0.0)
                es.append(e)
                ssum = ssum + e
            inv = 1.0 / ssum
            for j in range(E):
                obuf[j, sl] = es[j] * inv
    pltpu.sync_copy(obuf, gates_hbm.at[:, pl.ds(base, TPW)])


def _sc_routing(logits_t, k_top):
    E, T = logits_t.shape
    info = plsc.get_sparse_core_info()
    nc, ns = info.num_cores, info.num_subcores
    nw = nc * ns
    TPW = T // nw
    mesh = plsc.VectorSubcoreMesh(core_axis_name="c", subcore_axis_name="s")
    fn = functools.partial(
        pl.kernel,
        mesh=mesh,
        out_type=jax.ShapeDtypeStruct((E, T), jnp.float32),
        scratch_types=[
            pltpu.VMEM((E, TPW), jnp.float32),
            pltpu.VMEM((E, TPW), jnp.float32),
        ],
    )(functools.partial(_sc_routing_body, E=E, TPW=TPW, k_top=k_top, nc=nc))
    return fn(logits_t)


def _col_stats(h):
    n = h.shape[0]
    m = jnp.mean(h, axis=0, keepdims=True)
    v = jnp.mean(jnp.square(h - m), axis=0, keepdims=True)
    return m, v


def _layer1_kernel(x_ref, w1_ref, a_ref):
    h = jnp.dot(x_ref[...], w1_ref[...], preferred_element_type=jnp.float32)
    m, v = _col_stats(h)
    a = jnp.maximum((h - m) * jax.lax.rsqrt(v + _EPS), 0.0)
    a_ref[...] = a.astype(a_ref.dtype)


def _layer2_kernel(cc_ref, first_ref, last_ref, eid_ref,
                   a_ref, w2_ref, gates_ref, out_ref, h2_ref, *, nd):
    s = pl.program_id(0)
    D = w2_ref.shape[1]
    dw = D // nd

    @pl.when(first_ref[s] == 1)
    def _():
        h2_ref[...] = jnp.zeros_like(h2_ref)

    @pl.when(s == 0)
    def _():
        out_ref[...] = jnp.zeros_like(out_ref)

    a_blk = a_ref[...]
    for dh in range(nd):
        h2_ref[:, dh * dw:(dh + 1) * dw] += jnp.dot(
            a_blk, w2_ref[:, dh * dw:(dh + 1) * dw],
            preferred_element_type=jnp.float32)

    @pl.when(last_ref[s] == 1)
    def _():
        g = gates_ref[0]
        for dh in range(nd):
            h2 = h2_ref[:, dh * dw:(dh + 1) * dw]
            m, v = _col_stats(h2)
            bn = (h2 - m) * jax.lax.rsqrt(v + _EPS)
            out_ref[:, dh * dw:(dh + 1) * dw] += g * bn


def _moe_forward(x, router_w, router_b, w1_list, w2_list, *, k_top, pad, token_block):
    T, D = x.shape
    E = len(w1_list)
    sizes = [int(w.shape[1]) for w in w1_list]
    psizes = [-(-s // pad) * pad for s in sizes]
    S = int(sum(psizes))
    nchunks = [ps // pad for ps in psizes]
    NC = int(sum(nchunks))

    logits_t = pl.pallas_call(
        _logits_kernel,
        grid=(T // token_block,),
        in_specs=[
            pl.BlockSpec((token_block, D), lambda i: (i, 0)),
            pl.BlockSpec((D, E), lambda i: (0, 0)),
            pl.BlockSpec((1, E), lambda i: (0, 0)),
        ],
        out_specs=pl.BlockSpec((E, token_block), lambda i: (0, i)),
        out_shape=jax.ShapeDtypeStruct((E, T), jnp.float32),
    )(x, router_w, router_b.reshape(1, E))

    W1p = jnp.concatenate(
        [jnp.pad(w, ((0, 0), (0, ps - s)))
         for w, s, ps in zip(w1_list, sizes, psizes)],
        axis=1).astype(jnp.bfloat16)
    W2p = jnp.concatenate(
        [jnp.pad(w, ((0, ps - s), (0, 0)))
         for w, s, ps in zip(w2_list, sizes, psizes)],
        axis=0).astype(jnp.bfloat16)
    x_bf = x.astype(jnp.bfloat16)

    a = pl.pallas_call(
        _layer1_kernel,
        grid=(NC,),
        in_specs=[
            pl.BlockSpec((T, D), lambda j: (0, 0)),
            pl.BlockSpec((D, pad), lambda j: (0, j)),
        ],
        out_specs=pl.BlockSpec((T, pad), lambda j: (0, j)),
        out_shape=jax.ShapeDtypeStruct((T, S), jnp.bfloat16),
    )(x_bf, W1p)

    gates_t = _sc_routing(logits_t, k_top)

    cc, eid, first, last = [], [], [], []
    for e in range(E):
        base = sum(nchunks[:e])
        for j in range(nchunks[e]):
            cc.append(base + j)
            eid.append(e)
            first.append(1 if j == 0 else 0)
            last.append(1 if j == nchunks[e] - 1 else 0)
    cc = jnp.asarray(np.asarray(cc, np.int32))
    eid = jnp.asarray(np.asarray(eid, np.int32))
    first = jnp.asarray(np.asarray(first, np.int32))
    last = jnp.asarray(np.asarray(last, np.int32))

    grid_spec = pltpu.PrefetchScalarGridSpec(
        num_scalar_prefetch=4,
        grid=(NC,),
        in_specs=[
            pl.BlockSpec((T, pad), lambda s, cc, fr, la, ei: (0, cc[s])),
            pl.BlockSpec((pad, D), lambda s, cc, fr, la, ei: (cc[s], 0)),
            pl.BlockSpec((1, T, 1), lambda s, cc, fr, la, ei: (ei[s], 0, 0)),
        ],
        out_specs=pl.BlockSpec((T, D), lambda s, cc, fr, la, ei: (0, 0)),
        scratch_shapes=[pltpu.VMEM((T, D), jnp.float32)],
    )
    out = pl.pallas_call(
        functools.partial(_layer2_kernel, nd=max(1, D // 512)),
        grid_spec=grid_spec,
        out_shape=jax.ShapeDtypeStruct((T, D), jnp.float32),
        compiler_params=pltpu.CompilerParams(
            vmem_limit_bytes=63 * 1024 * 1024),
    )(cc, first, last, eid, a, W2p, gates_t.reshape(E, T, 1))
    return out + x


def kernel(x, router_w, router_b, *expert_params):
    w1_list = expert_params[0::4]
    w2_list = expert_params[2::4]
    return _moe_forward(x, router_w, router_b, list(w1_list), list(w2_list),
                        k_top=8, pad=256, token_block=512)

# --- scband reference (transcript-rebuilt; emitter-appended) ---
"""Pipeline reference for scband-mo-e-13125420057043 (READ-ONLY COPY).

The authoritative reference and input builder live on the scoring server;
editing this copy changes nothing except your own understanding.
"""

import jax, jax.numpy as jnp
import numpy as np

INPUT_DIM = 1024
NUM_EXPERTS = 32
BASE_UNITS = 1024
K_TOP = 8
TOKENS = 4096


def expert_sizes():
    sizes = []
    for i in range(NUM_EXPERTS):
        scale = 0.5 + i / (NUM_EXPERTS - 1) if NUM_EXPERTS > 1 else 1.0
        sizes.append(int(BASE_UNITS * scale))
    return sizes


def setup_inputs(seed: int = 0) -> dict:
    key = jax.random.key(seed)
    ks = jax.random.split(key, 4 + 2 * NUM_EXPERTS)
    x = jax.random.normal(ks[0], (TOKENS, INPUT_DIM), dtype=jnp.float32)
    router_w = jax.random.normal(ks[1], (INPUT_DIM, NUM_EXPERTS), dtype=jnp.float32) * 0.02
    router_b = jnp.zeros((NUM_EXPERTS,), dtype=jnp.float32)
    w1_list = []
    b1_list = []
    w2_list = []
    b2_list = []
    for i, size in enumerate(expert_sizes()):
        k1 = jax.random.fold_in(ks[2], i)
        k2 = jax.random.fold_in(ks[3], i)
        w1_list.append(jax.random.normal(k1, (INPUT_DIM, size), dtype=jnp.float32) * 0.02)
        b1_list.append(jnp.zeros((size,), dtype=jnp.float32))
        w2_list.append(jax.random.normal(k2, (size, INPUT_DIM), dtype=jnp.float32) * 0.02)
        b2_list.append(jnp.zeros((INPUT_DIM,), dtype=jnp.float32))
    inp = {"x": x, "router_w": router_w, "router_b": router_b}
    for i in range(NUM_EXPERTS):
        inp[f"w1_{i}"] = w1_list[i]
        inp[f"b1_{i}"] = b1_list[i]
        inp[f"w2_{i}"] = w2_list[i]
        inp[f"b2_{i}"] = b2_list[i]
    return inp


def batchnorm(h, eps=1e-5):
    # BatchNorm1d in train-mode with weight=1, bias=0 (fresh init): normalize over batch dim
    mean = jnp.mean(h, axis=0, keepdims=True)
    var = jnp.var(h, axis=0, keepdims=True)
    return (h - mean) / jnp.sqrt(var + eps)


def expert_forward(x, w1, b1, w2, b2):
    h = x @ w1 + b1
    h = batchnorm(h)
    h = jax.nn.relu(h)
    # dropout in eval mode -> identity
    h = h @ w2 + b2
    h = batchnorm(h)
    return h


def reference(
    x, router_w, router_b,
    w1_0, b1_0, w2_0, b2_0,
    w1_1, b1_1, w2_1, b2_1,
    w1_2, b1_2, w2_2, b2_2,
    w1_3, b1_3, w2_3, b2_3,
    w1_4, b1_4, w2_4, b2_4,
    w1_5, b1_5, w2_5, b2_5,
    w1_6, b1_6, w2_6, b2_6,
    w1_7, b1_7, w2_7, b2_7,
    w1_8, b1_8, w2_8, b2_8,
    w1_9, b1_9, w2_9, b2_9,
    w1_10, b1_10, w2_10, b2_10,
    w1_11, b1_11, w2_11, b2_11,
    w1_12, b1_12, w2_12, b2_12,
    w1_13, b1_13, w2_13, b2_13,
    w1_14, b1_14, w2_14, b2_14,
    w1_15, b1_15, w2_15, b2_15,
    w1_16, b1_16, w2_16, b2_16,
    w1_17, b1_17, w2_17, b2_17,
    w1_18, b1_18, w2_18, b2_18,
    w1_19, b1_19, w2_19, b2_19,
    w1_20, b1_20, w2_20, b2_20,
    w1_21, b1_21, w2_21, b2_21,
    w1_22, b1_22, w2_22, b2_22,
    w1_23, b1_23, w2_23, b2_23,
    w1_24, b1_24, w2_24, b2_24,
    w1_25, b1_25, w2_25, b2_25,
    w1_26, b1_26, w2_26, b2_26,
    w1_27, b1_27, w2_27, b2_27,
    w1_28, b1_28, w2_28, b2_28,
    w1_29, b1_29, w2_29, b2_29,
    w1_30, b1_30, w2_30, b2_30,
    w1_31, b1_31, w2_31, b2_31,
):
    kwargs = dict(locals())
    x = kwargs["x"]
    router_w = kwargs["router_w"]
    router_b = kwargs["router_b"]
    logits = x @ router_w + router_b
    top_k_weights, top_k_indices = jax.lax.top_k(logits, K_TOP)
    top_k_weights = jax.nn.softmax(top_k_weights, axis=1)
    expert_outputs = []
    for i in range(NUM_EXPERTS):
        expert_outputs.append(expert_forward(x, kwargs[f"w1_{i}"], kwargs[f"b1_{i}"], kwargs[f"w2_{i}"], kwargs[f"b2_{i}"]))
    expert_outputs = jnp.stack(expert_outputs, axis=1)  # [B, E, D]
    # mask/detach trick is a no-op in fwd value; compute faithfully
    mask = jnp.zeros_like(expert_outputs)
    idx = top_k_indices[:, :, None]
    idx = jnp.broadcast_to(idx, (x.shape[0], K_TOP, expert_outputs.shape[-1]))
    mask = jnp.take_along_axis(mask, idx, axis=1)  # placeholder not needed; use scatter below
    onehot = jnp.zeros_like(expert_outputs)
    b_idx = jnp.arange(x.shape[0])[:, None, None]
    d_idx = jnp.arange(expert_outputs.shape[-1])[None, None, :]
    onehot = onehot.at[b_idx, idx, d_idx].set(1.0)
    expert_outputs = expert_outputs * onehot + jax.lax.stop_gradient(expert_outputs * (1 - onehot))
    selected = jnp.take_along_axis(expert_outputs, idx, axis=1)  # [B, K, D]
    output = jnp.sum(selected * top_k_weights[:, :, None], axis=1)
    return output + x

if __name__ == "__main__":
    import jax
    _d = setup_inputs()
    print(jax.jit(kernel)(*tuple(_d.values())))

</pallas_src>

<mosaic_0001>
#map = affine_map<(d0, d1) -> (0, 0)>
module attributes {stable_mosaic.version = 14 : i64} {
  func.func @_sc_routing_body(%arg0: i32, %arg1: i32, %arg2: memref<32x4096xf32, #tpu.memory_space<hbm>>, %arg3: memref<32x4096xf32, #tpu.memory_space<hbm>>, %arg4: memref<32x128xf32, #tpu.memory_space<vmem>>, %arg5: memref<32x128xf32, #tpu.memory_space<vmem>>) attributes {dimension_semantics = [#tpu.dimension_semantics<core_parallel>, #tpu.dimension_semantics<subcore_parallel>], iteration_bounds = array<i64: 2, 16>, scalar_prefetch = 0 : i64, scratch_operands = 2 : i64, tpu.core_type = #tpu.core_type<sc_vector_subcore>, window_params = [{transform_indices = #map}, {transform_indices = #map}]} {
    %mul3A = arith.constant 2 : i32
    %mul3A_0 = arith.muli %arg1, %mul3A : i32
    %add3A = arith.addi %mul3A_0, %arg0 : i32
    %mul3A_1 = arith.constant 128 : i32
    %mul3A_2 = arith.muli %add3A, %mul3A_1 : i32
    "tpu.region"() ({
      %run_scoped3A = tpu.sem_alloc : memref<!tpu.dma_semaphore, #tpu.memory_space<semaphore_mem>>
      %dma_start3A = arith.constant 0 : i32
      %dma_start3A_7 = tpu.memref_slice %arg2[%dma_start3A, %mul3A_2] : memref<32x4096xf32, #tpu.memory_space<hbm>> -> memref<32x128xf32, #tpu.memory_space<hbm>>
      %dma_start3A_8 = arith.constant 0 : i32
      %dma_start3A_9 = tpu.memref_slice %arg2[%dma_start3A_8, %mul3A_2] : memref<32x4096xf32, #tpu.memory_space<hbm>> -> memref<32x128xf32, #tpu.memory_space<hbm>>
      tpu.enqueue_dma source(%dma_start3A_9 : memref<32x128xf32, #tpu.memory_space<hbm>>) target(%arg4 : memref<32x128xf32, #tpu.memory_space<vmem>>) target_semaphore(%run_scoped3A : memref<!tpu.dma_semaphore, #tpu.memory_space<semaphore_mem>>)
      %dma_wait3A = arith.constant 0 : i32
      %dma_wait3A_10 = tpu.memref_slice %arg2[%dma_wait3A, %mul3A_2] : memref<32x4096xf32, #tpu.memory_space<hbm>> -> memref<32x128xf32, #tpu.memory_space<hbm>>
      %dma_wait3A_11 = arith.constant 0 : i32
      %dma_wait3A_12 = tpu.memref_slice %arg2[%dma_wait3A_11, %mul3A_2] : memref<32x4096xf32, #tpu.memory_space<hbm>> -> memref<32x128xf32, #tpu.memory_space<hbm>>
      tpu.wait_dma2 semaphore(%run_scoped3A : memref<!tpu.dma_semaphore, #tpu.memory_space<semaphore_mem>>) src(%dma_wait3A_12 : memref<32x128xf32, #tpu.memory_space<hbm>>) dst(%arg4 : memref<32x128xf32, #tpu.memory_space<vmem>>)
      tpu.yield
    }) : () -> ()
    %scan3A = arith.constant 0 : i32
    %scan3A_3 = arith.constant 8 : i32
    %scan3A_4 = arith.addi %scan3A, %scan3A_3 : i32
    %scan3A_5 = arith.constant 1 : i32
    scf.for %scan3A_7 = %scan3A to %scan3A_4 step %scan3A_5  : i32 {
      %mul3A_8 = arith.constant 1 : i32
      %mul3A_9 = arith.muli %scan3A_7, %mul3A_8 : i32
      %add3A_10 = arith.constant 0 : i32
      %add3A_11 = arith.addi %add3A_10, %mul3A_9 : i32
      %mul3A_12 = arith.constant 16 : i32
      %mul3A_13 = arith.muli %add3A_11, %mul3A_12 : i32
      %get3A = arith.constant 0 : i32
      %get3A_14 = arith.index_cast %get3A : i32 to index
      %get3A_15 = arith.index_cast %mul3A_13 : i32 to index
      %get3A_16 = tpu.vector_load %arg4[%get3A_14, %get3A_15] {strides = array<i32>} : memref<32x128xf32, #tpu.memory_space<vmem>>, vector<1x16xf32>,
      %get3A_17 = vector.shape_cast %get3A_16 : vector<1x16xf32> to vector<16xf32>
      %get3A_18 = arith.constant 1 : i32
      %get3A_19 = arith.index_cast %get3A_18 : i32 to index
      %get3A_20 = arith.index_cast %mul3A_13 : i32 to index
      %get3A_21 = tpu.vector_load %arg4[%get3A_19, %get3A_20] {strides = array<i32>} : memref<32x128xf32, #tpu.memory_space<vmem>>, vector<1x16xf32>,
      %get3A_22 = vector.shape_cast %get3A_21 : vector<1x16xf32> to vector<16xf32>
      %get3A_23 = arith.constant 2 : i32
      %get3A_24 = arith.index_cast %get3A_23 : i32 to index
      %get3A_25 = arith.index_cast %mul3A_13 : i32 to index
      %get3A_26 = tpu.vector_load %arg4[%get3A_24, %get3A_25] {strides = array<i32>} : memref<32x128xf32, #tpu.memory_space<vmem>>, vector<1x16xf32>,
      %get3A_27 = vector.shape_cast %get3A_26 : vector<1x16xf32> to vector<16xf32>
      %get3A_28 = arith.constant 3 : i32
      %get3A_29 = arith.index_cast %get3A_28 : i32 to index
      %get3A_30 = arith.index_cast %mul3A_13 : i32 to index
      %get3A_31 = tpu.vector_load %arg4[%get3A_29, %get3A_30] {strides = array<i32>} : memref<32x128xf32, #tpu.memory_space<vmem>>, vector<1x16xf32>,
      %get3A_32 = vector.shape_cast %get3A_31 : vector<1x16xf32> to vector<16xf32>
      %get3A_33 = arith.constant 4 : i32
      %get3A_34 = arith.index_cast %get3A_33 : i32 to index
      %get3A_35 = arith.index_cast %mul3A_13 : i32 to index
      %get3A_36 = tpu.vector_load %arg4[%get3A_34, %get3A_35] {strides = array<i32>} : memref<32x128xf32, #tpu.memory_space<vmem>>, vector<1x16xf32>,
      %get3A_37 = vector.shape_cast %get3A_36 : vector<1x16xf32> to vector<16xf32>
      %get3A_38 = arith.constant 5 : i32
      %get3A_39 = arith.index_cast %get3A_38 : i32 to index
      %get3A_40 = arith.index_cast %mul3A_13 : i32 to index
      %get3A_41 = tpu.vector_load %arg4[%get3A_39, %get3A_40] {strides = array<i32>} : memref<32x128xf32, #tpu.memory_space<vmem>>, vector<1x16xf32>,
      %get3A_42 = vector.shape_cast %get3A_41 : vector<1x16xf32> to vector<16xf32>
      %get3A_43 = arith.constant 6 : i32
      %get3A_44 = arith.index_cast %get3A_43 : i32 to index
      %get3A_45 = arith.index_cast %mul3A_13 : i32 to index
      %get3A_46 = tpu.vector_load %arg4[%get3A_44, %get3A_45] {strides = array<i32>} : memref<32x128xf32, #tpu.memory_space<vmem>>, vector<1x16xf32>,
      %get3A_47 = vector.shape_cast %get3A_46 : vector<1x16xf32> to vector<16xf32>
      %get3A_48 = arith.constant 7 : i32
      %get3A_49 = arith.index_cast %get3A_48 : i32 to index
      %get3A_50 = arith.index_cast %mul3A_13 : i32 to index
      %get3A_51 = tpu.vector_load %arg4[%get3A_49, %get3A_50] {strides = array<i32>} : memref<32x128xf32, #tpu.memory_space<vmem>>, vector<1x16xf32>,
      %get3A_52 = vector.shape_cast %get3A_51 : vector<1x16xf32> to vector<16xf32>
      %get3A_53 = arith.constant 8 : i32
      %get3A_54 = arith.index_cast %get3A_53 : i32 to index
      %get3A_55 = arith.index_cast %mul3A_13 : i32 to index
      %get3A_56 = tpu.vector_load %arg4[%get3A_54, %get3A_55] {strides = array<i32>} : memref<32x128xf32, #tpu.memory_space<vmem>>, vector<1x16xf32>,
      %get3A_57 = vector.shape_cast %get3A_56 : vector<1x16xf32> to vector<16xf32>
      %get3A_58 = arith.constant 9 : i32
      %get3A_59 = arith.index_cast %get3A_58 : i32 to index
      %get3A_60 = arith.index_cast %mul3A_13 : i32 to index
      %get3A_61 = tpu.vector_load %arg4[%get3A_59, %get3A_60] {strides = array<i32>} : memref<32x128xf32, #tpu.memory_space<vmem>>, vector<1x16xf32>,
      %get3A_62 = vector.shape_cast %get3A_61 : vector<1x16xf32> to vector<16xf32>
      %get3A_63 = arith.constant 10 : i32
      %get3A_64 = arith.index_cast %get3A_63 : i32 to index
      %get3A_65 = arith.index_cast %mul3A_13 : i32 to index
      %get3A_66 = tpu.vector_load %arg4[%get3A_64, %get3A_65] {strides = array<i32>} : memref<32x128xf32, #tpu.memory_space<vmem>>, vector<1x16xf32>,
      %get3A_67 = vector.shape_cast %get3A_66 : vector<1x16xf32> to vector<16xf32>
      %get3A_68 = arith.constant 11 : i32
      %get3A_69 = arith.index_cast %get3A_68 : i32 to index
      %get3A_70 = arith.index_cast %mul3A_13 : i32 to index
      %get3A_71 = tpu.vector_load %arg4[%get3A_69, %get3A_70] {strides = array<i32>} : memref<32x128xf32, #tpu.memory_space<vmem>>, vector<1x16xf32>,
      %get3A_72 = vector.shape_cast %get3A_71 : vector<1x16xf32> to vector<16xf32>
      %get3A_73 = arith.constant 12 : i32
      %get3A_74 = arith.index_cast %get3A_73 : i32 to index
      %get3A_75 = arith.index_cast %mul3A_13 : i32 to index
      %get3A_76 = tpu.vector_load %arg4[%get3A_74, %get3A_75] {strides = array<i32>} : memref<32x128xf32, #tpu.memory_space<vmem>>, vector<1x16xf32>,
      %get3A_77 = vector.shape_cast %get3A_76 : vector<1x16xf32> to vector<16xf32>
      %get3A_78 = arith.constant 13 : i32
      %get3A_79 = arith.index_cast %get3A_78 : i32 to index
      %get3A_80 = arith.index_cast %mul3A_13 : i32 to index
      %get3A_81 = tpu.vector_load %arg4[%get3A_79, %get3A_80] {strides = array<i32>} : memref<32x128xf32, #tpu.memory_space<vmem>>, vector<1x16xf32>,
      %get3A_82 = vector.shape_cast %get3A_81 : vector<1x16xf32> to vector<16xf32>
      %get3A_83 = arith.constant 14 : i32
      %get3A_84 = arith.index_cast %get3A_83 : i32 to index
      %get3A_85 = arith.index_cast %mul3A_13 : i32 to index
      %get3A_86 = tpu.vector_load %arg4[%get3A_84, %get3A_85] {strides = array<i32>} : memref<32x128xf32, #tpu.memory_space<vmem>>, vector<1x16xf32>,
      %get3A_87 = vector.shape_cast %get3A_86 : vector<1x16xf32> to vector<16xf32>
      %get3A_88 = arith.constant 15 : i32
      %get3A_89 = arith.index_cast %get3A_88 : i32 to index
      %get3A_90 = arith.index_cast %mul3A_13 : i32 to index
      %get3A_91 = tpu.vector_load %arg4[%get3A_89, %get3A_90] {strides = array<i32>} : memref<32x128xf32, #tpu.memory_space<vmem>>, vector<1x16xf32>,
      %get3A_92 = vector.shape_cast %get3A_91 : vector<1x16xf32> to vector<16xf32>
      %get3A_93 = arith.constant 16 : i32
      %get3A_94 = arith.index_cast %get3A_93 : i32 to index
      %get3A_95 = arith.index_cast %mul3A_13 : i32 to index
      %get3A_96 = tpu.vector_load %arg4[%get3A_94, %get3A_95] {strides = array<i32>} : memref<32x128xf32, #tpu.memory_space<vmem>>, vector<1x16xf32>,
      %get3A_97 = vector.shape_cast %get3A_96 : vector<1x16xf32> to vector<16xf32>
      %get3A_98 = arith.constant 17 : i32
      %get3A_99 = arith.index_cast %get3A_98 : i32 to index
      %get3A_100 = arith.index_cast %mul3A_13 : i32 to index
      %get3A_101 = tpu.vector_load %arg4[%get3A_99, %get3A_100] {strides = array<i32>} : memref<32x128xf32, #tpu.memory_space<vmem>>, vector<1x16xf32>,
      %get3A_102 = vector.shape_cast %get3A_101 : vector<1x16xf32> to vector<16xf32>
      %get3A_103 = arith.constant 18 : i32
      %get3A_104 = arith.index_cast %get3A_103 : i32 to index
      %get3A_105 = arith.index_cast %mul3A_13 : i32 to index
      %get3A_106 = tpu.vector_load %arg4[%get3A_104, %get3A_105] {strides = array<i32>} : memref<32x128xf32, #tpu.memory_space<vmem>>, vector<1x16xf32>,
      %get3A_107 = vector.shape_cast %get3A_106 : vector<1x16xf32> to vector<16xf32>
      %get3A_108 = arith.constant 19 : i32
      %get3A_109 = arith.index_cast %get3A_108 : i32 to index
      %get3A_110 = arith.index_cast %mul3A_13 : i32 to index
      %get3A_111 = tpu.vector_load %arg4[%get3A_109, %get3A_110] {strides = array<i32>} : memref<32x128xf32, #tpu.memory_space<vmem>>, vector<1x16xf32>,
      %get3A_112 = vector.shape_cast %get3A_111 : vector<1x16xf32> to vector<16xf32>
      %get3A_113 = arith.constant 20 : i32
      %get3A_114 = arith.index_cast %get3A_113 : i32 to index
      %get3A_115 = arith.index_cast %mul3A_13 : i32 to index
      %get3A_116 = tpu.vector_load %arg4[%get3A_114, %get3A_115] {strides = array<i32>} : memref<32x128xf32, #tpu.memory_space<vmem>>, vector<1x16xf32>,
      %get3A_117 = vector.shape_cast %get3A_116 : vector<1x16xf32> to vector<16xf32>
      %get3A_118 = arith.constant 21 : i32
      %get3A_119 = arith.index_cast %get3A_118 : i32 to index
      %get3A_120 = arith.index_cast %mul3A_13 : i32 to index
      %get3A_121 = tpu.vector_load %arg4[%get3A_119, %get3A_120] {strides = array<i32>} : memref<32x128xf32, #tpu.memory_space<vmem>>, vector<1x16xf32>,
      %get3A_122 = vector.shape_cast %get3A_121 : vector<1x16xf32> to vector<16xf32>
      %get3A_123 = arith.constant 22 : i32
      %get3A_124 = arith.index_cast %get3A_123 : i32 to index
      %get3A_125 = arith.index_cast %mul3A_13 : i32 to index
      %get3A_126 = tpu.vector_load %arg4[%get3A_124, %get3A_125] {strides = array<i32>} : memref<32x128xf32, #tpu.memory_space<vmem>>, vector<1x16xf32>,
      %get3A_127 = vector.shape_cast %get3A_126 : vector<1x16xf32> to vector<16xf32>
      %get3A_128 = arith.constant 23 : i32
      %get3A_129 = arith.index_cast %get3A_128 : i32 to index
      %get3A_130 = arith.index_cast %mul3A_13 : i32 to index
      %get3A_131 = tpu.vector_load %arg4[%get3A_129, %get3A_130] {strides = array<i32>} : memref<32x128xf32, #tpu.memory_space<vmem>>, vector<1x16xf32>,
      %get3A_132 = vector.shape_cast %get3A_131 : vector<1x16xf32> to vector<16xf32>
      %get3A_133 = arith.constant 24 : i32
      %get3A_134 = arith.index_cast %get3A_133 : i32 to index
      %get3A_135 = arith.index_cast %mul3A_13 : i32 to index
      %get3A_136 = tpu.vector_load %arg4[%get3A_134, %get3A_135] {strides = array<i32>} : memref<32x128xf32, #tpu.memory_space<vmem>>, vector<1x16xf32>,
      %get3A_137 = vector.shape_cast %get3A_136 : vector<1x16xf32> to vector<16xf32>
      %get3A_138 = arith.constant 25 : i32
      %get3A_139 = arith.index_cast %get3A_138 : i32 to index
      %get3A_140 = arith.index_cast %mul3A_13 : i32 to index
      %get3A_141 = tpu.vector_load %arg4[%get3A_139, %get3A_140] {strides = array<i32>} : memref<32x128xf32, #tpu.memory_space<vmem>>, vector<1x16xf32>,
      %get3A_142 = vector.shape_cast %get3A_141 : vector<1x16xf32> to vector<16xf32>
      %get3A_143 = arith.constant 26 : i32
      %get3A_144 = arith.index_cast %get3A_143 : i32 to index
      %get3A_145 = arith.index_cast %mul3A_13 : i32 to index
      %get3A_146 = tpu.vector_load %arg4[%get3A_144, %get3A_145] {strides = array<i32>} : memref<32x128xf32, #tpu.memory_space<vmem>>, vector<1x16xf32>,
      %get3A_147 = vector.shape_cast %get3A_146 : vector<1x16xf32> to vector<16xf32>
      %get3A_148 = arith.constant 27 : i32
      %get3A_149 = arith.index_cast %get3A_148 : i32 to index
      %get3A_150 = arith.index_cast %mul3A_13 : i32 to index
      %get3A_151 = tpu.vector_load %arg4[%get3A_149, %get3A_150] {strides = array<i32>} : memref<32x128xf32, #tpu.memory_space<vmem>>, vector<1x16xf32>,
      %get3A_152 = vector.shape_cast %get3A_151 : vector<1x16xf32> to vector<16xf32>
      %get3A_153 = arith.constant 28 : i32
      %get3A_154 = arith.index_cast %get3A_153 : i32 to index
      %get3A_155 = arith.index_cast %mul3A_13 : i32 to index
      %get3A_156 = tpu.vector_load %arg4[%get3A_154, %get3A_155] {strides = array<i32>} : memref<32x128xf32, #tpu.memory_space<vmem>>, vector<1x16xf32>,
      %get3A_157 = vector.shape_cast %get3A_156 : vector<1x16xf32> to vector<16xf32>
      %get3A_158 = arith.constant 29 : i32
      %get3A_159 = arith.index_cast %get3A_158 : i32 to index
      %get3A_160 = arith.index_cast %mul3A_13 : i32 to index
      %get3A_161 = tpu.vector_load %arg4[%get3A_159, %get3A_160] {strides = array<i32>} : memref<32x128xf32, #tpu.memory_space<vmem>>, vector<1x16xf32>,
      %get3A_162 = vector.shape_cast %get3A_161 : vector<1x16xf32> to vector<16xf32>
      %get3A_163 = arith.constant 30 : i32
      %get3A_164 = arith.index_cast %get3A_163 : i32 to index
      %get3A_165 = arith.index_cast %mul3A_13 : i32 to index
      %get3A_166 = tpu.vector_load %arg4[%get3A_164, %get3A_165] {strides = array<i32>} : memref<32x128xf32, #tpu.memory_space<vmem>>, vector<1x16xf32>,
      %get3A_167 = vector.shape_cast %get3A_166 : vector<1x16xf32> to vector<16xf32>
      %get3A_168 = arith.constant 31 : i32
      %get3A_169 = arith.index_cast %get3A_168 : i32 to index
      %get3A_170 = arith.index_cast %mul3A_13 : i32 to index
      %get3A_171 = tpu.vector_load %arg4[%get3A_169, %get3A_170] {strides = array<i32>} : memref<32x128xf32, #tpu.memory_space<vmem>>, vector<1x16xf32>,
      %get3A_172 = vector.shape_cast %get3A_171 : vector<1x16xf32> to vector<16xf32>
      %broadcast_in_dim3A = arith.constant 0.000000e+00 : f32
      %broadcast_in_dim3A_173 = vector.broadcast %broadcast_in_dim3A : f32 to vector<16xf32>
      %gt3A = arith.cmpf ogt, %get3A_22, %get3A_17 : vector<16xf32>
      %select_n3A = arith.select %gt3A, %get3A_22, %get3A_17 : vector<16xi1>, vector<16xf32>
      %jit3A = arith.constant 1.000000e+00 : f32
      %broadcast_in_dim3A_174 = vector.broadcast %jit3A : f32 to vector<16xf32>
      %select_n3A_175 = arith.select %gt3A, %broadcast_in_dim3A_174, %broadcast_in_dim3A_173 : vector<16xi1>, vector<16xf32>
      %gt3A_176 = arith.cmpf ogt, %get3A_27, %select_n3A : vector<16xf32>
      %select_n3A_177 = arith.select %gt3A_176, %get3A_27, %select_n3A : vector<16xi1>, vector<16xf32>
      %jit3A_178 = arith.constant 2.000000e+00 : f32
      %broadcast_in_dim3A_179 = vector.broadcast %jit3A_178 : f32 to vector<16xf32>
      %select_n3A_180 = arith.select %gt3A_176, %broadcast_in_dim3A_179, %select_n3A_175 : vector<16xi1>, vector<16xf32>
      %gt3A_181 = arith.cmpf ogt, %get3A_32, %select_n3A_177 : vector<16xf32>
      %select_n3A_182 = arith.select %gt3A_181, %get3A_32, %select_n3A_177 : vector<16xi1>, vector<16xf32>
      %jit3A_183 = arith.constant 3.000000e+00 : f32
      %broadcast_in_dim3A_184 = vector.broadcast %jit3A_183 : f32 to vector<16xf32>
      %select_n3A_185 = arith.select %gt3A_181, %broadcast_in_dim3A_184, %select_n3A_180 : vector<16xi1>, vector<16xf32>
      %gt3A_186 = arith.cmpf ogt, %get3A_37, %select_n3A_182 : vector<16xf32>
      %select_n3A_187 = arith.select %gt3A_186, %get3A_37, %select_n3A_182 : vector<16xi1>, vector<16xf32>
      %jit3A_188 = arith.constant 4.000000e+00 : f32
      %broadcast_in_dim3A_189 = vector.broadcast %jit3A_188 : f32 to vector<16xf32>
      %select_n3A_190 = arith.select %gt3A_186, %broadcast_in_dim3A_189, %select_n3A_185 : vector<16xi1>, vector<16xf32>
      %gt3A_191 = arith.cmpf ogt, %get3A_42, %select_n3A_187 : vector<16xf32>
      %select_n3A_192 = arith.select %gt3A_191, %get3A_42, %select_n3A_187 : vector<16xi1>, vector<16xf32>
      %jit3A_193 = arith.constant 5.000000e+00 : f32
      %broadcast_in_dim3A_194 = vector.broadcast %jit3A_193 : f32 to vector<16xf32>
      %select_n3A_195 = arith.select %gt3A_191, %broadcast_in_dim3A_194, %select_n3A_190 : vector<16xi1>, vector<16xf32>
      %gt3A_196 = arith.cmpf ogt, %get3A_47, %select_n3A_192 : vector<16xf32>
      %select_n3A_197 = arith.select %gt3A_196, %get3A_47, %select_n3A_192 : vector<16xi1>, vector<16xf32>
      %jit3A_198 = arith.constant 6.000000e+00 : f32
      %broadcast_in_dim3A_199 = vector.broadcast %jit3A_198 : f32 to vector<16xf32>
      %select_n3A_200 = arith.select %gt3A_196, %broadcast_in_dim3A_199, %select_n3A_195 : vector<16xi1>, vector<16xf32>
      %gt3A_201 = arith.cmpf ogt, %get3A_52, %select_n3A_197 : vector<16xf32>
      %select_n3A_202 = arith.select %gt3A_201, %get3A_52, %select_n3A_197 : vector<16xi1>, vector<16xf32>
      %jit3A_203 = arith.constant 7.000000e+00 : f32
      %broadcast_in_dim3A_204 = vector.broadcast %jit3A_203 : f32 to vector<16xf32>
      %select_n3A_205 = arith.select %gt3A_201, %broadcast_in_dim3A_204, %select_n3A_200 : vector<16xi1>, vector<16xf32>
      %gt3A_206 = arith.cmpf ogt, %get3A_57, %select_n3A_202 : vector<16xf32>
      %select_n3A_207 = arith.select %gt3A_206, %get3A_57, %select_n3A_202 : vector<16xi1>, vector<16xf32>
      %jit3A_208 = arith.constant 8.000000e+00 : f32
      %broadcast_in_dim3A_209 = vector.broadcast %jit3A_208 : f32 to vector<16xf32>
      %select_n3A_210 = arith.select %gt3A_206, %broadcast_in_dim3A_209, %select_n3A_205 : vector<16xi1>, vector<16xf32>
      %gt3A_211 = arith.cmpf ogt, %get3A_62, %select_n3A_207 : vector<16xf32>
      %select_n3A_212 = arith.select %gt3A_211, %get3A_62, %select_n3A_207 : vector<16xi1>, vector<16xf32>
      %jit3A_213 = arith.constant 9.000000e+00 : f32
      %broadcast_in_dim3A_214 = vector.broadcast %jit3A_213 : f32 to vector<16xf32>
      %select_n3A_215 = arith.select %gt3A_211, %broadcast_in_dim3A_214, %select_n3A_210 : vector<16xi1>, vector<16xf32>
      %gt3A_216 = arith.cmpf ogt, %get3A_67, %select_n3A_212 : vector<16xf32>
      %select_n3A_217 = arith.select %gt3A_216, %get3A_67, %select_n3A_212 : vector<16xi1>, vector<16xf32>
      %jit3A_218 = arith.constant 1.000000e+01 : f32
      %broadcast_in_dim3A_219 = vector.broadcast %jit3A_218 : f32 to vector<16xf32>
      %select_n3A_220 = arith.select %gt3A_216, %broadcast_in_dim3A_219, %select_n3A_215 : vector<16xi1>, vector<16xf32>
      %gt3A_221 = arith.cmpf ogt, %get3A_72, %select_n3A_217 : vector<16xf32>
      %select_n3A_222 = arith.select %gt3A_221, %get3A_72, %select_n3A_217 : vector<16xi1>, vector<16xf32>
      %jit3A_223 = arith.constant 1.100000e+01 : f32
      %broadcast_in_dim3A_224 = vector.broadcast %jit3A_223 : f32 to vector<16xf32>
      %select_n3A_225 = arith.select %gt3A_221, %broadcast_in_dim3A_224, %select_n3A_220 : vector<16xi1>, vector<16xf32>
      %gt3A_226 = arith.cmpf ogt, %get3A_77, %select_n3A_222 : vector<16xf32>
      %select_n3A_227 = arith.select %gt3A_226, %get3A_77, %select_n3A_222 : vector<16xi1>, vector<16xf32>
      %jit3A_228 = arith.constant 1.200000e+01 : f32
      %broadcast_in_dim3A_229 = vector.broadcast %jit3A_228 : f32 to vector<16xf32>
      %select_n3A_230 = arith.select %gt3A_226, %broadcast_in_dim3A_229, %select_n3A_225 : vector<16xi1>, vector<16xf32>
      %gt3A_231 = arith.cmpf ogt, %get3A_82, %select_n3A_227 : vector<16xf32>
      %select_n3A_232 = arith.select %gt3A_231, %get3A_82, %select_n3A_227 : vector<16xi1>, vector<16xf32>
      %jit3A_233 = arith.constant 1.300000e+01 : f32
      %broadcast_in_dim3A_234 = vector.broadcast %jit3A_233 : f32 to vector<16xf32>
      %select_n3A_235 = arith.select %gt3A_231, %broadcast_in_dim3A_234, %select_n3A_230 : vector<16xi1>, vector<16xf32>
      %gt3A_236 = arith.cmpf ogt, %get3A_87, %select_n3A_232 : vector<16xf32>
      %select_n3A_237 = arith.select %gt3A_236, %get3A_87, %select_n3A_232 : vector<16xi1>, vector<16xf32>
      %jit3A_238 = arith.constant 1.400000e+01 : f32
      %broadcast_in_dim3A_239 = vector.broadcast %jit3A_238 : f32 to vector<16xf32>
      %select_n3A_240 = arith.select %gt3A_236, %broadcast_in_dim3A_239, %select_n3A_235 : vector<16xi1>, vector<16xf32>
      %gt3A_241 = arith.cmpf ogt, %get3A_92, %select_n3A_237 : vector<16xf32>
      %select_n3A_242 = arith.select %gt3A_241, %get3A_92, %select_n3A_237 : vector<16xi1>, vector<16xf32>
      %jit3A_243 = arith.constant 1.500000e+01 : f32
      %broadcast_in_dim3A_244 = vector.broadcast %jit3A_243 : f32 to vector<16xf32>
      %select_n3A_245 = arith.select %gt3A_241, %broadcast_in_dim3A_244, %select_n3A_240 : vector<16xi1>, vector<16xf32>
      %gt3A_246 = arith.cmpf ogt, %get3A_97, %select_n3A_242 : vector<16xf32>
      %select_n3A_247 = arith.select %gt3A_246, %get3A_97, %select_n3A_242 : vector<16xi1>, vector<16xf32>
      %jit3A_248 = arith.constant 1.600000e+01 : f32
      %broadcast_in_dim3A_249 = vector.broadcast %jit3A_248 : f32 to vector<16xf32>
      %select_n3A_250 = arith.select %gt3A_246, %broadcast_in_dim3A_249, %select_n3A_245 : vector<16xi1>, vector<16xf32>
      %gt3A_251 = arith.cmpf ogt, %get3A_102, %select_n3A_247 : vector<16xf32>
      %select_n3A_252 = arith.select %gt3A_251, %get3A_102, %select_n3A_247 : vector<16xi1>, vector<16xf32>
      %jit3A_253 = arith.constant 1.700000e+01 : f32
      %broadcast_in_dim3A_254 = vector.broadcast %jit3A_253 : f32 to vector<16xf32>
      %select_n3A_255 = arith.select %gt3A_251, %broadcast_in_dim3A_254, %select_n3A_250 : vector<16xi1>, vector<16xf32>
      %gt3A_256 = arith.cmpf ogt, %get3A_107, %select_n3A_252 : vector<16xf32>
      %select_n3A_257 = arith.select %gt3A_256, %get3A_107, %select_n3A_252 : vector<16xi1>, vector<16xf32>
      %jit3A_258 = arith.constant 1.800000e+01 : f32
      %broadcast_in_dim3A_259 = vector.broadcast %jit3A_258 : f32 to vector<16xf32>
      %select_n3A_260 = arith.select %gt3A_256, %broadcast_in_dim3A_259, %select_n3A_255 : vector<16xi1>, vector<16xf32>
      %gt3A_261 = arith.cmpf ogt, %get3A_112, %select_n3A_257 : vector<16xf32>
      %select_n3A_262 = arith.select %gt3A_261, %get3A_112, %select_n3A_257 : vector<16xi1>, vector<16xf32>
      %jit3A_263 = arith.constant 1.900000e+01 : f32
      %broadcast_in_dim3A_264 = vector.broadcast %jit3A_263 : f32 to vector<16xf32>
      %select_n3A_265 = arith.select %gt3A_261, %broadcast_in_dim3A_264, %select_n3A_260 : vector<16xi1>, vector<16xf32>
      %gt3A_266 = arith.cmpf ogt, %get3A_117, %select_n3A_262 : vector<16xf32>
      %select_n3A_267 = arith.select %gt3A_266, %get3A_117, %select_n3A_262 : vector<16xi1>, vector<16xf32>
      %jit3A_268 = arith.constant 2.000000e+01 : f32
      %broadcast_in_dim3A_269 = vector.broadcast %jit3A_268 : f32 to vector<16xf32>
      %select_n3A_270 = arith.select %gt3A_266, %broadcast_in_dim3A_269, %select_n3A_265 : vector<16xi1>, vector<16xf32>
      %gt3A_271 = arith.cmpf ogt, %get3A_122, %select_n3A_267 : vector<16xf32>
      %select_n3A_272 = arith.select %gt3A_271, %get3A_122, %select_n3A_267 : vector<16xi1>, vector<16xf32>
      %jit3A_273 = arith.constant 2.100000e+01 : f32
      %broadcast_in_dim3A_274 = vector.broadcast %jit3A_273 : f32 to vector<16xf32>
      %select_n3A_275 = arith.select %gt3A_271, %broadcast_in_dim3A_274, %select_n3A_270 : vector<16xi1>, vector<16xf32>
      %gt3A_276 = arith.cmpf ogt, %get3A_127, %select_n3A_272 : vector<16xf32>
      %select_n3A_277 = arith.select %gt3A_276, %get3A_127, %select_n3A_272 : vector<16xi1>, vector<16xf32>
      %jit3A_278 = arith.constant 2.200000e+01 : f32
      %broadcast_in_dim3A_279 = vector.broadcast %jit3A_278 : f32 to vector<16xf32>
      %select_n3A_280 = arith.select %gt3A_276, %broadcast_in_dim3A_279, %select_n3A_275 : vector<16xi1>, vector<16xf32>
      %gt3A_281 = arith.cmpf ogt, %get3A_132, %select_n3A_277 : vector<16xf32>
      %select_n3A_282 = arith.select %gt3A_281, %get3A_132, %select_n3A_277 : vector<16xi1>, vector<16xf32>
      %jit3A_283 = arith.constant 2.300000e+01 : f32
      %broadcast_in_dim3A_284 = vector.broadcast %jit3A_283 : f32 to vector<16xf32>
      %select_n3A_285 = arith.select %gt3A_281, %broadcast_in_dim3A_284, %select_n3A_280 : vector<16xi1>, vector<16xf32>
      %gt3A_286 = arith.cmpf ogt, %get3A_137, %select_n3A_282 : vector<16xf32>
      %select_n3A_287 = arith.select %gt3A_286, %get3A_137, %select_n3A_282 : vector<16xi1>, vector<16xf32>
      %jit3A_288 = arith.constant 2.400000e+01 : f32
      %broadcast_in_dim3A_289 = vector.broadcast %jit3A_288 : f32 to vector<16xf32>
      %select_n3A_290 = arith.select %gt3A_286, %broadcast_in_dim3A_289, %select_n3A_285 : vector<16xi1>, vector<16xf32>
      %gt3A_291 = arith.cmpf ogt, %get3A_142, %select_n3A_287 : vector<16xf32>
      %select_n3A_292 = arith.select %gt3A_291, %get3A_142, %select_n3A_287 : vector<16xi1>, vector<16xf32>
      %jit3A_293 = arith.constant 2.500000e+01 : f32
      %broadcast_in_dim3A_294 = vector.broadcast %jit3A_293 : f32 to vector<16xf32>
      %select_n3A_295 = arith.select %gt3A_291, %broadcast_in_dim3A_294, %select_n3A_290 : vector<16xi1>, vector<16xf32>
      %gt3A_296 = arith.cmpf ogt, %get3A_147, %select_n3A_292 : vector<16xf32>
      %select_n3A_297 = arith.select %gt3A_296, %get3A_147, %select_n3A_292 : vector<16xi1>, vector<16xf32>
      %jit3A_298 = arith.constant 2.600000e+01 : f32
      %broadcast_in_dim3A_299 = vector.broadcast %jit3A_298 : f32 to vector<16xf32>
      %select_n3A_300 = arith.select %gt3A_296, %broadcast_in_dim3A_299, %select_n3A_295 : vector<16xi1>, vector<16xf32>
      %gt3A_301 = arith.cmpf ogt, %get3A_152, %select_n3A_297 : vector<16xf32>
      %select_n3A_302 = arith.select %gt3A_301, %get3A_152, %select_n3A_297 : vector<16xi1>, vector<16xf32>
      %jit3A_303 = arith.constant 2.700000e+01 : f32
      %broadcast_in_dim3A_304 = vector.broadcast %jit3A_303 : f32 to vector<16xf32>
      %select_n3A_305 = arith.select %gt3A_301, %broadcast_in_dim3A_304, %select_n3A_300 : vector<16xi1>, vector<16xf32>
      %gt3A_306 = arith.cmpf ogt, %get3A_157, %select_n3A_302 : vector<16xf32>
      %select_n3A_307 = arith.select %gt3A_306, %get3A_157, %select_n3A_302 : vector<16xi1>, vector<16xf32>
      %jit3A_308 = arith.constant 2.800000e+01 : f32
      %broadcast_in_dim3A_309 = vector.broadcast %jit3A_308 : f32 to vector<16xf32>
      %select_n3A_310 = arith.select %gt3A_306, %broadcast_in_dim3A_309, %select_n3A_305 : vector<16xi1>, vector<16xf32>
      %gt3A_311 = arith.cmpf ogt, %get3A_162, %select_n3A_307 : vector<16xf32>
      %select_n3A_312 = arith.select %gt3A_311, %get3A_162, %select_n3A_307 : vector<16xi1>, vector<16xf32>
      %jit3A_313 = arith.constant 2.900000e+01 : f32
      %broadcast_in_dim3A_314 = vector.broadcast %jit3A_313 : f32 to vector<16xf32>
      %select_n3A_315 = arith.select %gt3A_311, %broadcast_in_dim3A_314, %select_n3A_310 : vector<16xi1>, vector<16xf32>
      %gt3A_316 = arith.cmpf ogt, %get3A_167, %select_n3A_312 : vector<16xf32>
      %select_n3A_317 = arith.select %gt3A_316, %get3A_167, %select_n3A_312 : vector<16xi1>, vector<16xf32>
      %jit3A_318 = arith.constant 3.000000e+01 : f32
      %broadcast_in_dim3A_319 = vector.broadcast %jit3A_318 : f32 to vector<16xf32>
      %select_n3A_320 = arith.select %gt3A_316, %broadcast_in_dim3A_319, %select_n3A_315 : vector<16xi1>, vector<16xf32>
      %gt3A_321 = arith.cmpf ogt, %get3A_172, %select_n3A_317 : vector<16xf32>
      %select_n3A_322 = arith.select %gt3A_321, %get3A_172, %select_n3A_317 : vector<16xi1>, vector<16xf32>
      %jit3A_323 = arith.constant 3.100000e+01 : f32
      %broadcast_in_dim3A_324 = vector.broadcast %jit3A_323 : f32 to vector<16xf32>
      %select_n3A_325 = arith.select %gt3A_321, %broadcast_in_dim3A_324, %select_n3A_320 : vector<16xi1>, vector<16xf32>
      %eq3A = arith.constant 0.000000e+00 : f32
      %eq3A_326 = vector.broadcast %eq3A : f32 to vector<16xf32>
      %eq3A_327 = arith.cmpf oeq, %select_n3A_325, %eq3A_326 : vector<16xf32>
      %jit3A_328 = arith.constant -1.000000e+30 : f32
      %broadcast_in_dim3A_329 = vector.broadcast %jit3A_328 : f32 to vector<16xf32>
      %select_n3A_330 = arith.select %eq3A_327, %broadcast_in_dim3A_329, %get3A_17 : vector<16xi1>, vector<16xf32>
      %eq3A_331 = arith.constant 1.000000e+00 : f32
      %eq3A_332 = vector.broadcast %eq3A_331 : f32 to vector<16xf32>
      %eq3A_333 = arith.cmpf oeq, %select_n3A_325, %eq3A_332 : vector<16xf32>
      %jit3A_334 = arith.constant -1.000000e+30 : f32
      %broadcast_in_dim3A_335 = vector.broadcast %jit3A_334 : f32 to vector<16xf32>
      %select_n3A_336 = arith.select %eq3A_333, %broadcast_in_dim3A_335, %get3A_22 : vector<16xi1>, vector<16xf32>
      %eq3A_337 = arith.constant 2.000000e+00 : f32
      %eq3A_338 = vector.broadcast %eq3A_337 : f32 to vector<16xf32>
      %eq3A_339 = arith.cmpf oeq, %select_n3A_325, %eq3A_338 : vector<16xf32>
      %jit3A_340 = arith.constant -1.000000e+30 : f32
      %broadcast_in_dim3A_341 = vector.broadcast %jit3A_340 : f32 to vector<16xf32>
      %select_n3A_342 = arith.select %eq3A_339, %broadcast_in_dim3A_341, %get3A_27 : vector<16xi1>, vector<16xf32>
      %eq3A_343 = arith.constant 3.000000e+00 : f32
      %eq3A_344 = vector.broadcast %eq3A_343 : f32 to vector<16xf32>
      %eq3A_345 = arith.cmpf oeq, %select_n3A_325, %eq3A_344 : vector<16xf32>
      %jit3A_346 = arith.constant -1.000000e+30 : f32
      %broadcast_in_dim3A_347 = vector.broadcast %jit3A_346 : f32 to vector<16xf32>
      %select_n3A_348 = arith.select %eq3A_345, %broadcast_in_dim3A_347, %get3A_32 : vector<16xi1>, vector<16xf32>
      %eq3A_349 = arith.constant 4.000000e+00 : f32
      %eq3A_350 = vector.broadcast %eq3A_349 : f32 to vector<16xf32>
      %eq3A_351 = arith.cmpf oeq, %select_n3A_325, %eq3A_350 : vector<16xf32>
      %jit3A_352 = arith.constant -1.000000e+30 : f32
      %broadcast_in_dim3A_353 = vector.broadcast %jit3A_352 : f32 to vector<16xf32>
      %select_n3A_354 = arith.select %eq3A_351, %broadcast_in_dim3A_353, %get3A_37 : vector<16xi1>, vector<16xf32>
      %eq3A_355 = arith.constant 5.000000e+00 : f32
      %eq3A_356 = vector.broadcast %eq3A_355 : f32 to vector<16xf32>
      %eq3A_357 = arith.cmpf oeq, %select_n3A_325, %eq3A_356 : vector<16xf32>
      %jit3A_358 = arith.constant -1.000000e+30 : f32
      %broadcast_in_dim3A_359 = vector.broadcast %jit3A_358 : f32 to vector<16xf32>
      %select_n3A_360 = arith.select %eq3A_357, %broadcast_in_dim3A_359, %get3A_42 : vector<16xi1>, vector<16xf32>
      %eq3A_361 = arith.constant 6.000000e+00 : f32
      %eq3A_362 = vector.broadcast %eq3A_361 : f32 to vector<16xf32>
      %eq3A_363 = arith.cmpf oeq, %select_n3A_325, %eq3A_362 : vector<16xf32>
      %jit3A_364 = arith.constant -1.000000e+30 : f32
      %broadcast_in_dim3A_365 = vector.broadcast %jit3A_364 : f32 to vector<16xf32>
      %select_n3A_366 = arith.select %eq3A_363, %broadcast_in_dim3A_365, %get3A_47 : vector<16xi1>, vector<16xf32>
      %eq3A_367 = arith.constant 7.000000e+00 : f32
      %eq3A_368 = vector.broadcast %eq3A_367 : f32 to vector<16xf32>
      %eq3A_369 = arith.cmpf oeq, %select_n3A_325, %eq3A_368 : vector<16xf32>
      %jit3A_370 = arith.constant -1.000000e+30 : f32
      %broadcast_in_dim3A_371 = vector.broadcast %jit3A_370 : f32 to vector<16xf32>
      %select_n3A_372 = arith.select %eq3A_369, %broadcast_in_dim3A_371, %get3A_52 : vector<16xi1>, vector<16xf32>
      %eq3A_373 = arith.constant 8.000000e+00 : f32
      %eq3A_374 = vector.broadcast %eq3A_373 : f32 to vector<16xf32>
      %eq3A_375 = arith.cmpf oeq, %select_n3A_325, %eq3A_374 : vector<16xf32>
      %jit3A_376 = arith.constant -1.000000e+30 : f32
      %broadcast_in_dim3A_377 = vector.broadcast %jit3A_376 : f32 to vector<16xf32>
      %select_n3A_378 = arith.select %eq3A_375, %broadcast_in_dim3A_377, %get3A_57 : vector<16xi1>, vector<16xf32>
      %eq3A_379 = arith.constant 9.000000e+00 : f32
      %eq3A_380 = vector.broadcast %eq3A_379 : f32 to vector<16xf32>
      %eq3A_381 = arith.cmpf oeq, %select_n3A_325, %eq3A_380 : vector<16xf32>
      %jit3A_382 = arith.constant -1.000000e+30 : f32
      %broadcast_in_dim3A_383 = vector.broadcast %jit3A_382 : f32 to vector<16xf32>
      %select_n3A_384 = arith.select %eq3A_381, %broadcast_in_dim3A_383, %get3A_62 : vector<16xi1>, vector<16xf32>
      %eq3A_385 = arith.constant 1.000000e+01 : f32
      %eq3A_386 = vector.broadcast %eq3A_385 : f32 to vector<16xf32>
      %eq3A_387 = arith.cmpf oeq, %select_n3A_325, %eq3A_386 : vector<16xf32>
      %jit3A_388 = arith.constant -1.000000e+30 : f32
      %broadcast_in_dim3A_389 = vector.broadcast %jit3A_388 : f32 to vector<16xf32>
      %select_n3A_390 = arith.select %eq3A_387, %broadcast_in_dim3A_389, %get3A_67 : vector<16xi1>, vector<16xf32>
      %eq3A_391 = arith.constant 1.100000e+01 : f32
      %eq3A_392 = vector.broadcast %eq3A_391 : f32 to vector<16xf32>
      %eq3A_393 = arith.cmpf oeq, %select_n3A_325, %eq3A_392 : vector<16xf32>
      %jit3A_394 = arith.constant -1.000000e+30 : f32
      %broadcast_in_dim3A_395 = vector.broadcast %jit3A_394 : f32 to vector<16xf32>
      %select_n3A_396 = arith.select %eq3A_393, %broadcast_in_dim3A_395, %get3A_72 : vector<16xi1>, vector<16xf32>
      %eq3A_397 = arith.constant 1.200000e+01 : f32
      %eq3A_398 = vector.broadcast %eq3A_397 : f32 to vector<16xf32>
      %eq3A_399 = arith.cmpf oeq, %select_n3A_325, %eq3A_398 : vector<16xf32>
      %jit3A_400 = arith.constant -1.000000e+30 : f32
      %broadcast_in_dim3A_401 = vector.broadcast %jit3A_400 : f32 to vector<16xf32>
      %select_n3A_402 = arith.select %eq3A_399, %broadcast_in_dim3A_401, %get3A_77 : vector<16xi1>, vector<16xf32>
      %eq3A_403 = arith.constant 1.300000e+01 : f32
      %eq3A_404 = vector.broadcast %eq3A_403 : f32 to vector<16xf32>
      %eq3A_405 = arith.cmpf oeq, %select_n3A_325, %eq3A_404 : vector<16xf32>
      %jit3A_406 = arith.constant -1.000000e+30 : f32
      %broadcast_in_dim3A_407 = vector.broadcast %jit3A_406 : f32 to vector<16xf32>
      %select_n3A_408 = arith.select %eq3A_405, %broadcast_in_dim3A_407, %get3A_82 : vector<16xi1>, vector<16xf32>
      %eq3A_409 = arith.constant 1.400000e+01 : f32
      %eq3A_410 = vector.broadcast %eq3A_409 : f32 to vector<16xf32>
      %eq3A_411 = arith.cmpf oeq, %select_n3A_325, %eq3A_410 : vector<16xf32>
      %jit3A_412 = arith.constant -1.000000e+30 : f32
      %broadcast_in_dim3A_413 = vector.broadcast %jit3A_412 : f32 to vector<16xf32>
      %select_n3A_414 = arith.select %eq3A_411, %broadcast_in_dim3A_413, %get3A_87 : vector<16xi1>, vector<16xf32>
      %eq3A_415 = arith.constant 1.500000e+01 : f32
      %eq3A_416 = vector.broadcast %eq3A_415 : f32 to vector<16xf32>
      %eq3A_417 = arith.cmpf oeq, %select_n3A_325, %eq3A_416 : vector<16xf32>
      %jit3A_418 = arith.constant -1.000000e+30 : f32
      %broadcast_in_dim3A_419 = vector.broadcast %jit3A_418 : f32 to vector<16xf32>
      %select_n3A_420 = arith.select %eq3A_417, %broadcast_in_dim3A_419, %get3A_92 : vector<16xi1>, vector<16xf32>
      %eq3A_421 = arith.constant 1.600000e+01 : f32
      %eq3A_422 = vector.broadcast %eq3A_421 : f32 to vector<16xf32>
      %eq3A_423 = arith.cmpf oeq, %select_n3A_325, %eq3A_422 : vector<16xf32>
      %jit3A_424 = arith.constant -1.000000e+30 : f32
      %broadcast_in_dim3A_425 = vector.broadcast %jit3A_424 : f32 to vector<16xf32>
      %select_n3A_426 = arith.select %eq3A_423, %broadcast_in_dim3A_425, %get3A_97 : vector<16xi1>, vector<16xf32>
      %eq3A_427 = arith.constant 1.700000e+01 : f32
      %eq3A_428 = vector.broadcast %eq3A_427 : f32 to vector<16xf32>
      %eq3A_429 = arith.cmpf oeq, %select_n3A_325, %eq3A_428 : vector<16xf32>
      %jit3A_430 = arith.constant -1.000000e+30 : f32
      %broadcast_in_dim3A_431 = vector.broadcast %jit3A_430 : f32 to vector<16xf32>
      %select_n3A_432 = arith.select %eq3A_429, %broadcast_in_dim3A_431, %get3A_102 : vector<16xi1>, vector<16xf32>
      %eq3A_433 = arith.constant 1.800000e+01 : f32
      %eq3A_434 = vector.broadcast %eq3A_433 : f32 to vector<16xf32>
      %eq3A_435 = arith.cmpf oeq, %select_n3A_325, %eq3A_434 : vector<16xf32>
      %jit3A_436 = arith.constant -1.000000e+30 : f32
      %broadcast_in_dim3A_437 = vector.broadcast %jit3A_436 : f32 to vector<16xf32>
      %select_n3A_438 = arith.select %eq3A_435, %broadcast_in_dim3A_437, %get3A_107 : vector<16xi1>, vector<16xf32>
      %eq3A_439 = arith.constant 1.900000e+01 : f32
      %eq3A_440 = vector.broadcast %eq3A_439 : f32 to vector<16xf32>
      %eq3A_441 = arith.cmpf oeq, %select_n3A_325, %eq3A_440 : vector<16xf32>
      %jit3A_442 = arith.constant -1.000000e+30 : f32
      %broadcast_in_dim3A_443 = vector.broadcast %jit3A_442 : f32 to vector<16xf32>
      %select_n3A_444 = arith.select %eq3A_441, %broadcast_in_dim3A_443, %get3A_112 : vector<16xi1>, vector<16xf32>
      %eq3A_445 = arith.constant 2.000000e+01 : f32
      %eq3A_446 = vector.broadcast %eq3A_445 : f32 to vector<16xf32>
      %eq3A_447 = arith.cmpf oeq, %select_n3A_325, %eq3A_446 : vector<16xf32>
      %jit3A_448 = arith.constant -1.000000e+30 : f32
      %broadcast_in_dim3A_449 = vector.broadcast %jit3A_448 : f32 to vector<16xf32>
      %select_n3A_450 = arith.select %eq3A_447, %broadcast_in_dim3A_449, %get3A_117 : vector<16xi1>, vector<16xf32>
      %eq3A_451 = arith.constant 2.100000e+01 : f32
      %eq3A_452 = vector.broadcast %eq3A_451 : f32 to vector<16xf32>
      %eq3A_453 = arith.cmpf oeq, %select_n3A_325, %eq3A_452 : vector<16xf32>
      %jit3A_454 = arith.constant -1.000000e+30 : f32
      %broadcast_in_dim3A_455 = vector.broadcast %jit3A_454 : f32 to vector<16xf32>
      %select_n3A_456 = arith.select %eq3A_453, %broadcast_in_dim3A_455, %get3A_122 : vector<16xi1>, vector<16xf32>
      %eq3A_457 = arith.constant 2.200000e+01 : f32
      %eq3A_458 = vector.broadcast %eq3A_457 : f32 to vector<16xf32>
      %eq3A_459 = arith.cmpf oeq, %select_n3A_325, %eq3A_458 : vector<16xf32>
      %jit3A_460 = arith.constant -1.000000e+30 : f32
      %broadcast_in_dim3A_461 = vector.broadcast %jit3A_460 : f32 to vector<16xf32>
      %select_n3A_462 = arith.select %eq3A_459, %broadcast_in_dim3A_461, %get3A_127 : vector<16xi1>, vector<16xf32>
      %eq3A_463 = arith.constant 2.300000e+01 : f32
      %eq3A_464 = vector.broadcast %eq3A_463 : f32 to vector<16xf32>
      %eq3A_465 = arith.cmpf oeq, %select_n3A_325, %eq3A_464 : vector<16xf32>
      %jit3A_466 = arith.constant -1.000000e+30 : f32
      %broadcast_in_dim3A_467 = vector.broadcast %jit3A_466 : f32 to vector<16xf32>
      %select_n3A_468 = arith.select %eq3A_465, %broadcast_in_dim3A_467, %get3A_132 : vector<16xi1>, vector<16xf32>
      %eq3A_469 = arith.constant 2.400000e+01 : f32
      %eq3A_470 = vector.broadcast %eq3A_469 : f32 to vector<16xf32>
      %eq3A_471 = arith.cmpf oeq, %select_n3A_325, %eq3A_470 : vector<16xf32>
      %jit3A_472 = arith.constant -1.000000e+30 : f32
      %broadcast_in_dim3A_473 = vector.broadcast %jit3A_472 : f32 to vector<16xf32>
      %select_n3A_474 = arith.select %eq3A_471, %broadcast_in_dim3A_473, %get3A_137 : vector<16xi1>, vector<16xf32>
      %eq3A_475 = arith.constant 2.500000e+01 : f32
      %eq3A_476 = vector.broadcast %eq3A_475 : f32 to vector<16xf32>
      %eq3A_477 = arith.cmpf oeq, %select_n3A_325, %eq3A_476 : vector<16xf32>
      %jit3A_478 = arith.constant -1.000000e+30 : f32
      %broadcast_in_dim3A_479 = vector.broadcast %jit3A_478 : f32 to vector<16xf32>
      %select_n3A_480 = arith.select %eq3A_477, %broadcast_in_dim3A_479, %get3A_142 : vector<16xi1>, vector<16xf32>
      %eq3A_481 = arith.constant 2.600000e+01 : f32
      %eq3A_482 = vector.broadcast %eq3A_481 : f32 to vector<16xf32>
      %eq3A_483 = arith.cmpf oeq, %select_n3A_325, %eq3A_482 : vector<16xf32>
      %jit3A_484 = arith.constant -1.000000e+30 : f32
      %broadcast_in_dim3A_485 = vector.broadcast %jit3A_484 : f32 to vector<16xf32>
      %select_n3A_486 = arith.select %eq3A_483, %broadcast_in_dim3A_485, %get3A_147 : vector<16xi1>, vector<16xf32>
      %eq3A_487 = arith.constant 2.700000e+01 : f32
      %eq3A_488 = vector.broadcast %eq3A_487 : f32 to vector<16xf32>
      %eq3A_489 = arith.cmpf oeq, %select_n3A_325, %eq3A_488 : vector<16xf32>
      %jit3A_490 = arith.constant -1.000000e+30 : f32
      %broadcast_in_dim3A_491 = vector.broadcast %jit3A_490 : f32 to vector<16xf32>
      %select_n3A_492 = arith.select %eq3A_489, %broadcast_in_dim3A_491, %get3A_152 : vector<16xi1>, vector<16xf32>
      %eq3A_493 = arith.constant 2.800000e+01 : f32
      %eq3A_494 = vector.broadcast %eq3A_493 : f32 to vector<16xf32>
      %eq3A_495 = arith.cmpf oeq, %select_n3A_325, %eq3A_494 : vector<16xf32>
      %jit3A_496 = arith.constant -1.000000e+30 : f32
      %broadcast_in_dim3A_497 = vector.broadcast %jit3A_496 : f32 to vector<16xf32>
      %select_n3A_498 = arith.select %eq3A_495, %broadcast_in_dim3A_497, %get3A_157 : vector<16xi1>, vector<16xf32>
      %eq3A_499 = arith.constant 2.900000e+01 : f32
      %eq3A_500 = vector.broadcast %eq3A_499 : f32 to vector<16xf32>
      %eq3A_501 = arith.cmpf oeq, %select_n3A_325, %eq3A_500 : vector<16xf32>
      %jit3A_502 = arith.constant -1.000000e+30 : f32
      %broadcast_in_dim3A_503 = vector.broadcast %jit3A_502 : f32 to vector<16xf32>
      %select_n3A_504 = arith.select %eq3A_501, %broadcast_in_dim3A_503, %get3A_162 : vector<16xi1>, vector<16xf32>
      %eq3A_505 = arith.constant 3.000000e+01 : f32
      %eq3A_506 = vector.broadcast %eq3A_505 : f32 to vector<16xf32>
      %eq3A_507 = arith.cmpf oeq, %select_n3A_325, %eq3A_506 : vector<16xf32>
      %jit3A_508 = arith.constant -1.000000e+30 : f32
      %broadcast_in_dim3A_509 = vector.broadcast %jit3A_508 : f32 to vector<16xf32>
      %select_n3A_510 = arith.select %eq3A_507, %broadcast_in_dim3A_509, %get3A_167 : vector<16xi1>, vector<16xf32>
      %eq3A_511 = arith.constant 3.100000e+01 : f32
      %eq3A_512 = vector.broadcast %eq3A_511 : f32 to vector<16xf32>
      %eq3A_513 = arith.cmpf oeq, %select_n3A_325, %eq3A_512 : vector<16xf32>
      %jit3A_514 = arith.constant -1.000000e+30 : f32
      %broadcast_in_dim3A_515 = vector.broadcast %jit3A_514 : f32 to vector<16xf32>
      %select_n3A_516 = arith.select %eq3A_513, %broadcast_in_dim3A_515, %get3A_172 : vector<16xi1>, vector<16xf32>
      %broadcast_in_dim3A_517 = arith.constant 0.000000e+00 : f32
      %broadcast_in_dim3A_518 = vector.broadcast %broadcast_in_dim3A_517 : f32 to vector<16xf32>
      %gt3A_519 = arith.cmpf ogt, %select_n3A_336, %select_n3A_330 : vector<16xf32>
      %select_n3A_520 = arith.select %gt3A_519, %select_n3A_336, %select_n3A_330 : vector<16xi1>, vector<16xf32>
      %jit3A_521 = arith.constant 1.000000e+00 : f32
      %broadcast_in_dim3A_522 = vector.broadcast %jit3A_521 : f32 to vector<16xf32>
      %select_n3A_523 = arith.select %gt3A_519, %broadcast_in_dim3A_522, %broadcast_in_dim3A_518 : vector<16xi1>, vector<16xf32>
      %gt3A_524 = arith.cmpf ogt, %select_n3A_342, %select_n3A_520 : vector<16xf32>
      %select_n3A_525 = arith.select %gt3A_524, %select_n3A_342, %select_n3A_520 : vector<16xi1>, vector<16xf32>
      %jit3A_526 = arith.constant 2.000000e+00 : f32
      %broadcast_in_dim3A_527 = vector.broadcast %jit3A_526 : f32 to vector<16xf32>
      %select_n3A_528 = arith.select %gt3A_524, %broadcast_in_dim3A_527, %select_n3A_523 : vector<16xi1>, vector<16xf32>
      %gt3A_529 = arith.cmpf ogt, %select_n3A_348, %select_n3A_525 : vector<16xf32>
      %select_n3A_530 = arith.select %gt3A_529, %select_n3A_348, %select_n3A_525 : vector<16xi1>, vector<16xf32>
      %jit3A_531 = arith.constant 3.000000e+00 : f32
      %broadcast_in_dim3A_532 = vector.broadcast %jit3A_531 : f32 to vector<16xf32>
      %select_n3A_533 = arith.select %gt3A_529, %broadcast_in_dim3A_532, %select_n3A_528 : vector<16xi1>, vector<16xf32>
      %gt3A_534 = arith.cmpf ogt, %select_n3A_354, %select_n3A_530 : vector<16xf32>
      %select_n3A_535 = arith.select %gt3A_534, %select_n3A_354, %select_n3A_530 : vector<16xi1>, vector<16xf32>
      %jit3A_536 = arith.constant 4.000000e+00 : f32
      %broadcast_in_dim3A_537 = vector.broadcast %jit3A_536 : f32 to vector<16xf32>
      %select_n3A_538 = arith.select %gt3A_534, %broadcast_in_dim3A_537, %select_n3A_533 : vector<16xi1>, vector<16xf32>
      %gt3A_539 = arith.cmpf ogt, %select_n3A_360, %select_n3A_535 : vector<16xf32>
      %select_n3A_540 = arith.select %gt3A_539, %select_n3A_360, %select_n3A_535 : vector<16xi1>, vector<16xf32>
      %jit3A_541 = arith.constant 5.000000e+00 : f32
      %broadcast_in_dim3A_542 = vector.broadcast %jit3A_541 : f32 to vector<16xf32>
      %select_n3A_543 = arith.select %gt3A_539, %broadcast_in_dim3A_542, %select_n3A_538 : vector<16xi1>, vector<16xf32>
      %gt3A_544 = arith.cmpf ogt, %select_n3A_366, %select_n3A_540 : vector<16xf32>
      %select_n3A_545 = arith.select %gt3A_544, %select_n3A_366, %select_n3A_540 : vector<16xi1>, vector<16xf32>
      %jit3A_546 = arith.constant 6.000000e+00 : f32
      %broadcast_in_dim3A_547 = vector.broadcast %jit3A_546 : f32 to vector<16xf32>
      %select_n3A_548 = arith.select %gt3A_544, %broadcast_in_dim3A_547, %select_n3A_543 : vector<16xi1>, vector<16xf32>
      %gt3A_549 = arith.cmpf ogt, %select_n3A_372, %select_n3A_545 : vector<16xf32>
      %select_n3A_550 = arith.select %gt3A_549, %select_n3A_372, %select_n3A_545 : vector<16xi1>, vector<16xf32>
      %jit3A_551 = arith.constant 7.000000e+00 : f32
      %broadcast_in_dim3A_552 = vector.broadcast %jit3A_551 : f32 to vector<16xf32>
      %select_n3A_553 = arith.select %gt3A_549, %broadcast_in_dim3A_552, %select_n3A_548 : vector<16xi1>, vector<16xf32>
      %gt3A_554 = arith.cmpf ogt, %select_n3A_378, %select_n3A_550 : vector<16xf32>
      %select_n3A_555 = arith.select %gt3A_554, %select_n3A_378, %select_n3A_550 : vector<16xi1>, vector<16xf32>
      %jit3A_556 = arith.constant 8.000000e+00 : f32
      %broadcast_in_dim3A_557 = vector.broadcast %jit3A_556 : f32 to vector<16xf32>
      %select_n3A_558 = arith.select %gt3A_554, %broadcast_in_dim3A_557, %select_n3A_553 : vector<16xi1>, vector<16xf32>
      %gt3A_559 = arith.cmpf ogt, %select_n3A_384, %select_n3A_555 : vector<16xf32>
      %select_n3A_560 = arith.select %gt3A_559, %select_n3A_384, %select_n3A_555 : vector<16xi1>, vector<16xf32>
      %jit3A_561 = arith.constant 9.000000e+00 : f32
      %broadcast_in_dim3A_562 = vector.broadcast %jit3A_561 : f32 to vector<16xf32>
      %select_n3A_563 = arith.select %gt3A_559, %broadcast_in_dim3A_562, %select_n3A_558 : vector<16xi1>, vector<16xf32>
      %gt3A_564 = arith.cmpf ogt, %select_n3A_390, %select_n3A_560 : vector<16xf32>
      %select_n3A_565 = arith.select %gt3A_564, %select_n3A_390, %select_n3A_560 : vector<16xi1>, vector<16xf32>
      %jit3A_566 = arith.constant 1.000000e+01 : f32
      %broadcast_in_dim3A_567 = vector.broadcast %jit3A_566 : f32 to vector<16xf32>
      %select_n3A_568 = arith.select %gt3A_564, %broadcast_in_dim3A_567, %select_n3A_563 : vector<16xi1>, vector<16xf32>
      %gt3A_569 = arith.cmpf ogt, %select_n3A_396, %select_n3A_565 : vector<16xf32>
      %select_n3A_570 = arith.select %gt3A_569, %select_n3A_396, %select_n3A_565 : vector<16xi1>, vector<16xf32>
      %jit3A_571 = arith.constant 1.100000e+01 : f32
      %broadcast_in_dim3A_572 = vector.broadcast %jit3A_571 : f32 to vector<16xf32>
      %select_n3A_573 = arith.select %gt3A_569, %broadcast_in_dim3A_572, %select_n3A_568 : vector<16xi1>, vector<16xf32>
      %gt3A_574 = arith.cmpf ogt, %select_n3A_402, %select_n3A_570 : vector<16xf32>
      %select_n3A_575 = arith.select %gt3A_574, %select_n3A_402, %select_n3A_570 : vector<16xi1>, vector<16xf32>
      %jit3A_576 = arith.constant 1.200000e+01 : f32
      %broadcast_in_dim3A_577 = vector.broadcast %jit3A_576 : f32 to vector<16xf32>
      %select_n3A_578 = arith.select %gt3A_574, %broadcast_in_dim3A_577, %select_n3A_573 : vector<16xi1>, vector<16xf32>
      %gt3A_579 = arith.cmpf ogt, %select_n3A_408, %select_n3A_575 : vector<16xf32>
      %select_n3A_580 = arith.select %gt3A_579, %select_n3A_408, %select_n3A_575 : vector<16xi1>, vector<16xf32>
      %jit3A_581 = arith.constant 1.300000e+01 : f32
      %broadcast_in_dim3A_582 = vector.broadcast %jit3A_581 : f32 to vector<16xf32>
      %select_n3A_583 = arith.select %gt3A_579, %broadcast_in_dim3A_582, %select_n3A_578 : vector<16xi1>, vector<16xf32>
      %gt3A_584 = arith.cmpf ogt, %select_n3A_414, %select_n3A_580 : vector<16xf32>
      %select_n3A_585 = arith.select %gt3A_584, %select_n3A_414, %select_n3A_580 : vector<16xi1>, vector<16xf32>
      %jit3A_586 = arith.constant 1.400000e+01 : f32
      %broadcast_in_dim3A_587 = vector.broadcast %jit3A_586 : f32 to vector<16xf32>
      %select_n3A_588 = arith.select %gt3A_584, %broadcast_in_dim3A_587, %select_n3A_583 : vector<16xi1>, vector<16xf32>
      %gt3A_589 = arith.cmpf ogt, %select_n3A_420, %select_n3A_585 : vector<16xf32>
      %select_n3A_590 = arith.select %gt3A_589, %select_n3A_420, %select_n3A_585 : vector<16xi1>, vector<16xf32>
      %jit3A_591 = arith.constant 1.500000e+01 : f32
      %broadcast_in_dim3A_592 = vector.broadcast %jit3A_591 : f32 to vector<16xf32>
      %select_n3A_593 = arith.select %gt3A_589, %broadcast_in_dim3A_592, %select_n3A_588 : vector<16xi1>, vector<16xf32>
      %gt3A_594 = arith.cmpf ogt, %select_n3A_426, %select_n3A_590 : vector<16xf32>
      %select_n3A_595 = arith.select %gt3A_594, %select_n3A_426, %select_n3A_590 : vector<16xi1>, vector<16xf32>
      %jit3A_596 = arith.constant 1.600000e+01 : f32
      %broadcast_in_dim3A_597 = vector.broadcast %jit3A_596 : f32 to vector<16xf32>
      %select_n3A_598 = arith.select %gt3A_594, %broadcast_in_dim3A_597, %select_n3A_593 : vector<16xi1>, vector<16xf32>
      %gt3A_599 = arith.cmpf ogt, %select_n3A_432, %select_n3A_595 : vector<16xf32>
      %select_n3A_600 = arith.select %gt3A_599, %select_n3A_432, %select_n3A_595 : vector<16xi1>, vector<16xf32>
      %jit3A_601 = arith.constant 1.700000e+01 : f32
      %broadcast_in_dim3A_602 = vector.broadcast %jit3A_601 : f32 to vector<16xf32>
      %select_n3A_603 = arith.select %gt3A_599, %broadcast_in_dim3A_602, %select_n3A_598 : vector<16xi1>, vector<16xf32>
      %gt3A_604 = arith.cmpf ogt, %select_n3A_438, %select_n3A_600 : vector<16xf32>
      %select_n3A_605 = arith.select %gt3A_604, %select_n3A_438, %select_n3A_600 : vector<16xi1>, vector<16xf32>
      %jit3A_606 = arith.constant 1.800000e+01 : f32
      %broadcast_in_dim3A_607 = vector.broadcast %jit3A_606 : f32 to vector<16xf32>
      %select_n3A_608 = arith.select %gt3A_604, %broadcast_in_dim3A_607, %select_n3A_603 : vector<16xi1>, vector<16xf32>
      %gt3A_609 = arith.cmpf ogt, %select_n3A_444, %select_n3A_605 : vector<16xf32>
      %select_n3A_610 = arith.select %gt3A_609, %select_n3A_444, %select_n3A_605 : vector<16xi1>, vector<16xf32>
      %jit3A_611 = arith.constant 1.900000e+01 : f32
      %broadcast_in_dim3A_612 = vector.broadcast %jit3A_611 : f32 to vector<16xf32>
      %select_n3A_613 = arith.select %gt3A_609, %broadcast_in_dim3A_612, %select_n3A_608 : vector<16xi1>, vector<16xf32>
      %gt3A_614 = arith.cmpf ogt, %select_n3A_450, %select_n3A_610 : vector<16xf32>
      %select_n3A_615 = arith.select %gt3A_614, %select_n3A_450, %select_n3A_610 : vector<16xi1>, vector<16xf32>
      %jit3A_616 = arith.constant 2.000000e+01 : f32
      %broadcast_in_dim3A_617 = vector.broadcast %jit3A_616 : f32 to vector<16xf32>
      %select_n3A_618 = arith.select %gt3A_614, %broadcast_in_dim3A_617, %select_n3A_613 : vector<16xi1>, vector<16xf32>
      %gt3A_619 = arith.cmpf ogt, %select_n3A_456, %select_n3A_615 : vector<16xf32>
      %select_n3A_620 = arith.select %gt3A_619, %select_n3A_456, %select_n3A_615 : vector<16xi1>, vector<16xf32>
      %jit3A_621 = arith.constant 2.100000e+01 : f32
      %broadcast_in_dim3A_622 = vector.broadcast %jit3A_621 : f32 to vector<16xf32>
      %select_n3A_623 = arith.select %gt3A_619, %broadcast_in_dim3A_622, %select_n3A_618 : vector<16xi1>, vector<16xf32>
      %gt3A_624 = arith.cmpf ogt, %select_n3A_462, %select_n3A_620 : vector<16xf32>
      %select_n3A_625 = arith.select %gt3A_624, %select_n3A_462, %select_n3A_620 : vector<16xi1>, vector<16xf32>
      %jit3A_626 = arith.constant 2.200000e+01 : f32
      %broadcast_in_dim3A_627 = vector.broadcast %jit3A_626 : f32 to vector<16xf32>
      %select_n3A_628 = arith.select %gt3A_624, %broadcast_in_dim3A_627, %select_n3A_623 : vector<16xi1>, vector<16xf32>
      %gt3A_629 = arith.cmpf ogt, %select_n3A_468, %select_n3A_625 : vector<16xf32>
      %select_n3A_630 = arith.select %gt3A_629, %select_n3A_468, %select_n3A_625 : vector<16xi1>, vector<16xf32>
      %jit3A_631 = arith.constant 2.300000e+01 : f32
      %broadcast_in_dim3A_632 = vector.broadcast %jit3A_631 : f32 to vector<16xf32>
      %select_n3A_633 = arith.select %gt3A_629, %broadcast_in_dim3A_632, %select_n3A_628 : vector<16xi1>, vector<16xf32>
      %gt3A_634 = arith.cmpf ogt, %select_n3A_474, %select_n3A_630 : vector<16xf32>
      %select_n3A_635 = arith.select %gt3A_634, %select_n3A_474, %select_n3A_630 : vector<16xi1>, vector<16xf32>
      %jit3A_636 = arith.constant 2.400000e+01 : f32
      %broadcast_in_dim3A_637 = vector.broadcast %jit3A_636 : f32 to vector<16xf32>
      %select_n3A_638 = arith.select %gt3A_634, %broadcast_in_dim3A_637, %select_n3A_633 : vector<16xi1>, vector<16xf32>
      %gt3A_639 = arith.cmpf ogt, %select_n3A_480, %select_n3A_635 : vector<16xf32>
      %select_n3A_640 = arith.select %gt3A_639, %select_n3A_480, %select_n3A_635 : vector<16xi1>, vector<16xf32>
      %jit3A_641 = arith.constant 2.500000e+01 : f32
      %broadcast_in_dim3A_642 = vector.broadcast %jit3A_641 : f32 to vector<16xf32>
      %select_n3A_643 = arith.select %gt3A_639, %broadcast_in_dim3A_642, %select_n3A_638 : vector<16xi1>, vector<16xf32>
      %gt3A_644 = arith.cmpf ogt, %select_n3A_486, %select_n3A_640 : vector<16xf32>
      %select_n3A_645 = arith.select %gt3A_644, %select_n3A_486, %select_n3A_640 : vector<16xi1>, vector<16xf32>
      %jit3A_646 = arith.constant 2.600000e+01 : f32
      %broadcast_in_dim3A_647 = vector.broadcast %jit3A_646 : f32 to vector<16xf32>
      %select_n3A_648 = arith.select %gt3A_644, %broadcast_in_dim3A_647, %select_n3A_643 : vector<16xi1>, vector<16xf32>
      %gt3A_649 = arith.cmpf ogt, %select_n3A_492, %select_n3A_645 : vector<16xf32>
      %select_n3A_650 = arith.select %gt3A_649, %select_n3A_492, %select_n3A_645 : vector<16xi1>, vector<16xf32>
      %jit3A_651 = arith.constant 2.700000e+01 : f32
      %broadcast_in_dim3A_652 = vector.broadcast %jit3A_651 : f32 to vector<16xf32>
      %select_n3A_653 = arith.select %gt3A_649, %broadcast_in_dim3A_652, %select_n3A_648 : vector<16xi1>, vector<16xf32>
      %gt3A_654 = arith.cmpf ogt, %select_n3A_498, %select_n3A_650 : vector<16xf32>
      %select_n3A_655 = arith.select %gt3A_654, %select_n3A_498, %select_n3A_650 : vector<16xi1>, vector<16xf32>
      %jit3A_656 = arith.constant 2.800000e+01 : f32
      %broadcast_in_dim3A_657 = vector.broadcast %jit3A_656 : f32 to vector<16xf32>
      %select_n3A_658 = arith.select %gt3A_654, %broadcast_in_dim3A_657, %select_n3A_653 : vector<16xi1>, vector<16xf32>
      %gt3A_659 = arith.cmpf ogt, %select_n3A_504, %select_n3A_655 : vector<16xf32>
      %select_n3A_660 = arith.select %gt3A_659, %select_n3A_504, %select_n3A_655 : vector<16xi1>, vector<16xf32>
      %jit3A_661 = arith.constant 2.900000e+01 : f32
      %broadcast_in_dim3A_662 = vector.broadcast %jit3A_661 : f32 to vector<16xf32>
      %select_n3A_663 = arith.select %gt3A_659, %broadcast_in_dim3A_662, %select_n3A_658 : vector<16xi1>, vector<16xf32>
      %gt3A_664 = arith.cmpf ogt, %select_n3A_510, %select_n3A_660 : vector<16xf32>
      %select_n3A_665 = arith.select %gt3A_664, %select_n3A_510, %select_n3A_660 : vector<16xi1>, vector<16xf32>
      %jit3A_666 = arith.constant 3.000000e+01 : f32
      %broadcast_in_dim3A_667 = vector.broadcast %jit3A_666 : f32 to vector<16xf32>
      %select_n3A_668 = arith.select %gt3A_664, %broadcast_in_dim3A_667, %select_n3A_663 : vector<16xi1>, vector<16xf32>
      %gt3A_669 = arith.cmpf ogt, %select_n3A_516, %select_n3A_665 : vector<16xf32>
      %select_n3A_670 = arith.select %gt3A_669, %select_n3A_516, %select_n3A_665 : vector<16xi1>, vector<16xf32>
      %jit3A_671 = arith.constant 3.100000e+01 : f32
      %broadcast_in_dim3A_672 = vector.broadcast %jit3A_671 : f32 to vector<16xf32>
      %select_n3A_673 = arith.select %gt3A_669, %broadcast_in_dim3A_672, %select_n3A_668 : vector<16xi1>, vector<16xf32>
      %eq3A_674 = arith.constant 0.000000e+00 : f32
      %eq3A_675 = vector.broadcast %eq3A_674 : f32 to vector<16xf32>
      %eq3A_676 = arith.cmpf oeq, %select_n3A_673, %eq3A_675 : vector<16xf32>
      %or3A = arith.ori %eq3A_327, %eq3A_676 : vector<16xi1>
      %jit3A_677 = arith.constant -1.000000e+30 : f32
      %broadcast_in_dim3A_678 = vector.broadcast %jit3A_677 : f32 to vector<16xf32>
      %select_n3A_679 = arith.select %eq3A_676, %broadcast_in_dim3A_678, %select_n3A_330 : vector<16xi1>, vector<16xf32>
      %eq3A_680 = arith.constant 1.000000e+00 : f32
      %eq3A_681 = vector.broadcast %eq3A_680 : f32 to vector<16xf32>
      %eq3A_682 = arith.cmpf oeq, %select_n3A_673, %eq3A_681 : vector<16xf32>
      %or3A_683 = arith.ori %eq3A_333, %eq3A_682 : vector<16xi1>
      %jit3A_684 = arith.constant -1.000000e+30 : f32
      %broadcast_in_dim3A_685 = vector.broadcast %jit3A_684 : f32 to vector<16xf32>
      %select_n3A_686 = arith.select %eq3A_682, %broadcast_in_dim3A_685, %select_n3A_336 : vector<16xi1>, vector<16xf32>
      %eq3A_687 = arith.constant 2.000000e+00 : f32
      %eq3A_688 = vector.broadcast %eq3A_687 : f32 to vector<16xf32>
      %eq3A_689 = arith.cmpf oeq, %select_n3A_673, %eq3A_688 : vector<16xf32>
      %or3A_690 = arith.ori %eq3A_339, %eq3A_689 : vector<16xi1>
      %jit3A_691 = arith.constant -1.000000e+30 : f32
      %broadcast_in_dim3A_692 = vector.broadcast %jit3A_691 : f32 to vector<16xf32>
      %select_n3A_693 = arith.select %eq3A_689, %broadcast_in_dim3A_692, %select_n3A_342 : vector<16xi1>, vector<16xf32>
      %eq3A_694 = arith.constant 3.000000e+00 : f32
      %eq3A_695 = vector.broadcast %eq3A_694 : f32 to vector<16xf32>
      %eq3A_696 = arith.cmpf oeq, %select_n3A_673, %eq3A_695 : vector<16xf32>
      %or3A_697 = arith.ori %eq3A_345, %eq3A_696 : vector<16xi1>
      %jit3A_698 = arith.constant -1.000000e+30 : f32
      %broadcast_in_dim3A_699 = vector.broadcast %jit3A_698 : f32 to vector<16xf32>
      %select_n3A_700 = arith.select %eq3A_696, %broadcast_in_dim3A_699, %select_n3A_348 : vector<16xi1>, vector<16xf32>
      %eq3A_701 = arith.constant 4.000000e+00 : f32
      %eq3A_702 = vector.broadcast %eq3A_701 : f32 to vector<16xf32>
      %eq3A_703 = arith.cmpf oeq, %select_n3A_673, %eq3A_702 : vector<16xf32>
      %or3A_704 = arith.ori %eq3A_351, %eq3A_703 : vector<16xi1>
      %jit3A_705 = arith.constant -1.000000e+30 : f32
      %broadcast_in_dim3A_706 = vector.broadcast %jit3A_705 : f32 to vector<16xf32>
      %select_n3A_707 = arith.select %eq3A_703, %broadcast_in_dim3A_706, %select_n3A_354 : vector<16xi1>, vector<16xf32>
      %eq3A_708 = arith.constant 5.000000e+00 : f32
      %eq3A_709 = vector.broadcast %eq3A_708 : f32 to vector<16xf32>
      %eq3A_710 = arith.cmpf oeq, %select_n3A_673, %eq3A_709 : vector<16xf32>
      %or3A_711 = arith.ori %eq3A_357, %eq3A_710 : vector<16xi1>
      %jit3A_712 = arith.constant -1.000000e+30 : f32
      %broadcast_in_dim3A_713 = vector.broadcast %jit3A_712 : f32 to vector<16xf32>
      %select_n3A_714 = arith.select %eq3A_710, %broadcast_in_dim3A_713, %select_n3A_360 : vector<16xi1>, vector<16xf32>
      %eq3A_715 = arith.constant 6.000000e+00 : f32
      %eq3A_716 = vector.broadcast %eq3A_715 : f32 to vector<16xf32>
      %eq3A_717 = arith.cmpf oeq, %select_n3A_673, %eq3A_716 : vector<16xf32>
      %or3A_718 = arith.ori %eq3A_363, %eq3A_717 : vector<16xi1>
      %jit3A_719 = arith.constant -1.000000e+30 : f32
      %broadcast_in_dim3A_720 = vector.broadcast %jit3A_719 : f32 to vector<16xf32>
      %select_n3A_721 = arith.select %eq3A_717, %broadcast_in_dim3A_720, %select_n3A_366 : vector<16xi1>, vector<16xf32>
      %eq3A_722 = arith.constant 7.000000e+00 : f32
      %eq3A_723 = vector.broadcast %eq3A_722 : f32 to vector<16xf32>
      %eq3A_724 = arith.cmpf oeq, %select_n3A_673, %eq3A_723 : vector<16xf32>
      %or3A_725 = arith.ori %eq3A_369, %eq3A_724 : vector<16xi1>
      %jit3A_726 = arith.constant -1.000000e+30 : f32
      %broadcast_in_dim3A_727 = vector.broadcast %jit3A_726 : f32 to vector<16xf32>
      %select_n3A_728 = arith.select %eq3A_724, %broadcast_in_dim3A_727, %select_n3A_372 : vector<16xi1>, vector<16xf32>
      %eq3A_729 = arith.constant 8.000000e+00 : f32
      %eq3A_730 = vector.broadcast %eq3A_729 : f32 to vector<16xf32>
      %eq3A_731 = arith.cmpf oeq, %select_n3A_673, %eq3A_730 : vector<16xf32>
      %or3A_732 = arith.ori %eq3A_375, %eq3A_731 : vector<16xi1>
      %jit3A_733 = arith.constant -1.000000e+30 : f32
      %broadcast_in_dim3A_734 = vector.broadcast %jit3A_733 : f32 to vector<16xf32>
      %select_n3A_735 = arith.select %eq3A_731, %broadcast_in_dim3A_734, %select_n3A_378 : vector<16xi1>, vector<16xf32>
      %eq3A_736 = arith.constant 9.000000e+00 : f32
      %eq3A_737 = vector.broadcast %eq3A_736 : f32 to vector<16xf32>
      %eq3A_738 = arith.cmpf oeq, %select_n3A_673, %eq3A_737 : vector<16xf32>
      %or3A_739 = arith.ori %eq3A_381, %eq3A_738 : vector<16xi1>
      %jit3A_740 = arith.constant -1.000000e+30 : f32
      %broadcast_in_dim3A_741 = vector.broadcast %jit3A_740 : f32 to vector<16xf32>
      %select_n3A_742 = arith.select %eq3A_738, %broadcast_in_dim3A_741, %select_n3A_384 : vector<16xi1>, vector<16xf32>
      %eq3A_743 = arith.constant 1.000000e+01 : f32
      %eq3A_744 = vector.broadcast %eq3A_743 : f32 to vector<16xf32>
      %eq3A_745 = arith.cmpf oeq, %select_n3A_673, %eq3A_744 : vector<16xf32>
      %or3A_746 = arith.ori %eq3A_387, %eq3A_745 : vector<16xi1>
      %jit3A_747 = arith.constant -1.000000e+30 : f32
      %broadcast_in_dim3A_748 = vector.broadcast %jit3A_747 : f32 to vector<16xf32>
      %select_n3A_749 = arith.select %eq3A_745, %broadcast_in_dim3A_748, %select_n3A_390 : vector<16xi1>, vector<16xf32>
      %eq3A_750 = arith.constant 1.100000e+01 : f32
      %eq3A_751 = vector.broadcast %eq3A_750 : f32 to vector<16xf32>
      %eq3A_752 = arith.cmpf oeq, %select_n3A_673, %eq3A_751 : vector<16xf32>
      %or3A_753 = arith.ori %eq3A_393, %eq3A_752 : vector<16xi1>
      %jit3A_754 = arith.constant -1.000000e+30 : f32
      %broadcast_in_dim3A_755 = vector.broadcast %jit3A_754 : f32 to vector<16xf32>
      %select_n3A_756 = arith.select %eq3A_752, %broadcast_in_dim3A_755, %select_n3A_396 : vector<16xi1>, vector<16xf32>
      %eq3A_757 = arith.constant 1.200000e+01 : f32
      %eq3A_758 = vector.broadcast %eq3A_757 : f32 to vector<16xf32>
      %eq3A_759 = arith.cmpf oeq, %select_n3A_673, %eq3A_758 : vector<16xf32>
      %or3A_760 = arith.ori %eq3A_399, %eq3A_759 : vector<16xi1>
      %jit3A_761 = arith.constant -1.000000e+30 : f32
      %broadcast_in_dim3A_762 = vector.broadcast %jit3A_761 : f32 to vector<16xf32>
      %select_n3A_763 = arith.select %eq3A_759, %broadcast_in_dim3A_762, %select_n3A_402 : vector<16xi1>, vector<16xf32>
      %eq3A_764 = arith.constant 1.300000e+01 : f32
      %eq3A_765 = vector.broadcast %eq3A_764 : f32 to vector<16xf32>
      %eq3A_766 = arith.cmpf oeq, %select_n3A_673, %eq3A_765 : vector<16xf32>
      %or3A_767 = arith.ori %eq3A_405, %eq3A_766 : vector<16xi1>
      %jit3A_768 = arith.constant -1.000000e+30 : f32
      %broadcast_in_dim3A_769 = vector.broadcast %jit3A_768 : f32 to vector<16xf32>
      %select_n3A_770 = arith.select %eq3A_766, %broadcast_in_dim3A_769, %select_n3A_408 : vector<16xi1>, vector<16xf32>
      %eq3A_771 = arith.constant 1.400000e+01 : f32
      %eq3A_772 = vector.broadcast %eq3A_771 : f32 to vector<16xf32>
      %eq3A_773 = arith.cmpf oeq, %select_n3A_673, %eq3A_772 : vector<16xf32>
      %or3A_774 = arith.ori %eq3A_411, %eq3A_773 : vector<16xi1>
      %jit3A_775 = arith.constant -1.000000e+30 : f32
      %broadcast_in_dim3A_776 = vector.broadcast %jit3A_775 : f32 to vector<16xf32>
      %select_n3A_777 = arith.select %eq3A_773, %broadcast_in_dim3A_776, %select_n3A_414 : vector<16xi1>, vector<16xf32>
      %eq3A_778 = arith.constant 1.500000e+01 : f32
      %eq3A_779 = vector.broadcast %eq3A_778 : f32 to vector<16xf32>
      %eq3A_780 = arith.cmpf oeq, %select_n3A_673, %eq3A_779 : vector<16xf32>
      %or3A_781 = arith.ori %eq3A_417, %eq3A_780 : vector<16xi1>
      %jit3A_782 = arith.constant -1.000000e+30 : f32
      %broadcast_in_dim3A_783 = vector.broadcast %jit3A_782 : f32 to vector<16xf32>
      %select_n3A_784 = arith.select %eq3A_780, %broadcast_in_dim3A_783, %select_n3A_420 : vector<16xi1>, vector<16xf32>
      %eq3A_785 = arith.constant 1.600000e+01 : f32
      %eq3A_786 = vector.broadcast %eq3A_785 : f32 to vector<16xf32>
      %eq3A_787 = arith.cmpf oeq, %select_n3A_673, %eq3A_786 : vector<16xf32>
      %or3A_788 = arith.ori %eq3A_423, %eq3A_787 : vector<16xi1>
      %jit3A_789 = arith.constant -1.000000e+30 : f32
      %broadcast_in_dim3A_790 = vector.broadcast %jit3A_789 : f32 to vector<16xf32>
      %select_n3A_791 = arith.select %eq3A_787, %broadcast_in_dim3A_790, %select_n3A_426 : vector<16xi1>, vector<16xf32>
      %eq3A_792 = arith.constant 1.700000e+01 : f32
      %eq3A_793 = vector.broadcast %eq3A_792 : f32 to vector<16xf32>
      %eq3A_794 = arith.cmpf oeq, %select_n3A_673, %eq3A_793 : vector<16xf32>
      %or3A_795 = arith.ori %eq3A_429, %eq3A_794 : vector<16xi1>
      %jit3A_796 = arith.constant -1.000000e+30 : f32
      %broadcast_in_dim3A_797 = vector.broadcast %jit3A_796 : f32 to vector<16xf32>
      %select_n3A_798 = arith.select %eq3A_794, %broadcast_in_dim3A_797, %select_n3A_432 : vector<16xi1>, vector<16xf32>
      %eq3A_799 = arith.constant 1.800000e+01 : f32
      %eq3A_800 = vector.broadcast %eq3A_799 : f32 to vector<16xf32>
      %eq3A_801 = arith.cmpf oeq, %select_n3A_673, %eq3A_800 : vector<16xf32>
      %or3A_802 = arith.ori %eq3A_435, %eq3A_801 : vector<16xi1>
      %jit3A_803 = arith.constant -1.000000e+30 : f32
      %broadcast_in_dim3A_804 = vector.broadcast %jit3A_803 : f32 to vector<16xf32>
      %select_n3A_805 = arith.select %eq3A_801, %broadcast_in_dim3A_804, %select_n3A_438 : vector<16xi1>, vector<16xf32>
      %eq3A_806 = arith.constant 1.900000e+01 : f32
      %eq3A_807 = vector.broadcast %eq3A_806 : f32 to vector<16xf32>
      %eq3A_808 = arith.cmpf oeq, %select_n3A_673, %eq3A_807 : vector<16xf32>
      %or3A_809 = arith.ori %eq3A_441, %eq3A_808 : vector<16xi1>
      %jit3A_810 = arith.constant -1.000000e+30 : f32
      %broadcast_in_dim3A_811 = vector.broadcast %jit3A_810 : f32 to vector<16xf32>
      %select_n3A_812 = arith.select %eq3A_808, %broadcast_in_dim3A_811, %select_n3A_444 : vector<16xi1>, vector<16xf32>
      %eq3A_813 = arith.constant 2.000000e+01 : f32
      %eq3A_814 = vector.broadcast %eq3A_813 : f32 to vector<16xf32>
      %eq3A_815 = arith.cmpf oeq, %select_n3A_673, %eq3A_814 : vector<16xf32>
      %or3A_816 = arith.ori %eq3A_447, %eq3A_815 : vector<16xi1>
      %jit3A_817 = arith.constant -1.000000e+30 : f32
      %broadcast_in_dim3A_818 = vector.broadcast %jit3A_817 : f32 to vector<16xf32>
      %select_n3A_819 = arith.select %eq3A_815, %broadcast_in_dim3A_818, %select_n3A_450 : vector<16xi1>, vector<16xf32>
      %eq3A_820 = arith.constant 2.100000e+01 : f32
      %eq3A_821 = vector.broadcast %eq3A_820 : f32 to vector<16xf32>
      %eq3A_822 = arith.cmpf oeq, %select_n3A_673, %eq3A_821 : vector<16xf32>
      %or3A_823 = arith.ori %eq3A_453, %eq3A_822 : vector<16xi1>
      %jit3A_824 = arith.constant -1.000000e+30 : f32
      %broadcast_in_dim3A_825 = vector.broadcast %jit3A_824 : f32 to vector<16xf32>
      %select_n3A_826 = arith.select %eq3A_822, %broadcast_in_dim3A_825, %select_n3A_456 : vector<16xi1>, vector<16xf32>
      %eq3A_827 = arith.constant 2.200000e+01 : f32
      %eq3A_828 = vector.broadcast %eq3A_827 : f32 to vector<16xf32>
      %eq3A_829 = arith.cmpf oeq, %select_n3A_673, %eq3A_828 : vector<16xf32>
      %or3A_830 = arith.ori %eq3A_459, %eq3A_829 : vector<16xi1>
      %jit3A_831 = arith.constant -1.000000e+30 : f32
      %broadcast_in_dim3A_832 = vector.broadcast %jit3A_831 : f32 to vector<16xf32>
      %select_n3A_833 = arith.select %eq3A_829, %broadcast_in_dim3A_832, %select_n3A_462 : vector<16xi1>, vector<16xf32>
      %eq3A_834 = arith.constant 2.300000e+01 : f32
      %eq3A_835 = vector.broadcast %eq3A_834 : f32 to vector<16xf32>
      %eq3A_836 = arith.cmpf oeq, %select_n3A_673, %eq3A_835 : vector<16xf32>
      %or3A_837 = arith.ori %eq3A_465, %eq3A_836 : vector<16xi1>
      %jit3A_838 = arith.constant -1.000000e+30 : f32
      %broadcast_in_dim3A_839 = vector.broadcast %jit3A_838 : f32 to vector<16xf32>
      %select_n3A_840 = arith.select %eq3A_836, %broadcast_in_dim3A_839, %select_n3A_468 : vector<16xi1>, vector<16xf32>
      %eq3A_841 = arith.constant 2.400000e+01 : f32
      %eq3A_842 = vector.broadcast %eq3A_841 : f32 to vector<16xf32>
      %eq3A_843 = arith.cmpf oeq, %select_n3A_673, %eq3A_842 : vector<16xf32>
      %or3A_844 = arith.ori %eq3A_471, %eq3A_843 : vector<16xi1>
      %jit3A_845 = arith.constant -1.000000e+30 : f32
      %broadcast_in_dim3A_846 = vector.broadcast %jit3A_845 : f32 to vector<16xf32>
      %select_n3A_847 = arith.select %eq3A_843, %broadcast_in_dim3A_846, %select_n3A_474 : vector<16xi1>, vector<16xf32>
      %eq3A_848 = arith.constant 2.500000e+01 : f32
      %eq3A_849 = vector.broadcast %eq3A_848 : f32 to vector<16xf32>
      %eq3A_850 = arith.cmpf oeq, %select_n3A_673, %eq3A_849 : vector<16xf32>
      %or3A_851 = arith.ori %eq3A_477, %eq3A_850 : vector<16xi1>
      %jit3A_852 = arith.constant -1.000000e+30 : f32
      %broadcast_in_dim3A_853 = vector.broadcast %jit3A_852 : f32 to vector<16xf32>
      %select_n3A_854 = arith.select %eq3A_850, %broadcast_in_dim3A_853, %select_n3A_480 : vector<16xi1>, vector<16xf32>
      %eq3A_855 = arith.constant 2.600000e+01 : f32
      %eq3A_856 = vector.broadcast %eq3A_855 : f32 to vector<16xf32>
      %eq3A_857 = arith.cmpf oeq, %select_n3A_673, %eq3A_856 : vector<16xf32>
      %or3A_858 = arith.ori %eq3A_483, %eq3A_857 : vector<16xi1>
      %jit3A_859 = arith.constant -1.000000e+30 : f32
      %broadcast_in_dim3A_860 = vector.broadcast %jit3A_859 : f32 to vector<16xf32>
      %select_n3A_861 = arith.select %eq3A_857, %broadcast_in_dim3A_860, %select_n3A_486 : vector<16xi1>, vector<16xf32>
      %eq3A_862 = arith.constant 2.700000e+01 : f32
      %eq3A_863 = vector.broadcast %eq3A_862 : f32 to vector<16xf32>
      %eq3A_864 = arith.cmpf oeq, %select_n3A_673, %eq3A_863 : vector<16xf32>
      %or3A_865 = arith.ori %eq3A_489, %eq3A_864 : vector<16xi1>
      %jit3A_866 = arith.constant -1.000000e+30 : f32
      %broadcast_in_dim3A_867 = vector.broadcast %jit3A_866 : f32 to vector<16xf32>
      %select_n3A_868 = arith.select %eq3A_864, %broadcast_in_dim3A_867, %select_n3A_492 : vector<16xi1>, vector<16xf32>
      %eq3A_869 = arith.constant 2.800000e+01 : f32
      %eq3A_870 = vector.broadcast %eq3A_869 : f32 to vector<16xf32>
      %eq3A_871 = arith.cmpf oeq, %select_n3A_673, %eq3A_870 : vector<16xf32>
      %or3A_872 = arith.ori %eq3A_495, %eq3A_871 : vector<16xi1>
      %jit3A_873 = arith.constant -1.000000e+30 : f32
      %broadcast_in_dim3A_874 = vector.broadcast %jit3A_873 : f32 to vector<16xf32>
      %select_n3A_875 = arith.select %eq3A_871, %broadcast_in_dim3A_874, %select_n3A_498 : vector<16xi1>, vector<16xf32>
      %eq3A_876 = arith.constant 2.900000e+01 : f32
      %eq3A_877 = vector.broadcast %eq3A_876 : f32 to vector<16xf32>
      %eq3A_878 = arith.cmpf oeq, %select_n3A_673, %eq3A_877 : vector<16xf32>
      %or3A_879 = arith.ori %eq3A_501, %eq3A_878 : vector<16xi1>
      %jit3A_880 = arith.constant -1.000000e+30 : f32
      %broadcast_in_dim3A_881 = vector.broadcast %jit3A_880 : f32 to vector<16xf32>
      %select_n3A_882 = arith.select %eq3A_878, %broadcast_in_dim3A_881, %select_n3A_504 : vector<16xi1>, vector<16xf32>
      %eq3A_883 = arith.constant 3.000000e+01 : f32
      %eq3A_884 = vector.broadcast %eq3A_883 : f32 to vector<16xf32>
      %eq3A_885 = arith.cmpf oeq, %select_n3A_673, %eq3A_884 : vector<16xf32>
      %or3A_886 = arith.ori %eq3A_507, %eq3A_885 : vector<16xi1>
      %jit3A_887 = arith.constant -1.000000e+30 : f32
      %broadcast_in_dim3A_888 = vector.broadcast %jit3A_887 : f32 to vector<16xf32>
      %select_n3A_889 = arith.select %eq3A_885, %broadcast_in_dim3A_888, %select_n3A_510 : vector<16xi1>, vector<16xf32>
      %eq3A_890 = arith.constant 3.100000e+01 : f32
      %eq3A_891 = vector.broadcast %eq3A_890 : f32 to vector<16xf32>
      %eq3A_892 = arith.cmpf oeq, %select_n3A_673, %eq3A_891 : vector<16xf32>
      %or3A_893 = arith.ori %eq3A_513, %eq3A_892 : vector<16xi1>
      %jit3A_894 = arith.constant -1.000000e+30 : f32
      %broadcast_in_dim3A_895 = vector.broadcast %jit3A_894 : f32 to vector<16xf32>
      %select_n3A_896 = arith.select %eq3A_892, %broadcast_in_dim3A_895, %select_n3A_516 : vector<16xi1>, vector<16xf32>
      %broadcast_in_dim3A_897 = arith.constant 0.000000e+00 : f32
      %broadcast_in_dim3A_898 = vector.broadcast %broadcast_in_dim3A_897 : f32 to vector<16xf32>
      %gt3A_899 = arith.cmpf ogt, %select_n3A_686, %select_n3A_679 : vector<16xf32>
      %select_n3A_900 = arith.select %gt3A_899, %select_n3A_686, %select_n3A_679 : vector<16xi1>, vector<16xf32>
      %jit3A_901 = arith.constant 1.000000e+00 : f32
      %broadcast_in_dim3A_902 = vector.broadcast %jit3A_901 : f32 to vector<16xf32>
      %select_n3A_903 = arith.select %gt3A_899, %broadcast_in_dim3A_902, %broadcast_in_dim3A_898 : vector<16xi1>, vector<16xf32>
      %gt3A_904 = arith.cmpf ogt, %select_n3A_693, %select_n3A_900 : vector<16xf32>
      %select_n3A_905 = arith.select %gt3A_904, %select_n3A_693, %select_n3A_900 : vector<16xi1>, vector<16xf32>
      %jit3A_906 = arith.constant 2.000000e+00 : f32
      %broadcast_in_dim3A_907 = vector.broadcast %jit3A_906 : f32 to vector<16xf32>
      %select_n3A_908 = arith.select %gt3A_904, %broadcast_in_dim3A_907, %select_n3A_903 : vector<16xi1>, vector<16xf32>
      %gt3A_909 = arith.cmpf ogt, %select_n3A_700, %select_n3A_905 : vector<16xf32>
      %select_n3A_910 = arith.select %gt3A_909, %select_n3A_700, %select_n3A_905 : vector<16xi1>, vector<16xf32>
      %jit3A_911 = arith.constant 3.000000e+00 : f32
      %broadcast_in_dim3A_912 = vector.broadcast %jit3A_911 : f32 to vector<16xf32>
      %select_n3A_913 = arith.select %gt3A_909, %broadcast_in_dim3A_912, %select_n3A_908 : vector<16xi1>, vector<16xf32>
      %gt3A_914 = arith.cmpf ogt, %select_n3A_707, %select_n3A_910 : vector<16xf32>
      %select_n3A_915 = arith.select %gt3A_914, %select_n3A_707, %select_n3A_910 : vector<16xi1>, vector<16xf32>
      %jit3A_916 = arith.constant 4.000000e+00 : f32
      %broadcast_in_dim3A_917 = vector.broadcast %jit3A_916 : f32 to vector<16xf32>
      %select_n3A_918 = arith.select %gt3A_914, %broadcast_in_dim3A_917, %select_n3A_913 : vector<16xi1>, vector<16xf32>
      %gt3A_919 = arith.cmpf ogt, %select_n3A_714, %select_n3A_915 : vector<16xf32>
      %select_n3A_920 = arith.select %gt3A_919, %select_n3A_714, %select_n3A_915 : vector<16xi1>, vector<16xf32>
      %jit3A_921 = arith.constant 5.000000e+00 : f32
      %broadcast_in_dim3A_922 = vector.broadcast %jit3A_921 : f32 to vector<16xf32>
      %select_n3A_923 = arith.select %gt3A_919, %broadcast_in_dim3A_922, %select_n3A_918 : vector<16xi1>, vector<16xf32>
      %gt3A_924 = arith.cmpf ogt, %select_n3A_721, %select_n3A_920 : vector<16xf32>
      %select_n3A_925 = arith.select %gt3A_924, %select_n3A_721, %select_n3A_920 : vector<16xi1>, vector<16xf32>
      %jit3A_926 = arith.constant 6.000000e+00 : f32
      %broadcast_in_dim3A_927 = vector.broadcast %jit3A_926 : f32 to vector<16xf32>
      %select_n3A_928 = arith.select %gt3A_924, %broadcast_in_dim3A_927, %select_n3A_923 : vector<16xi1>, vector<16xf32>
      %gt3A_929 = arith.cmpf ogt, %select_n3A_728, %select_n3A_925 : vector<16xf32>
      %select_n3A_930 = arith.select %gt3A_929, %select_n3A_728, %select_n3A_925 : vector<16xi1>, vector<16xf32>
      %jit3A_931 = arith.constant 7.000000e+00 : f32
      %broadcast_in_dim3A_932 = vector.broadcast %jit3A_931 : f32 to vector<16xf32>
      %select_n3A_933 = arith.select %gt3A_929, %broadcast_in_dim3A_932, %select_n3A_928 : vector<16xi1>, vector<16xf32>
      %gt3A_934 = arith.cmpf ogt, %select_n3A_735, %select_n3A_930 : vector<16xf32>
      %select_n3A_935 = arith.select %gt3A_934, %select_n3A_735, %select_n3A_930 : vector<16xi1>, vector<16xf32>
      %jit3A_936 = arith.constant 8.000000e+00 : f32
      %broadcast_in_dim3A_937 = vector.broadcast %jit3A_936 : f32 to vector<16xf32>
      %select_n3A_938 = arith.select %gt3A_934, %broadcast_in_dim3A_937, %select_n3A_933 : vector<16xi1>, vector<16xf32>
      %gt3A_939 = arith.cmpf ogt, %select_n3A_742, %select_n3A_935 : vector<16xf32>
      %select_n3A_940 = arith.select %gt3A_939, %select_n3A_742, %select_n3A_935 : vector<16xi1>, vector<16xf32>
      %jit3A_941 = arith.constant 9.000000e+00 : f32
      %broadcast_in_dim3A_942 = vector.broadcast %jit3A_941 : f32 to vector<16xf32>
      %select_n3A_943 = arith.select %gt3A_939, %broadcast_in_dim3A_942, %select_n3A_938 : vector<16xi1>, vector<16xf32>
      %gt3A_944 = arith.cmpf ogt, %select_n3A_749, %select_n3A_940 : vector<16xf32>
      %select_n3A_945 = arith.select %gt3A_944, %select_n3A_749, %select_n3A_940 : vector<16xi1>, vector<16xf32>
      %jit3A_946 = arith.constant 1.000000e+01 : f32
      %broadcast_in_dim3A_947 = vector.broadcast %jit3A_946 : f32 to vector<16xf32>
      %select_n3A_948 = arith.select %gt3A_944, %broadcast_in_dim3A_947, %select_n3A_943 : vector<16xi1>, vector<16xf32>
      %gt3A_949 = arith.cmpf ogt, %select_n3A_756, %select_n3A_945 : vector<16xf32>
      %select_n3A_950 = arith.select %gt3A_949, %select_n3A_756, %select_n3A_945 : vector<16xi1>, vector<16xf32>
      %jit3A_951 = arith.constant 1.100000e+01 : f32
      %broadcast_in_dim3A_952 = vector.broadcast %jit3A_951 : f32 to vector<16xf32>
      %select_n3A_953 = arith.select %gt3A_949, %broadcast_in_dim3A_952, %select_n3A_948 : vector<16xi1>, vector<16xf32>
      %gt3A_954 = arith.cmpf ogt, %select_n3A_763, %select_n3A_950 : vector<16xf32>
      %select_n3A_955 = arith.select %gt3A_954, %select_n3A_763, %select_n3A_950 : vector<16xi1>, vector<16xf32>
      %jit3A_956 = arith.constant 1.200000e+01 : f32
      %broadcast_in_dim3A_957 = vector.broadcast %jit3A_956 : f32 to vector<16xf32>
      %select_n3A_958 = arith.select %gt3A_954, %broadcast_in_dim3A_957, %select_n3A_953 : vector<16xi1>, vector<16xf32>
      %gt3A_959 = arith.cmpf ogt, %select_n3A_770, %select_n3A_955 : vector<16xf32>
      %select_n3A_960 = arith.select %gt3A_959, %select_n3A_770, %select_n3A_955 : vector<16xi1>, vector<16xf32>
      %jit3A_961 = arith.constant 1.300000e+01 : f32
      %broadcast_in_dim3A_962 = vector.broadcast %jit3A_961 : f32 to vector<16xf32>
      %select_n3A_963 = arith.select %gt3A_959, %broadcast_in_dim3A_962, %select_n3A_958 : vector<16xi1>, vector<16xf32>
      %gt3A_964 = arith.cmpf ogt, %select_n3A_777, %select_n3A_960 : vector<16xf32>
      %select_n3A_965 = arith.select %gt3A_964, %select_n3A_777, %select_n3A_960 : vector<16xi1>, vector<16xf32>
      %jit3A_966 = arith.constant 1.400000e+01 : f32
      %broadcast_in_dim3A_967 = vector.broadcast %jit3A_966 : f32 to vector<16xf32>
      %select_n3A_968 = arith.select %gt3A_964, %broadcast_in_dim3A_967, %select_n3A_963 : vector<16xi1>, vector<16xf32>
      %gt3A_969 = arith.cmpf ogt, %select_n3A_784, %select_n3A_965 : vector<16xf32>
      %select_n3A_970 = arith.select %gt3A_969, %select_n3A_784, %select_n3A_965 : vector<16xi1>, vector<16xf32>
      %jit3A_971 = arith.constant 1.500000e+01 : f32
      %broadcast_in_dim3A_972 = vector.broadcast %jit3A_971 : f32 to vector<16xf32>
      %select_n3A_973 = arith.select %gt3A_969, %broadcast_in_dim3A_972, %select_n3A_968 : vector<16xi1>, vector<16xf32>
      %gt3A_974 = arith.cmpf ogt, %select_n3A_791, %select_n3A_970 : vector<16xf32>
      %select_n3A_975 = arith.select %gt3A_974, %select_n3A_791, %select_n3A_970 : vector<16xi1>, vector<16xf32>
      %jit3A_976 = arith.constant 1.600000e+01 : f32
      %broadcast_in_dim3A_977 = vector.broadcast %jit3A_976 : f32 to vector<16xf32>
      %select_n3A_978 = arith.select %gt3A_974, %broadcast_in_dim3A_977, %select_n3A_973 : vector<16xi1>, vector<16xf32>
      %gt3A_979 = arith.cmpf ogt, %select_n3A_798, %select_n3A_975 : vector<16xf32>
      %select_n3A_980 = arith.select %gt3A_979, %select_n3A_798, %select_n3A_975 : vector<16xi1>, vector<16xf32>
      %jit3A_981 = arith.constant 1.700000e+01 : f32
      %broadcast_in_dim3A_982 = vector.broadcast %jit3A_981 : f32 to vector<16xf32>
      %select_n3A_983 = arith.select %gt3A_979, %broadcast_in_dim3A_982, %select_n3A_978 : vector<16xi1>, vector<16xf32>
      %gt3A_984 = arith.cmpf ogt, %select_n3A_805, %select_n3A_980 : vector<16xf32>
      %select_n3A_985 = arith.select %gt3A_984, %select_n3A_805, %select_n3A_980 : vector<16xi1>, vector<16xf32>
      %jit3A_986 = arith.constant 1.800000e+01 : f32
      %broadcast_in_dim3A_987 = vector.broadcast %jit3A_986 : f32 to vector<16xf32>
      %select_n3A_988 = arith.select %gt3A_984, %broadcast_in_dim3A_987, %select_n3A_983 : vector<16xi1>, vector<16xf32>
      %gt3A_989 = arith.cmpf ogt, %select_n3A_812, %select_n3A_985 : vector<16xf32>
      %select_n3A_990 = arith.select %gt3A_989, %select_n3A_812, %select_n3A_985 : vector<16xi1>, vector<16xf32>
      %jit3A_991 = arith.constant 1.900000e+01 : f32
      %broadcast_in_dim3A_992 = vector.broadcast %jit3A_991 : f32 to vector<16xf32>
      %select_n3A_993 = arith.select %gt3A_989, %broadcast_in_dim3A_992, %select_n3A_988 : vector<16xi1>, vector<16xf32>
      %gt3A_994 = arith.cmpf ogt, %select_n3A_819, %select_n3A_990 : vector<16xf32>
      %select_n3A_995 = arith.select %gt3A_994, %select_n3A_819, %select_n3A_990 : vector<16xi1>, vector<16xf32>
      %jit3A_996 = arith.constant 2.000000e+01 : f32
      %broadcast_in_dim3A_997 = vector.broadcast %jit3A_996 : f32 to vector<16xf32>
      %select_n3A_998 = arith.select %gt3A_994, %broadcast_in_dim3A_997, %select_n3A_993 : vector<16xi1>, vector<16xf32>
      %gt3A_999 = arith.cmpf ogt, %select_n3A_826, %select_n3A_995 : vector<16xf32>
      %select_n3A_1000 = arith.select %gt3A_999, %select_n3A_826, %select_n3A_995 : vector<16xi1>, vector<16xf32>
      %jit3A_1001 = arith.constant 2.100000e+01 : f32
      %broadcast_in_dim3A_1002 = vector.broadcast %jit3A_1001 : f32 to vector<16xf32>
      %select_n3A_1003 = arith.select %gt3A_999, %broadcast_in_dim3A_1002, %select_n3A_998 : vector<16xi1>, vector<16xf32>
      %gt3A_1004 = arith.cmpf ogt, %select_n3A_833, %select_n3A_1000 : vector<16xf32>
      %select_n3A_1005 = arith.select %gt3A_1004, %select_n3A_833, %select_n3A_1000 : vector<16xi1>, vector<16xf32>
      %jit3A_1006 = arith.constant 2.200000e+01 : f32
      %broadcast_in_dim3A_1007 = vector.broadcast %jit3A_1006 : f32 to vector<16xf32>
      %select_n3A_1008 = arith.select %gt3A_1004, %broadcast_in_dim3A_1007, %select_n3A_1003 : vector<16xi1>, vector<16xf32>
      %gt3A_1009 = arith.cmpf ogt, %select_n3A_840, %select_n3A_1005 : vector<16xf32>
      %select_n3A_1010 = arith.select %gt3A_1009, %select_n3A_840, %select_n3A_1005 : vector<16xi1>, vector<16xf32>
      %jit3A_1011 = arith.constant 2.300000e+01 : f32
      %broadcast_in_dim3A_1012 = vector.broadcast %jit3A_1011 : f32 to vector<16xf32>
      %select_n3A_1013 = arith.select %gt3A_1009, %broadcast_in_dim3A_1012, %select_n3A_1008 : vector<16xi1>, vector<16xf32>
      %gt3A_1014 = arith.cmpf ogt, %select_n3A_847, %select_n3A_1010 : vector<16xf32>
      %select_n3A_1015 = arith.select %gt3A_1014, %select_n3A_847, %select_n3A_1010 : vector<16xi1>, vector<16xf32>
      %jit3A_1016 = arith.constant 2.400000e+01 : f32
      %broadcast_in_dim3A_1017 = vector.broadcast %jit3A_1016 : f32 to vector<16xf32>
      %select_n3A_1018 = arith.select %gt3A_1014, %broadcast_in_dim3A_1017, %select_n3A_1013 : vector<16xi1>, vector<16xf32>
      %gt3A_1019 = arith.cmpf ogt, %select_n3A_854, %select_n3A_1015 : vector<16xf32>
      %select_n3A_1020 = arith.select %gt3A_1019, %select_n3A_854, %select_n3A_1015 : vector<16xi1>, vector<16xf32>
      %jit3A_1021 = arith.constant 2.500000e+01 : f32
      %broadcast_in_dim3A_1022 = vector.broadcast %jit3A_1021 : f32 to vector<16xf32>
      %select_n3A_1023 = arith.select %gt3A_1019, %broadcast_in_dim3A_1022, %select_n3A_1018 : vector<16xi1>, vector<16xf32>
      %gt3A_1024 = arith.cmpf ogt, %select_n3A_861, %select_n3A_1020 : vector<16xf32>
      %select_n3A_1025 = arith.select %gt3A_1024, %select_n3A_861, %select_n3A_1020 : vector<16xi1>, vector<16xf32>
      %jit3A_1026 = arith.constant 2.600000e+01 : f32
      %broadcast_in_dim3A_1027 = vector.broadcast %jit3A_1026 : f32 to vector<16xf32>
      %select_n3A_1028 = arith.select %gt3A_1024, %broadcast_in_dim3A_1027, %select_n3A_1023 : vector<16xi1>, vector<16xf32>
      %gt3A_1029 = arith.cmpf ogt, %select_n3A_868, %select_n3A_1025 : vector<16xf32>
      %select_n3A_1030 = arith.select %gt3A_1029, %select_n3A_868, %select_n3A_1025 : vector<16xi1>, vector<16xf32>
      %jit3A_1031 = arith.constant 2.700000e+01 : f32
      %broadcast_in_dim3A_1032 = vector.broadcast %jit3A_1031 : f32 to vector<16xf32>
      %select_n3A_1033 = arith.select %gt3A_1029, %broadcast_in_dim3A_1032, %select_n3A_1028 : vector<16xi1>, vector<16xf32>
      %gt3A_1034 = arith.cmpf ogt, %select_n3A_875, %select_n3A_1030 : vector<16xf32>
      %select_n3A_1035 = arith.select %gt3A_1034, %select_n3A_875, %select_n3A_1030 : vector<16xi1>, vector<16xf32>
      %jit3A_1036 = arith.constant 2.800000e+01 : f32
      %broadcast_in_dim3A_1037 = vector.broadcast %jit3A_1036 : f32 to vector<16xf32>
      %select_n3A_1038 = arith.select %gt3A_1034, %broadcast_in_dim3A_1037, %select_n3A_1033 : vector<16xi1>, vector<16xf32>
      %gt3A_1039 = arith.cmpf ogt, %select_n3A_882, %select_n3A_1035 : vector<16xf32>
      %select_n3A_1040 = arith.select %gt3A_1039, %select_n3A_882, %select_n3A_1035 : vector<16xi1>, vector<16xf32>
      %jit3A_1041 = arith.constant 2.900000e+01 : f32
      %broadcast_in_dim3A_1042 = vector.broadcast %jit3A_1041 : f32 to vector<16xf32>
      %select_n3A_1043 = arith.select %gt3A_1039, %broadcast_in_dim3A_1042, %select_n3A_1038 : vector<16xi1>, vector<16xf32>
      %gt3A_1044 = arith.cmpf ogt, %select_n3A_889, %select_n3A_1040 : vector<16xf32>
      %select_n3A_1045 = arith.select %gt3A_1044, %select_n3A_889, %select_n3A_1040 : vector<16xi1>, vector<16xf32>
      %jit3A_1046 = arith.constant 3.000000e+01 : f32
      %broadcast_in_dim3A_1047 = vector.broadcast %jit3A_1046 : f32 to vector<16xf32>
      %select_n3A_1048 = arith.select %gt3A_1044, %broadcast_in_dim3A_1047, %select_n3A_1043 : vector<16xi1>, vector<16xf32>
      %gt3A_1049 = arith.cmpf ogt, %select_n3A_896, %select_n3A_1045 : vector<16xf32>
      %select_n3A_1050 = arith.select %gt3A_1049, %select_n3A_896, %select_n3A_1045 : vector<16xi1>, vector<16xf32>
      %jit3A_1051 = arith.constant 3.100000e+01 : f32
      %broadcast_in_dim3A_1052 = vector.broadcast %jit3A_1051 : f32 to vector<16xf32>
      %select_n3A_1053 = arith.select %gt3A_1049, %broadcast_in_dim3A_1052, %select_n3A_1048 : vector<16xi1>, vector<16xf32>
      %eq3A_1054 = arith.constant 0.000000e+00 : f32
      %eq3A_1055 = vector.broadcast %eq3A_1054 : f32 to vector<16xf32>
      %eq3A_1056 = arith.cmpf oeq, %select_n3A_1053, %eq3A_1055 : vector<16xf32>
      %or3A_1057 = arith.ori %or3A, %eq3A_1056 : vector<16xi1>
      %jit3A_1058 = arith.constant -1.000000e+30 : f32
      %broadcast_in_dim3A_1059 = vector.broadcast %jit3A_1058 : f32 to vector<16xf32>
      %select_n3A_1060 = arith.select %eq3A_1056, %broadcast_in_dim3A_1059, %select_n3A_679 : vector<16xi1>, vector<16xf32>
      %eq3A_1061 = arith.constant 1.000000e+00 : f32
      %eq3A_1062 = vector.broadcast %eq3A_1061 : f32 to vector<16xf32>
      %eq3A_1063 = arith.cmpf oeq, %select_n3A_1053, %eq3A_1062 : vector<16xf32>
      %or3A_1064 = arith.ori %or3A_683, %eq3A_1063 : vector<16xi1>
      %jit3A_1065 = arith.constant -1.000000e+30 : f32
      %broadcast_in_dim3A_1066 = vector.broadcast %jit3A_1065 : f32 to vector<16xf32>
      %select_n3A_1067 = arith.select %eq3A_1063, %broadcast_in_dim3A_1066, %select_n3A_686 : vector<16xi1>, vector<16xf32>
      %eq3A_1068 = arith.constant 2.000000e+00 : f32
      %eq3A_1069 = vector.broadcast %eq3A_1068 : f32 to vector<16xf32>
      %eq3A_1070 = arith.cmpf oeq, %select_n3A_1053, %eq3A_1069 : vector<16xf32>
      %or3A_1071 = arith.ori %or3A_690, %eq3A_1070 : vector<16xi1>
      %jit3A_1072 = arith.constant -1.000000e+30 : f32
      %broadcast_in_dim3A_1073 = vector.broadcast %jit3A_1072 : f32 to vector<16xf32>
      %select_n3A_1074 = arith.select %eq3A_1070, %broadcast_in_dim3A_1073, %select_n3A_693 : vector<16xi1>, vector<16xf32>
      %eq3A_1075 = arith.constant 3.000000e+00 : f32
      %eq3A_1076 = vector.broadcast %eq3A_1075 : f32 to vector<16xf32>
      %eq3A_1077 = arith.cmpf oeq, %select_n3A_1053, %eq3A_1076 : vector<16xf32>
      %or3A_1078 = arith.ori %or3A_697, %eq3A_1077 : vector<16xi1>
      %jit3A_1079 = arith.constant -1.000000e+30 : f32
      %broadcast_in_dim3A_1080 = vector.broadcast %jit3A_1079 : f32 to vector<16xf32>
      %select_n3A_1081 = arith.select %eq3A_1077, %broadcast_in_dim3A_1080, %select_n3A_700 : vector<16xi1>, vector<16xf32>
      %eq3A_1082 = arith.constant 4.000000e+00 : f32
      %eq3A_1083 = vector.broadcast %eq3A_1082 : f32 to vector<16xf32>
      %eq3A_1084 = arith.cmpf oeq, %select_n3A_1053, %eq3A_1083 : vector<16xf32>
      %or3A_1085 = arith.ori %or3A_704, %eq3A_1084 : vector<16xi1>
      %jit3A_1086 = arith.constant -1.000000e+30 : f32
      %broadcast_in_dim3A_1087 = vector.broadcast %jit3A_1086 : f32 to vector<16xf32>
      %select_n3A_1088 = arith.select %eq3A_1084, %broadcast_in_dim3A_1087, %select_n3A_707 : vector<16xi1>, vector<16xf32>
      %eq3A_1089 = arith.constant 5.000000e+00 : f32
      %eq3A_1090 = vector.broadcast %eq3A_1089 : f32 to vector<16xf32>
      %eq3A_1091 = arith.cmpf oeq, %select_n3A_1053, %eq3A_1090 : vector<16xf32>
      %or3A_1092 = arith.ori %or3A_711, %eq3A_1091 : vector<16xi1>
      %jit3A_1093 = arith.constant -1.000000e+30 : f32
      %broadcast_in_dim3A_1094 = vector.broadcast %jit3A_1093 : f32 to vector<16xf32>
      %select_n3A_1095 = arith.select %eq3A_1091, %broadcast_in_dim3A_1094, %select_n3A_714 : vector<16xi1>, vector<16xf32>
      %eq3A_1096 = arith.constant 6.000000e+00 : f32
      %eq3A_1097 = vector.broadcast %eq3A_1096 : f32 to vector<16xf32>
      %eq3A_1098 = arith.cmpf oeq, %select_n3A_1053, %eq3A_1097 : vector<16xf32>
      %or3A_1099 = arith.ori %or3A_718, %eq3A_1098 : vector<16xi1>
      %jit3A_1100 = arith.constant -1.000000e+30 : f32
      %broadcast_in_dim3A_1101 = vector.broadcast %jit3A_1100 : f32 to vector<16xf32>
      %select_n3A_1102 = arith.select %eq3A_1098, %broadcast_in_dim3A_1101, %select_n3A_721 : vector<16xi1>, vector<16xf32>
      %eq3A_1103 = arith.constant 7.000000e+00 : f32
      %eq3A_1104 = vector.broadcast %eq3A_1103 : f32 to vector<16xf32>
      %eq3A_1105 = arith.cmpf oeq, %select_n3A_1053, %eq3A_1104 : vector<16xf32>
      %or3A_1106 = arith.ori %or3A_725, %eq3A_1105 : vector<16xi1>
      %jit3A_1107 = arith.constant -1.000000e+30 : f32
      %broadcast_in_dim3A_1108 = vector.broadcast %jit3A_1107 : f32 to vector<16xf32>
      %select_n3A_1109 = arith.select %eq3A_1105, %broadcast_in_dim3A_1108, %select_n3A_728 : vector<16xi1>, vector<16xf32>
      %eq3A_1110 = arith.constant 8.000000e+00 : f32
      %eq3A_1111 = vector.broadcast %eq3A_1110 : f32 to vector<16xf32>
      %eq3A_1112 = arith.cmpf oeq, %select_n3A_1053, %eq3A_1111 : vector<16xf32>
      %or3A_1113 = arith.ori %or3A_732, %eq3A_1112 : vector<16xi1>
      %jit3A_1114 = arith.constant -1.000000e+30 : f32
      %broadcast_in_dim3A_1115 = vector.broadcast %jit3A_1114 : f32 to vector<16xf32>
      %select_n3A_1116 = arith.select %eq3A_1112, %broadcast_in_dim3A_1115, %select_n3A_735 : vector<16xi1>, vector<16xf32>
      %eq3A_1117 = arith.constant 9.000000e+00 : f32
      %eq3A_1118 = vector.broadcast %eq3A_1117 : f32 to vector<16xf32>
      %eq3A_1119 = arith.cmpf oeq, %select_n3A_1053, %eq3A_1118 : vector<16xf32>
      %or3A_1120 = arith.ori %or3A_739, %eq3A_1119 : vector<16xi1>
      %jit3A_1121 = arith.constant -1.000000e+30 : f32
      %broadcast_in_dim3A_1122 = vector.broadcast %jit3A_1121 : f32 to vector<16xf32>
      %select_n3A_1123 = arith.select %eq3A_1119, %broadcast_in_dim3A_1122, %select_n3A_742 : vector<16xi1>, vector<16xf32>
      %eq3A_1124 = arith.constant 1.000000e+01 : f32
      %eq3A_1125 = vector.broadcast %eq3A_1124 : f32 to vector<16xf32>
      %eq3A_1126 = arith.cmpf oeq, %select_n3A_1053, %eq3A_1125 : vector<16xf32>
      %or3A_1127 = arith.ori %or3A_746, %eq3A_1126 : vector<16xi1>
      %jit3A_1128 = arith.constant -1.000000e+30 : f32
      %broadcast_in_dim3A_1129 = vector.broadcast %jit3A_1128 : f32 to vector<16xf32>
      %select_n3A_1130 = arith.select %eq3A_1126, %broadcast_in_dim3A_1129, %select_n3A_749 : vector<16xi1>, vector<16xf32>
      %eq3A_1131 = arith.constant 1.100000e+01 : f32
      %eq3A_1132 = vector.broadcast %eq3A_1131 : f32 to vector<16xf32>
      %eq3A_1133 = arith.cmpf oeq, %select_n3A_1053, %eq3A_1132 : vector<16xf32>
      %or3A_1134 = arith.ori %or3A_753, %eq3A_1133 : vector<16xi1>
      %jit3A_1135 = arith.constant -1.000000e+30 : f32
      %broadcast_in_dim3A_1136 = vector.broadcast %jit3A_1135 : f32 to vector<16xf32>
      %select_n3A_1137 = arith.select %eq3A_1133, %broadcast_in_dim3A_1136, %select_n3A_756 : vector<16xi1>, vector<16xf32>
      %eq3A_1138 = arith.constant 1.200000e+01 : f32
      %eq3A_1139 = vector.broadcast %eq3A_1138 : f32 to vector<16xf32>
      %eq3A_1140 = arith.cmpf oeq, %select_n3A_1053, %eq3A_1139 : vector<16xf32>
      %or3A_1141 = arith.ori %or3A_760, %eq3A_1140 : vector<16xi1>
      %jit3A_1142 = arith.constant -1.000000e+30 : f32
      %broadcast_in_dim3A_1143 = vector.broadcast %jit3A_1142 : f32 to vector<16xf32>
      %select_n3A_1144 = arith.select %eq3A_1140, %broadcast_in_dim3A_1143, %select_n3A_763 : vector<16xi1>, vector<16xf32>
      %eq3A_1145 = arith.constant 1.300000e+01 : f32
      %eq3A_1146 = vector.broadcast %eq3A_1145 : f32 to vector<16xf32>
      %eq3A_1147 = arith.cmpf oeq, %select_n3A_1053, %eq3A_1146 : vector<16xf32>
      %or3A_1148 = arith.ori %or3A_767, %eq3A_1147 : vector<16xi1>
      %jit3A_1149 = arith.constant -1.000000e+30 : f32
      %broadcast_in_dim3A_1150 = vector.broadcast %jit3A_1149 : f32 to vector<16xf32>
      %select_n3A_1151 = arith.select %eq3A_1147, %broadcast_in_dim3A_1150, %select_n3A_770 : vector<16xi1>, vector<16xf32>
      %eq3A_1152 = arith.constant 1.400000e+01 : f32
      %eq3A_1153 = vector.broadcast %eq3A_1152 : f32 to vector<16xf32>
      %eq3A_1154 = arith.cmpf oeq, %select_n3A_1053, %eq3A_1153 : vector<16xf32>
      %or3A_1155 = arith.ori %or3A_774, %eq3A_1154 : vector<16xi1>
      %jit3A_1156 = arith.constant -1.000000e+30 : f32
      %broadcast_in_dim3A_1157 = vector.broadcast %jit3A_1156 : f32 to vector<16xf32>
      %select_n3A_1158 = arith.select %eq3A_1154, %broadcast_in_dim3A_1157, %select_n3A_777 : vector<16xi1>, vector<16xf32>
      %eq3A_1159 = arith.constant 1.500000e+01 : f32
      %eq3A_1160 = vector.broadcast %eq3A_1159 : f32 to vector<16xf32>
      %eq3A_1161 = arith.cmpf oeq, %select_n3A_1053, %eq3A_1160 : vector<16xf32>
      %or3A_1162 = arith.ori %or3A_781, %eq3A_1161 : vector<16xi1>
      %jit3A_1163 = arith.constant -1.000000e+30 : f32
      %broadcast_in_dim3A_1164 = vector.broadcast %jit3A_1163 : f32 to vector<16xf32>
      %select_n3A_1165 = arith.select %eq3A_1161, %broadcast_in_dim3A_1164, %select_n3A_784 : vector<16xi1>, vector<16xf32>
      %eq3A_1166 = arith.constant 1.600000e+01 : f32
      %eq3A_1167 = vector.broadcast %eq3A_1166 : f32 to vector<16xf32>
      %eq3A_1168 = arith.cmpf oeq, %select_n3A_1053, %eq3A_1167 : vector<16xf32>
      %or3A_1169 = arith.ori %or3A_788, %eq3A_1168 : vector<16xi1>
      %jit3A_1170 = arith.constant -1.000000e+30 : f32
      %broadcast_in_dim3A_1171 = vector.broadcast %jit3A_1170 : f32 to vector<16xf32>
      %select_n3A_1172 = arith.select %eq3A_1168, %broadcast_in_dim3A_1171, %select_n3A_791 : vector<16xi1>, vector<16xf32>
      %eq3A_1173 = arith.constant 1.700000e+01 : f32
      %eq3A_1174 = vector.broadcast %eq3A_1173 : f32 to vector<16xf32>
      %eq3A_1175 = arith.cmpf oeq, %select_n3A_1053, %eq3A_1174 : vector<16xf32>
      %or3A_1176 = arith.ori %or3A_795, %eq3A_1175 : vector<16xi1>
      %jit3A_1177 = arith.constant -1.000000e+30 : f32
      %broadcast_in_dim3A_1178 = vector.broadcast %jit3A_1177 : f32 to vector<16xf32>
      %select_n3A_1179 = arith.select %eq3A_1175, %broadcast_in_dim3A_1178, %select_n3A_798 : vector<16xi1>, vector<16xf32>
      %eq3A_1180 = arith.constant 1.800000e+01 : f32
      %eq3A_1181 = vector.broadcast %eq3A_1180 : f32 to vector<16xf32>
      %eq3A_1182 = arith.cmpf oeq, %select_n3A_1053, %eq3A_1181 : vector<16xf32>
      %or3A_1183 = arith.ori %or3A_802, %eq3A_1182 : vector<16xi1>
      %jit3A_1184 = arith.constant -1.000000e+30 : f32
      %broadcast_in_dim3A_1185 = vector.broadcast %jit3A_1184 : f32 to vector<16xf32>
      %select_n3A_1186 = arith.select %eq3A_1182, %broadcast_in_dim3A_1185, %select_n3A_805 : vector<16xi1>, vector<16xf32>
      %eq3A_1187 = arith.constant 1.900000e+01 : f32
      %eq3A_1188 = vector.broadcast %eq3A_1187 : f32 to vector<16xf32>
      %eq3A_1189 = arith.cmpf oeq, %select_n3A_1053, %eq3A_1188 : vector<16xf32>
      %or3A_1190 = arith.ori %or3A_809, %eq3A_1189 : vector<16xi1>
      %jit3A_1191 = arith.constant -1.000000e+30 : f32
      %broadcast_in_dim3A_1192 = vector.broadcast %jit3A_1191 : f32 to vector<16xf32>
      %select_n3A_1193 = arith.select %eq3A_1189, %broadcast_in_dim3A_1192, %select_n3A_812 : vector<16xi1>, vector<16xf32>
      %eq3A_1194 = arith.constant 2.000000e+01 : f32
      %eq3A_1195 = vector.broadcast %eq3A_1194 : f32 to vector<16xf32>
      %eq3A_1196 = arith.cmpf oeq, %select_n3A_1053, %eq3A_1195 : vector<16xf32>
      %or3A_1197 = arith.ori %or3A_816, %eq3A_1196 : vector<16xi1>
      %jit3A_1198 = arith.constant -1.000000e+30 : f32
      %broadcast_in_dim3A_1199 = vector.broadcast %jit3A_1198 : f32 to vector<16xf32>
      %select_n3A_1200 = arith.select %eq3A_1196, %broadcast_in_dim3A_1199, %select_n3A_819 : vector<16xi1>, vector<16xf32>
      %eq3A_1201 = arith.constant 2.100000e+01 : f32
      %eq3A_1202 = vector.broadcast %eq3A_1201 : f32 to vector<16xf32>
      %eq3A_1203 = arith.cmpf oeq, %select_n3A_1053, %eq3A_1202 : vector<16xf32>
      %or3A_1204 = arith.ori %or3A_823, %eq3A_1203 : vector<16xi1>
      %jit3A_1205 = arith.constant -1.000000e+30 : f32
      %broadcast_in_dim3A_1206 = vector.broadcast %jit3A_1205 : f32 to vector<16xf32>
      %select_n3A_1207 = arith.select %eq3A_1203, %broadcast_in_dim3A_1206, %select_n3A_826 : vector<16xi1>, vector<16xf32>
      %eq3A_1208 = arith.constant 2.200000e+01 : f32
      %eq3A_1209 = vector.broadcast %eq3A_1208 : f32 to vector<16xf32>
      %eq3A_1210 = arith.cmpf oeq, %select_n3A_1053, %eq3A_1209 : vector<16xf32>
      %or3A_1211 = arith.ori %or3A_830, %eq3A_1210 : vector<16xi1>
      %jit3A_1212 = arith.constant -1.000000e+30 : f32
      %broadcast_in_dim3A_1213 = vector.broadcast %jit3A_1212 : f32 to vector<16xf32>
      %select_n3A_1214 = arith.select %eq3A_1210, %broadcast_in_dim3A_1213, %select_n3A_833 : vector<16xi1>, vector<16xf32>
      %eq3A_1215 = arith.constant 2.300000e+01 : f32
      %eq3A_1216 = vector.broadcast %eq3A_1215 : f32 to vector<16xf32>
      %eq3A_1217 = arith.cmpf oeq, %select_n3A_1053, %eq3A_1216 : vector<16xf32>
      %or3A_1218 = arith.ori %or3A_837, %eq3A_1217 : vector<16xi1>
      %jit3A_1219 = arith.constant -1.000000e+30 : f32
      %broadcast_in_dim3A_1220 = vector.broadcast %jit3A_1219 : f32 to vector<16xf32>
      %select_n3A_1221 = arith.select %eq3A_1217, %broadcast_in_dim3A_1220, %select_n3A_840 : vector<16xi1>, vector<16xf32>
      %eq3A_1222 = arith.constant 2.400000e+01 : f32
      %eq3A_1223 = vector.broadcast %eq3A_1222 : f32 to vector<16xf32>
      %eq3A_1224 = arith.cmpf oeq, %select_n3A_1053, %eq3A_1223 : vector<16xf32>
      %or3A_1225 = arith.ori %or3A_844, %eq3A_1224 : vector<16xi1>
      %jit3A_1226 = arith.constant -1.000000e+30 : f32
      %broadcast_in_dim3A_1227 = vector.broadcast %jit3A_1226 : f32 to vector<16xf32>
      %select_n3A_1228 = arith.select %eq3A_1224, %broadcast_in_dim3A_1227, %select_n3A_847 : vector<16xi1>, vector<16xf32>
      %eq3A_1229 = arith.constant 2.500000e+01 : f32
      %eq3A_1230 = vector.broadcast %eq3A_1229 : f32 to vector<16xf32>
      %eq3A_1231 = arith.cmpf oeq, %select_n3A_1053, %eq3A_1230 : vector<16xf32>
      %or3A_1232 = arith.ori %or3A_851, %eq3A_1231 : vector<16xi1>
      %jit3A_1233 = arith.constant -1.000000e+30 : f32
      %broadcast_in_dim3A_1234 = vector.broadcast %jit3A_1233 : f32 to vector<16xf32>
      %select_n3A_1235 = arith.select %eq3A_1231, %broadcast_in_dim3A_1234, %select_n3A_854 : vector<16xi1>, vector<16xf32>
      %eq3A_1236 = arith.constant 2.600000e+01 : f32
      %eq3A_1237 = vector.broadcast %eq3A_1236 : f32 to vector<16xf32>
      %eq3A_1238 = arith.cmpf oeq, %select_n3A_1053, %eq3A_1237 : vector<16xf32>
      %or3A_1239 = arith.ori %or3A_858, %eq3A_1238 : vector<16xi1>
      %jit3A_1240 = arith.constant -1.000000e+30 : f32
      %broadcast_in_dim3A_1241 = vector.broadcast %jit3A_1240 : f32 to vector<16xf32>
      %select_n3A_1242 = arith.select %eq3A_1238, %broadcast_in_dim3A_1241, %select_n3A_861 : vector<16xi1>, vector<16xf32>
      %eq3A_1243 = arith.constant 2.700000e+01 : f32
      %eq3A_1244 = vector.broadcast %eq3A_1243 : f32 to vector<16xf32>
      %eq3A_1245 = arith.cmpf oeq, %select_n3A_1053, %eq3A_1244 : vector<16xf32>
      %or3A_1246 = arith.ori %or3A_865, %eq3A_1245 : vector<16xi1>
      %jit3A_1247 = arith.constant -1.000000e+30 : f32
      %broadcast_in_dim3A_1248 = vector.broadcast %jit3A_1247 : f32 to vector<16xf32>
      %select_n3A_1249 = arith.select %eq3A_1245, %broadcast_in_dim3A_1248, %select_n3A_868 : vector<16xi1>, vector<16xf32>
      %eq3A_1250 = arith.constant 2.800000e+01 : f32
      %eq3A_1251 = vector.broadcast %eq3A_1250 : f32 to vector<16xf32>
      %eq3A_1252 = arith.cmpf oeq, %select_n3A_1053, %eq3A_1251 : vector<16xf32>
      %or3A_1253 = arith.ori %or3A_872, %eq3A_1252 : vector<16xi1>
      %jit3A_1254 = arith.constant -1.000000e+30 : f32
      %broadcast_in_dim3A_1255 = vector.broadcast %jit3A_1254 : f32 to vector<16xf32>
      %select_n3A_1256 = arith.select %eq3A_1252, %broadcast_in_dim3A_1255, %select_n3A_875 : vector<16xi1>, vector<16xf32>
      %eq3A_1257 = arith.constant 2.900000e+01 : f32
      %eq3A_1258 = vector.broadcast %eq3A_1257 : f32 to vector<16xf32>
      %eq3A_1259 = arith.cmpf oeq, %select_n3A_1053, %eq3A_1258 : vector<16xf32>
      %or3A_1260 = arith.ori %or3A_879, %eq3A_1259 : vector<16xi1>
      %jit3A_1261 = arith.constant -1.000000e+30 : f32
      %broadcast_in_dim3A_1262 = vector.broadcast %jit3A_1261 : f32 to vector<16xf32>
      %select_n3A_1263 = arith.select %eq3A_1259, %broadcast_in_dim3A_1262, %select_n3A_882 : vector<16xi1>, vector<16xf32>
      %eq3A_1264 = arith.constant 3.000000e+01 : f32
      %eq3A_1265 = vector.broadcast %eq3A_1264 : f32 to vector<16xf32>
      %eq3A_1266 = arith.cmpf oeq, %select_n3A_1053, %eq3A_1265 : vector<16xf32>
      %or3A_1267 = arith.ori %or3A_886, %eq3A_1266 : vector<16xi1>
      %jit3A_1268 = arith.constant -1.000000e+30 : f32
      %broadcast_in_dim3A_1269 = vector.broadcast %jit3A_1268 : f32 to vector<16xf32>
      %select_n3A_1270 = arith.select %eq3A_1266, %broadcast_in_dim3A_1269, %select_n3A_889 : vector<16xi1>, vector<16xf32>
      %eq3A_1271 = arith.constant 3.100000e+01 : f32
      %eq3A_1272 = vector.broadcast %eq3A_1271 : f32 to vector<16xf32>
      %eq3A_1273 = arith.cmpf oeq, %select_n3A_1053, %eq3A_1272 : vector<16xf32>
      %or3A_1274 = arith.ori %or3A_893, %eq3A_1273 : vector<16xi1>
      %jit3A_1275 = arith.constant -1.000000e+30 : f32
      %broadcast_in_dim3A_1276 = vector.broadcast %jit3A_1275 : f32 to vector<16xf32>
      %select_n3A_1277 = arith.select %eq3A_1273, %broadcast_in_dim3A_1276, %select_n3A_896 : vector<16xi1>, vector<16xf32>
      %broadcast_in_dim3A_1278 = arith.constant 0.000000e+00 : f32
      %broadcast_in_dim3A_1279 = vector.broadcast %broadcast_in_dim3A_1278 : f32 to vector<16xf32>
      %gt3A_1280 = arith.cmpf ogt, %select_n3A_1067, %select_n3A_1060 : vector<16xf32>
      %select_n3A_1281 = arith.select %gt3A_1280, %select_n3A_1067, %select_n3A_1060 : vector<16xi1>, vector<16xf32>
      %jit3A_1282 = arith.constant 1.000000e+00 : f32
      %broadcast_in_dim3A_1283 = vector.broadcast %jit3A_1282 : f32 to vector<16xf32>
      %select_n3A_1284 = arith.select %gt3A_1280, %broadcast_in_dim3A_1283, %broadcast_in_dim3A_1279 : vector<16xi1>, vector<16xf32>
      %gt3A_1285 = arith.cmpf ogt, %select_n3A_1074, %select_n3A_1281 : vector<16xf32>
      %select_n3A_1286 = arith.select %gt3A_1285, %select_n3A_1074, %select_n3A_1281 : vector<16xi1>, vector<16xf32>
      %jit3A_1287 = arith.constant 2.000000e+00 : f32
      %broadcast_in_dim3A_1288 = vector.broadcast %jit3A_1287 : f32 to vector<16xf32>
      %select_n3A_1289 = arith.select %gt3A_1285, %broadcast_in_dim3A_1288, %select_n3A_1284 : vector<16xi1>, vector<16xf32>
      %gt3A_1290 = arith.cmpf ogt, %select_n3A_1081, %select_n3A_1286 : vector<16xf32>
      %select_n3A_1291 = arith.select %gt3A_1290, %select_n3A_1081, %select_n3A_1286 : vector<16xi1>, vector<16xf32>
      %jit3A_1292 = arith.constant 3.000000e+00 : f32
      %broadcast_in_dim3A_1293 = vector.broadcast %jit3A_1292 : f32 to vector<16xf32>
      %select_n3A_1294 = arith.select %gt3A_1290, %broadcast_in_dim3A_1293, %select_n3A_1289 : vector<16xi1>, vector<16xf32>
      %gt3A_1295 = arith.cmpf ogt, %select_n3A_1088, %select_n3A_1291 : vector<16xf32>
      %select_n3A_1296 = arith.select %gt3A_1295, %select_n3A_1088, %select_n3A_1291 : vector<16xi1>, vector<16xf32>
      %jit3A_1297 = arith.constant 4.000000e+00 : f32
      %broadcast_in_dim3A_1298 = vector.broadcast %jit3A_1297 : f32 to vector<16xf32>
      %select_n3A_1299 = arith.select %gt3A_1295, %broadcast_in_dim3A_1298, %select_n3A_1294 : vector<16xi1>, vector<16xf32>
      %gt3A_1300 = arith.cmpf ogt, %select_n3A_1095, %select_n3A_1296 : vector<16xf32>
      %select_n3A_1301 = arith.select %gt3A_1300, %select_n3A_1095, %select_n3A_1296 : vector<16xi1>, vector<16xf32>
      %jit3A_1302 = arith.constant 5.000000e+00 : f32
      %broadcast_in_dim3A_1303 = vector.broadcast %jit3A_1302 : f32 to vector<16xf32>
      %select_n3A_1304 = arith.select %gt3A_1300, %broadcast_in_dim3A_1303, %select_n3A_1299 : vector<16xi1>, vector<16xf32>
      %gt3A_1305 = arith.cmpf ogt, %select_n3A_1102, %select_n3A_1301 : vector<16xf32>
      %select_n3A_1306 = arith.select %gt3A_1305, %select_n3A_1102, %select_n3A_1301 : vector<16xi1>, vector<16xf32>
      %jit3A_1307 = arith.constant 6.000000e+00 : f32
      %broadcast_in_dim3A_1308 = vector.broadcast %jit3A_1307 : f32 to vector<16xf32>
      %select_n3A_1309 = arith.select %gt3A_1305, %broadcast_in_dim3A_1308, %select_n3A_1304 : vector<16xi1>, vector<16xf32>
      %gt3A_1310 = arith.cmpf ogt, %select_n3A_1109, %select_n3A_1306 : vector<16xf32>
      %select_n3A_1311 = arith.select %gt3A_1310, %select_n3A_1109, %select_n3A_1306 : vector<16xi1>, vector<16xf32>
      %jit3A_1312 = arith.constant 7.000000e+00 : f32
      %broadcast_in_dim3A_1313 = vector.broadcast %jit3A_1312 : f32 to vector<16xf32>
      %select_n3A_1314 = arith.select %gt3A_1310, %broadcast_in_dim3A_1313, %select_n3A_1309 : vector<16xi1>, vector<16xf32>
      %gt3A_1315 = arith.cmpf ogt, %select_n3A_1116, %select_n3A_1311 : vector<16xf32>
      %select_n3A_1316 = arith.select %gt3A_1315, %select_n3A_1116, %select_n3A_1311 : vector<16xi1>, vector<16xf32>
      %jit3A_1317 = arith.constant 8.000000e+00 : f32
      %broadcast_in_dim3A_1318 = vector.broadcast %jit3A_1317 : f32 to vector<16xf32>
      %select_n3A_1319 = arith.select %gt3A_1315, %broadcast_in_dim3A_1318, %select_n3A_1314 : vector<16xi1>, vector<16xf32>
      %gt3A_1320 = arith.cmpf ogt, %select_n3A_1123, %select_n3A_1316 : vector<16xf32>
      %select_n3A_1321 = arith.select %gt3A_1320, %select_n3A_1123, %select_n3A_1316 : vector<16xi1>, vector<16xf32>
      %jit3A_1322 = arith.constant 9.000000e+00 : f32
      %broadcast_in_dim3A_1323 = vector.broadcast %jit3A_1322 : f32 to vector<16xf32>
      %select_n3A_1324 = arith.select %gt3A_1320, %broadcast_in_dim3A_1323, %select_n3A_1319 : vector<16xi1>, vector<16xf32>
      %gt3A_1325 = arith.cmpf ogt, %select_n3A_1130, %select_n3A_1321 : vector<16xf32>
      %select_n3A_1326 = arith.select %gt3A_1325, %select_n3A_1130, %select_n3A_1321 : vector<16xi1>, vector<16xf32>
      %jit3A_1327 = arith.constant 1.000000e+01 : f32
      %broadcast_in_dim3A_1328 = vector.broadcast %jit3A_1327 : f32 to vector<16xf32>
      %select_n3A_1329 = arith.select %gt3A_1325, %broadcast_in_dim3A_1328, %select_n3A_1324 : vector<16xi1>, vector<16xf32>
      %gt3A_1330 = arith.cmpf ogt, %select_n3A_1137, %select_n3A_1326 : vector<16xf32>
      %select_n3A_1331 = arith.select %gt3A_1330, %select_n3A_1137, %select_n3A_1326 : vector<16xi1>, vector<16xf32>
      %jit3A_1332 = arith.constant 1.100000e+01 : f32
      %broadcast_in_dim3A_1333 = vector.broadcast %jit3A_1332 : f32 to vector<16xf32>
      %select_n3A_1334 = arith.select %gt3A_1330, %broadcast_in_dim3A_1333, %select_n3A_1329 : vector<16xi1>, vector<16xf32>
      %gt3A_1335 = arith.cmpf ogt, %select_n3A_1144, %select_n3A_1331 : vector<16xf32>
      %select_n3A_1336 = arith.select %gt3A_1335, %select_n3A_1144, %select_n3A_1331 : vector<16xi1>, vector<16xf32>
      %jit3A_1337 = arith.constant 1.200000e+01 : f32
      %broadcast_in_dim3A_1338 = vector.broadcast %jit3A_1337 : f32 to vector<16xf32>
      %select_n3A_1339 = arith.select %gt3A_1335, %broadcast_in_dim3A_1338, %select_n3A_1334 : vector<16xi1>, vector<16xf32>
      %gt3A_1340 = arith.cmpf ogt, %select_n3A_1151, %select_n3A_1336 : vector<16xf32>
      %select_n3A_1341 = arith.select %gt3A_1340, %select_n3A_1151, %select_n3A_1336 : vector<16xi1>, vector<16xf32>
      %jit3A_1342 = arith.constant 1.300000e+01 : f32
      %broadcast_in_dim3A_1343 = vector.broadcast %jit3A_1342 : f32 to vector<16xf32>
      %select_n3A_1344 = arith.select %gt3A_1340, %broadcast_in_dim3A_1343, %select_n3A_1339 : vector<16xi1>, vector<16xf32>
      %gt3A_1345 = arith.cmpf ogt, %select_n3A_1158, %select_n3A_1341 : vector<16xf32>
      %select_n3A_1346 = arith.select %gt3A_1345, %select_n3A_1158, %select_n3A_1341 : vector<16xi1>, vector<16xf32>
      %jit3A_1347 = arith.constant 1.400000e+01 : f32
      %broadcast_in_dim3A_1348 = vector.broadcast %jit3A_1347 : f32 to vector<16xf32>
      %select_n3A_1349 = arith.select %gt3A_1345, %broadcast_in_dim3A_1348, %select_n3A_1344 : vector<16xi1>, vector<16xf32>
      %gt3A_1350 = arith.cmpf ogt, %select_n3A_1165, %select_n3A_1346 : vector<16xf32>
      %select_n3A_1351 = arith.select %gt3A_1350, %select_n3A_1165, %select_n3A_1346 : vector<16xi1>, vector<16xf32>
      %jit3A_1352 = arith.constant 1.500000e+01 : f32
      %broadcast_in_dim3A_1353 = vector.broadcast %jit3A_1352 : f32 to vector<16xf32>
      %select_n3A_1354 = arith.select %gt3A_1350, %broadcast_in_dim3A_1353, %select_n3A_1349 : vector<16xi1>, vector<16xf32>
      %gt3A_1355 = arith.cmpf ogt, %select_n3A_1172, %select_n3A_1351 : vector<16xf32>
      %select_n3A_1356 = arith.select %gt3A_1355, %select_n3A_1172, %select_n3A_1351 : vector<16xi1>, vector<16xf32>
      %jit3A_1357 = arith.constant 1.600000e+01 : f32
      %broadcast_in_dim3A_1358 = vector.broadcast %jit3A_1357 : f32 to vector<16xf32>
      %select_n3A_1359 = arith.select %gt3A_1355, %broadcast_in_dim3A_1358, %select_n3A_1354 : vector<16xi1>, vector<16xf32>
      %gt3A_1360 = arith.cmpf ogt, %select_n3A_1179, %select_n3A_1356 : vector<16xf32>
      %select_n3A_1361 = arith.select %gt3A_1360, %select_n3A_1179, %select_n3A_1356 : vector<16xi1>, vector<16xf32>
      %jit3A_1362 = arith.constant 1.700000e+01 : f32
      %broadcast_in_dim3A_1363 = vector.broadcast %jit3A_1362 : f32 to vector<16xf32>
      %select_n3A_1364 = arith.select %gt3A_1360, %broadcast_in_dim3A_1363, %select_n3A_1359 : vector<16xi1>, vector<16xf32>
      %gt3A_1365 = arith.cmpf ogt, %select_n3A_1186, %select_n3A_1361 : vector<16xf32>
      %select_n3A_1366 = arith.select %gt3A_1365, %select_n3A_1186, %select_n3A_1361 : vector<16xi1>, vector<16xf32>
      %jit3A_1367 = arith.constant 1.800000e+01 : f32
      %broadcast_in_dim3A_1368 = vector.broadcast %jit3A_1367 : f32 to vector<16xf32>
      %select_n3A_1369 = arith.select %gt3A_1365, %broadcast_in_dim3A_1368, %select_n3A_1364 : vector<16xi1>, vector<16xf32>
      %gt3A_1370 = arith.cmpf ogt, %select_n3A_1193, %select_n3A_1366 : vector<16xf32>
      %select_n3A_1371 = arith.select %gt3A_1370, %select_n3A_1193, %select_n3A_1366 : vector<16xi1>, vector<16xf32>
      %jit3A_1372 = arith.constant 1.900000e+01 : f32
      %broadcast_in_dim3A_1373 = vector.broadcast %jit3A_1372 : f32 to vector<16xf32>
      %select_n3A_1374 = arith.select %gt3A_1370, %broadcast_in_dim3A_1373, %select_n3A_1369 : vector<16xi1>, vector<16xf32>
      %gt3A_1375 = arith.cmpf ogt, %select_n3A_1200, %select_n3A_1371 : vector<16xf32>
      %select_n3A_1376 = arith.select %gt3A_1375, %select_n3A_1200, %select_n3A_1371 : vector<16xi1>, vector<16xf32>
      %jit3A_1377 = arith.constant 2.000000e+01 : f32
      %broadcast_in_dim3A_1378 = vector.broadcast %jit3A_1377 : f32 to vector<16xf32>
      %select_n3A_1379 = arith.select %gt3A_1375, %broadcast_in_dim3A_1378, %select_n3A_1374 : vector<16xi1>, vector<16xf32>
      %gt3A_1380 = arith.cmpf ogt, %select_n3A_1207, %select_n3A_1376 : vector<16xf32>
      %select_n3A_1381 = arith.select %gt3A_1380, %select_n3A_1207, %select_n3A_1376 : vector<16xi1>, vector<16xf32>
      %jit3A_1382 = arith.constant 2.100000e+01 : f32
      %broadcast_in_dim3A_1383 = vector.broadcast %jit3A_1382 : f32 to vector<16xf32>
      %select_n3A_1384 = arith.select %gt3A_1380, %broadcast_in_dim3A_1383, %select_n3A_1379 : vector<16xi1>, vector<16xf32>
      %gt3A_1385 = arith.cmpf ogt, %select_n3A_1214, %select_n3A_1381 : vector<16xf32>
      %select_n3A_1386 = arith.select %gt3A_1385, %select_n3A_1214, %select_n3A_1381 : vector<16xi1>, vector<16xf32>
      %jit3A_1387 = arith.constant 2.200000e+01 : f32
      %broadcast_in_dim3A_1388 = vector.broadcast %jit3A_1387 : f32 to vector<16xf32>
      %select_n3A_1389 = arith.select %gt3A_1385, %broadcast_in_dim3A_1388, %select_n3A_1384 : vector<16xi1>, vector<16xf32>
      %gt3A_1390 = arith.cmpf ogt, %select_n3A_1221, %select_n3A_1386 : vector<16xf32>
      %select_n3A_1391 = arith.select %gt3A_1390, %select_n3A_1221, %select_n3A_1386 : vector<16xi1>, vector<16xf32>
      %jit3A_1392 = arith.constant 2.300000e+01 : f32
      %broadcast_in_dim3A_1393 = vector.broadcast %jit3A_1392 : f32 to vector<16xf32>
      %select_n3A_1394 = arith.select %gt3A_1390, %broadcast_in_dim3A_1393, %select_n3A_1389 : vector<16xi1>, vector<16xf32>
      %gt3A_1395 = arith.cmpf ogt, %select_n3A_1228, %select_n3A_1391 : vector<16xf32>
      %select_n3A_1396 = arith.select %gt3A_1395, %select_n3A_1228, %select_n3A_1391 : vector<16xi1>, vector<16xf32>
      %jit3A_1397 = arith.constant 2.400000e+01 : f32
      %broadcast_in_dim3A_1398 = vector.broadcast %jit3A_1397 : f32 to vector<16xf32>
      %select_n3A_1399 = arith.select %gt3A_1395, %broadcast_in_dim3A_1398, %select_n3A_1394 : vector<16xi1>, vector<16xf32>
      %gt3A_1400 = arith.cmpf ogt, %select_n3A_1235, %select_n3A_1396 : vector<16xf32>
      %select_n3A_1401 = arith.select %gt3A_1400, %select_n3A_1235, %select_n3A_1396 : vector<16xi1>, vector<16xf32>
      %jit3A_1402 = arith.constant 2.500000e+01 : f32
      %broadcast_in_dim3A_1403 = vector.broadcast %jit3A_1402 : f32 to vector<16xf32>
      %select_n3A_1404 = arith.select %gt3A_1400, %broadcast_in_dim3A_1403, %select_n3A_1399 : vector<16xi1>, vector<16xf32>
      %gt3A_1405 = arith.cmpf ogt, %select_n3A_1242, %select_n3A_1401 : vector<16xf32>
      %select_n3A_1406 = arith.select %gt3A_1405, %select_n3A_1242, %select_n3A_1401 : vector<16xi1>, vector<16xf32>
      %jit3A_1407 = arith.constant 2.600000e+01 : f32
      %broadcast_in_dim3A_1408 = vector.broadcast %jit3A_1407 : f32 to vector<16xf32>
      %select_n3A_1409 = arith.select %gt3A_1405, %broadcast_in_dim3A_1408, %select_n3A_1404 : vector<16xi1>, vector<16xf32>
      %gt3A_1410 = arith.cmpf ogt, %select_n3A_1249, %select_n3A_1406 : vector<16xf32>
      %select_n3A_1411 = arith.select %gt3A_1410, %select_n3A_1249, %select_n3A_1406 : vector<16xi1>, vector<16xf32>
      %jit3A_1412 = arith.constant 2.700000e+01 : f32
      %broadcast_in_dim3A_1413 = vector.broadcast %jit3A_1412 : f32 to vector<16xf32>
      %select_n3A_1414 = arith.select %gt3A_1410, %broadcast_in_dim3A_1413, %select_n3A_1409 : vector<16xi1>, vector<16xf32>
      %gt3A_1415 = arith.cmpf ogt, %select_n3A_1256, %select_n3A_1411 : vector<16xf32>
      %select_n3A_1416 = arith.select %gt3A_1415, %select_n3A_1256, %select_n3A_1411 : vector<16xi1>, vector<16xf32>
      %jit3A_1417 = arith.constant 2.800000e+01 : f32
      %broadcast_in_dim3A_1418 = vector.broadcast %jit3A_1417 : f32 to vector<16xf32>
      %select_n3A_1419 = arith.select %gt3A_1415, %broadcast_in_dim3A_1418, %select_n3A_1414 : vector<16xi1>, vector<16xf32>
      %gt3A_1420 = arith.cmpf ogt, %select_n3A_1263, %select_n3A_1416 : vector<16xf32>
      %select_n3A_1421 = arith.select %gt3A_1420, %select_n3A_1263, %select_n3A_1416 : vector<16xi1>, vector<16xf32>
      %jit3A_1422 = arith.constant 2.900000e+01 : f32
      %broadcast_in_dim3A_1423 = vector.broadcast %jit3A_1422 : f32 to vector<16xf32>
      %select_n3A_1424 = arith.select %gt3A_1420, %broadcast_in_dim3A_1423, %select_n3A_1419 : vector<16xi1>, vector<16xf32>
      %gt3A_1425 = arith.cmpf ogt, %select_n3A_1270, %select_n3A_1421 : vector<16xf32>
      %select_n3A_1426 = arith.select %gt3A_1425, %select_n3A_1270, %select_n3A_1421 : vector<16xi1>, vector<16xf32>
      %jit3A_1427 = arith.constant 3.000000e+01 : f32
      %broadcast_in_dim3A_1428 = vector.broadcast %jit3A_1427 : f32 to vector<16xf32>
      %select_n3A_1429 = arith.select %gt3A_1425, %broadcast_in_dim3A_1428, %select_n3A_1424 : vector<16xi1>, vector<16xf32>
      %gt3A_1430 = arith.cmpf ogt, %select_n3A_1277, %select_n3A_1426 : vector<16xf32>
      %select_n3A_1431 = arith.select %gt3A_1430, %select_n3A_1277, %select_n3A_1426 : vector<16xi1>, vector<16xf32>
      %jit3A_1432 = arith.constant 3.100000e+01 : f32
      %broadcast_in_dim3A_1433 = vector.broadcast %jit3A_1432 : f32 to vector<16xf32>
      %select_n3A_1434 = arith.select %gt3A_1430, %broadcast_in_dim3A_1433, %select_n3A_1429 : vector<16xi1>, vector<16xf32>
      %eq3A_1435 = arith.constant 0.000000e+00 : f32
      %eq3A_1436 = vector.broadcast %eq3A_1435 : f32 to vector<16xf32>
      %eq3A_1437 = arith.cmpf oeq, %select_n3A_1434, %eq3A_1436 : vector<16xf32>
      %or3A_1438 = arith.ori %or3A_1057, %eq3A_1437 : vector<16xi1>
      %jit3A_1439 = arith.constant -1.000000e+30 : f32
      %broadcast_in_dim3A_1440 = vector.broadcast %jit3A_1439 : f32 to vector<16xf32>
      %select_n3A_1441 = arith.select %eq3A_1437, %broadcast_in_dim3A_1440, %select_n3A_1060 : vector<16xi1>, vector<16xf32>
      %eq3A_1442 = arith.constant 1.000000e+00 : f32
      %eq3A_1443 = vector.broadcast %eq3A_1442 : f32 to vector<16xf32>
      %eq3A_1444 = arith.cmpf oeq, %select_n3A_1434, %eq3A_1443 : vector<16xf32>
      %or3A_1445 = arith.ori %or3A_1064, %eq3A_1444 : vector<16xi1>
      %jit3A_1446 = arith.constant -1.000000e+30 : f32
      %broadcast_in_dim3A_1447 = vector.broadcast %jit3A_1446 : f32 to vector<16xf32>
      %select_n3A_1448 = arith.select %eq3A_1444, %broadcast_in_dim3A_1447, %select_n3A_1067 : vector<16xi1>, vector<16xf32>
      %eq3A_1449 = arith.constant 2.000000e+00 : f32
      %eq3A_1450 = vector.broadcast %eq3A_1449 : f32 to vector<16xf32>
      %eq3A_1451 = arith.cmpf oeq, %select_n3A_1434, %eq3A_1450 : vector<16xf32>
      %or3A_1452 = arith.ori %or3A_1071, %eq3A_1451 : vector<16xi1>
      %jit3A_1453 = arith.constant -1.000000e+30 : f32
      %broadcast_in_dim3A_1454 = vector.broadcast %jit3A_1453 : f32 to vector<16xf32>
      %select_n3A_1455 = arith.select %eq3A_1451, %broadcast_in_dim3A_1454, %select_n3A_1074 : vector<16xi1>, vector<16xf32>
      %eq3A_1456 = arith.constant 3.000000e+00 : f32
      %eq3A_1457 = vector.broadcast %eq3A_1456 : f32 to vector<16xf32>
      %eq3A_1458 = arith.cmpf oeq, %select_n3A_1434, %eq3A_1457 : vector<16xf32>
      %or3A_1459 = arith.ori %or3A_1078, %eq3A_1458 : vector<16xi1>
      %jit3A_1460 = arith.constant -1.000000e+30 : f32
      %broadcast_in_dim3A_1461 = vector.broadcast %jit3A_1460 : f32 to vector<16xf32>
      %select_n3A_1462 = arith.select %eq3A_1458, %broadcast_in_dim3A_1461, %select_n3A_1081 : vector<16xi1>, vector<16xf32>
      %eq3A_1463 = arith.constant 4.000000e+00 : f32
      %eq3A_1464 = vector.broadcast %eq3A_1463 : f32 to vector<16xf32>
      %eq3A_1465 = arith.cmpf oeq, %select_n3A_1434, %eq3A_1464 : vector<16xf32>
      %or3A_1466 = arith.ori %or3A_1085, %eq3A_1465 : vector<16xi1>
      %jit3A_1467 = arith.constant -1.000000e+30 : f32
      %broadcast_in_dim3A_1468 = vector.broadcast %jit3A_1467 : f32 to vector<16xf32>
      %select_n3A_1469 = arith.select %eq3A_1465, %broadcast_in_dim3A_1468, %select_n3A_1088 : vector<16xi1>, vector<16xf32>
      %eq3A_1470 = arith.constant 5.000000e+00 : f32
      %eq3A_1471 = vector.broadcast %eq3A_1470 : f32 to vector<16xf32>
      %eq3A_1472 = arith.cmpf oeq, %select_n3A_1434, %eq3A_1471 : vector<16xf32>
      %or3A_1473 = arith.ori %or3A_1092, %eq3A_1472 : vector<16xi1>
      %jit3A_1474 = arith.constant -1.000000e+30 : f32
      %broadcast_in_dim3A_1475 = vector.broadcast %jit3A_1474 : f32 to vector<16xf32>
      %select_n3A_1476 = arith.select %eq3A_1472, %broadcast_in_dim3A_1475, %select_n3A_1095 : vector<16xi1>, vector<16xf32>
      %eq3A_1477 = arith.constant 6.000000e+00 : f32
      %eq3A_1478 = vector.broadcast %eq3A_1477 : f32 to vector<16xf32>
      %eq3A_1479 = arith.cmpf oeq, %select_n3A_1434, %eq3A_1478 : vector<16xf32>
      %or3A_1480 = arith.ori %or3A_1099, %eq3A_1479 : vector<16xi1>
      %jit3A_1481 = arith.constant -1.000000e+30 : f32
      %broadcast_in_dim3A_1482 = vector.broadcast %jit3A_1481 : f32 to vector<16xf32>
      %select_n3A_1483 = arith.select %eq3A_1479, %broadcast_in_dim3A_1482, %select_n3A_1102 : vector<16xi1>, vector<16xf32>
      %eq3A_1484 = arith.constant 7.000000e+00 : f32
      %eq3A_1485 = vector.broadcast %eq3A_1484 : f32 to vector<16xf32>
      %eq3A_1486 = arith.cmpf oeq, %select_n3A_1434, %eq3A_1485 : vector<16xf32>
      %or3A_1487 = arith.ori %or3A_1106, %eq3A_1486 : vector<16xi1>
      %jit3A_1488 = arith.constant -1.000000e+30 : f32
      %broadcast_in_dim3A_1489 = vector.broadcast %jit3A_1488 : f32 to vector<16xf32>
      %select_n3A_1490 = arith.select %eq3A_1486, %broadcast_in_dim3A_1489, %select_n3A_1109 : vector<16xi1>, vector<16xf32>
      %eq3A_1491 = arith.constant 8.000000e+00 : f32
      %eq3A_1492 = vector.broadcast %eq3A_1491 : f32 to vector<16xf32>
      %eq3A_1493 = arith.cmpf oeq, %select_n3A_1434, %eq3A_1492 : vector<16xf32>
      %or3A_1494 = arith.ori %or3A_1113, %eq3A_1493 : vector<16xi1>
      %jit3A_1495 = arith.constant -1.000000e+30 : f32
      %broadcast_in_dim3A_1496 = vector.broadcast %jit3A_1495 : f32 to vector<16xf32>
      %select_n3A_1497 = arith.select %eq3A_1493, %broadcast_in_dim3A_1496, %select_n3A_1116 : vector<16xi1>, vector<16xf32>
      %eq3A_1498 = arith.constant 9.000000e+00 : f32
      %eq3A_1499 = vector.broadcast %eq3A_1498 : f32 to vector<16xf32>
      %eq3A_1500 = arith.cmpf oeq, %select_n3A_1434, %eq3A_1499 : vector<16xf32>
      %or3A_1501 = arith.ori %or3A_1120, %eq3A_1500 : vector<16xi1>
      %jit3A_1502 = arith.constant -1.000000e+30 : f32
      %broadcast_in_dim3A_1503 = vector.broadcast %jit3A_1502 : f32 to vector<16xf32>
      %select_n3A_1504 = arith.select %eq3A_1500, %broadcast_in_dim3A_1503, %select_n3A_1123 : vector<16xi1>, vector<16xf32>
      %eq3A_1505 = arith.constant 1.000000e+01 : f32
      %eq3A_1506 = vector.broadcast %eq3A_1505 : f32 to vector<16xf32>
      %eq3A_1507 = arith.cmpf oeq, %select_n3A_1434, %eq3A_1506 : vector<16xf32>
      %or3A_1508 = arith.ori %or3A_1127, %eq3A_1507 : vector<16xi1>
      %jit3A_1509 = arith.constant -1.000000e+30 : f32
      %broadcast_in_dim3A_1510 = vector.broadcast %jit3A_1509 : f32 to vector<16xf32>
      %select_n3A_1511 = arith.select %eq3A_1507, %broadcast_in_dim3A_1510, %select_n3A_1130 : vector<16xi1>, vector<16xf32>
      %eq3A_1512 = arith.constant 1.100000e+01 : f32
      %eq3A_1513 = vector.broadcast %eq3A_1512 : f32 to vector<16xf32>
      %eq3A_1514 = arith.cmpf oeq, %select_n3A_1434, %eq3A_1513 : vector<16xf32>
      %or3A_1515 = arith.ori %or3A_1134, %eq3A_1514 : vector<16xi1>
      %jit3A_1516 = arith.constant -1.000000e+30 : f32
      %broadcast_in_dim3A_1517 = vector.broadcast %jit3A_1516 : f32 to vector<16xf32>
      %select_n3A_1518 = arith.select %eq3A_1514, %broadcast_in_dim3A_1517, %select_n3A_1137 : vector<16xi1>, vector<16xf32>
      %eq3A_1519 = arith.constant 1.200000e+01 : f32
      %eq3A_1520 = vector.broadcast %eq3A_1519 : f32 to vector<16xf32>
      %eq3A_1521 = arith.cmpf oeq, %select_n3A_1434, %eq3A_1520 : vector<16xf32>
      %or3A_1522 = arith.ori %or3A_1141, %eq3A_1521 : vector<16xi1>
      %jit3A_1523 = arith.constant -1.000000e+30 : f32
      %broadcast_in_dim3A_1524 = vector.broadcast %jit3A_1523 : f32 to vector<16xf32>
      %select_n3A_1525 = arith.select %eq3A_1521, %broadcast_in_dim3A_1524, %select_n3A_1144 : vector<16xi1>, vector<16xf32>
      %eq3A_1526 = arith.constant 1.300000e+01 : f32
      %eq3A_1527 = vector.broadcast %eq3A_1526 : f32 to vector<16xf32>
      %eq3A_1528 = arith.cmpf oeq, %select_n3A_1434, %eq3A_1527 : vector<16xf32>
      %or3A_1529 = arith.ori %or3A_1148, %eq3A_1528 : vector<16xi1>
      %jit3A_1530 = arith.constant -1.000000e+30 : f32
      %broadcast_in_dim3A_1531 = vector.broadcast %jit3A_1530 : f32 to vector<16xf32>
      %select_n3A_1532 = arith.select %eq3A_1528, %broadcast_in_dim3A_1531, %select_n3A_1151 : vector<16xi1>, vector<16xf32>
      %eq3A_1533 = arith.constant 1.400000e+01 : f32
      %eq3A_1534 = vector.broadcast %eq3A_1533 : f32 to vector<16xf32>
      %eq3A_1535 = arith.cmpf oeq, %select_n3A_1434, %eq3A_1534 : vector<16xf32>
      %or3A_1536 = arith.ori %or3A_1155, %eq3A_1535 : vector<16xi1>
      %jit3A_1537 = arith.constant -1.000000e+30 : f32
      %broadcast_in_dim3A_1538 = vector.broadcast %jit3A_1537 : f32 to vector<16xf32>
      %select_n3A_1539 = arith.select %eq3A_1535, %broadcast_in_dim3A_1538, %select_n3A_1158 : vector<16xi1>, vector<16xf32>
      %eq3A_1540 = arith.constant 1.500000e+01 : f32
      %eq3A_1541 = vector.broadcast %eq3A_1540 : f32 to vector<16xf32>
      %eq3A_1542 = arith.cmpf oeq, %select_n3A_1434, %eq3A_1541 : vector<16xf32>
      %or3A_1543 = arith.ori %or3A_1162, %eq3A_1542 : vector<16xi1>
      %jit3A_1544 = arith.constant -1.000000e+30 : f32
      %broadcast_in_dim3A_1545 = vector.broadcast %jit3A_1544 : f32 to vector<16xf32>
      %select_n3A_1546 = arith.select %eq3A_1542, %broadcast_in_dim3A_1545, %select_n3A_1165 : vector<16xi1>, vector<16xf32>
      %eq3A_1547 = arith.constant 1.600000e+01 : f32
      %eq3A_1548 = vector.broadcast %eq3A_1547 : f32 to vector<16xf32>
      %eq3A_1549 = arith.cmpf oeq, %select_n3A_1434, %eq3A_1548 : vector<16xf32>
      %or3A_1550 = arith.ori %or3A_1169, %eq3A_1549 : vector<16xi1>
      %jit3A_1551 = arith.constant -1.000000e+30 : f32
      %broadcast_in_dim3A_1552 = vector.broadcast %jit3A_1551 : f32 to vector<16xf32>
      %select_n3A_1553 = arith.select %eq3A_1549, %broadcast_in_dim3A_1552, %select_n3A_1172 : vector<16xi1>, vector<16xf32>
      %eq3A_1554 = arith.constant 1.700000e+01 : f32
      %eq3A_1555 = vector.broadcast %eq3A_1554 : f32 to vector<16xf32>
      %eq3A_1556 = arith.cmpf oeq, %select_n3A_1434, %eq3A_1555 : vector<16xf32>
      %or3A_1557 = arith.ori %or3A_1176, %eq3A_1556 : vector<16xi1>
      %jit3A_1558 = arith.constant -1.000000e+30 : f32
      %broadcast_in_dim3A_1559 = vector.broadcast %jit3A_1558 : f32 to vector<16xf32>
      %select_n3A_1560 = arith.select %eq3A_1556, %broadcast_in_dim3A_1559, %select_n3A_1179 : vector<16xi1>, vector<16xf32>
      %eq3A_1561 = arith.constant 1.800000e+01 : f32
      %eq3A_1562 = vector.broadcast %eq3A_1561 : f32 to vector<16xf32>
      %eq3A_1563 = arith.cmpf oeq, %select_n3A_1434, %eq3A_1562 : vector<16xf32>
      %or3A_1564 = arith.ori %or3A_1183, %eq3A_1563 : vector<16xi1>
      %jit3A_1565 = arith.constant -1.000000e+30 : f32
      %broadcast_in_dim3A_1566 = vector.broadcast %jit3A_1565 : f32 to vector<16xf32>
      %select_n3A_1567 = arith.select %eq3A_1563, %broadcast_in_dim3A_1566, %select_n3A_1186 : vector<16xi1>, vector<16xf32>
      %eq3A_1568 = arith.constant 1.900000e+01 : f32
      %eq3A_1569 = vector.broadcast %eq3A_1568 : f32 to vector<16xf32>
      %eq3A_1570 = arith.cmpf oeq, %select_n3A_1434, %eq3A_1569 : vector<16xf32>
      %or3A_1571 = arith.ori %or3A_1190, %eq3A_1570 : vector<16xi1>
      %jit3A_1572 = arith.constant -1.000000e+30 : f32
      %broadcast_in_dim3A_1573 = vector.broadcast %jit3A_1572 : f32 to vector<16xf32>
      %select_n3A_1574 = arith.select %eq3A_1570, %broadcast_in_dim3A_1573, %select_n3A_1193 : vector<16xi1>, vector<16xf32>
      %eq3A_1575 = arith.constant 2.000000e+01 : f32
      %eq3A_1576 = vector.broadcast %eq3A_1575 : f32 to vector<16xf32>
      %eq3A_1577 = arith.cmpf oeq, %select_n3A_1434, %eq3A_1576 : vector<16xf32>
      %or3A_1578 = arith.ori %or3A_1197, %eq3A_1577 : vector<16xi1>
      %jit3A_1579 = arith.constant -1.000000e+30 : f32
      %broadcast_in_dim3A_1580 = vector.broadcast %jit3A_1579 : f32 to vector<16xf32>
      %select_n3A_1581 = arith.select %eq3A_1577, %broadcast_in_dim3A_1580, %select_n3A_1200 : vector<16xi1>, vector<16xf32>
      %eq3A_1582 = arith.constant 2.100000e+01 : f32
      %eq3A_1583 = vector.broadcast %eq3A_1582 : f32 to vector<16xf32>
      %eq3A_1584 = arith.cmpf oeq, %select_n3A_1434, %eq3A_1583 : vector<16xf32>
      %or3A_1585 = arith.ori %or3A_1204, %eq3A_1584 : vector<16xi1>
      %jit3A_1586 = arith.constant -1.000000e+30 : f32
      %broadcast_in_dim3A_1587 = vector.broadcast %jit3A_1586 : f32 to vector<16xf32>
      %select_n3A_1588 = arith.select %eq3A_1584, %broadcast_in_dim3A_1587, %select_n3A_1207 : vector<16xi1>, vector<16xf32>
      %eq3A_1589 = arith.constant 2.200000e+01 : f32
      %eq3A_1590 = vector.broadcast %eq3A_1589 : f32 to vector<16xf32>
      %eq3A_1591 = arith.cmpf oeq, %select_n3A_1434, %eq3A_1590 : vector<16xf32>
      %or3A_1592 = arith.ori %or3A_1211, %eq3A_1591 : vector<16xi1>
      %jit3A_1593 = arith.constant -1.000000e+30 : f32
      %broadcast_in_dim3A_1594 = vector.broadcast %jit3A_1593 : f32 to vector<16xf32>
      %select_n3A_1595 = arith.select %eq3A_1591, %broadcast_in_dim3A_1594, %select_n3A_1214 : vector<16xi1>, vector<16xf32>
      %eq3A_1596 = arith.constant 2.300000e+01 : f32
      %eq3A_1597 = vector.broadcast %eq3A_1596 : f32 to vector<16xf32>
      %eq3A_1598 = arith.cmpf oeq, %select_n3A_1434, %eq3A_1597 : vector<16xf32>
      %or3A_1599 = arith.ori %or3A_1218, %eq3A_1598 : vector<16xi1>
      %jit3A_1600 = arith.constant -1.000000e+30 : f32
      %broadcast_in_dim3A_1601 = vector.broadcast %jit3A_1600 : f32 to vector<16xf32>
      %select_n3A_1602 = arith.select %eq3A_1598, %broadcast_in_dim3A_1601, %select_n3A_1221 : vector<16xi1>, vector<16xf32>
      %eq3A_1603 = arith.constant 2.400000e+01 : f32
      %eq3A_1604 = vector.broadcast %eq3A_1603 : f32 to vector<16xf32>
      %eq3A_1605 = arith.cmpf oeq, %select_n3A_1434, %eq3A_1604 : vector<16xf32>
      %or3A_1606 = arith.ori %or3A_1225, %eq3A_1605 : vector<16xi1>
      %jit3A_1607 = arith.constant -1.000000e+30 : f32
      %broadcast_in_dim3A_1608 = vector.broadcast %jit3A_1607 : f32 to vector<16xf32>
      %select_n3A_1609 = arith.select %eq3A_1605, %broadcast_in_dim3A_1608, %select_n3A_1228 : vector<16xi1>, vector<16xf32>
      %eq3A_1610 = arith.constant 2.500000e+01 : f32
      %eq3A_1611 = vector.broadcast %eq3A_1610 : f32 to vector<16xf32>
      %eq3A_1612 = arith.cmpf oeq, %select_n3A_1434, %eq3A_1611 : vector<16xf32>
      %or3A_1613 = arith.ori %or3A_1232, %eq3A_1612 : vector<16xi1>
      %jit3A_1614 = arith.constant -1.000000e+30 : f32
      %broadcast_in_dim3A_1615 = vector.broadcast %jit3A_1614 : f32 to vector<16xf32>
      %select_n3A_1616 = arith.select %eq3A_1612, %broadcast_in_dim3A_1615, %select_n3A_1235 : vector<16xi1>, vector<16xf32>
      %eq3A_1617 = arith.constant 2.600000e+01 : f32
      %eq3A_1618 = vector.broadcast %eq3A_1617 : f32 to vector<16xf32>
      %eq3A_1619 = arith.cmpf oeq, %select_n3A_1434, %eq3A_1618 : vector<16xf32>
      %or3A_1620 = arith.ori %or3A_1239, %eq3A_1619 : vector<16xi1>
      %jit3A_1621 = arith.constant -1.000000e+30 : f32
      %broadcast_in_dim3A_1622 = vector.broadcast %jit3A_1621 : f32 to vector<16xf32>
      %select_n3A_1623 = arith.select %eq3A_1619, %broadcast_in_dim3A_1622, %select_n3A_1242 : vector<16xi1>, vector<16xf32>
      %eq3A_1624 = arith.constant 2.700000e+01 : f32
      %eq3A_1625 = vector.broadcast %eq3A_1624 : f32 to vector<16xf32>
      %eq3A_1626 = arith.cmpf oeq, %select_n3A_1434, %eq3A_1625 : vector<16xf32>
      %or3A_1627 = arith.ori %or3A_1246, %eq3A_1626 : vector<16xi1>
      %jit3A_1628 = arith.constant -1.000000e+30 : f32
      %broadcast_in_dim3A_1629 = vector.broadcast %jit3A_1628 : f32 to vector<16xf32>
      %select_n3A_1630 = arith.select %eq3A_1626, %broadcast_in_dim3A_1629, %select_n3A_1249 : vector<16xi1>, vector<16xf32>
      %eq3A_1631 = arith.constant 2.800000e+01 : f32
      %eq3A_1632 = vector.broadcast %eq3A_1631 : f32 to vector<16xf32>
      %eq3A_1633 = arith.cmpf oeq, %select_n3A_1434, %eq3A_1632 : vector<16xf32>
      %or3A_1634 = arith.ori %or3A_1253, %eq3A_1633 : vector<16xi1>
      %jit3A_1635 = arith.constant -1.000000e+30 : f32
      %broadcast_in_dim3A_1636 = vector.broadcast %jit3A_1635 : f32 to vector<16xf32>
      %select_n3A_1637 = arith.select %eq3A_1633, %broadcast_in_dim3A_1636, %select_n3A_1256 : vector<16xi1>, vector<16xf32>
      %eq3A_1638 = arith.constant 2.900000e+01 : f32
      %eq3A_1639 = vector.broadcast %eq3A_1638 : f32 to vector<16xf32>
      %eq3A_1640 = arith.cmpf oeq, %select_n3A_1434, %eq3A_1639 : vector<16xf32>
      %or3A_1641 = arith.ori %or3A_1260, %eq3A_1640 : vector<16xi1>
      %jit3A_1642 = arith.constant -1.000000e+30 : f32
      %broadcast_in_dim3A_1643 = vector.broadcast %jit3A_1642 : f32 to vector<16xf32>
      %select_n3A_1644 = arith.select %eq3A_1640, %broadcast_in_dim3A_1643, %select_n3A_1263 : vector<16xi1>, vector<16xf32>
      %eq3A_1645 = arith.constant 3.000000e+01 : f32
      %eq3A_1646 = vector.broadcast %eq3A_1645 : f32 to vector<16xf32>
      %eq3A_1647 = arith.cmpf oeq, %select_n3A_1434, %eq3A_1646 : vector<16xf32>
      %or3A_1648 = arith.ori %or3A_1267, %eq3A_1647 : vector<16xi1>
      %jit3A_1649 = arith.constant -1.000000e+30 : f32
      %broadcast_in_dim3A_1650 = vector.broadcast %jit3A_1649 : f32 to vector<16xf32>
      %select_n3A_1651 = arith.select %eq3A_1647, %broadcast_in_dim3A_1650, %select_n3A_1270 : vector<16xi1>, vector<16xf32>
      %eq3A_1652 = arith.constant 3.100000e+01 : f32
      %eq3A_1653 = vector.broadcast %eq3A_1652 : f32 to vector<16xf32>
      %eq3A_1654 = arith.cmpf oeq, %select_n3A_1434, %eq3A_1653 : vector<16xf32>
      %or3A_1655 = arith.ori %or3A_1274, %eq3A_1654 : vector<16xi1>
      %jit3A_1656 = arith.constant -1.000000e+30 : f32
      %broadcast_in_dim3A_1657 = vector.broadcast %jit3A_1656 : f32 to vector<16xf32>
      %select_n3A_1658 = arith.select %eq3A_1654, %broadcast_in_dim3A_1657, %select_n3A_1277 : vector<16xi1>, vector<16xf32>
      %broadcast_in_dim3A_1659 = arith.constant 0.000000e+00 : f32
      %broadcast_in_dim3A_1660 = vector.broadcast %broadcast_in_dim3A_1659 : f32 to vector<16xf32>
      %gt3A_1661 = arith.cmpf ogt, %select_n3A_1448, %select_n3A_1441 : vector<16xf32>
      %select_n3A_1662 = arith.select %gt3A_1661, %select_n3A_1448, %select_n3A_1441 : vector<16xi1>, vector<16xf32>
      %jit3A_1663 = arith.constant 1.000000e+00 : f32
      %broadcast_in_dim3A_1664 = vector.broadcast %jit3A_1663 : f32 to vector<16xf32>
      %select_n3A_1665 = arith.select %gt3A_1661, %broadcast_in_dim3A_1664, %broadcast_in_dim3A_1660 : vector<16xi1>, vector<16xf32>
      %gt3A_1666 = arith.cmpf ogt, %select_n3A_1455, %select_n3A_1662 : vector<16xf32>
      %select_n3A_1667 = arith.select %gt3A_1666, %select_n3A_1455, %select_n3A_1662 : vector<16xi1>, vector<16xf32>
      %jit3A_1668 = arith.constant 2.000000e+00 : f32
      %broadcast_in_dim3A_1669 = vector.broadcast %jit3A_1668 : f32 to vector<16xf32>
      %select_n3A_1670 = arith.select %gt3A_1666, %broadcast_in_dim3A_1669, %select_n3A_1665 : vector<16xi1>, vector<16xf32>
      %gt3A_1671 = arith.cmpf ogt, %select_n3A_1462, %select_n3A_1667 : vector<16xf32>
      %select_n3A_1672 = arith.select %gt3A_1671, %select_n3A_1462, %select_n3A_1667 : vector<16xi1>, vector<16xf32>
      %jit3A_1673 = arith.constant 3.000000e+00 : f32
      %broadcast_in_dim3A_1674 = vector.broadcast %jit3A_1673 : f32 to vector<16xf32>
      %select_n3A_1675 = arith.select %gt3A_1671, %broadcast_in_dim3A_1674, %select_n3A_1670 : vector<16xi1>, vector<16xf32>
      %gt3A_1676 = arith.cmpf ogt, %select_n3A_1469, %select_n3A_1672 : vector<16xf32>
      %select_n3A_1677 = arith.select %gt3A_1676, %select_n3A_1469, %select_n3A_1672 : vector<16xi1>, vector<16xf32>
      %jit3A_1678 = arith.constant 4.000000e+00 : f32
      %broadcast_in_dim3A_1679 = vector.broadcast %jit3A_1678 : f32 to vector<16xf32>
      %select_n3A_1680 = arith.select %gt3A_1676, %broadcast_in_dim3A_1679, %select_n3A_1675 : vector<16xi1>, vector<16xf32>
      %gt3A_1681 = arith.cmpf ogt, %select_n3A_1476, %select_n3A_1677 : vector<16xf32>
      %select_n3A_1682 = arith.select %gt3A_1681, %select_n3A_1476, %select_n3A_1677 : vector<16xi1>, vector<16xf32>
      %jit3A_1683 = arith.constant 5.000000e+00 : f32
      %broadcast_in_dim3A_1684 = vector.broadcast %jit3A_1683 : f32 to vector<16xf32>
      %select_n3A_1685 = arith.select %gt3A_1681, %broadcast_in_dim3A_1684, %select_n3A_1680 : vector<16xi1>, vector<16xf32>
      %gt3A_1686 = arith.cmpf ogt, %select_n3A_1483, %select_n3A_1682 : vector<16xf32>
      %select_n3A_1687 = arith.select %gt3A_1686, %select_n3A_1483, %select_n3A_1682 : vector<16xi1>, vector<16xf32>
      %jit3A_1688 = arith.constant 6.000000e+00 : f32
      %broadcast_in_dim3A_1689 = vector.broadcast %jit3A_1688 : f32 to vector<16xf32>
      %select_n3A_1690 = arith.select %gt3A_1686, %broadcast_in_dim3A_1689, %select_n3A_1685 : vector<16xi1>, vector<16xf32>
      %gt3A_1691 = arith.cmpf ogt, %select_n3A_1490, %select_n3A_1687 : vector<16xf32>
      %select_n3A_1692 = arith.select %gt3A_1691, %select_n3A_1490, %select_n3A_1687 : vector<16xi1>, vector<16xf32>
      %jit3A_1693 = arith.constant 7.000000e+00 : f32
      %broadcast_in_dim3A_1694 = vector.broadcast %jit3A_1693 : f32 to vector<16xf32>
      %select_n3A_1695 = arith.select %gt3A_1691, %broadcast_in_dim3A_1694, %select_n3A_1690 : vector<16xi1>, vector<16xf32>
      %gt3A_1696 = arith.cmpf ogt, %select_n3A_1497, %select_n3A_1692 : vector<16xf32>
      %select_n3A_1697 = arith.select %gt3A_1696, %select_n3A_1497, %select_n3A_1692 : vector<16xi1>, vector<16xf32>
      %jit3A_1698 = arith.constant 8.000000e+00 : f32
      %broadcast_in_dim3A_1699 = vector.broadcast %jit3A_1698 : f32 to vector<16xf32>
      %select_n3A_1700 = arith.select %gt3A_1696, %broadcast_in_dim3A_1699, %select_n3A_1695 : vector<16xi1>, vector<16xf32>
      %gt3A_1701 = arith.cmpf ogt, %select_n3A_1504, %select_n3A_1697 : vector<16xf32>
      %select_n3A_1702 = arith.select %gt3A_1701, %select_n3A_1504, %select_n3A_1697 : vector<16xi1>, vector<16xf32>
      %jit3A_1703 = arith.constant 9.000000e+00 : f32
      %broadcast_in_dim3A_1704 = vector.broadcast %jit3A_1703 : f32 to vector<16xf32>
      %select_n3A_1705 = arith.select %gt3A_1701, %broadcast_in_dim3A_1704, %select_n3A_1700 : vector<16xi1>, vector<16xf32>
      %gt3A_1706 = arith.cmpf ogt, %select_n3A_1511, %select_n3A_1702 : vector<16xf32>
      %select_n3A_1707 = arith.select %gt3A_1706, %select_n3A_1511, %select_n3A_1702 : vector<16xi1>, vector<16xf32>
      %jit3A_1708 = arith.constant 1.000000e+01 : f32
      %broadcast_in_dim3A_1709 = vector.broadcast %jit3A_1708 : f32 to vector<16xf32>
      %select_n3A_1710 = arith.select %gt3A_1706, %broadcast_in_dim3A_1709, %select_n3A_1705 : vector<16xi1>, vector<16xf32>
      %gt3A_1711 = arith.cmpf ogt, %select_n3A_1518, %select_n3A_1707 : vector<16xf32>
      %select_n3A_1712 = arith.select %gt3A_1711, %select_n3A_1518, %select_n3A_1707 : vector<16xi1>, vector<16xf32>
      %jit3A_1713 = arith.constant 1.100000e+01 : f32
      %broadcast_in_dim3A_1714 = vector.broadcast %jit3A_1713 : f32 to vector<16xf32>
      %select_n3A_1715 = arith.select %gt3A_1711, %broadcast_in_dim3A_1714, %select_n3A_1710 : vector<16xi1>, vector<16xf32>
      %gt3A_1716 = arith.cmpf ogt, %select_n3A_1525, %select_n3A_1712 : vector<16xf32>
      %select_n3A_1717 = arith.select %gt3A_1716, %select_n3A_1525, %select_n3A_1712 : vector<16xi1>, vector<16xf32>
      %jit3A_1718 = arith.constant 1.200000e+01 : f32
      %broadcast_in_dim3A_1719 = vector.broadcast %jit3A_1718 : f32 to vector<16xf32>
      %select_n3A_1720 = arith.select %gt3A_1716, %broadcast_in_dim3A_1719, %select_n3A_1715 : vector<16xi1>, vector<16xf32>
      %gt3A_1721 = arith.cmpf ogt, %select_n3A_1532, %select_n3A_1717 : vector<16xf32>
      %select_n3A_1722 = arith.select %gt3A_1721, %select_n3A_1532, %select_n3A_1717 : vector<16xi1>, vector<16xf32>
      %jit3A_1723 = arith.constant 1.300000e+01 : f32
      %broadcast_in_dim3A_1724 = vector.broadcast %jit3A_1723 : f32 to vector<16xf32>
      %select_n3A_1725 = arith.select %gt3A_1721, %broadcast_in_dim3A_1724, %select_n3A_1720 : vector<16xi1>, vector<16xf32>
      %gt3A_1726 = arith.cmpf ogt, %select_n3A_1539, %select_n3A_1722 : vector<16xf32>
      %select_n3A_1727 = arith.select %gt3A_1726, %select_n3A_1539, %select_n3A_1722 : vector<16xi1>, vector<16xf32>
      %jit3A_1728 = arith.constant 1.400000e+01 : f32
      %broadcast_in_dim3A_1729 = vector.broadcast %jit3A_1728 : f32 to vector<16xf32>
      %select_n3A_1730 = arith.select %gt3A_1726, %broadcast_in_dim3A_1729, %select_n3A_1725 : vector<16xi1>, vector<16xf32>
      %gt3A_1731 = arith.cmpf ogt, %select_n3A_1546, %select_n3A_1727 : vector<16xf32>
      %select_n3A_1732 = arith.select %gt3A_1731, %select_n3A_1546, %select_n3A_1727 : vector<16xi1>, vector<16xf32>
      %jit3A_1733 = arith.constant 1.500000e+01 : f32
      %broadcast_in_dim3A_1734 = vector.broadcast %jit3A_1733 : f32 to vector<16xf32>
      %select_n3A_1735 = arith.select %gt3A_1731, %broadcast_in_dim3A_1734, %select_n3A_1730 : vector<16xi1>, vector<16xf32>
      %gt3A_1736 = arith.cmpf ogt, %select_n3A_1553, %select_n3A_1732 : vector<16xf32>
      %select_n3A_1737 = arith.select %gt3A_1736, %select_n3A_1553, %select_n3A_1732 : vector<16xi1>, vector<16xf32>
      %jit3A_1738 = arith.constant 1.600000e+01 : f32
      %broadcast_in_dim3A_1739 = vector.broadcast %jit3A_1738 : f32 to vector<16xf32>
      %select_n3A_1740 = arith.select %gt3A_1736, %broadcast_in_dim3A_1739, %select_n3A_1735 : vector<16xi1>, vector<16xf32>
      %gt3A_1741 = arith.cmpf ogt, %select_n3A_1560, %select_n3A_1737 : vector<16xf32>
      %select_n3A_1742 = arith.select %gt3A_1741, %select_n3A_1560, %select_n3A_1737 : vector<16xi1>, vector<16xf32>
      %jit3A_1743 = arith.constant 1.700000e+01 : f32
      %broadcast_in_dim3A_1744 = vector.broadcast %jit3A_1743 : f32 to vector<16xf32>
      %select_n3A_1745 = arith.select %gt3A_1741, %broadcast_in_dim3A_1744, %select_n3A_1740 : vector<16xi1>, vector<16xf32>
      %gt3A_1746 = arith.cmpf ogt, %select_n3A_1567, %select_n3A_1742 : vector<16xf32>
      %select_n3A_1747 = arith.select %gt3A_1746, %select_n3A_1567, %select_n3A_1742 : vector<16xi1>, vector<16xf32>
      %jit3A_1748 = arith.constant 1.800000e+01 : f32
      %broadcast_in_dim3A_1749 = vector.broadcast %jit3A_1748 : f32 to vector<16xf32>
      %select_n3A_1750 = arith.select %gt3A_1746, %broadcast_in_dim3A_1749, %select_n3A_1745 : vector<16xi1>, vector<16xf32>
      %gt3A_1751 = arith.cmpf ogt, %select_n3A_1574, %select_n3A_1747 : vector<16xf32>
      %select_n3A_1752 = arith.select %gt3A_1751, %select_n3A_1574, %select_n3A_1747 : vector<16xi1>, vector<16xf32>
      %jit3A_1753 = arith.constant 1.900000e+01 : f32
      %broadcast_in_dim3A_1754 = vector.broadcast %jit3A_1753 : f32 to vector<16xf32>
      %select_n3A_1755 = arith.select %gt3A_1751, %broadcast_in_dim3A_1754, %select_n3A_1750 : vector<16xi1>, vector<16xf32>
      %gt3A_1756 = arith.cmpf ogt, %select_n3A_1581, %select_n3A_1752 : vector<16xf32>
      %select_n3A_1757 = arith.select %gt3A_1756, %select_n3A_1581, %select_n3A_1752 : vector<16xi1>, vector<16xf32>
      %jit3A_1758 = arith.constant 2.000000e+01 : f32
      %broadcast_in_dim3A_1759 = vector.broadcast %jit3A_1758 : f32 to vector<16xf32>
      %select_n3A_1760 = arith.select %gt3A_1756, %broadcast_in_dim3A_1759, %select_n3A_1755 : vector<16xi1>, vector<16xf32>
      %gt3A_1761 = arith.cmpf ogt, %select_n3A_1588, %select_n3A_1757 : vector<16xf32>
      %select_n3A_1762 = arith.select %gt3A_1761, %select_n3A_1588, %select_n3A_1757 : vector<16xi1>, vector<16xf32>
      %jit3A_1763 = arith.constant 2.100000e+01 : f32
      %broadcast_in_dim3A_1764 = vector.broadcast %jit3A_1763 : f32 to vector<16xf32>
      %select_n3A_1765 = arith.select %gt3A_1761, %broadcast_in_dim3A_1764, %select_n3A_1760 : vector<16xi1>, vector<16xf32>
      %gt3A_1766 = arith.cmpf ogt, %select_n3A_1595, %select_n3A_1762 : vector<16xf32>
      %select_n3A_1767 = arith.select %gt3A_1766, %select_n3A_1595, %select_n3A_1762 : vector<16xi1>, vector<16xf32>
      %jit3A_1768 = arith.constant 2.200000e+01 : f32
      %broadcast_in_dim3A_1769 = vector.broadcast %jit3A_1768 : f32 to vector<16xf32>
      %select_n3A_1770 = arith.select %gt3A_1766, %broadcast_in_dim3A_1769, %select_n3A_1765 : vector<16xi1>, vector<16xf32>
      %gt3A_1771 = arith.cmpf ogt, %select_n3A_1602, %select_n3A_1767 : vector<16xf32>
      %select_n3A_1772 = arith.select %gt3A_1771, %select_n3A_1602, %select_n3A_1767 : vector<16xi1>, vector<16xf32>
      %jit3A_1773 = arith.constant 2.300000e+01 : f32
      %broadcast_in_dim3A_1774 = vector.broadcast %jit3A_1773 : f32 to vector<16xf32>
      %select_n3A_1775 = arith.select %gt3A_1771, %broadcast_in_dim3A_1774, %select_n3A_1770 : vector<16xi1>, vector<16xf32>
      %gt3A_1776 = arith.cmpf ogt, %select_n3A_1609, %select_n3A_1772 : vector<16xf32>
      %select_n3A_1777 = arith.select %gt3A_1776, %select_n3A_1609, %select_n3A_1772 : vector<16xi1>, vector<16xf32>
      %jit3A_1778 = arith.constant 2.400000e+01 : f32
      %broadcast_in_dim3A_1779 = vector.broadcast %jit3A_1778 : f32 to vector<16xf32>
      %select_n3A_1780 = arith.select %gt3A_1776, %broadcast_in_dim3A_1779, %select_n3A_1775 : vector<16xi1>, vector<16xf32>
      %gt3A_1781 = arith.cmpf ogt, %select_n3A_1616, %select_n3A_1777 : vector<16xf32>
      %select_n3A_1782 = arith.select %gt3A_1781, %select_n3A_1616, %select_n3A_1777 : vector<16xi1>, vector<16xf32>
      %jit3A_1783 = arith.constant 2.500000e+01 : f32
      %broadcast_in_dim3A_1784 = vector.broadcast %jit3A_1783 : f32 to vector<16xf32>
      %select_n3A_1785 = arith.select %gt3A_1781, %broadcast_in_dim3A_1784, %select_n3A_1780 : vector<16xi1>, vector<16xf32>
      %gt3A_1786 = arith.cmpf ogt, %select_n3A_1623, %select_n3A_1782 : vector<16xf32>
      %select_n3A_1787 = arith.select %gt3A_1786, %select_n3A_1623, %select_n3A_1782 : vector<16xi1>, vector<16xf32>
      %jit3A_1788 = arith.constant 2.600000e+01 : f32
      %broadcast_in_dim3A_1789 = vector.broadcast %jit3A_1788 : f32 to vector<16xf32>
      %select_n3A_1790 = arith.select %gt3A_1786, %broadcast_in_dim3A_1789, %select_n3A_1785 : vector<16xi1>, vector<16xf32>
      %gt3A_1791 = arith.cmpf ogt, %select_n3A_1630, %select_n3A_1787 : vector<16xf32>
      %select_n3A_1792 = arith.select %gt3A_1791, %select_n3A_1630, %select_n3A_1787 : vector<16xi1>, vector<16xf32>
      %jit3A_1793 = arith.constant 2.700000e+01 : f32
      %broadcast_in_dim3A_1794 = vector.broadcast %jit3A_1793 : f32 to vector<16xf32>
      %select_n3A_1795 = arith.select %gt3A_1791, %broadcast_in_dim3A_1794, %select_n3A_1790 : vector<16xi1>, vector<16xf32>
      %gt3A_1796 = arith.cmpf ogt, %select_n3A_1637, %select_n3A_1792 : vector<16xf32>
      %select_n3A_1797 = arith.select %gt3A_1796, %select_n3A_1637, %select_n3A_1792 : vector<16xi1>, vector<16xf32>
      %jit3A_1798 = arith.constant 2.800000e+01 : f32
      %broadcast_in_dim3A_1799 = vector.broadcast %jit3A_1798 : f32 to vector<16xf32>
      %select_n3A_1800 = arith.select %gt3A_1796, %broadcast_in_dim3A_1799, %select_n3A_1795 : vector<16xi1>, vector<16xf32>
      %gt3A_1801 = arith.cmpf ogt, %select_n3A_1644, %select_n3A_1797 : vector<16xf32>
      %select_n3A_1802 = arith.select %gt3A_1801, %select_n3A_1644, %select_n3A_1797 : vector<16xi1>, vector<16xf32>
      %jit3A_1803 = arith.constant 2.900000e+01 : f32
      %broadcast_in_dim3A_1804 = vector.broadcast %jit3A_1803 : f32 to vector<16xf32>
      %select_n3A_1805 = arith.select %gt3A_1801, %broadcast_in_dim3A_1804, %select_n3A_1800 : vector<16xi1>, vector<16xf32>
      %gt3A_1806 = arith.cmpf ogt, %select_n3A_1651, %select_n3A_1802 : vector<16xf32>
      %select_n3A_1807 = arith.select %gt3A_1806, %select_n3A_1651, %select_n3A_1802 : vector<16xi1>, vector<16xf32>
      %jit3A_1808 = arith.constant 3.000000e+01 : f32
      %broadcast_in_dim3A_1809 = vector.broadcast %jit3A_1808 : f32 to vector<16xf32>
      %select_n3A_1810 = arith.select %gt3A_1806, %broadcast_in_dim3A_1809, %select_n3A_1805 : vector<16xi1>, vector<16xf32>
      %gt3A_1811 = arith.cmpf ogt, %select_n3A_1658, %select_n3A_1807 : vector<16xf32>
      %select_n3A_1812 = arith.select %gt3A_1811, %select_n3A_1658, %select_n3A_1807 : vector<16xi1>, vector<16xf32>
      %jit3A_1813 = arith.constant 3.100000e+01 : f32
      %broadcast_in_dim3A_1814 = vector.broadcast %jit3A_1813 : f32 to vector<16xf32>
      %select_n3A_1815 = arith.select %gt3A_1811, %broadcast_in_dim3A_1814, %select_n3A_1810 : vector<16xi1>, vector<16xf32>
      %eq3A_1816 = arith.constant 0.000000e+00 : f32
      %eq3A_1817 = vector.broadcast %eq3A_1816 : f32 to vector<16xf32>
      %eq3A_1818 = arith.cmpf oeq, %select_n3A_1815, %eq3A_1817 : vector<16xf32>
      %or3A_1819 = arith.ori %or3A_1438, %eq3A_1818 : vector<16xi1>
      %jit3A_1820 = arith.constant -1.000000e+30 : f32
      %broadcast_in_dim3A_1821 = vector.broadcast %jit3A_1820 : f32 to vector<16xf32>
      %select_n3A_1822 = arith.select %eq3A_1818, %broadcast_in_dim3A_1821, %select_n3A_1441 : vector<16xi1>, vector<16xf32>
      %eq3A_1823 = arith.constant 1.000000e+00 : f32
      %eq3A_1824 = vector.broadcast %eq3A_1823 : f32 to vector<16xf32>
      %eq3A_1825 = arith.cmpf oeq, %select_n3A_1815, %eq3A_1824 : vector<16xf32>
      %or3A_1826 = arith.ori %or3A_1445, %eq3A_1825 : vector<16xi1>
      %jit3A_1827 = arith.constant -1.000000e+30 : f32
      %broadcast_in_dim3A_1828 = vector.broadcast %jit3A_1827 : f32 to vector<16xf32>
      %select_n3A_1829 = arith.select %eq3A_1825, %broadcast_in_dim3A_1828, %select_n3A_1448 : vector<16xi1>, vector<16xf32>
      %eq3A_1830 = arith.constant 2.000000e+00 : f32
      %eq3A_1831 = vector.broadcast %eq3A_1830 : f32 to vector<16xf32>
      %eq3A_1832 = arith.cmpf oeq, %select_n3A_1815, %eq3A_1831 : vector<16xf32>
      %or3A_1833 = arith.ori %or3A_1452, %eq3A_1832 : vector<16xi1>
      %jit3A_1834 = arith.constant -1.000000e+30 : f32
      %broadcast_in_dim3A_1835 = vector.broadcast %jit3A_1834 : f32 to vector<16xf32>
      %select_n3A_1836 = arith.select %eq3A_1832, %broadcast_in_dim3A_1835, %select_n3A_1455 : vector<16xi1>, vector<16xf32>
      %eq3A_1837 = arith.constant 3.000000e+00 : f32
      %eq3A_1838 = vector.broadcast %eq3A_1837 : f32 to vector<16xf32>
      %eq3A_1839 = arith.cmpf oeq, %select_n3A_1815, %eq3A_1838 : vector<16xf32>
      %or3A_1840 = arith.ori %or3A_1459, %eq3A_1839 : vector<16xi1>
      %jit3A_1841 = arith.constant -1.000000e+30 : f32
      %broadcast_in_dim3A_1842 = vector.broadcast %jit3A_1841 : f32 to vector<16xf32>
      %select_n3A_1843 = arith.select %eq3A_1839, %broadcast_in_dim3A_1842, %select_n3A_1462 : vector<16xi1>, vector<16xf32>
      %eq3A_1844 = arith.constant 4.000000e+00 : f32
      %eq3A_1845 = vector.broadcast %eq3A_1844 : f32 to vector<16xf32>
      %eq3A_1846 = arith.cmpf oeq, %select_n3A_1815, %eq3A_1845 : vector<16xf32>
      %or3A_1847 = arith.ori %or3A_1466, %eq3A_1846 : vector<16xi1>
      %jit3A_1848 = arith.constant -1.000000e+30 : f32
      %broadcast_in_dim3A_1849 = vector.broadcast %jit3A_1848 : f32 to vector<16xf32>
      %select_n3A_1850 = arith.select %eq3A_1846, %broadcast_in_dim3A_1849, %select_n3A_1469 : vector<16xi1>, vector<16xf32>
      %eq3A_1851 = arith.constant 5.000000e+00 : f32
      %eq3A_1852 = vector.broadcast %eq3A_1851 : f32 to vector<16xf32>
      %eq3A_1853 = arith.cmpf oeq, %select_n3A_1815, %eq3A_1852 : vector<16xf32>
      %or3A_1854 = arith.ori %or3A_1473, %eq3A_1853 : vector<16xi1>
      %jit3A_1855 = arith.constant -1.000000e+30 : f32
      %broadcast_in_dim3A_1856 = vector.broadcast %jit3A_1855 : f32 to vector<16xf32>
      %select_n3A_1857 = arith.select %eq3A_1853, %broadcast_in_dim3A_1856, %select_n3A_1476 : vector<16xi1>, vector<16xf32>
      %eq3A_1858 = arith.constant 6.000000e+00 : f32
      %eq3A_1859 = vector.broadcast %eq3A_1858 : f32 to vector<16xf32>
      %eq3A_1860 = arith.cmpf oeq, %select_n3A_1815, %eq3A_1859 : vector<16xf32>
      %or3A_1861 = arith.ori %or3A_1480, %eq3A_1860 : vector<16xi1>
      %jit3A_1862 = arith.constant -1.000000e+30 : f32
      %broadcast_in_dim3A_1863 = vector.broadcast %jit3A_1862 : f32 to vector<16xf32>
      %select_n3A_1864 = arith.select %eq3A_1860, %broadcast_in_dim3A_1863, %select_n3A_1483 : vector<16xi1>, vector<16xf32>
      %eq3A_1865 = arith.constant 7.000000e+00 : f32
      %eq3A_1866 = vector.broadcast %eq3A_1865 : f32 to vector<16xf32>
      %eq3A_1867 = arith.cmpf oeq, %select_n3A_1815, %eq3A_1866 : vector<16xf32>
      %or3A_1868 = arith.ori %or3A_1487, %eq3A_1867 : vector<16xi1>
      %jit3A_1869 = arith.constant -1.000000e+30 : f32
      %broadcast_in_dim3A_1870 = vector.broadcast %jit3A_1869 : f32 to vector<16xf32>
      %select_n3A_1871 = arith.select %eq3A_1867, %broadcast_in_dim3A_1870, %select_n3A_1490 : vector<16xi1>, vector<16xf32>
      %eq3A_1872 = arith.constant 8.000000e+00 : f32
      %eq3A_1873 = vector.broadcast %eq3A_1872 : f32 to vector<16xf32>
      %eq3A_1874 = arith.cmpf oeq, %select_n3A_1815, %eq3A_1873 : vector<16xf32>
      %or3A_1875 = arith.ori %or3A_1494, %eq3A_1874 : vector<16xi1>
      %jit3A_1876 = arith.constant -1.000000e+30 : f32
      %broadcast_in_dim3A_1877 = vector.broadcast %jit3A_1876 : f32 to vector<16xf32>
      %select_n3A_1878 = arith.select %eq3A_1874, %broadcast_in_dim3A_1877, %select_n3A_1497 : vector<16xi1>, vector<16xf32>
      %eq3A_1879 = arith.constant 9.000000e+00 : f32
      %eq3A_1880 = vector.broadcast %eq3A_1879 : f32 to vector<16xf32>
      %eq3A_1881 = arith.cmpf oeq, %select_n3A_1815, %eq3A_1880 : vector<16xf32>
      %or3A_1882 = arith.ori %or3A_1501, %eq3A_1881 : vector<16xi1>
      %jit3A_1883 = arith.constant -1.000000e+30 : f32
      %broadcast_in_dim3A_1884 = vector.broadcast %jit3A_1883 : f32 to vector<16xf32>
      %select_n3A_1885 = arith.select %eq3A_1881, %broadcast_in_dim3A_1884, %select_n3A_1504 : vector<16xi1>, vector<16xf32>
      %eq3A_1886 = arith.constant 1.000000e+01 : f32
      %eq3A_1887 = vector.broadcast %eq3A_1886 : f32 to vector<16xf32>
      %eq3A_1888 = arith.cmpf oeq, %select_n3A_1815, %eq3A_1887 : vector<16xf32>
      %or3A_1889 = arith.ori %or3A_1508, %eq3A_1888 : vector<16xi1>
      %jit3A_1890 = arith.constant -1.000000e+30 : f32
      %broadcast_in_dim3A_1891 = vector.broadcast %jit3A_1890 : f32 to vector<16xf32>
      %select_n3A_1892 = arith.select %eq3A_1888, %broadcast_in_dim3A_1891, %select_n3A_1511 : vector<16xi1>, vector<16xf32>
      %eq3A_1893 = arith.constant 1.100000e+01 : f32
      %eq3A_1894 = vector.broadcast %eq3A_1893 : f32 to vector<16xf32>
      %eq3A_1895 = arith.cmpf oeq, %select_n3A_1815, %eq3A_1894 : vector<16xf32>
      %or3A_1896 = arith.ori %or3A_1515, %eq3A_1895 : vector<16xi1>
      %jit3A_1897 = arith.constant -1.000000e+30 : f32
      %broadcast_in_dim3A_1898 = vector.broadcast %jit3A_1897 : f32 to vector<16xf32>
      %select_n3A_1899 = arith.select %eq3A_1895, %broadcast_in_dim3A_1898, %select_n3A_1518 : vector<16xi1>, vector<16xf32>
      %eq3A_1900 = arith.constant 1.200000e+01 : f32
      %eq3A_1901 = vector.broadcast %eq3A_1900 : f32 to vector<16xf32>
      %eq3A_1902 = arith.cmpf oeq, %select_n3A_1815, %eq3A_1901 : vector<16xf32>
      %or3A_1903 = arith.ori %or3A_1522, %eq3A_1902 : vector<16xi1>
      %jit3A_1904 = arith.constant -1.000000e+30 : f32
      %broadcast_in_dim3A_1905 = vector.broadcast %jit3A_1904 : f32 to vector<16xf32>
      %select_n3A_1906 = arith.select %eq3A_1902, %broadcast_in_dim3A_1905, %select_n3A_1525 : vector<16xi1>, vector<16xf32>
      %eq3A_1907 = arith.constant 1.300000e+01 : f32
      %eq3A_1908 = vector.broadcast %eq3A_1907 : f32 to vector<16xf32>
      %eq3A_1909 = arith.cmpf oeq, %select_n3A_1815, %eq3A_1908 : vector<16xf32>
      %or3A_1910 = arith.ori %or3A_1529, %eq3A_1909 : vector<16xi1>
      %jit3A_1911 = arith.constant -1.000000e+30 : f32
      %broadcast_in_dim3A_1912 = vector.broadcast %jit3A_1911 : f32 to vector<16xf32>
      %select_n3A_1913 = arith.select %eq3A_1909, %broadcast_in_dim3A_1912, %select_n3A_1532 : vector<16xi1>, vector<16xf32>
      %eq3A_1914 = arith.constant 1.400000e+01 : f32
      %eq3A_1915 = vector.broadcast %eq3A_1914 : f32 to vector<16xf32>
      %eq3A_1916 = arith.cmpf oeq, %select_n3A_1815, %eq3A_1915 : vector<16xf32>
      %or3A_1917 = arith.ori %or3A_1536, %eq3A_1916 : vector<16xi1>
      %jit3A_1918 = arith.constant -1.000000e+30 : f32
      %broadcast_in_dim3A_1919 = vector.broadcast %jit3A_1918 : f32 to vector<16xf32>
      %select_n3A_1920 = arith.select %eq3A_1916, %broadcast_in_dim3A_1919, %select_n3A_1539 : vector<16xi1>, vector<16xf32>
      %eq3A_1921 = arith.constant 1.500000e+01 : f32
      %eq3A_1922 = vector.broadcast %eq3A_1921 : f32 to vector<16xf32>
      %eq3A_1923 = arith.cmpf oeq, %select_n3A_1815, %eq3A_1922 : vector<16xf32>
      %or3A_1924 = arith.ori %or3A_1543, %eq3A_1923 : vector<16xi1>
      %jit3A_1925 = arith.constant -1.000000e+30 : f32
      %broadcast_in_dim3A_1926 = vector.broadcast %jit3A_1925 : f32 to vector<16xf32>
      %select_n3A_1927 = arith.select %eq3A_1923, %broadcast_in_dim3A_1926, %select_n3A_1546 : vector<16xi1>, vector<16xf32>
      %eq3A_1928 = arith.constant 1.600000e+01 : f32
      %eq3A_1929 = vector.broadcast %eq3A_1928 : f32 to vector<16xf32>
      %eq3A_1930 = arith.cmpf oeq, %select_n3A_1815, %eq3A_1929 : vector<16xf32>
      %or3A_1931 = arith.ori %or3A_1550, %eq3A_1930 : vector<16xi1>
      %jit3A_1932 = arith.constant -1.000000e+30 : f32
      %broadcast_in_dim3A_1933 = vector.broadcast %jit3A_1932 : f32 to vector<16xf32>
      %select_n3A_1934 = arith.select %eq3A_1930, %broadcast_in_dim3A_1933, %select_n3A_1553 : vector<16xi1>, vector<16xf32>
      %eq3A_1935 = arith.constant 1.700000e+01 : f32
      %eq3A_1936 = vector.broadcast %eq3A_1935 : f32 to vector<16xf32>
      %eq3A_1937 = arith.cmpf oeq, %select_n3A_1815, %eq3A_1936 : vector<16xf32>
      %or3A_1938 = arith.ori %or3A_1557, %eq3A_1937 : vector<16xi1>
      %jit3A_1939 = arith.constant -1.000000e+30 : f32
      %broadcast_in_dim3A_1940 = vector.broadcast %jit3A_1939 : f32 to vector<16xf32>
      %select_n3A_1941 = arith.select %eq3A_1937, %broadcast_in_dim3A_1940, %select_n3A_1560 : vector<16xi1>, vector<16xf32>
      %eq3A_1942 = arith.constant 1.800000e+01 : f32
      %eq3A_1943 = vector.broadcast %eq3A_1942 : f32 to vector<16xf32>
      %eq3A_1944 = arith.cmpf oeq, %select_n3A_1815, %eq3A_1943 : vector<16xf32>
      %or3A_1945 = arith.ori %or3A_1564, %eq3A_1944 : vector<16xi1>
      %jit3A_1946 = arith.constant -1.000000e+30 : f32
      %broadcast_in_dim3A_1947 = vector.broadcast %jit3A_1946 : f32 to vector<16xf32>
      %select_n3A_1948 = arith.select %eq3A_1944, %broadcast_in_dim3A_1947, %select_n3A_1567 : vector<16xi1>, vector<16xf32>
      %eq3A_1949 = arith.constant 1.900000e+01 : f32
      %eq3A_1950 = vector.broadcast %eq3A_1949 : f32 to vector<16xf32>
      %eq3A_1951 = arith.cmpf oeq, %select_n3A_1815, %eq3A_1950 : vector<16xf32>
      %or3A_1952 = arith.ori %or3A_1571, %eq3A_1951 : vector<16xi1>
      %jit3A_1953 = arith.constant -1.000000e+30 : f32
      %broadcast_in_dim3A_1954 = vector.broadcast %jit3A_1953 : f32 to vector<16xf32>
      %select_n3A_1955 = arith.select %eq3A_1951, %broadcast_in_dim3A_1954, %select_n3A_1574 : vector<16xi1>, vector<16xf32>
      %eq3A_1956 = arith.constant 2.000000e+01 : f32
      %eq3A_1957 = vector.broadcast %eq3A_1956 : f32 to vector<16xf32>
      %eq3A_1958 = arith.cmpf oeq, %select_n3A_1815, %eq3A_1957 : vector<16xf32>
      %or3A_1959 = arith.ori %or3A_1578, %eq3A_1958 : vector<16xi1>
      %jit3A_1960 = arith.constant -1.000000e+30 : f32
      %broadcast_in_dim3A_1961 = vector.broadcast %jit3A_1960 : f32 to vector<16xf32>
      %select_n3A_1962 = arith.select %eq3A_1958, %broadcast_in_dim3A_1961, %select_n3A_1581 : vector<16xi1>, vector<16xf32>
      %eq3A_1963 = arith.constant 2.100000e+01 : f32
      %eq3A_1964 = vector.broadcast %eq3A_1963 : f32 to vector<16xf32>
      %eq3A_1965 = arith.cmpf oeq, %select_n3A_1815, %eq3A_1964 : vector<16xf32>
      %or3A_1966 = arith.ori %or3A_1585, %eq3A_1965 : vector<16xi1>
      %jit3A_1967 = arith.constant -1.000000e+30 : f32
      %broadcast_in_dim3A_1968 = vector.broadcast %jit3A_1967 : f32 to vector<16xf32>
      %select_n3A_1969 = arith.select %eq3A_1965, %broadcast_in_dim3A_1968, %select_n3A_1588 : vector<16xi1>, vector<16xf32>
      %eq3A_1970 = arith.constant 2.200000e+01 : f32
      %eq3A_1971 = vector.broadcast %eq3A_1970 : f32 to vector<16xf32>
      %eq3A_1972 = arith.cmpf oeq, %select_n3A_1815, %eq3A_1971 : vector<16xf32>
      %or3A_1973 = arith.ori %or3A_1592, %eq3A_1972 : vector<16xi1>
      %jit3A_1974 = arith.constant -1.000000e+30 : f32
      %broadcast_in_dim3A_1975 = vector.broadcast %jit3A_1974 : f32 to vector<16xf32>
      %select_n3A_1976 = arith.select %eq3A_1972, %broadcast_in_dim3A_1975, %select_n3A_1595 : vector<16xi1>, vector<16xf32>
      %eq3A_1977 = arith.constant 2.300000e+01 : f32
      %eq3A_1978 = vector.broadcast %eq3A_1977 : f32 to vector<16xf32>
      %eq3A_1979 = arith.cmpf oeq, %select_n3A_1815, %eq3A_1978 : vector<16xf32>
      %or3A_1980 = arith.ori %or3A_1599, %eq3A_1979 : vector<16xi1>
      %jit3A_1981 = arith.constant -1.000000e+30 : f32
      %broadcast_in_dim3A_1982 = vector.broadcast %jit3A_1981 : f32 to vector<16xf32>
      %select_n3A_1983 = arith.select %eq3A_1979, %broadcast_in_dim3A_1982, %select_n3A_1602 : vector<16xi1>, vector<16xf32>
      %eq3A_1984 = arith.constant 2.400000e+01 : f32
      %eq3A_1985 = vector.broadcast %eq3A_1984 : f32 to vector<16xf32>
      %eq3A_1986 = arith.cmpf oeq, %select_n3A_1815, %eq3A_1985 : vector<16xf32>
      %or3A_1987 = arith.ori %or3A_1606, %eq3A_1986 : vector<16xi1>
      %jit3A_1988 = arith.constant -1.000000e+30 : f32
      %broadcast_in_dim3A_1989 = vector.broadcast %jit3A_1988 : f32 to vector<16xf32>
      %select_n3A_1990 = arith.select %eq3A_1986, %broadcast_in_dim3A_1989, %select_n3A_1609 : vector<16xi1>, vector<16xf32>
      %eq3A_1991 = arith.constant 2.500000e+01 : f32
      %eq3A_1992 = vector.broadcast %eq3A_1991 : f32 to vector<16xf32>
      %eq3A_1993 = arith.cmpf oeq, %select_n3A_1815, %eq3A_1992 : vector<16xf32>
      %or3A_1994 = arith.ori %or3A_1613, %eq3A_1993 : vector<16xi1>
      %jit3A_1995 = arith.constant -1.000000e+30 : f32
      %broadcast_in_dim3A_1996 = vector.broadcast %jit3A_1995 : f32 to vector<16xf32>
      %select_n3A_1997 = arith.select %eq3A_1993, %broadcast_in_dim3A_1996, %select_n3A_1616 : vector<16xi1>, vector<16xf32>
      %eq3A_1998 = arith.constant 2.600000e+01 : f32
      %eq3A_1999 = vector.broadcast %eq3A_1998 : f32 to vector<16xf32>
      %eq3A_2000 = arith.cmpf oeq, %select_n3A_1815, %eq3A_1999 : vector<16xf32>
      %or3A_2001 = arith.ori %or3A_1620, %eq3A_2000 : vector<16xi1>
      %jit3A_2002 = arith.constant -1.000000e+30 : f32
      %broadcast_in_dim3A_2003 = vector.broadcast %jit3A_2002 : f32 to vector<16xf32>
      %select_n3A_2004 = arith.select %eq3A_2000, %broadcast_in_dim3A_2003, %select_n3A_1623 : vector<16xi1>, vector<16xf32>
      %eq3A_2005 = arith.constant 2.700000e+01 : f32
      %eq3A_2006 = vector.broadcast %eq3A_2005 : f32 to vector<16xf32>
      %eq3A_2007 = arith.cmpf oeq, %select_n3A_1815, %eq3A_2006 : vector<16xf32>
      %or3A_2008 = arith.ori %or3A_1627, %eq3A_2007 : vector<16xi1>
      %jit3A_2009 = arith.constant -1.000000e+30 : f32
      %broadcast_in_dim3A_2010 = vector.broadcast %jit3A_2009 : f32 to vector<16xf32>
      %select_n3A_2011 = arith.select %eq3A_2007, %broadcast_in_dim3A_2010, %select_n3A_1630 : vector<16xi1>, vector<16xf32>
      %eq3A_2012 = arith.constant 2.800000e+01 : f32
      %eq3A_2013 = vector.broadcast %eq3A_2012 : f32 to vector<16xf32>
      %eq3A_2014 = arith.cmpf oeq, %select_n3A_1815, %eq3A_2013 : vector<16xf32>
      %or3A_2015 = arith.ori %or3A_1634, %eq3A_2014 : vector<16xi1>
      %jit3A_2016 = arith.constant -1.000000e+30 : f32
      %broadcast_in_dim3A_2017 = vector.broadcast %jit3A_2016 : f32 to vector<16xf32>
      %select_n3A_2018 = arith.select %eq3A_2014, %broadcast_in_dim3A_2017, %select_n3A_1637 : vector<16xi1>, vector<16xf32>
      %eq3A_2019 = arith.constant 2.900000e+01 : f32
      %eq3A_2020 = vector.broadcast %eq3A_2019 : f32 to vector<16xf32>
      %eq3A_2021 = arith.cmpf oeq, %select_n3A_1815, %eq3A_2020 : vector<16xf32>
      %or3A_2022 = arith.ori %or3A_1641, %eq3A_2021 : vector<16xi1>
      %jit3A_2023 = arith.constant -1.000000e+30 : f32
      %broadcast_in_dim3A_2024 = vector.broadcast %jit3A_2023 : f32 to vector<16xf32>
      %select_n3A_2025 = arith.select %eq3A_2021, %broadcast_in_dim3A_2024, %select_n3A_1644 : vector<16xi1>, vector<16xf32>
      %eq3A_2026 = arith.constant 3.000000e+01 : f32
      %eq3A_2027 = vector.broadcast %eq3A_2026 : f32 to vector<16xf32>
      %eq3A_2028 = arith.cmpf oeq, %select_n3A_1815, %eq3A_2027 : vector<16xf32>
      %or3A_2029 = arith.ori %or3A_1648, %eq3A_2028 : vector<16xi1>
      %jit3A_2030 = arith.constant -1.000000e+30 : f32
      %broadcast_in_dim3A_2031 = vector.broadcast %jit3A_2030 : f32 to vector<16xf32>
      %select_n3A_2032 = arith.select %eq3A_2028, %broadcast_in_dim3A_2031, %select_n3A_1651 : vector<16xi1>, vector<16xf32>
      %eq3A_2033 = arith.constant 3.100000e+01 : f32
      %eq3A_2034 = vector.broadcast %eq3A_2033 : f32 to vector<16xf32>
      %eq3A_2035 = arith.cmpf oeq, %select_n3A_1815, %eq3A_2034 : vector<16xf32>
      %or3A_2036 = arith.ori %or3A_1655, %eq3A_2035 : vector<16xi1>
      %jit3A_2037 = arith.constant -1.000000e+30 : f32
      %broadcast_in_dim3A_2038 = vector.broadcast %jit3A_2037 : f32 to vector<16xf32>
      %select_n3A_2039 = arith.select %eq3A_2035, %broadcast_in_dim3A_2038, %select_n3A_1658 : vector<16xi1>, vector<16xf32>
      %broadcast_in_dim3A_2040 = arith.constant 0.000000e+00 : f32
      %broadcast_in_dim3A_2041 = vector.broadcast %broadcast_in_dim3A_2040 : f32 to vector<16xf32>
      %gt3A_2042 = arith.cmpf ogt, %select_n3A_1829, %select_n3A_1822 : vector<16xf32>
      %select_n3A_2043 = arith.select %gt3A_2042, %select_n3A_1829, %select_n3A_1822 : vector<16xi1>, vector<16xf32>
      %jit3A_2044 = arith.constant 1.000000e+00 : f32
      %broadcast_in_dim3A_2045 = vector.broadcast %jit3A_2044 : f32 to vector<16xf32>
      %select_n3A_2046 = arith.select %gt3A_2042, %broadcast_in_dim3A_2045, %broadcast_in_dim3A_2041 : vector<16xi1>, vector<16xf32>
      %gt3A_2047 = arith.cmpf ogt, %select_n3A_1836, %select_n3A_2043 : vector<16xf32>
      %select_n3A_2048 = arith.select %gt3A_2047, %select_n3A_1836, %select_n3A_2043 : vector<16xi1>, vector<16xf32>
      %jit3A_2049 = arith.constant 2.000000e+00 : f32
      %broadcast_in_dim3A_2050 = vector.broadcast %jit3A_2049 : f32 to vector<16xf32>
      %select_n3A_2051 = arith.select %gt3A_2047, %broadcast_in_dim3A_2050, %select_n3A_2046 : vector<16xi1>, vector<16xf32>
      %gt3A_2052 = arith.cmpf ogt, %select_n3A_1843, %select_n3A_2048 : vector<16xf32>
      %select_n3A_2053 = arith.select %gt3A_2052, %select_n3A_1843, %select_n3A_2048 : vector<16xi1>, vector<16xf32>
      %jit3A_2054 = arith.constant 3.000000e+00 : f32
      %broadcast_in_dim3A_2055 = vector.broadcast %jit3A_2054 : f32 to vector<16xf32>
      %select_n3A_2056 = arith.select %gt3A_2052, %broadcast_in_dim3A_2055, %select_n3A_2051 : vector<16xi1>, vector<16xf32>
      %gt3A_2057 = arith.cmpf ogt, %select_n3A_1850, %select_n3A_2053 : vector<16xf32>
      %select_n3A_2058 = arith.select %gt3A_2057, %select_n3A_1850, %select_n3A_2053 : vector<16xi1>, vector<16xf32>
      %jit3A_2059 = arith.constant 4.000000e+00 : f32
      %broadcast_in_dim3A_2060 = vector.broadcast %jit3A_2059 : f32 to vector<16xf32>
      %select_n3A_2061 = arith.select %gt3A_2057, %broadcast_in_dim3A_2060, %select_n3A_2056 : vector<16xi1>, vector<16xf32>
      %gt3A_2062 = arith.cmpf ogt, %select_n3A_1857, %select_n3A_2058 : vector<16xf32>
      %select_n3A_2063 = arith.select %gt3A_2062, %select_n3A_1857, %select_n3A_2058 : vector<16xi1>, vector<16xf32>
      %jit3A_2064 = arith.constant 5.000000e+00 : f32
      %broadcast_in_dim3A_2065 = vector.broadcast %jit3A_2064 : f32 to vector<16xf32>
      %select_n3A_2066 = arith.select %gt3A_2062, %broadcast_in_dim3A_2065, %select_n3A_2061 : vector<16xi1>, vector<16xf32>
      %gt3A_2067 = arith.cmpf ogt, %select_n3A_1864, %select_n3A_2063 : vector<16xf32>
      %select_n3A_2068 = arith.select %gt3A_2067, %select_n3A_1864, %select_n3A_2063 : vector<16xi1>, vector<16xf32>
      %jit3A_2069 = arith.constant 6.000000e+00 : f32
      %broadcast_in_dim3A_2070 = vector.broadcast %jit3A_2069 : f32 to vector<16xf32>
      %select_n3A_2071 = arith.select %gt3A_2067, %broadcast_in_dim3A_2070, %select_n3A_2066 : vector<16xi1>, vector<16xf32>
      %gt3A_2072 = arith.cmpf ogt, %select_n3A_1871, %select_n3A_2068 : vector<16xf32>
      %select_n3A_2073 = arith.select %gt3A_2072, %select_n3A_1871, %select_n3A_2068 : vector<16xi1>, vector<16xf32>
      %jit3A_2074 = arith.constant 7.000000e+00 : f32
      %broadcast_in_dim3A_2075 = vector.broadcast %jit3A_2074 : f32 to vector<16xf32>
      %select_n3A_2076 = arith.select %gt3A_2072, %broadcast_in_dim3A_2075, %select_n3A_2071 : vector<16xi1>, vector<16xf32>
      %gt3A_2077 = arith.cmpf ogt, %select_n3A_1878, %select_n3A_2073 : vector<16xf32>
      %select_n3A_2078 = arith.select %gt3A_2077, %select_n3A_1878, %select_n3A_2073 : vector<16xi1>, vector<16xf32>
      %jit3A_2079 = arith.constant 8.000000e+00 : f32
      %broadcast_in_dim3A_2080 = vector.broadcast %jit3A_2079 : f32 to vector<16xf32>
      %select_n3A_2081 = arith.select %gt3A_2077, %broadcast_in_dim3A_2080, %select_n3A_2076 : vector<16xi1>, vector<16xf32>
      %gt3A_2082 = arith.cmpf ogt, %select_n3A_1885, %select_n3A_2078 : vector<16xf32>
      %select_n3A_2083 = arith.select %gt3A_2082, %select_n3A_1885, %select_n3A_2078 : vector<16xi1>, vector<16xf32>
      %jit3A_2084 = arith.constant 9.000000e+00 : f32
      %broadcast_in_dim3A_2085 = vector.broadcast %jit3A_2084 : f32 to vector<16xf32>
      %select_n3A_2086 = arith.select %gt3A_2082, %broadcast_in_dim3A_2085, %select_n3A_2081 : vector<16xi1>, vector<16xf32>
      %gt3A_2087 = arith.cmpf ogt, %select_n3A_1892, %select_n3A_2083 : vector<16xf32>
      %select_n3A_2088 = arith.select %gt3A_2087, %select_n3A_1892, %select_n3A_2083 : vector<16xi1>, vector<16xf32>
      %jit3A_2089 = arith.constant 1.000000e+01 : f32
      %broadcast_in_dim3A_2090 = vector.broadcast %jit3A_2089 : f32 to vector<16xf32>
      %select_n3A_2091 = arith.select %gt3A_2087, %broadcast_in_dim3A_2090, %select_n3A_2086 : vector<16xi1>, vector<16xf32>
      %gt3A_2092 = arith.cmpf ogt, %select_n3A_1899, %select_n3A_2088 : vector<16xf32>
      %select_n3A_2093 = arith.select %gt3A_2092, %select_n3A_1899, %select_n3A_2088 : vector<16xi1>, vector<16xf32>
      %jit3A_2094 = arith.constant 1.100000e+01 : f32
      %broadcast_in_dim3A_2095 = vector.broadcast %jit3A_2094 : f32 to vector<16xf32>
      %select_n3A_2096 = arith.select %gt3A_2092, %broadcast_in_dim3A_2095, %select_n3A_2091 : vector<16xi1>, vector<16xf32>
      %gt3A_2097 = arith.cmpf ogt, %select_n3A_1906, %select_n3A_2093 : vector<16xf32>
      %select_n3A_2098 = arith.select %gt3A_2097, %select_n3A_1906, %select_n3A_2093 : vector<16xi1>, vector<16xf32>
      %jit3A_2099 = arith.constant 1.200000e+01 : f32
      %broadcast_in_dim3A_2100 = vector.broadcast %jit3A_2099 : f32 to vector<16xf32>
      %select_n3A_2101 = arith.select %gt3A_2097, %broadcast_in_dim3A_2100, %select_n3A_2096 : vector<16xi1>, vector<16xf32>
      %gt3A_2102 = arith.cmpf ogt, %select_n3A_1913, %select_n3A_2098 : vector<16xf32>
      %select_n3A_2103 = arith.select %gt3A_2102, %select_n3A_1913, %select_n3A_2098 : vector<16xi1>, vector<16xf32>
      %jit3A_2104 = arith.constant 1.300000e+01 : f32
      %broadcast_in_dim3A_2105 = vector.broadcast %jit3A_2104 : f32 to vector<16xf32>
      %select_n3A_2106 = arith.select %gt3A_2102, %broadcast_in_dim3A_2105, %select_n3A_2101 : vector<16xi1>, vector<16xf32>
      %gt3A_2107 = arith.cmpf ogt, %select_n3A_1920, %select_n3A_2103 : vector<16xf32>
      %select_n3A_2108 = arith.select %gt3A_2107, %select_n3A_1920, %select_n3A_2103 : vector<16xi1>, vector<16xf32>
      %jit3A_2109 = arith.constant 1.400000e+01 : f32
      %broadcast_in_dim3A_2110 = vector.broadcast %jit3A_2109 : f32 to vector<16xf32>
      %select_n3A_2111 = arith.select %gt3A_2107, %broadcast_in_dim3A_2110, %select_n3A_2106 : vector<16xi1>, vector<16xf32>
      %gt3A_2112 = arith.cmpf ogt, %select_n3A_1927, %select_n3A_2108 : vector<16xf32>
      %select_n3A_2113 = arith.select %gt3A_2112, %select_n3A_1927, %select_n3A_2108 : vector<16xi1>, vector<16xf32>
      %jit3A_2114 = arith.constant 1.500000e+01 : f32
      %broadcast_in_dim3A_2115 = vector.broadcast %jit3A_2114 : f32 to vector<16xf32>
      %select_n3A_2116 = arith.select %gt3A_2112, %broadcast_in_dim3A_2115, %select_n3A_2111 : vector<16xi1>, vector<16xf32>
      %gt3A_2117 = arith.cmpf ogt, %select_n3A_1934, %select_n3A_2113 : vector<16xf32>
      %select_n3A_2118 = arith.select %gt3A_2117, %select_n3A_1934, %select_n3A_2113 : vector<16xi1>, vector<16xf32>
      %jit3A_2119 = arith.constant 1.600000e+01 : f32
      %broadcast_in_dim3A_2120 = vector.broadcast %jit3A_2119 : f32 to vector<16xf32>
      %select_n3A_2121 = arith.select %gt3A_2117, %broadcast_in_dim3A_2120, %select_n3A_2116 : vector<16xi1>, vector<16xf32>
      %gt3A_2122 = arith.cmpf ogt, %select_n3A_1941, %select_n3A_2118 : vector<16xf32>
      %select_n3A_2123 = arith.select %gt3A_2122, %select_n3A_1941, %select_n3A_2118 : vector<16xi1>, vector<16xf32>
      %jit3A_2124 = arith.constant 1.700000e+01 : f32
      %broadcast_in_dim3A_2125 = vector.broadcast %jit3A_2124 : f32 to vector<16xf32>
      %select_n3A_2126 = arith.select %gt3A_2122, %broadcast_in_dim3A_2125, %select_n3A_2121 : vector<16xi1>, vector<16xf32>
      %gt3A_2127 = arith.cmpf ogt, %select_n3A_1948, %select_n3A_2123 : vector<16xf32>
      %select_n3A_2128 = arith.select %gt3A_2127, %select_n3A_1948, %select_n3A_2123 : vector<16xi1>, vector<16xf32>
      %jit3A_2129 = arith.constant 1.800000e+01 : f32
      %broadcast_in_dim3A_2130 = vector.broadcast %jit3A_2129 : f32 to vector<16xf32>
      %select_n3A_2131 = arith.select %gt3A_2127, %broadcast_in_dim3A_2130, %select_n3A_2126 : vector<16xi1>, vector<16xf32>
      %gt3A_2132 = arith.cmpf ogt, %select_n3A_1955, %select_n3A_2128 : vector<16xf32>
      %select_n3A_2133 = arith.select %gt3A_2132, %select_n3A_1955, %select_n3A_2128 : vector<16xi1>, vector<16xf32>
      %jit3A_2134 = arith.constant 1.900000e+01 : f32
      %broadcast_in_dim3A_2135 = vector.broadcast %jit3A_2134 : f32 to vector<16xf32>
      %select_n3A_2136 = arith.select %gt3A_2132, %broadcast_in_dim3A_2135, %select_n3A_2131 : vector<16xi1>, vector<16xf32>
      %gt3A_2137 = arith.cmpf ogt, %select_n3A_1962, %select_n3A_2133 : vector<16xf32>
      %select_n3A_2138 = arith.select %gt3A_2137, %select_n3A_1962, %select_n3A_2133 : vector<16xi1>, vector<16xf32>
      %jit3A_2139 = arith.constant 2.000000e+01 : f32
      %broadcast_in_dim3A_2140 = vector.broadcast %jit3A_2139 : f32 to vector<16xf32>
      %select_n3A_2141 = arith.select %gt3A_2137, %broadcast_in_dim3A_2140, %select_n3A_2136 : vector<16xi1>, vector<16xf32>
      %gt3A_2142 = arith.cmpf ogt, %select_n3A_1969, %select_n3A_2138 : vector<16xf32>
      %select_n3A_2143 = arith.select %gt3A_2142, %select_n3A_1969, %select_n3A_2138 : vector<16xi1>, vector<16xf32>
      %jit3A_2144 = arith.constant 2.100000e+01 : f32
      %broadcast_in_dim3A_2145 = vector.broadcast %jit3A_2144 : f32 to vector<16xf32>
      %select_n3A_2146 = arith.select %gt3A_2142, %broadcast_in_dim3A_2145, %select_n3A_2141 : vector<16xi1>, vector<16xf32>
      %gt3A_2147 = arith.cmpf ogt, %select_n3A_1976, %select_n3A_2143 : vector<16xf32>
      %select_n3A_2148 = arith.select %gt3A_2147, %select_n3A_1976, %select_n3A_2143 : vector<16xi1>, vector<16xf32>
      %jit3A_2149 = arith.constant 2.200000e+01 : f32
      %broadcast_in_dim3A_2150 = vector.broadcast %jit3A_2149 : f32 to vector<16xf32>
      %select_n3A_2151 = arith.select %gt3A_2147, %broadcast_in_dim3A_2150, %select_n3A_2146 : vector<16xi1>, vector<16xf32>
      %gt3A_2152 = arith.cmpf ogt, %select_n3A_1983, %select_n3A_2148 : vector<16xf32>
      %select_n3A_2153 = arith.select %gt3A_2152, %select_n3A_1983, %select_n3A_2148 : vector<16xi1>, vector<16xf32>
      %jit3A_2154 = arith.constant 2.300000e+01 : f32
      %broadcast_in_dim3A_2155 = vector.broadcast %jit3A_2154 : f32 to vector<16xf32>
      %select_n3A_2156 = arith.select %gt3A_2152, %broadcast_in_dim3A_2155, %select_n3A_2151 : vector<16xi1>, vector<16xf32>
      %gt3A_2157 = arith.cmpf ogt, %select_n3A_1990, %select_n3A_2153 : vector<16xf32>
      %select_n3A_2158 = arith.select %gt3A_2157, %select_n3A_1990, %select_n3A_2153 : vector<16xi1>, vector<16xf32>
      %jit3A_2159 = arith.constant 2.400000e+01 : f32
      %broadcast_in_dim3A_2160 = vector.broadcast %jit3A_2159 : f32 to vector<16xf32>
      %select_n3A_2161 = arith.select %gt3A_2157, %broadcast_in_dim3A_2160, %select_n3A_2156 : vector<16xi1>, vector<16xf32>
      %gt3A_2162 = arith.cmpf ogt, %select_n3A_1997, %select_n3A_2158 : vector<16xf32>
      %select_n3A_2163 = arith.select %gt3A_2162, %select_n3A_1997, %select_n3A_2158 : vector<16xi1>, vector<16xf32>
      %jit3A_2164 = arith.constant 2.500000e+01 : f32
      %broadcast_in_dim3A_2165 = vector.broadcast %jit3A_2164 : f32 to vector<16xf32>
      %select_n3A_2166 = arith.select %gt3A_2162, %broadcast_in_dim3A_2165, %select_n3A_2161 : vector<16xi1>, vector<16xf32>
      %gt3A_2167 = arith.cmpf ogt, %select_n3A_2004, %select_n3A_2163 : vector<16xf32>
      %select_n3A_2168 = arith.select %gt3A_2167, %select_n3A_2004, %select_n3A_2163 : vector<16xi1>, vector<16xf32>
      %jit3A_2169 = arith.constant 2.600000e+01 : f32
      %broadcast_in_dim3A_2170 = vector.broadcast %jit3A_2169 : f32 to vector<16xf32>
      %select_n3A_2171 = arith.select %gt3A_2167, %broadcast_in_dim3A_2170, %select_n3A_2166 : vector<16xi1>, vector<16xf32>
      %gt3A_2172 = arith.cmpf ogt, %select_n3A_2011, %select_n3A_2168 : vector<16xf32>
      %select_n3A_2173 = arith.select %gt3A_2172, %select_n3A_2011, %select_n3A_2168 : vector<16xi1>, vector<16xf32>
      %jit3A_2174 = arith.constant 2.700000e+01 : f32
      %broadcast_in_dim3A_2175 = vector.broadcast %jit3A_2174 : f32 to vector<16xf32>
      %select_n3A_2176 = arith.select %gt3A_2172, %broadcast_in_dim3A_2175, %select_n3A_2171 : vector<16xi1>, vector<16xf32>
      %gt3A_2177 = arith.cmpf ogt, %select_n3A_2018, %select_n3A_2173 : vector<16xf32>
      %select_n3A_2178 = arith.select %gt3A_2177, %select_n3A_2018, %select_n3A_2173 : vector<16xi1>, vector<16xf32>
      %jit3A_2179 = arith.constant 2.800000e+01 : f32
      %broadcast_in_dim3A_2180 = vector.broadcast %jit3A_2179 : f32 to vector<16xf32>
      %select_n3A_2181 = arith.select %gt3A_2177, %broadcast_in_dim3A_2180, %select_n3A_2176 : vector<16xi1>, vector<16xf32>
      %gt3A_2182 = arith.cmpf ogt, %select_n3A_2025, %select_n3A_2178 : vector<16xf32>
      %select_n3A_2183 = arith.select %gt3A_2182, %select_n3A_2025, %select_n3A_2178 : vector<16xi1>, vector<16xf32>
      %jit3A_2184 = arith.constant 2.900000e+01 : f32
      %broadcast_in_dim3A_2185 = vector.broadcast %jit3A_2184 : f32 to vector<16xf32>
      %select_n3A_2186 = arith.select %gt3A_2182, %broadcast_in_dim3A_2185, %select_n3A_2181 : vector<16xi1>, vector<16xf32>
      %gt3A_2187 = arith.cmpf ogt, %select_n3A_2032, %select_n3A_2183 : vector<16xf32>
      %select_n3A_2188 = arith.select %gt3A_2187, %select_n3A_2032, %select_n3A_2183 : vector<16xi1>, vector<16xf32>
      %jit3A_2189 = arith.constant 3.000000e+01 : f32
      %broadcast_in_dim3A_2190 = vector.broadcast %jit3A_2189 : f32 to vector<16xf32>
      %select_n3A_2191 = arith.select %gt3A_2187, %broadcast_in_dim3A_2190, %select_n3A_2186 : vector<16xi1>, vector<16xf32>
      %gt3A_2192 = arith.cmpf ogt, %select_n3A_2039, %select_n3A_2188 : vector<16xf32>
      %select_n3A_2193 = arith.select %gt3A_2192, %select_n3A_2039, %select_n3A_2188 : vector<16xi1>, vector<16xf32>
      %jit3A_2194 = arith.constant 3.100000e+01 : f32
      %broadcast_in_dim3A_2195 = vector.broadcast %jit3A_2194 : f32 to vector<16xf32>
      %select_n3A_2196 = arith.select %gt3A_2192, %broadcast_in_dim3A_2195, %select_n3A_2191 : vector<16xi1>, vector<16xf32>
      %eq3A_2197 = arith.constant 0.000000e+00 : f32
      %eq3A_2198 = vector.broadcast %eq3A_2197 : f32 to vector<16xf32>
      %eq3A_2199 = arith.cmpf oeq, %select_n3A_2196, %eq3A_2198 : vector<16xf32>
      %or3A_2200 = arith.ori %or3A_1819, %eq3A_2199 : vector<16xi1>
      %jit3A_2201 = arith.constant -1.000000e+30 : f32
      %broadcast_in_dim3A_2202 = vector.broadcast %jit3A_2201 : f32 to vector<16xf32>
      %select_n3A_2203 = arith.select %eq3A_2199, %broadcast_in_dim3A_2202, %select_n3A_1822 : vector<16xi1>, vector<16xf32>
      %eq3A_2204 = arith.constant 1.000000e+00 : f32
      %eq3A_2205 = vector.broadcast %eq3A_2204 : f32 to vector<16xf32>
      %eq3A_2206 = arith.cmpf oeq, %select_n3A_2196, %eq3A_2205 : vector<16xf32>
      %or3A_2207 = arith.ori %or3A_1826, %eq3A_2206 : vector<16xi1>
      %jit3A_2208 = arith.constant -1.000000e+30 : f32
      %broadcast_in_dim3A_2209 = vector.broadcast %jit3A_2208 : f32 to vector<16xf32>
      %select_n3A_2210 = arith.select %eq3A_2206, %broadcast_in_dim3A_2209, %select_n3A_1829 : vector<16xi1>, vector<16xf32>
      %eq3A_2211 = arith.constant 2.000000e+00 : f32
      %eq3A_2212 = vector.broadcast %eq3A_2211 : f32 to vector<16xf32>
      %eq3A_2213 = arith.cmpf oeq, %select_n3A_2196, %eq3A_2212 : vector<16xf32>
      %or3A_2214 = arith.ori %or3A_1833, %eq3A_2213 : vector<16xi1>
      %jit3A_2215 = arith.constant -1.000000e+30 : f32
      %broadcast_in_dim3A_2216 = vector.broadcast %jit3A_2215 : f32 to vector<16xf32>
      %select_n3A_2217 = arith.select %eq3A_2213, %broadcast_in_dim3A_2216, %select_n3A_1836 : vector<16xi1>, vector<16xf32>
      %eq3A_2218 = arith.constant 3.000000e+00 : f32
      %eq3A_2219 = vector.broadcast %eq3A_2218 : f32 to vector<16xf32>
      %eq3A_2220 = arith.cmpf oeq, %select_n3A_2196, %eq3A_2219 : vector<16xf32>
      %or3A_2221 = arith.ori %or3A_1840, %eq3A_2220 : vector<16xi1>
      %jit3A_2222 = arith.constant -1.000000e+30 : f32
      %broadcast_in_dim3A_2223 = vector.broadcast %jit3A_2222 : f32 to vector<16xf32>
      %select_n3A_2224 = arith.select %eq3A_2220, %broadcast_in_dim3A_2223, %select_n3A_1843 : vector<16xi1>, vector<16xf32>
      %eq3A_2225 = arith.constant 4.000000e+00 : f32
      %eq3A_2226 = vector.broadcast %eq3A_2225 : f32 to vector<16xf32>
      %eq3A_2227 = arith.cmpf oeq, %select_n3A_2196, %eq3A_2226 : vector<16xf32>
      %or3A_2228 = arith.ori %or3A_1847, %eq3A_2227 : vector<16xi1>
      %jit3A_2229 = arith.constant -1.000000e+30 : f32
      %broadcast_in_dim3A_2230 = vector.broadcast %jit3A_2229 : f32 to vector<16xf32>
      %select_n3A_2231 = arith.select %eq3A_2227, %broadcast_in_dim3A_2230, %select_n3A_1850 : vector<16xi1>, vector<16xf32>
      %eq3A_2232 = arith.constant 5.000000e+00 : f32
      %eq3A_2233 = vector.broadcast %eq3A_2232 : f32 to vector<16xf32>
      %eq3A_2234 = arith.cmpf oeq, %select_n3A_2196, %eq3A_2233 : vector<16xf32>
      %or3A_2235 = arith.ori %or3A_1854, %eq3A_2234 : vector<16xi1>
      %jit3A_2236 = arith.constant -1.000000e+30 : f32
      %broadcast_in_dim3A_2237 = vector.broadcast %jit3A_2236 : f32 to vector<16xf32>
      %select_n3A_2238 = arith.select %eq3A_2234, %broadcast_in_dim3A_2237, %select_n3A_1857 : vector<16xi1>, vector<16xf32>
      %eq3A_2239 = arith.constant 6.000000e+00 : f32
      %eq3A_2240 = vector.broadcast %eq3A_2239 : f32 to vector<16xf32>
      %eq3A_2241 = arith.cmpf oeq, %select_n3A_2196, %eq3A_2240 : vector<16xf32>
      %or3A_2242 = arith.ori %or3A_1861, %eq3A_2241 : vector<16xi1>
      %jit3A_2243 = arith.constant -1.000000e+30 : f32
      %broadcast_in_dim3A_2244 = vector.broadcast %jit3A_2243 : f32 to vector<16xf32>
      %select_n3A_2245 = arith.select %eq3A_2241, %broadcast_in_dim3A_2244, %select_n3A_1864 : vector<16xi1>, vector<16xf32>
      %eq3A_2246 = arith.constant 7.000000e+00 : f32
      %eq3A_2247 = vector.broadcast %eq3A_2246 : f32 to vector<16xf32>
      %eq3A_2248 = arith.cmpf oeq, %select_n3A_2196, %eq3A_2247 : vector<16xf32>
      %or3A_2249 = arith.ori %or3A_1868, %eq3A_2248 : vector<16xi1>
      %jit3A_2250 = arith.constant -1.000000e+30 : f32
      %broadcast_in_dim3A_2251 = vector.broadcast %jit3A_2250 : f32 to vector<16xf32>
      %select_n3A_2252 = arith.select %eq3A_2248, %broadcast_in_dim3A_2251, %select_n3A_1871 : vector<16xi1>, vector<16xf32>
      %eq3A_2253 = arith.constant 8.000000e+00 : f32
      %eq3A_2254 = vector.broadcast %eq3A_2253 : f32 to vector<16xf32>
      %eq3A_2255 = arith.cmpf oeq, %select_n3A_2196, %eq3A_2254 : vector<16xf32>
      %or3A_2256 = arith.ori %or3A_1875, %eq3A_2255 : vector<16xi1>
      %jit3A_2257 = arith.constant -1.000000e+30 : f32
      %broadcast_in_dim3A_2258 = vector.broadcast %jit3A_2257 : f32 to vector<16xf32>
      %select_n3A_2259 = arith.select %eq3A_2255, %broadcast_in_dim3A_2258, %select_n3A_1878 : vector<16xi1>, vector<16xf32>
      %eq3A_2260 = arith.constant 9.000000e+00 : f32
      %eq3A_2261 = vector.broadcast %eq3A_2260 : f32 to vector<16xf32>
      %eq3A_2262 = arith.cmpf oeq, %select_n3A_2196, %eq3A_2261 : vector<16xf32>
      %or3A_2263 = arith.ori %or3A_1882, %eq3A_2262 : vector<16xi1>
      %jit3A_2264 = arith.constant -1.000000e+30 : f32
      %broadcast_in_dim3A_2265 = vector.broadcast %jit3A_2264 : f32 to vector<16xf32>
      %select_n3A_2266 = arith.select %eq3A_2262, %broadcast_in_dim3A_2265, %select_n3A_1885 : vector<16xi1>, vector<16xf32>
      %eq3A_2267 = arith.constant 1.000000e+01 : f32
      %eq3A_2268 = vector.broadcast %eq3A_2267 : f32 to vector<16xf32>
      %eq3A_2269 = arith.cmpf oeq, %select_n3A_2196, %eq3A_2268 : vector<16xf32>
      %or3A_2270 = arith.ori %or3A_1889, %eq3A_2269 : vector<16xi1>
      %jit3A_2271 = arith.constant -1.000000e+30 : f32
      %broadcast_in_dim3A_2272 = vector.broadcast %jit3A_2271 : f32 to vector<16xf32>
      %select_n3A_2273 = arith.select %eq3A_2269, %broadcast_in_dim3A_2272, %select_n3A_1892 : vector<16xi1>, vector<16xf32>
      %eq3A_2274 = arith.constant 1.100000e+01 : f32
      %eq3A_2275 = vector.broadcast %eq3A_2274 : f32 to vector<16xf32>
      %eq3A_2276 = arith.cmpf oeq, %select_n3A_2196, %eq3A_2275 : vector<16xf32>
      %or3A_2277 = arith.ori %or3A_1896, %eq3A_2276 : vector<16xi1>
      %jit3A_2278 = arith.constant -1.000000e+30 : f32
      %broadcast_in_dim3A_2279 = vector.broadcast %jit3A_2278 : f32 to vector<16xf32>
      %select_n3A_2280 = arith.select %eq3A_2276, %broadcast_in_dim3A_2279, %select_n3A_1899 : vector<16xi1>, vector<16xf32>
      %eq3A_2281 = arith.constant 1.200000e+01 : f32
      %eq3A_2282 = vector.broadcast %eq3A_2281 : f32 to vector<16xf32>
      %eq3A_2283 = arith.cmpf oeq, %select_n3A_2196, %eq3A_2282 : vector<16xf32>
      %or3A_2284 = arith.ori %or3A_1903, %eq3A_2283 : vector<16xi1>
      %jit3A_2285 = arith.constant -1.000000e+30 : f32
      %broadcast_in_dim3A_2286 = vector.broadcast %jit3A_2285 : f32 to vector<16xf32>
      %select_n3A_2287 = arith.select %eq3A_2283, %broadcast_in_dim3A_2286, %select_n3A_1906 : vector<16xi1>, vector<16xf32>
      %eq3A_2288 = arith.constant 1.300000e+01 : f32
      %eq3A_2289 = vector.broadcast %eq3A_2288 : f32 to vector<16xf32>
      %eq3A_2290 = arith.cmpf oeq, %select_n3A_2196, %eq3A_2289 : vector<16xf32>
      %or3A_2291 = arith.ori %or3A_1910, %eq3A_2290 : vector<16xi1>
      %jit3A_2292 = arith.constant -1.000000e+30 : f32
      %broadcast_in_dim3A_2293 = vector.broadcast %jit3A_2292 : f32 to vector<16xf32>
      %select_n3A_2294 = arith.select %eq3A_2290, %broadcast_in_dim3A_2293, %select_n3A_1913 : vector<16xi1>, vector<16xf32>
      %eq3A_2295 = arith.constant 1.400000e+01 : f32
      %eq3A_2296 = vector.broadcast %eq3A_2295 : f32 to vector<16xf32>
      %eq3A_2297 = arith.cmpf oeq, %select_n3A_2196, %eq3A_2296 : vector<16xf32>
      %or3A_2298 = arith.ori %or3A_1917, %eq3A_2297 : vector<16xi1>
      %jit3A_2299 = arith.constant -1.000000e+30 : f32
      %broadcast_in_dim3A_2300 = vector.broadcast %jit3A_2299 : f32 to vector<16xf32>
      %select_n3A_2301 = arith.select %eq3A_2297, %broadcast_in_dim3A_2300, %select_n3A_1920 : vector<16xi1>, vector<16xf32>
      %eq3A_2302 = arith.constant 1.500000e+01 : f32
      %eq3A_2303 = vector.broadcast %eq3A_2302 : f32 to vector<16xf32>
      %eq3A_2304 = arith.cmpf oeq, %select_n3A_2196, %eq3A_2303 : vector<16xf32>
      %or3A_2305 = arith.ori %or3A_1924, %eq3A_2304 : vector<16xi1>
      %jit3A_2306 = arith.constant -1.000000e+30 : f32
      %broadcast_in_dim3A_2307 = vector.broadcast %jit3A_2306 : f32 to vector<16xf32>
      %select_n3A_2308 = arith.select %eq3A_2304, %broadcast_in_dim3A_2307, %select_n3A_1927 : vector<16xi1>, vector<16xf32>
      %eq3A_2309 = arith.constant 1.600000e+01 : f32
      %eq3A_2310 = vector.broadcast %eq3A_2309 : f32 to vector<16xf32>
      %eq3A_2311 = arith.cmpf oeq, %select_n3A_2196, %eq3A_2310 : vector<16xf32>
      %or3A_2312 = arith.ori %or3A_1931, %eq3A_2311 : vector<16xi1>
      %jit3A_2313 = arith.constant -1.000000e+30 : f32
      %broadcast_in_dim3A_2314 = vector.broadcast %jit3A_2313 : f32 to vector<16xf32>
      %select_n3A_2315 = arith.select %eq3A_2311, %broadcast_in_dim3A_2314, %select_n3A_1934 : vector<16xi1>, vector<16xf32>
      %eq3A_2316 = arith.constant 1.700000e+01 : f32
      %eq3A_2317 = vector.broadcast %eq3A_2316 : f32 to vector<16xf32>
      %eq3A_2318 = arith.cmpf oeq, %select_n3A_2196, %eq3A_2317 : vector<16xf32>
      %or3A_2319 = arith.ori %or3A_1938, %eq3A_2318 : vector<16xi1>
      %jit3A_2320 = arith.constant -1.000000e+30 : f32
      %broadcast_in_dim3A_2321 = vector.broadcast %jit3A_2320 : f32 to vector<16xf32>
      %select_n3A_2322 = arith.select %eq3A_2318, %broadcast_in_dim3A_2321, %select_n3A_1941 : vector<16xi1>, vector<16xf32>
      %eq3A_2323 = arith.constant 1.800000e+01 : f32
      %eq3A_2324 = vector.broadcast %eq3A_2323 : f32 to vector<16xf32>
      %eq3A_2325 = arith.cmpf oeq, %select_n3A_2196, %eq3A_2324 : vector<16xf32>
      %or3A_2326 = arith.ori %or3A_1945, %eq3A_2325 : vector<16xi1>
      %jit3A_2327 = arith.constant -1.000000e+30 : f32
      %broadcast_in_dim3A_2328 = vector.broadcast %jit3A_2327 : f32 to vector<16xf32>
      %select_n3A_2329 = arith.select %eq3A_2325, %broadcast_in_dim3A_2328, %select_n3A_1948 : vector<16xi1>, vector<16xf32>
      %eq3A_2330 = arith.constant 1.900000e+01 : f32
      %eq3A_2331 = vector.broadcast %eq3A_2330 : f32 to vector<16xf32>
      %eq3A_2332 = arith.cmpf oeq, %select_n3A_2196, %eq3A_2331 : vector<16xf32>
      %or3A_2333 = arith.ori %or3A_1952, %eq3A_2332 : vector<16xi1>
      %jit3A_2334 = arith.constant -1.000000e+30 : f32
      %broadcast_in_dim3A_2335 = vector.broadcast %jit3A_2334 : f32 to vector<16xf32>
      %select_n3A_2336 = arith.select %eq3A_2332, %broadcast_in_dim3A_2335, %select_n3A_1955 : vector<16xi1>, vector<16xf32>
      %eq3A_2337 = arith.constant 2.000000e+01 : f32
      %eq3A_2338 = vector.broadcast %eq3A_2337 : f32 to vector<16xf32>
      %eq3A_2339 = arith.cmpf oeq, %select_n3A_2196, %eq3A_2338 : vector<16xf32>
      %or3A_2340 = arith.ori %or3A_1959, %eq3A_2339 : vector<16xi1>
      %jit3A_2341 = arith.constant -1.000000e+30 : f32
      %broadcast_in_dim3A_2342 = vector.broadcast %jit3A_2341 : f32 to vector<16xf32>
      %select_n3A_2343 = arith.select %eq3A_2339, %broadcast_in_dim3A_2342, %select_n3A_1962 : vector<16xi1>, vector<16xf32>
      %eq3A_2344 = arith.constant 2.100000e+01 : f32
      %eq3A_2345 = vector.broadcast %eq3A_2344 : f32 to vector<16xf32>
      %eq3A_2346 = arith.cmpf oeq, %select_n3A_2196, %eq3A_2345 : vector<16xf32>
      %or3A_2347 = arith.ori %or3A_1966, %eq3A_2346 : vector<16xi1>
      %jit3A_2348 = arith.constant -1.000000e+30 : f32
      %broadcast_in_dim3A_2349 = vector.broadcast %jit3A_2348 : f32 to vector<16xf32>
      %select_n3A_2350 = arith.select %eq3A_2346, %broadcast_in_dim3A_2349, %select_n3A_1969 : vector<16xi1>, vector<16xf32>
      %eq3A_2351 = arith.constant 2.200000e+01 : f32
      %eq3A_2352 = vector.broadcast %eq3A_2351 : f32 to vector<16xf32>
      %eq3A_2353 = arith.cmpf oeq, %select_n3A_2196, %eq3A_2352 : vector<16xf32>
      %or3A_2354 = arith.ori %or3A_1973, %eq3A_2353 : vector<16xi1>
      %jit3A_2355 = arith.constant -1.000000e+30 : f32
      %broadcast_in_dim3A_2356 = vector.broadcast %jit3A_2355 : f32 to vector<16xf32>
      %select_n3A_2357 = arith.select %eq3A_2353, %broadcast_in_dim3A_2356, %select_n3A_1976 : vector<16xi1>, vector<16xf32>
      %eq3A_2358 = arith.constant 2.300000e+01 : f32
      %eq3A_2359 = vector.broadcast %eq3A_2358 : f32 to vector<16xf32>
      %eq3A_2360 = arith.cmpf oeq, %select_n3A_2196, %eq3A_2359 : vector<16xf32>
      %or3A_2361 = arith.ori %or3A_1980, %eq3A_2360 : vector<16xi1>
      %jit3A_2362 = arith.constant -1.000000e+30 : f32
      %broadcast_in_dim3A_2363 = vector.broadcast %jit3A_2362 : f32 to vector<16xf32>
      %select_n3A_2364 = arith.select %eq3A_2360, %broadcast_in_dim3A_2363, %select_n3A_1983 : vector<16xi1>, vector<16xf32>
      %eq3A_2365 = arith.constant 2.400000e+01 : f32
      %eq3A_2366 = vector.broadcast %eq3A_2365 : f32 to vector<16xf32>
      %eq3A_2367 = arith.cmpf oeq, %select_n3A_2196, %eq3A_2366 : vector<16xf32>
      %or3A_2368 = arith.ori %or3A_1987, %eq3A_2367 : vector<16xi1>
      %jit3A_2369 = arith.constant -1.000000e+30 : f32
      %broadcast_in_dim3A_2370 = vector.broadcast %jit3A_2369 : f32 to vector<16xf32>
      %select_n3A_2371 = arith.select %eq3A_2367, %broadcast_in_dim3A_2370, %select_n3A_1990 : vector<16xi1>, vector<16xf32>
      %eq3A_2372 = arith.constant 2.500000e+01 : f32
      %eq3A_2373 = vector.broadcast %eq3A_2372 : f32 to vector<16xf32>
      %eq3A_2374 = arith.cmpf oeq, %select_n3A_2196, %eq3A_2373 : vector<16xf32>
      %or3A_2375 = arith.ori %or3A_1994, %eq3A_2374 : vector<16xi1>
      %jit3A_2376 = arith.constant -1.000000e+30 : f32
      %broadcast_in_dim3A_2377 = vector.broadcast %jit3A_2376 : f32 to vector<16xf32>
      %select_n3A_2378 = arith.select %eq3A_2374, %broadcast_in_dim3A_2377, %select_n3A_1997 : vector<16xi1>, vector<16xf32>
      %eq3A_2379 = arith.constant 2.600000e+01 : f32
      %eq3A_2380 = vector.broadcast %eq3A_2379 : f32 to vector<16xf32>
      %eq3A_2381 = arith.cmpf oeq, %select_n3A_2196, %eq3A_2380 : vector<16xf32>
      %or3A_2382 = arith.ori %or3A_2001, %eq3A_2381 : vector<16xi1>
      %jit3A_2383 = arith.constant -1.000000e+30 : f32
      %broadcast_in_dim3A_2384 = vector.broadcast %jit3A_2383 : f32 to vector<16xf32>
      %select_n3A_2385 = arith.select %eq3A_2381, %broadcast_in_dim3A_2384, %select_n3A_2004 : vector<16xi1>, vector<16xf32>
      %eq3A_2386 = arith.constant 2.700000e+01 : f32
      %eq3A_2387 = vector.broadcast %eq3A_2386 : f32 to vector<16xf32>
      %eq3A_2388 = arith.cmpf oeq, %select_n3A_2196, %eq3A_2387 : vector<16xf32>
      %or3A_2389 = arith.ori %or3A_2008, %eq3A_2388 : vector<16xi1>
      %jit3A_2390 = arith.constant -1.000000e+30 : f32
      %broadcast_in_dim3A_2391 = vector.broadcast %jit3A_2390 : f32 to vector<16xf32>
      %select_n3A_2392 = arith.select %eq3A_2388, %broadcast_in_dim3A_2391, %select_n3A_2011 : vector<16xi1>, vector<16xf32>
      %eq3A_2393 = arith.constant 2.800000e+01 : f32
      %eq3A_2394 = vector.broadcast %eq3A_2393 : f32 to vector<16xf32>
      %eq3A_2395 = arith.cmpf oeq, %select_n3A_2196, %eq3A_2394 : vector<16xf32>
      %or3A_2396 = arith.ori %or3A_2015, %eq3A_2395 : vector<16xi1>
      %jit3A_2397 = arith.constant -1.000000e+30 : f32
      %broadcast_in_dim3A_2398 = vector.broadcast %jit3A_2397 : f32 to vector<16xf32>
      %select_n3A_2399 = arith.select %eq3A_2395, %broadcast_in_dim3A_2398, %select_n3A_2018 : vector<16xi1>, vector<16xf32>
      %eq3A_2400 = arith.constant 2.900000e+01 : f32
      %eq3A_2401 = vector.broadcast %eq3A_2400 : f32 to vector<16xf32>
      %eq3A_2402 = arith.cmpf oeq, %select_n3A_2196, %eq3A_2401 : vector<16xf32>
      %or3A_2403 = arith.ori %or3A_2022, %eq3A_2402 : vector<16xi1>
      %jit3A_2404 = arith.constant -1.000000e+30 : f32
      %broadcast_in_dim3A_2405 = vector.broadcast %jit3A_2404 : f32 to vector<16xf32>
      %select_n3A_2406 = arith.select %eq3A_2402, %broadcast_in_dim3A_2405, %select_n3A_2025 : vector<16xi1>, vector<16xf32>
      %eq3A_2407 = arith.constant 3.000000e+01 : f32
      %eq3A_2408 = vector.broadcast %eq3A_2407 : f32 to vector<16xf32>
      %eq3A_2409 = arith.cmpf oeq, %select_n3A_2196, %eq3A_2408 : vector<16xf32>
      %or3A_2410 = arith.ori %or3A_2029, %eq3A_2409 : vector<16xi1>
      %jit3A_2411 = arith.constant -1.000000e+30 : f32
      %broadcast_in_dim3A_2412 = vector.broadcast %jit3A_2411 : f32 to vector<16xf32>
      %select_n3A_2413 = arith.select %eq3A_2409, %broadcast_in_dim3A_2412, %select_n3A_2032 : vector<16xi1>, vector<16xf32>
      %eq3A_2414 = arith.constant 3.100000e+01 : f32
      %eq3A_2415 = vector.broadcast %eq3A_2414 : f32 to vector<16xf32>
      %eq3A_2416 = arith.cmpf oeq, %select_n3A_2196, %eq3A_2415 : vector<16xf32>
      %or3A_2417 = arith.ori %or3A_2036, %eq3A_2416 : vector<16xi1>
      %jit3A_2418 = arith.constant -1.000000e+30 : f32
      %broadcast_in_dim3A_2419 = vector.broadcast %jit3A_2418 : f32 to vector<16xf32>
      %select_n3A_2420 = arith.select %eq3A_2416, %broadcast_in_dim3A_2419, %select_n3A_2039 : vector<16xi1>, vector<16xf32>
      %broadcast_in_dim3A_2421 = arith.constant 0.000000e+00 : f32
      %broadcast_in_dim3A_2422 = vector.broadcast %broadcast_in_dim3A_2421 : f32 to vector<16xf32>
      %gt3A_2423 = arith.cmpf ogt, %select_n3A_2210, %select_n3A_2203 : vector<16xf32>
      %select_n3A_2424 = arith.select %gt3A_2423, %select_n3A_2210, %select_n3A_2203 : vector<16xi1>, vector<16xf32>
      %jit3A_2425 = arith.constant 1.000000e+00 : f32
      %broadcast_in_dim3A_2426 = vector.broadcast %jit3A_2425 : f32 to vector<16xf32>
      %select_n3A_2427 = arith.select %gt3A_2423, %broadcast_in_dim3A_2426, %broadcast_in_dim3A_2422 : vector<16xi1>, vector<16xf32>
      %gt3A_2428 = arith.cmpf ogt, %select_n3A_2217, %select_n3A_2424 : vector<16xf32>
      %select_n3A_2429 = arith.select %gt3A_2428, %select_n3A_2217, %select_n3A_2424 : vector<16xi1>, vector<16xf32>
      %jit3A_2430 = arith.constant 2.000000e+00 : f32
      %broadcast_in_dim3A_2431 = vector.broadcast %jit3A_2430 : f32 to vector<16xf32>
      %select_n3A_2432 = arith.select %gt3A_2428, %broadcast_in_dim3A_2431, %select_n3A_2427 : vector<16xi1>, vector<16xf32>
      %gt3A_2433 = arith.cmpf ogt, %select_n3A_2224, %select_n3A_2429 : vector<16xf32>
      %select_n3A_2434 = arith.select %gt3A_2433, %select_n3A_2224, %select_n3A_2429 : vector<16xi1>, vector<16xf32>
      %jit3A_2435 = arith.constant 3.000000e+00 : f32
      %broadcast_in_dim3A_2436 = vector.broadcast %jit3A_2435 : f32 to vector<16xf32>
      %select_n3A_2437 = arith.select %gt3A_2433, %broadcast_in_dim3A_2436, %select_n3A_2432 : vector<16xi1>, vector<16xf32>
      %gt3A_2438 = arith.cmpf ogt, %select_n3A_2231, %select_n3A_2434 : vector<16xf32>
      %select_n3A_2439 = arith.select %gt3A_2438, %select_n3A_2231, %select_n3A_2434 : vector<16xi1>, vector<16xf32>
      %jit3A_2440 = arith.constant 4.000000e+00 : f32
      %broadcast_in_dim3A_2441 = vector.broadcast %jit3A_2440 : f32 to vector<16xf32>
      %select_n3A_2442 = arith.select %gt3A_2438, %broadcast_in_dim3A_2441, %select_n3A_2437 : vector<16xi1>, vector<16xf32>
      %gt3A_2443 = arith.cmpf ogt, %select_n3A_2238, %select_n3A_2439 : vector<16xf32>
      %select_n3A_2444 = arith.select %gt3A_2443, %select_n3A_2238, %select_n3A_2439 : vector<16xi1>, vector<16xf32>
      %jit3A_2445 = arith.constant 5.000000e+00 : f32
      %broadcast_in_dim3A_2446 = vector.broadcast %jit3A_2445 : f32 to vector<16xf32>
      %select_n3A_2447 = arith.select %gt3A_2443, %broadcast_in_dim3A_2446, %select_n3A_2442 : vector<16xi1>, vector<16xf32>
      %gt3A_2448 = arith.cmpf ogt, %select_n3A_2245, %select_n3A_2444 : vector<16xf32>
      %select_n3A_2449 = arith.select %gt3A_2448, %select_n3A_2245, %select_n3A_2444 : vector<16xi1>, vector<16xf32>
      %jit3A_2450 = arith.constant 6.000000e+00 : f32
      %broadcast_in_dim3A_2451 = vector.broadcast %jit3A_2450 : f32 to vector<16xf32>
      %select_n3A_2452 = arith.select %gt3A_2448, %broadcast_in_dim3A_2451, %select_n3A_2447 : vector<16xi1>, vector<16xf32>
      %gt3A_2453 = arith.cmpf ogt, %select_n3A_2252, %select_n3A_2449 : vector<16xf32>
      %select_n3A_2454 = arith.select %gt3A_2453, %select_n3A_2252, %select_n3A_2449 : vector<16xi1>, vector<16xf32>
      %jit3A_2455 = arith.constant 7.000000e+00 : f32
      %broadcast_in_dim3A_2456 = vector.broadcast %jit3A_2455 : f32 to vector<16xf32>
      %select_n3A_2457 = arith.select %gt3A_2453, %broadcast_in_dim3A_2456, %select_n3A_2452 : vector<16xi1>, vector<16xf32>
      %gt3A_2458 = arith.cmpf ogt, %select_n3A_2259, %select_n3A_2454 : vector<16xf32>
      %select_n3A_2459 = arith.select %gt3A_2458, %select_n3A_2259, %select_n3A_2454 : vector<16xi1>, vector<16xf32>
      %jit3A_2460 = arith.constant 8.000000e+00 : f32
      %broadcast_in_dim3A_2461 = vector.broadcast %jit3A_2460 : f32 to vector<16xf32>
      %select_n3A_2462 = arith.select %gt3A_2458, %broadcast_in_dim3A_2461, %select_n3A_2457 : vector<16xi1>, vector<16xf32>
      %gt3A_2463 = arith.cmpf ogt, %select_n3A_2266, %select_n3A_2459 : vector<16xf32>
      %select_n3A_2464 = arith.select %gt3A_2463, %select_n3A_2266, %select_n3A_2459 : vector<16xi1>, vector<16xf32>
      %jit3A_2465 = arith.constant 9.000000e+00 : f32
      %broadcast_in_dim3A_2466 = vector.broadcast %jit3A_2465 : f32 to vector<16xf32>
      %select_n3A_2467 = arith.select %gt3A_2463, %broadcast_in_dim3A_2466, %select_n3A_2462 : vector<16xi1>, vector<16xf32>
      %gt3A_2468 = arith.cmpf ogt, %select_n3A_2273, %select_n3A_2464 : vector<16xf32>
      %select_n3A_2469 = arith.select %gt3A_2468, %select_n3A_2273, %select_n3A_2464 : vector<16xi1>, vector<16xf32>
      %jit3A_2470 = arith.constant 1.000000e+01 : f32
      %broadcast_in_dim3A_2471 = vector.broadcast %jit3A_2470 : f32 to vector<16xf32>
      %select_n3A_2472 = arith.select %gt3A_2468, %broadcast_in_dim3A_2471, %select_n3A_2467 : vector<16xi1>, vector<16xf32>
      %gt3A_2473 = arith.cmpf ogt, %select_n3A_2280, %select_n3A_2469 : vector<16xf32>
      %select_n3A_2474 = arith.select %gt3A_2473, %select_n3A_2280, %select_n3A_2469 : vector<16xi1>, vector<16xf32>
      %jit3A_2475 = arith.constant 1.100000e+01 : f32
      %broadcast_in_dim3A_2476 = vector.broadcast %jit3A_2475 : f32 to vector<16xf32>
      %select_n3A_2477 = arith.select %gt3A_2473, %broadcast_in_dim3A_2476, %select_n3A_2472 : vector<16xi1>, vector<16xf32>
      %gt3A_2478 = arith.cmpf ogt, %select_n3A_2287, %select_n3A_2474 : vector<16xf32>
      %select_n3A_2479 = arith.select %gt3A_2478, %select_n3A_2287, %select_n3A_2474 : vector<16xi1>, vector<16xf32>
      %jit3A_2480 = arith.constant 1.200000e+01 : f32
      %broadcast_in_dim3A_2481 = vector.broadcast %jit3A_2480 : f32 to vector<16xf32>
      %select_n3A_2482 = arith.select %gt3A_2478, %broadcast_in_dim3A_2481, %select_n3A_2477 : vector<16xi1>, vector<16xf32>
      %gt3A_2483 = arith.cmpf ogt, %select_n3A_2294, %select_n3A_2479 : vector<16xf32>
      %select_n3A_2484 = arith.select %gt3A_2483, %select_n3A_2294, %select_n3A_2479 : vector<16xi1>, vector<16xf32>
      %jit3A_2485 = arith.constant 1.300000e+01 : f32
      %broadcast_in_dim3A_2486 = vector.broadcast %jit3A_2485 : f32 to vector<16xf32>
      %select_n3A_2487 = arith.select %gt3A_2483, %broadcast_in_dim3A_2486, %select_n3A_2482 : vector<16xi1>, vector<16xf32>
      %gt3A_2488 = arith.cmpf ogt, %select_n3A_2301, %select_n3A_2484 : vector<16xf32>
      %select_n3A_2489 = arith.select %gt3A_2488, %select_n3A_2301, %select_n3A_2484 : vector<16xi1>, vector<16xf32>
      %jit3A_2490 = arith.constant 1.400000e+01 : f32
      %broadcast_in_dim3A_2491 = vector.broadcast %jit3A_2490 : f32 to vector<16xf32>
      %select_n3A_2492 = arith.select %gt3A_2488, %broadcast_in_dim3A_2491, %select_n3A_2487 : vector<16xi1>, vector<16xf32>
      %gt3A_2493 = arith.cmpf ogt, %select_n3A_2308, %select_n3A_2489 : vector<16xf32>
      %select_n3A_2494 = arith.select %gt3A_2493, %select_n3A_2308, %select_n3A_2489 : vector<16xi1>, vector<16xf32>
      %jit3A_2495 = arith.constant 1.500000e+01 : f32
      %broadcast_in_dim3A_2496 = vector.broadcast %jit3A_2495 : f32 to vector<16xf32>
      %select_n3A_2497 = arith.select %gt3A_2493, %broadcast_in_dim3A_2496, %select_n3A_2492 : vector<16xi1>, vector<16xf32>
      %gt3A_2498 = arith.cmpf ogt, %select_n3A_2315, %select_n3A_2494 : vector<16xf32>
      %select_n3A_2499 = arith.select %gt3A_2498, %select_n3A_2315, %select_n3A_2494 : vector<16xi1>, vector<16xf32>
      %jit3A_2500 = arith.constant 1.600000e+01 : f32
      %broadcast_in_dim3A_2501 = vector.broadcast %jit3A_2500 : f32 to vector<16xf32>
      %select_n3A_2502 = arith.select %gt3A_2498, %broadcast_in_dim3A_2501, %select_n3A_2497 : vector<16xi1>, vector<16xf32>
      %gt3A_2503 = arith.cmpf ogt, %select_n3A_2322, %select_n3A_2499 : vector<16xf32>
      %select_n3A_2504 = arith.select %gt3A_2503, %select_n3A_2322, %select_n3A_2499 : vector<16xi1>, vector<16xf32>
      %jit3A_2505 = arith.constant 1.700000e+01 : f32
      %broadcast_in_dim3A_2506 = vector.broadcast %jit3A_2505 : f32 to vector<16xf32>
      %select_n3A_2507 = arith.select %gt3A_2503, %broadcast_in_dim3A_2506, %select_n3A_2502 : vector<16xi1>, vector<16xf32>
      %gt3A_2508 = arith.cmpf ogt, %select_n3A_2329, %select_n3A_2504 : vector<16xf32>
      %select_n3A_2509 = arith.select %gt3A_2508, %select_n3A_2329, %select_n3A_2504 : vector<16xi1>, vector<16xf32>
      %jit3A_2510 = arith.constant 1.800000e+01 : f32
      %broadcast_in_dim3A_2511 = vector.broadcast %jit3A_2510 : f32 to vector<16xf32>
      %select_n3A_2512 = arith.select %gt3A_2508, %broadcast_in_dim3A_2511, %select_n3A_2507 : vector<16xi1>, vector<16xf32>
      %gt3A_2513 = arith.cmpf ogt, %select_n3A_2336, %select_n3A_2509 : vector<16xf32>
      %select_n3A_2514 = arith.select %gt3A_2513, %select_n3A_2336, %select_n3A_2509 : vector<16xi1>, vector<16xf32>
      %jit3A_2515 = arith.constant 1.900000e+01 : f32
      %broadcast_in_dim3A_2516 = vector.broadcast %jit3A_2515 : f32 to vector<16xf32>
      %select_n3A_2517 = arith.select %gt3A_2513, %broadcast_in_dim3A_2516, %select_n3A_2512 : vector<16xi1>, vector<16xf32>
      %gt3A_2518 = arith.cmpf ogt, %select_n3A_2343, %select_n3A_2514 : vector<16xf32>
      %select_n3A_2519 = arith.select %gt3A_2518, %select_n3A_2343, %select_n3A_2514 : vector<16xi1>, vector<16xf32>
      %jit3A_2520 = arith.constant 2.000000e+01 : f32
      %broadcast_in_dim3A_2521 = vector.broadcast %jit3A_2520 : f32 to vector<16xf32>
      %select_n3A_2522 = arith.select %gt3A_2518, %broadcast_in_dim3A_2521, %select_n3A_2517 : vector<16xi1>, vector<16xf32>
      %gt3A_2523 = arith.cmpf ogt, %select_n3A_2350, %select_n3A_2519 : vector<16xf32>
      %select_n3A_2524 = arith.select %gt3A_2523, %select_n3A_2350, %select_n3A_2519 : vector<16xi1>, vector<16xf32>
      %jit3A_2525 = arith.constant 2.100000e+01 : f32
      %broadcast_in_dim3A_2526 = vector.broadcast %jit3A_2525 : f32 to vector<16xf32>
      %select_n3A_2527 = arith.select %gt3A_2523, %broadcast_in_dim3A_2526, %select_n3A_2522 : vector<16xi1>, vector<16xf32>
      %gt3A_2528 = arith.cmpf ogt, %select_n3A_2357, %select_n3A_2524 : vector<16xf32>
      %select_n3A_2529 = arith.select %gt3A_2528, %select_n3A_2357, %select_n3A_2524 : vector<16xi1>, vector<16xf32>
      %jit3A_2530 = arith.constant 2.200000e+01 : f32
      %broadcast_in_dim3A_2531 = vector.broadcast %jit3A_2530 : f32 to vector<16xf32>
      %select_n3A_2532 = arith.select %gt3A_2528, %broadcast_in_dim3A_2531, %select_n3A_2527 : vector<16xi1>, vector<16xf32>
      %gt3A_2533 = arith.cmpf ogt, %select_n3A_2364, %select_n3A_2529 : vector<16xf32>
      %select_n3A_2534 = arith.select %gt3A_2533, %select_n3A_2364, %select_n3A_2529 : vector<16xi1>, vector<16xf32>
      %jit3A_2535 = arith.constant 2.300000e+01 : f32
      %broadcast_in_dim3A_2536 = vector.broadcast %jit3A_2535 : f32 to vector<16xf32>
      %select_n3A_2537 = arith.select %gt3A_2533, %broadcast_in_dim3A_2536, %select_n3A_2532 : vector<16xi1>, vector<16xf32>
      %gt3A_2538 = arith.cmpf ogt, %select_n3A_2371, %select_n3A_2534 : vector<16xf32>
      %select_n3A_2539 = arith.select %gt3A_2538, %select_n3A_2371, %select_n3A_2534 : vector<16xi1>, vector<16xf32>
      %jit3A_2540 = arith.constant 2.400000e+01 : f32
      %broadcast_in_dim3A_2541 = vector.broadcast %jit3A_2540 : f32 to vector<16xf32>
      %select_n3A_2542 = arith.select %gt3A_2538, %broadcast_in_dim3A_2541, %select_n3A_2537 : vector<16xi1>, vector<16xf32>
      %gt3A_2543 = arith.cmpf ogt, %select_n3A_2378, %select_n3A_2539 : vector<16xf32>
      %select_n3A_2544 = arith.select %gt3A_2543, %select_n3A_2378, %select_n3A_2539 : vector<16xi1>, vector<16xf32>
      %jit3A_2545 = arith.constant 2.500000e+01 : f32
      %broadcast_in_dim3A_2546 = vector.broadcast %jit3A_2545 : f32 to vector<16xf32>
      %select_n3A_2547 = arith.select %gt3A_2543, %broadcast_in_dim3A_2546, %select_n3A_2542 : vector<16xi1>, vector<16xf32>
      %gt3A_2548 = arith.cmpf ogt, %select_n3A_2385, %select_n3A_2544 : vector<16xf32>
      %select_n3A_2549 = arith.select %gt3A_2548, %select_n3A_2385, %select_n3A_2544 : vector<16xi1>, vector<16xf32>
      %jit3A_2550 = arith.constant 2.600000e+01 : f32
      %broadcast_in_dim3A_2551 = vector.broadcast %jit3A_2550 : f32 to vector<16xf32>
      %select_n3A_2552 = arith.select %gt3A_2548, %broadcast_in_dim3A_2551, %select_n3A_2547 : vector<16xi1>, vector<16xf32>
      %gt3A_2553 = arith.cmpf ogt, %select_n3A_2392, %select_n3A_2549 : vector<16xf32>
      %select_n3A_2554 = arith.select %gt3A_2553, %select_n3A_2392, %select_n3A_2549 : vector<16xi1>, vector<16xf32>
      %jit3A_2555 = arith.constant 2.700000e+01 : f32
      %broadcast_in_dim3A_2556 = vector.broadcast %jit3A_2555 : f32 to vector<16xf32>
      %select_n3A_2557 = arith.select %gt3A_2553, %broadcast_in_dim3A_2556, %select_n3A_2552 : vector<16xi1>, vector<16xf32>
      %gt3A_2558 = arith.cmpf ogt, %select_n3A_2399, %select_n3A_2554 : vector<16xf32>
      %select_n3A_2559 = arith.select %gt3A_2558, %select_n3A_2399, %select_n3A_2554 : vector<16xi1>, vector<16xf32>
      %jit3A_2560 = arith.constant 2.800000e+01 : f32
      %broadcast_in_dim3A_2561 = vector.broadcast %jit3A_2560 : f32 to vector<16xf32>
      %select_n3A_2562 = arith.select %gt3A_2558, %broadcast_in_dim3A_2561, %select_n3A_2557 : vector<16xi1>, vector<16xf32>
      %gt3A_2563 = arith.cmpf ogt, %select_n3A_2406, %select_n3A_2559 : vector<16xf32>
      %select_n3A_2564 = arith.select %gt3A_2563, %select_n3A_2406, %select_n3A_2559 : vector<16xi1>, vector<16xf32>
      %jit3A_2565 = arith.constant 2.900000e+01 : f32
      %broadcast_in_dim3A_2566 = vector.broadcast %jit3A_2565 : f32 to vector<16xf32>
      %select_n3A_2567 = arith.select %gt3A_2563, %broadcast_in_dim3A_2566, %select_n3A_2562 : vector<16xi1>, vector<16xf32>
      %gt3A_2568 = arith.cmpf ogt, %select_n3A_2413, %select_n3A_2564 : vector<16xf32>
      %select_n3A_2569 = arith.select %gt3A_2568, %select_n3A_2413, %select_n3A_2564 : vector<16xi1>, vector<16xf32>
      %jit3A_2570 = arith.constant 3.000000e+01 : f32
      %broadcast_in_dim3A_2571 = vector.broadcast %jit3A_2570 : f32 to vector<16xf32>
      %select_n3A_2572 = arith.select %gt3A_2568, %broadcast_in_dim3A_2571, %select_n3A_2567 : vector<16xi1>, vector<16xf32>
      %gt3A_2573 = arith.cmpf ogt, %select_n3A_2420, %select_n3A_2569 : vector<16xf32>
      %select_n3A_2574 = arith.select %gt3A_2573, %select_n3A_2420, %select_n3A_2569 : vector<16xi1>, vector<16xf32>
      %jit3A_2575 = arith.constant 3.100000e+01 : f32
      %broadcast_in_dim3A_2576 = vector.broadcast %jit3A_2575 : f32 to vector<16xf32>
      %select_n3A_2577 = arith.select %gt3A_2573, %broadcast_in_dim3A_2576, %select_n3A_2572 : vector<16xi1>, vector<16xf32>
      %eq3A_2578 = arith.constant 0.000000e+00 : f32
      %eq3A_2579 = vector.broadcast %eq3A_2578 : f32 to vector<16xf32>
      %eq3A_2580 = arith.cmpf oeq, %select_n3A_2577, %eq3A_2579 : vector<16xf32>
      %or3A_2581 = arith.ori %or3A_2200, %eq3A_2580 : vector<16xi1>
      %jit3A_2582 = arith.constant -1.000000e+30 : f32
      %broadcast_in_dim3A_2583 = vector.broadcast %jit3A_2582 : f32 to vector<16xf32>
      %select_n3A_2584 = arith.select %eq3A_2580, %broadcast_in_dim3A_2583, %select_n3A_2203 : vector<16xi1>, vector<16xf32>
      %eq3A_2585 = arith.constant 1.000000e+00 : f32
      %eq3A_2586 = vector.broadcast %eq3A_2585 : f32 to vector<16xf32>
      %eq3A_2587 = arith.cmpf oeq, %select_n3A_2577, %eq3A_2586 : vector<16xf32>
      %or3A_2588 = arith.ori %or3A_2207, %eq3A_2587 : vector<16xi1>
      %jit3A_2589 = arith.constant -1.000000e+30 : f32
      %broadcast_in_dim3A_2590 = vector.broadcast %jit3A_2589 : f32 to vector<16xf32>
      %select_n3A_2591 = arith.select %eq3A_2587, %broadcast_in_dim3A_2590, %select_n3A_2210 : vector<16xi1>, vector<16xf32>
      %eq3A_2592 = arith.constant 2.000000e+00 : f32
      %eq3A_2593 = vector.broadcast %eq3A_2592 : f32 to vector<16xf32>
      %eq3A_2594 = arith.cmpf oeq, %select_n3A_2577, %eq3A_2593 : vector<16xf32>
      %or3A_2595 = arith.ori %or3A_2214, %eq3A_2594 : vector<16xi1>
      %jit3A_2596 = arith.constant -1.000000e+30 : f32
      %broadcast_in_dim3A_2597 = vector.broadcast %jit3A_2596 : f32 to vector<16xf32>
      %select_n3A_2598 = arith.select %eq3A_2594, %broadcast_in_dim3A_2597, %select_n3A_2217 : vector<16xi1>, vector<16xf32>
      %eq3A_2599 = arith.constant 3.000000e+00 : f32
      %eq3A_2600 = vector.broadcast %eq3A_2599 : f32 to vector<16xf32>
      %eq3A_2601 = arith.cmpf oeq, %select_n3A_2577, %eq3A_2600 : vector<16xf32>
      %or3A_2602 = arith.ori %or3A_2221, %eq3A_2601 : vector<16xi1>
      %jit3A_2603 = arith.constant -1.000000e+30 : f32
      %broadcast_in_dim3A_2604 = vector.broadcast %jit3A_2603 : f32 to vector<16xf32>
      %select_n3A_2605 = arith.select %eq3A_2601, %broadcast_in_dim3A_2604, %select_n3A_2224 : vector<16xi1>, vector<16xf32>
      %eq3A_2606 = arith.constant 4.000000e+00 : f32
      %eq3A_2607 = vector.broadcast %eq3A_2606 : f32 to vector<16xf32>
      %eq3A_2608 = arith.cmpf oeq, %select_n3A_2577, %eq3A_2607 : vector<16xf32>
      %or3A_2609 = arith.ori %or3A_2228, %eq3A_2608 : vector<16xi1>
      %jit3A_2610 = arith.constant -1.000000e+30 : f32
      %broadcast_in_dim3A_2611 = vector.broadcast %jit3A_2610 : f32 to vector<16xf32>
      %select_n3A_2612 = arith.select %eq3A_2608, %broadcast_in_dim3A_2611, %select_n3A_2231 : vector<16xi1>, vector<16xf32>
      %eq3A_2613 = arith.constant 5.000000e+00 : f32
      %eq3A_2614 = vector.broadcast %eq3A_2613 : f32 to vector<16xf32>
      %eq3A_2615 = arith.cmpf oeq, %select_n3A_2577, %eq3A_2614 : vector<16xf32>
      %or3A_2616 = arith.ori %or3A_2235, %eq3A_2615 : vector<16xi1>
      %jit3A_2617 = arith.constant -1.000000e+30 : f32
      %broadcast_in_dim3A_2618 = vector.broadcast %jit3A_2617 : f32 to vector<16xf32>
      %select_n3A_2619 = arith.select %eq3A_2615, %broadcast_in_dim3A_2618, %select_n3A_2238 : vector<16xi1>, vector<16xf32>
      %eq3A_2620 = arith.constant 6.000000e+00 : f32
      %eq3A_2621 = vector.broadcast %eq3A_2620 : f32 to vector<16xf32>
      %eq3A_2622 = arith.cmpf oeq, %select_n3A_2577, %eq3A_2621 : vector<16xf32>
      %or3A_2623 = arith.ori %or3A_2242, %eq3A_2622 : vector<16xi1>
      %jit3A_2624 = arith.constant -1.000000e+30 : f32
      %broadcast_in_dim3A_2625 = vector.broadcast %jit3A_2624 : f32 to vector<16xf32>
      %select_n3A_2626 = arith.select %eq3A_2622, %broadcast_in_dim3A_2625, %select_n3A_2245 : vector<16xi1>, vector<16xf32>
      %eq3A_2627 = arith.constant 7.000000e+00 : f32
      %eq3A_2628 = vector.broadcast %eq3A_2627 : f32 to vector<16xf32>
      %eq3A_2629 = arith.cmpf oeq, %select_n3A_2577, %eq3A_2628 : vector<16xf32>
      %or3A_2630 = arith.ori %or3A_2249, %eq3A_2629 : vector<16xi1>
      %jit3A_2631 = arith.constant -1.000000e+30 : f32
      %broadcast_in_dim3A_2632 = vector.broadcast %jit3A_2631 : f32 to vector<16xf32>
      %select_n3A_2633 = arith.select %eq3A_2629, %broadcast_in_dim3A_2632, %select_n3A_2252 : vector<16xi1>, vector<16xf32>
      %eq3A_2634 = arith.constant 8.000000e+00 : f32
      %eq3A_2635 = vector.broadcast %eq3A_2634 : f32 to vector<16xf32>
      %eq3A_2636 = arith.cmpf oeq, %select_n3A_2577, %eq3A_2635 : vector<16xf32>
      %or3A_2637 = arith.ori %or3A_2256, %eq3A_2636 : vector<16xi1>
      %jit3A_2638 = arith.constant -1.000000e+30 : f32
      %broadcast_in_dim3A_2639 = vector.broadcast %jit3A_2638 : f32 to vector<16xf32>
      %select_n3A_2640 = arith.select %eq3A_2636, %broadcast_in_dim3A_2639, %select_n3A_2259 : vector<16xi1>, vector<16xf32>
      %eq3A_2641 = arith.constant 9.000000e+00 : f32
      %eq3A_2642 = vector.broadcast %eq3A_2641 : f32 to vector<16xf32>
      %eq3A_2643 = arith.cmpf oeq, %select_n3A_2577, %eq3A_2642 : vector<16xf32>
      %or3A_2644 = arith.ori %or3A_2263, %eq3A_2643 : vector<16xi1>
      %jit3A_2645 = arith.constant -1.000000e+30 : f32
      %broadcast_in_dim3A_2646 = vector.broadcast %jit3A_2645 : f32 to vector<16xf32>
      %select_n3A_2647 = arith.select %eq3A_2643, %broadcast_in_dim3A_2646, %select_n3A_2266 : vector<16xi1>, vector<16xf32>
      %eq3A_2648 = arith.constant 1.000000e+01 : f32
      %eq3A_2649 = vector.broadcast %eq3A_2648 : f32 to vector<16xf32>
      %eq3A_2650 = arith.cmpf oeq, %select_n3A_2577, %eq3A_2649 : vector<16xf32>
      %or3A_2651 = arith.ori %or3A_2270, %eq3A_2650 : vector<16xi1>
      %jit3A_2652 = arith.constant -1.000000e+30 : f32
      %broadcast_in_dim3A_2653 = vector.broadcast %jit3A_2652 : f32 to vector<16xf32>
      %select_n3A_2654 = arith.select %eq3A_2650, %broadcast_in_dim3A_2653, %select_n3A_2273 : vector<16xi1>, vector<16xf32>
      %eq3A_2655 = arith.constant 1.100000e+01 : f32
      %eq3A_2656 = vector.broadcast %eq3A_2655 : f32 to vector<16xf32>
      %eq3A_2657 = arith.cmpf oeq, %select_n3A_2577, %eq3A_2656 : vector<16xf32>
      %or3A_2658 = arith.ori %or3A_2277, %eq3A_2657 : vector<16xi1>
      %jit3A_2659 = arith.constant -1.000000e+30 : f32
      %broadcast_in_dim3A_2660 = vector.broadcast %jit3A_2659 : f32 to vector<16xf32>
      %select_n3A_2661 = arith.select %eq3A_2657, %broadcast_in_dim3A_2660, %select_n3A_2280 : vector<16xi1>, vector<16xf32>
      %eq3A_2662 = arith.constant 1.200000e+01 : f32
      %eq3A_2663 = vector.broadcast %eq3A_2662 : f32 to vector<16xf32>
      %eq3A_2664 = arith.cmpf oeq, %select_n3A_2577, %eq3A_2663 : vector<16xf32>
      %or3A_2665 = arith.ori %or3A_2284, %eq3A_2664 : vector<16xi1>
      %jit3A_2666 = arith.constant -1.000000e+30 : f32
      %broadcast_in_dim3A_2667 = vector.broadcast %jit3A_2666 : f32 to vector<16xf32>
      %select_n3A_2668 = arith.select %eq3A_2664, %broadcast_in_dim3A_2667, %select_n3A_2287 : vector<16xi1>, vector<16xf32>
      %eq3A_2669 = arith.constant 1.300000e+01 : f32
      %eq3A_2670 = vector.broadcast %eq3A_2669 : f32 to vector<16xf32>
      %eq3A_2671 = arith.cmpf oeq, %select_n3A_2577, %eq3A_2670 : vector<16xf32>
      %or3A_2672 = arith.ori %or3A_2291, %eq3A_2671 : vector<16xi1>
      %jit3A_2673 = arith.constant -1.000000e+30 : f32
      %broadcast_in_dim3A_2674 = vector.broadcast %jit3A_2673 : f32 to vector<16xf32>
      %select_n3A_2675 = arith.select %eq3A_2671, %broadcast_in_dim3A_2674, %select_n3A_2294 : vector<16xi1>, vector<16xf32>
      %eq3A_2676 = arith.constant 1.400000e+01 : f32
      %eq3A_2677 = vector.broadcast %eq3A_2676 : f32 to vector<16xf32>
      %eq3A_2678 = arith.cmpf oeq, %select_n3A_2577, %eq3A_2677 : vector<16xf32>
      %or3A_2679 = arith.ori %or3A_2298, %eq3A_2678 : vector<16xi1>
      %jit3A_2680 = arith.constant -1.000000e+30 : f32
      %broadcast_in_dim3A_2681 = vector.broadcast %jit3A_2680 : f32 to vector<16xf32>
      %select_n3A_2682 = arith.select %eq3A_2678, %broadcast_in_dim3A_2681, %select_n3A_2301 : vector<16xi1>, vector<16xf32>
      %eq3A_2683 = arith.constant 1.500000e+01 : f32
      %eq3A_2684 = vector.broadcast %eq3A_2683 : f32 to vector<16xf32>
      %eq3A_2685 = arith.cmpf oeq, %select_n3A_2577, %eq3A_2684 : vector<16xf32>
      %or3A_2686 = arith.ori %or3A_2305, %eq3A_2685 : vector<16xi1>
      %jit3A_2687 = arith.constant -1.000000e+30 : f32
      %broadcast_in_dim3A_2688 = vector.broadcast %jit3A_2687 : f32 to vector<16xf32>
      %select_n3A_2689 = arith.select %eq3A_2685, %broadcast_in_dim3A_2688, %select_n3A_2308 : vector<16xi1>, vector<16xf32>
      %eq3A_2690 = arith.constant 1.600000e+01 : f32
      %eq3A_2691 = vector.broadcast %eq3A_2690 : f32 to vector<16xf32>
      %eq3A_2692 = arith.cmpf oeq, %select_n3A_2577, %eq3A_2691 : vector<16xf32>
      %or3A_2693 = arith.ori %or3A_2312, %eq3A_2692 : vector<16xi1>
      %jit3A_2694 = arith.constant -1.000000e+30 : f32
      %broadcast_in_dim3A_2695 = vector.broadcast %jit3A_2694 : f32 to vector<16xf32>
      %select_n3A_2696 = arith.select %eq3A_2692, %broadcast_in_dim3A_2695, %select_n3A_2315 : vector<16xi1>, vector<16xf32>
      %eq3A_2697 = arith.constant 1.700000e+01 : f32
      %eq3A_2698 = vector.broadcast %eq3A_2697 : f32 to vector<16xf32>
      %eq3A_2699 = arith.cmpf oeq, %select_n3A_2577, %eq3A_2698 : vector<16xf32>
      %or3A_2700 = arith.ori %or3A_2319, %eq3A_2699 : vector<16xi1>
      %jit3A_2701 = arith.constant -1.000000e+30 : f32
      %broadcast_in_dim3A_2702 = vector.broadcast %jit3A_2701 : f32 to vector<16xf32>
      %select_n3A_2703 = arith.select %eq3A_2699, %broadcast_in_dim3A_2702, %select_n3A_2322 : vector<16xi1>, vector<16xf32>
      %eq3A_2704 = arith.constant 1.800000e+01 : f32
      %eq3A_2705 = vector.broadcast %eq3A_2704 : f32 to vector<16xf32>
      %eq3A_2706 = arith.cmpf oeq, %select_n3A_2577, %eq3A_2705 : vector<16xf32>
      %or3A_2707 = arith.ori %or3A_2326, %eq3A_2706 : vector<16xi1>
      %jit3A_2708 = arith.constant -1.000000e+30 : f32
      %broadcast_in_dim3A_2709 = vector.broadcast %jit3A_2708 : f32 to vector<16xf32>
      %select_n3A_2710 = arith.select %eq3A_2706, %broadcast_in_dim3A_2709, %select_n3A_2329 : vector<16xi1>, vector<16xf32>
      %eq3A_2711 = arith.constant 1.900000e+01 : f32
      %eq3A_2712 = vector.broadcast %eq3A_2711 : f32 to vector<16xf32>
      %eq3A_2713 = arith.cmpf oeq, %select_n3A_2577, %eq3A_2712 : vector<16xf32>
      %or3A_2714 = arith.ori %or3A_2333, %eq3A_2713 : vector<16xi1>
      %jit3A_2715 = arith.constant -1.000000e+30 : f32
      %broadcast_in_dim3A_2716 = vector.broadcast %jit3A_2715 : f32 to vector<16xf32>
      %select_n3A_2717 = arith.select %eq3A_2713, %broadcast_in_dim3A_2716, %select_n3A_2336 : vector<16xi1>, vector<16xf32>
      %eq3A_2718 = arith.constant 2.000000e+01 : f32
      %eq3A_2719 = vector.broadcast %eq3A_2718 : f32 to vector<16xf32>
      %eq3A_2720 = arith.cmpf oeq, %select_n3A_2577, %eq3A_2719 : vector<16xf32>
      %or3A_2721 = arith.ori %or3A_2340, %eq3A_2720 : vector<16xi1>
      %jit3A_2722 = arith.constant -1.000000e+30 : f32
      %broadcast_in_dim3A_2723 = vector.broadcast %jit3A_2722 : f32 to vector<16xf32>
      %select_n3A_2724 = arith.select %eq3A_2720, %broadcast_in_dim3A_2723, %select_n3A_2343 : vector<16xi1>, vector<16xf32>
      %eq3A_2725 = arith.constant 2.100000e+01 : f32
      %eq3A_2726 = vector.broadcast %eq3A_2725 : f32 to vector<16xf32>
      %eq3A_2727 = arith.cmpf oeq, %select_n3A_2577, %eq3A_2726 : vector<16xf32>
      %or3A_2728 = arith.ori %or3A_2347, %eq3A_2727 : vector<16xi1>
      %jit3A_2729 = arith.constant -1.000000e+30 : f32
      %broadcast_in_dim3A_2730 = vector.broadcast %jit3A_2729 : f32 to vector<16xf32>
      %select_n3A_2731 = arith.select %eq3A_2727, %broadcast_in_dim3A_2730, %select_n3A_2350 : vector<16xi1>, vector<16xf32>
      %eq3A_2732 = arith.constant 2.200000e+01 : f32
      %eq3A_2733 = vector.broadcast %eq3A_2732 : f32 to vector<16xf32>
      %eq3A_2734 = arith.cmpf oeq, %select_n3A_2577, %eq3A_2733 : vector<16xf32>
      %or3A_2735 = arith.ori %or3A_2354, %eq3A_2734 : vector<16xi1>
      %jit3A_2736 = arith.constant -1.000000e+30 : f32
      %broadcast_in_dim3A_2737 = vector.broadcast %jit3A_2736 : f32 to vector<16xf32>
      %select_n3A_2738 = arith.select %eq3A_2734, %broadcast_in_dim3A_2737, %select_n3A_2357 : vector<16xi1>, vector<16xf32>
      %eq3A_2739 = arith.constant 2.300000e+01 : f32
      %eq3A_2740 = vector.broadcast %eq3A_2739 : f32 to vector<16xf32>
      %eq3A_2741 = arith.cmpf oeq, %select_n3A_2577, %eq3A_2740 : vector<16xf32>
      %or3A_2742 = arith.ori %or3A_2361, %eq3A_2741 : vector<16xi1>
      %jit3A_2743 = arith.constant -1.000000e+30 : f32
      %broadcast_in_dim3A_2744 = vector.broadcast %jit3A_2743 : f32 to vector<16xf32>
      %select_n3A_2745 = arith.select %eq3A_2741, %broadcast_in_dim3A_2744, %select_n3A_2364 : vector<16xi1>, vector<16xf32>
      %eq3A_2746 = arith.constant 2.400000e+01 : f32
      %eq3A_2747 = vector.broadcast %eq3A_2746 : f32 to vector<16xf32>
      %eq3A_2748 = arith.cmpf oeq, %select_n3A_2577, %eq3A_2747 : vector<16xf32>
      %or3A_2749 = arith.ori %or3A_2368, %eq3A_2748 : vector<16xi1>
      %jit3A_2750 = arith.constant -1.000000e+30 : f32
      %broadcast_in_dim3A_2751 = vector.broadcast %jit3A_2750 : f32 to vector<16xf32>
      %select_n3A_2752 = arith.select %eq3A_2748, %broadcast_in_dim3A_2751, %select_n3A_2371 : vector<16xi1>, vector<16xf32>
      %eq3A_2753 = arith.constant 2.500000e+01 : f32
      %eq3A_2754 = vector.broadcast %eq3A_2753 : f32 to vector<16xf32>
      %eq3A_2755 = arith.cmpf oeq, %select_n3A_2577, %eq3A_2754 : vector<16xf32>
      %or3A_2756 = arith.ori %or3A_2375, %eq3A_2755 : vector<16xi1>
      %jit3A_2757 = arith.constant -1.000000e+30 : f32
      %broadcast_in_dim3A_2758 = vector.broadcast %jit3A_2757 : f32 to vector<16xf32>
      %select_n3A_2759 = arith.select %eq3A_2755, %broadcast_in_dim3A_2758, %select_n3A_2378 : vector<16xi1>, vector<16xf32>
      %eq3A_2760 = arith.constant 2.600000e+01 : f32
      %eq3A_2761 = vector.broadcast %eq3A_2760 : f32 to vector<16xf32>
      %eq3A_2762 = arith.cmpf oeq, %select_n3A_2577, %eq3A_2761 : vector<16xf32>
      %or3A_2763 = arith.ori %or3A_2382, %eq3A_2762 : vector<16xi1>
      %jit3A_2764 = arith.constant -1.000000e+30 : f32
      %broadcast_in_dim3A_2765 = vector.broadcast %jit3A_2764 : f32 to vector<16xf32>
      %select_n3A_2766 = arith.select %eq3A_2762, %broadcast_in_dim3A_2765, %select_n3A_2385 : vector<16xi1>, vector<16xf32>
      %eq3A_2767 = arith.constant 2.700000e+01 : f32
      %eq3A_2768 = vector.broadcast %eq3A_2767 : f32 to vector<16xf32>
      %eq3A_2769 = arith.cmpf oeq, %select_n3A_2577, %eq3A_2768 : vector<16xf32>
      %or3A_2770 = arith.ori %or3A_2389, %eq3A_2769 : vector<16xi1>
      %jit3A_2771 = arith.constant -1.000000e+30 : f32
      %broadcast_in_dim3A_2772 = vector.broadcast %jit3A_2771 : f32 to vector<16xf32>
      %select_n3A_2773 = arith.select %eq3A_2769, %broadcast_in_dim3A_2772, %select_n3A_2392 : vector<16xi1>, vector<16xf32>
      %eq3A_2774 = arith.constant 2.800000e+01 : f32
      %eq3A_2775 = vector.broadcast %eq3A_2774 : f32 to vector<16xf32>
      %eq3A_2776 = arith.cmpf oeq, %select_n3A_2577, %eq3A_2775 : vector<16xf32>
      %or3A_2777 = arith.ori %or3A_2396, %eq3A_2776 : vector<16xi1>
      %jit3A_2778 = arith.constant -1.000000e+30 : f32
      %broadcast_in_dim3A_2779 = vector.broadcast %jit3A_2778 : f32 to vector<16xf32>
      %select_n3A_2780 = arith.select %eq3A_2776, %broadcast_in_dim3A_2779, %select_n3A_2399 : vector<16xi1>, vector<16xf32>
      %eq3A_2781 = arith.constant 2.900000e+01 : f32
      %eq3A_2782 = vector.broadcast %eq3A_2781 : f32 to vector<16xf32>
      %eq3A_2783 = arith.cmpf oeq, %select_n3A_2577, %eq3A_2782 : vector<16xf32>
      %or3A_2784 = arith.ori %or3A_2403, %eq3A_2783 : vector<16xi1>
      %jit3A_2785 = arith.constant -1.000000e+30 : f32
      %broadcast_in_dim3A_2786 = vector.broadcast %jit3A_2785 : f32 to vector<16xf32>
      %select_n3A_2787 = arith.select %eq3A_2783, %broadcast_in_dim3A_2786, %select_n3A_2406 : vector<16xi1>, vector<16xf32>
      %eq3A_2788 = arith.constant 3.000000e+01 : f32
      %eq3A_2789 = vector.broadcast %eq3A_2788 : f32 to vector<16xf32>
      %eq3A_2790 = arith.cmpf oeq, %select_n3A_2577, %eq3A_2789 : vector<16xf32>
      %or3A_2791 = arith.ori %or3A_2410, %eq3A_2790 : vector<16xi1>
      %jit3A_2792 = arith.constant -1.000000e+30 : f32
      %broadcast_in_dim3A_2793 = vector.broadcast %jit3A_2792 : f32 to vector<16xf32>
      %select_n3A_2794 = arith.select %eq3A_2790, %broadcast_in_dim3A_2793, %select_n3A_2413 : vector<16xi1>, vector<16xf32>
      %eq3A_2795 = arith.constant 3.100000e+01 : f32
      %eq3A_2796 = vector.broadcast %eq3A_2795 : f32 to vector<16xf32>
      %eq3A_2797 = arith.cmpf oeq, %select_n3A_2577, %eq3A_2796 : vector<16xf32>
      %or3A_2798 = arith.ori %or3A_2417, %eq3A_2797 : vector<16xi1>
      %jit3A_2799 = arith.constant -1.000000e+30 : f32
      %broadcast_in_dim3A_2800 = vector.broadcast %jit3A_2799 : f32 to vector<16xf32>
      %select_n3A_2801 = arith.select %eq3A_2797, %broadcast_in_dim3A_2800, %select_n3A_2420 : vector<16xi1>, vector<16xf32>
      %broadcast_in_dim3A_2802 = arith.constant 0.000000e+00 : f32
      %broadcast_in_dim3A_2803 = vector.broadcast %broadcast_in_dim3A_2802 : f32 to vector<16xf32>
      %gt3A_2804 = arith.cmpf ogt, %select_n3A_2591, %select_n3A_2584 : vector<16xf32>
      %select_n3A_2805 = arith.select %gt3A_2804, %select_n3A_2591, %select_n3A_2584 : vector<16xi1>, vector<16xf32>
      %jit3A_2806 = arith.constant 1.000000e+00 : f32
      %broadcast_in_dim3A_2807 = vector.broadcast %jit3A_2806 : f32 to vector<16xf32>
      %select_n3A_2808 = arith.select %gt3A_2804, %broadcast_in_dim3A_2807, %broadcast_in_dim3A_2803 : vector<16xi1>, vector<16xf32>
      %gt3A_2809 = arith.cmpf ogt, %select_n3A_2598, %select_n3A_2805 : vector<16xf32>
      %select_n3A_2810 = arith.select %gt3A_2809, %select_n3A_2598, %select_n3A_2805 : vector<16xi1>, vector<16xf32>
      %jit3A_2811 = arith.constant 2.000000e+00 : f32
      %broadcast_in_dim3A_2812 = vector.broadcast %jit3A_2811 : f32 to vector<16xf32>
      %select_n3A_2813 = arith.select %gt3A_2809, %broadcast_in_dim3A_2812, %select_n3A_2808 : vector<16xi1>, vector<16xf32>
      %gt3A_2814 = arith.cmpf ogt, %select_n3A_2605, %select_n3A_2810 : vector<16xf32>
      %select_n3A_2815 = arith.select %gt3A_2814, %select_n3A_2605, %select_n3A_2810 : vector<16xi1>, vector<16xf32>
      %jit3A_2816 = arith.constant 3.000000e+00 : f32
      %broadcast_in_dim3A_2817 = vector.broadcast %jit3A_2816 : f32 to vector<16xf32>
      %select_n3A_2818 = arith.select %gt3A_2814, %broadcast_in_dim3A_2817, %select_n3A_2813 : vector<16xi1>, vector<16xf32>
      %gt3A_2819 = arith.cmpf ogt, %select_n3A_2612, %select_n3A_2815 : vector<16xf32>
      %select_n3A_2820 = arith.select %gt3A_2819, %select_n3A_2612, %select_n3A_2815 : vector<16xi1>, vector<16xf32>
      %jit3A_2821 = arith.constant 4.000000e+00 : f32
      %broadcast_in_dim3A_2822 = vector.broadcast %jit3A_2821 : f32 to vector<16xf32>
      %select_n3A_2823 = arith.select %gt3A_2819, %broadcast_in_dim3A_2822, %select_n3A_2818 : vector<16xi1>, vector<16xf32>
      %gt3A_2824 = arith.cmpf ogt, %select_n3A_2619, %select_n3A_2820 : vector<16xf32>
      %select_n3A_2825 = arith.select %gt3A_2824, %select_n3A_2619, %select_n3A_2820 : vector<16xi1>, vector<16xf32>
      %jit3A_2826 = arith.constant 5.000000e+00 : f32
      %broadcast_in_dim3A_2827 = vector.broadcast %jit3A_2826 : f32 to vector<16xf32>
      %select_n3A_2828 = arith.select %gt3A_2824, %broadcast_in_dim3A_2827, %select_n3A_2823 : vector<16xi1>, vector<16xf32>
      %gt3A_2829 = arith.cmpf ogt, %select_n3A_2626, %select_n3A_2825 : vector<16xf32>
      %select_n3A_2830 = arith.select %gt3A_2829, %select_n3A_2626, %select_n3A_2825 : vector<16xi1>, vector<16xf32>
      %jit3A_2831 = arith.constant 6.000000e+00 : f32
      %broadcast_in_dim3A_2832 = vector.broadcast %jit3A_2831 : f32 to vector<16xf32>
      %select_n3A_2833 = arith.select %gt3A_2829, %broadcast_in_dim3A_2832, %select_n3A_2828 : vector<16xi1>, vector<16xf32>
      %gt3A_2834 = arith.cmpf ogt, %select_n3A_2633, %select_n3A_2830 : vector<16xf32>
      %select_n3A_2835 = arith.select %gt3A_2834, %select_n3A_2633, %select_n3A_2830 : vector<16xi1>, vector<16xf32>
      %jit3A_2836 = arith.constant 7.000000e+00 : f32
      %broadcast_in_dim3A_2837 = vector.broadcast %jit3A_2836 : f32 to vector<16xf32>
      %select_n3A_2838 = arith.select %gt3A_2834, %broadcast_in_dim3A_2837, %select_n3A_2833 : vector<16xi1>, vector<16xf32>
      %gt3A_2839 = arith.cmpf ogt, %select_n3A_2640, %select_n3A_2835 : vector<16xf32>
      %select_n3A_2840 = arith.select %gt3A_2839, %select_n3A_2640, %select_n3A_2835 : vector<16xi1>, vector<16xf32>
      %jit3A_2841 = arith.constant 8.000000e+00 : f32
      %broadcast_in_dim3A_2842 = vector.broadcast %jit3A_2841 : f32 to vector<16xf32>
      %select_n3A_2843 = arith.select %gt3A_2839, %broadcast_in_dim3A_2842, %select_n3A_2838 : vector<16xi1>, vector<16xf32>
      %gt3A_2844 = arith.cmpf ogt, %select_n3A_2647, %select_n3A_2840 : vector<16xf32>
      %select_n3A_2845 = arith.select %gt3A_2844, %select_n3A_2647, %select_n3A_2840 : vector<16xi1>, vector<16xf32>
      %jit3A_2846 = arith.constant 9.000000e+00 : f32
      %broadcast_in_dim3A_2847 = vector.broadcast %jit3A_2846 : f32 to vector<16xf32>
      %select_n3A_2848 = arith.select %gt3A_2844, %broadcast_in_dim3A_2847, %select_n3A_2843 : vector<16xi1>, vector<16xf32>
      %gt3A_2849 = arith.cmpf ogt, %select_n3A_2654, %select_n3A_2845 : vector<16xf32>
      %select_n3A_2850 = arith.select %gt3A_2849, %select_n3A_2654, %select_n3A_2845 : vector<16xi1>, vector<16xf32>
      %jit3A_2851 = arith.constant 1.000000e+01 : f32
      %broadcast_in_dim3A_2852 = vector.broadcast %jit3A_2851 : f32 to vector<16xf32>
      %select_n3A_2853 = arith.select %gt3A_2849, %broadcast_in_dim3A_2852, %select_n3A_2848 : vector<16xi1>, vector<16xf32>
      %gt3A_2854 = arith.cmpf ogt, %select_n3A_2661, %select_n3A_2850 : vector<16xf32>
      %select_n3A_2855 = arith.select %gt3A_2854, %select_n3A_2661, %select_n3A_2850 : vector<16xi1>, vector<16xf32>
      %jit3A_2856 = arith.constant 1.100000e+01 : f32
      %broadcast_in_dim3A_2857 = vector.broadcast %jit3A_2856 : f32 to vector<16xf32>
      %select_n3A_2858 = arith.select %gt3A_2854, %broadcast_in_dim3A_2857, %select_n3A_2853 : vector<16xi1>, vector<16xf32>
      %gt3A_2859 = arith.cmpf ogt, %select_n3A_2668, %select_n3A_2855 : vector<16xf32>
      %select_n3A_2860 = arith.select %gt3A_2859, %select_n3A_2668, %select_n3A_2855 : vector<16xi1>, vector<16xf32>
      %jit3A_2861 = arith.constant 1.200000e+01 : f32
      %broadcast_in_dim3A_2862 = vector.broadcast %jit3A_2861 : f32 to vector<16xf32>
      %select_n3A_2863 = arith.select %gt3A_2859, %broadcast_in_dim3A_2862, %select_n3A_2858 : vector<16xi1>, vector<16xf32>
      %gt3A_2864 = arith.cmpf ogt, %select_n3A_2675, %select_n3A_2860 : vector<16xf32>
      %select_n3A_2865 = arith.select %gt3A_2864, %select_n3A_2675, %select_n3A_2860 : vector<16xi1>, vector<16xf32>
      %jit3A_2866 = arith.constant 1.300000e+01 : f32
      %broadcast_in_dim3A_2867 = vector.broadcast %jit3A_2866 : f32 to vector<16xf32>
      %select_n3A_2868 = arith.select %gt3A_2864, %broadcast_in_dim3A_2867, %select_n3A_2863 : vector<16xi1>, vector<16xf32>
      %gt3A_2869 = arith.cmpf ogt, %select_n3A_2682, %select_n3A_2865 : vector<16xf32>
      %select_n3A_2870 = arith.select %gt3A_2869, %select_n3A_2682, %select_n3A_2865 : vector<16xi1>, vector<16xf32>
      %jit3A_2871 = arith.constant 1.400000e+01 : f32
      %broadcast_in_dim3A_2872 = vector.broadcast %jit3A_2871 : f32 to vector<16xf32>
      %select_n3A_2873 = arith.select %gt3A_2869, %broadcast_in_dim3A_2872, %select_n3A_2868 : vector<16xi1>, vector<16xf32>
      %gt3A_2874 = arith.cmpf ogt, %select_n3A_2689, %select_n3A_2870 : vector<16xf32>
      %select_n3A_2875 = arith.select %gt3A_2874, %select_n3A_2689, %select_n3A_2870 : vector<16xi1>, vector<16xf32>
      %jit3A_2876 = arith.constant 1.500000e+01 : f32
      %broadcast_in_dim3A_2877 = vector.broadcast %jit3A_2876 : f32 to vector<16xf32>
      %select_n3A_2878 = arith.select %gt3A_2874, %broadcast_in_dim3A_2877, %select_n3A_2873 : vector<16xi1>, vector<16xf32>
      %gt3A_2879 = arith.cmpf ogt, %select_n3A_2696, %select_n3A_2875 : vector<16xf32>
      %select_n3A_2880 = arith.select %gt3A_2879, %select_n3A_2696, %select_n3A_2875 : vector<16xi1>, vector<16xf32>
      %jit3A_2881 = arith.constant 1.600000e+01 : f32
      %broadcast_in_dim3A_2882 = vector.broadcast %jit3A_2881 : f32 to vector<16xf32>
      %select_n3A_2883 = arith.select %gt3A_2879, %broadcast_in_dim3A_2882, %select_n3A_2878 : vector<16xi1>, vector<16xf32>
      %gt3A_2884 = arith.cmpf ogt, %select_n3A_2703, %select_n3A_2880 : vector<16xf32>
      %select_n3A_2885 = arith.select %gt3A_2884, %select_n3A_2703, %select_n3A_2880 : vector<16xi1>, vector<16xf32>
      %jit3A_2886 = arith.constant 1.700000e+01 : f32
      %broadcast_in_dim3A_2887 = vector.broadcast %jit3A_2886 : f32 to vector<16xf32>
      %select_n3A_2888 = arith.select %gt3A_2884, %broadcast_in_dim3A_2887, %select_n3A_2883 : vector<16xi1>, vector<16xf32>
      %gt3A_2889 = arith.cmpf ogt, %select_n3A_2710, %select_n3A_2885 : vector<16xf32>
      %select_n3A_2890 = arith.select %gt3A_2889, %select_n3A_2710, %select_n3A_2885 : vector<16xi1>, vector<16xf32>
      %jit3A_2891 = arith.constant 1.800000e+01 : f32
      %broadcast_in_dim3A_2892 = vector.broadcast %jit3A_2891 : f32 to vector<16xf32>
      %select_n3A_2893 = arith.select %gt3A_2889, %broadcast_in_dim3A_2892, %select_n3A_2888 : vector<16xi1>, vector<16xf32>
      %gt3A_2894 = arith.cmpf ogt, %select_n3A_2717, %select_n3A_2890 : vector<16xf32>
      %select_n3A_2895 = arith.select %gt3A_2894, %select_n3A_2717, %select_n3A_2890 : vector<16xi1>, vector<16xf32>
      %jit3A_2896 = arith.constant 1.900000e+01 : f32
      %broadcast_in_dim3A_2897 = vector.broadcast %jit3A_2896 : f32 to vector<16xf32>
      %select_n3A_2898 = arith.select %gt3A_2894, %broadcast_in_dim3A_2897, %select_n3A_2893 : vector<16xi1>, vector<16xf32>
      %gt3A_2899 = arith.cmpf ogt, %select_n3A_2724, %select_n3A_2895 : vector<16xf32>
      %select_n3A_2900 = arith.select %gt3A_2899, %select_n3A_2724, %select_n3A_2895 : vector<16xi1>, vector<16xf32>
      %jit3A_2901 = arith.constant 2.000000e+01 : f32
      %broadcast_in_dim3A_2902 = vector.broadcast %jit3A_2901 : f32 to vector<16xf32>
      %select_n3A_2903 = arith.select %gt3A_2899, %broadcast_in_dim3A_2902, %select_n3A_2898 : vector<16xi1>, vector<16xf32>
      %gt3A_2904 = arith.cmpf ogt, %select_n3A_2731, %select_n3A_2900 : vector<16xf32>
      %select_n3A_2905 = arith.select %gt3A_2904, %select_n3A_2731, %select_n3A_2900 : vector<16xi1>, vector<16xf32>
      %jit3A_2906 = arith.constant 2.100000e+01 : f32
      %broadcast_in_dim3A_2907 = vector.broadcast %jit3A_2906 : f32 to vector<16xf32>
      %select_n3A_2908 = arith.select %gt3A_2904, %broadcast_in_dim3A_2907, %select_n3A_2903 : vector<16xi1>, vector<16xf32>
      %gt3A_2909 = arith.cmpf ogt, %select_n3A_2738, %select_n3A_2905 : vector<16xf32>
      %select_n3A_2910 = arith.select %gt3A_2909, %select_n3A_2738, %select_n3A_2905 : vector<16xi1>, vector<16xf32>
      %jit3A_2911 = arith.constant 2.200000e+01 : f32
      %broadcast_in_dim3A_2912 = vector.broadcast %jit3A_2911 : f32 to vector<16xf32>
      %select_n3A_2913 = arith.select %gt3A_2909, %broadcast_in_dim3A_2912, %select_n3A_2908 : vector<16xi1>, vector<16xf32>
      %gt3A_2914 = arith.cmpf ogt, %select_n3A_2745, %select_n3A_2910 : vector<16xf32>
      %select_n3A_2915 = arith.select %gt3A_2914, %select_n3A_2745, %select_n3A_2910 : vector<16xi1>, vector<16xf32>
      %jit3A_2916 = arith.constant 2.300000e+01 : f32
      %broadcast_in_dim3A_2917 = vector.broadcast %jit3A_2916 : f32 to vector<16xf32>
      %select_n3A_2918 = arith.select %gt3A_2914, %broadcast_in_dim3A_2917, %select_n3A_2913 : vector<16xi1>, vector<16xf32>
      %gt3A_2919 = arith.cmpf ogt, %select_n3A_2752, %select_n3A_2915 : vector<16xf32>
      %select_n3A_2920 = arith.select %gt3A_2919, %select_n3A_2752, %select_n3A_2915 : vector<16xi1>, vector<16xf32>
      %jit3A_2921 = arith.constant 2.400000e+01 : f32
      %broadcast_in_dim3A_2922 = vector.broadcast %jit3A_2921 : f32 to vector<16xf32>
      %select_n3A_2923 = arith.select %gt3A_2919, %broadcast_in_dim3A_2922, %select_n3A_2918 : vector<16xi1>, vector<16xf32>
      %gt3A_2924 = arith.cmpf ogt, %select_n3A_2759, %select_n3A_2920 : vector<16xf32>
      %select_n3A_2925 = arith.select %gt3A_2924, %select_n3A_2759, %select_n3A_2920 : vector<16xi1>, vector<16xf32>
      %jit3A_2926 = arith.constant 2.500000e+01 : f32
      %broadcast_in_dim3A_2927 = vector.broadcast %jit3A_2926 : f32 to vector<16xf32>
      %select_n3A_2928 = arith.select %gt3A_2924, %broadcast_in_dim3A_2927, %select_n3A_2923 : vector<16xi1>, vector<16xf32>
      %gt3A_2929 = arith.cmpf ogt, %select_n3A_2766, %select_n3A_2925 : vector<16xf32>
      %select_n3A_2930 = arith.select %gt3A_2929, %select_n3A_2766, %select_n3A_2925 : vector<16xi1>, vector<16xf32>
      %jit3A_2931 = arith.constant 2.600000e+01 : f32
      %broadcast_in_dim3A_2932 = vector.broadcast %jit3A_2931 : f32 to vector<16xf32>
      %select_n3A_2933 = arith.select %gt3A_2929, %broadcast_in_dim3A_2932, %select_n3A_2928 : vector<16xi1>, vector<16xf32>
      %gt3A_2934 = arith.cmpf ogt, %select_n3A_2773, %select_n3A_2930 : vector<16xf32>
      %select_n3A_2935 = arith.select %gt3A_2934, %select_n3A_2773, %select_n3A_2930 : vector<16xi1>, vector<16xf32>
      %jit3A_2936 = arith.constant 2.700000e+01 : f32
      %broadcast_in_dim3A_2937 = vector.broadcast %jit3A_2936 : f32 to vector<16xf32>
      %select_n3A_2938 = arith.select %gt3A_2934, %broadcast_in_dim3A_2937, %select_n3A_2933 : vector<16xi1>, vector<16xf32>
      %gt3A_2939 = arith.cmpf ogt, %select_n3A_2780, %select_n3A_2935 : vector<16xf32>
      %select_n3A_2940 = arith.select %gt3A_2939, %select_n3A_2780, %select_n3A_2935 : vector<16xi1>, vector<16xf32>
      %jit3A_2941 = arith.constant 2.800000e+01 : f32
      %broadcast_in_dim3A_2942 = vector.broadcast %jit3A_2941 : f32 to vector<16xf32>
      %select_n3A_2943 = arith.select %gt3A_2939, %broadcast_in_dim3A_2942, %select_n3A_2938 : vector<16xi1>, vector<16xf32>
      %gt3A_2944 = arith.cmpf ogt, %select_n3A_2787, %select_n3A_2940 : vector<16xf32>
      %select_n3A_2945 = arith.select %gt3A_2944, %select_n3A_2787, %select_n3A_2940 : vector<16xi1>, vector<16xf32>
      %jit3A_2946 = arith.constant 2.900000e+01 : f32
      %broadcast_in_dim3A_2947 = vector.broadcast %jit3A_2946 : f32 to vector<16xf32>
      %select_n3A_2948 = arith.select %gt3A_2944, %broadcast_in_dim3A_2947, %select_n3A_2943 : vector<16xi1>, vector<16xf32>
      %gt3A_2949 = arith.cmpf ogt, %select_n3A_2794, %select_n3A_2945 : vector<16xf32>
      %select_n3A_2950 = arith.select %gt3A_2949, %select_n3A_2794, %select_n3A_2945 : vector<16xi1>, vector<16xf32>
      %jit3A_2951 = arith.constant 3.000000e+01 : f32
      %broadcast_in_dim3A_2952 = vector.broadcast %jit3A_2951 : f32 to vector<16xf32>
      %select_n3A_2953 = arith.select %gt3A_2949, %broadcast_in_dim3A_2952, %select_n3A_2948 : vector<16xi1>, vector<16xf32>
      %gt3A_2954 = arith.cmpf ogt, %select_n3A_2801, %select_n3A_2950 : vector<16xf32>
      %select_n3A_2955 = arith.select %gt3A_2954, %select_n3A_2801, %select_n3A_2950 : vector<16xi1>, vector<16xf32>
      %jit3A_2956 = arith.constant 3.100000e+01 : f32
      %broadcast_in_dim3A_2957 = vector.broadcast %jit3A_2956 : f32 to vector<16xf32>
      %select_n3A_2958 = arith.select %gt3A_2954, %broadcast_in_dim3A_2957, %select_n3A_2953 : vector<16xi1>, vector<16xf32>
      %eq3A_2959 = arith.constant 0.000000e+00 : f32
      %eq3A_2960 = vector.broadcast %eq3A_2959 : f32 to vector<16xf32>
      %eq3A_2961 = arith.cmpf oeq, %select_n3A_2958, %eq3A_2960 : vector<16xf32>
      %or3A_2962 = arith.ori %or3A_2581, %eq3A_2961 : vector<16xi1>
      %jit3A_2963 = arith.constant -1.000000e+30 : f32
      %broadcast_in_dim3A_2964 = vector.broadcast %jit3A_2963 : f32 to vector<16xf32>
      %select_n3A_2965 = arith.select %eq3A_2961, %broadcast_in_dim3A_2964, %select_n3A_2584 : vector<16xi1>, vector<16xf32>
      %eq3A_2966 = arith.constant 1.000000e+00 : f32
      %eq3A_2967 = vector.broadcast %eq3A_2966 : f32 to vector<16xf32>
      %eq3A_2968 = arith.cmpf oeq, %select_n3A_2958, %eq3A_2967 : vector<16xf32>
      %or3A_2969 = arith.ori %or3A_2588, %eq3A_2968 : vector<16xi1>
      %jit3A_2970 = arith.constant -1.000000e+30 : f32
      %broadcast_in_dim3A_2971 = vector.broadcast %jit3A_2970 : f32 to vector<16xf32>
      %select_n3A_2972 = arith.select %eq3A_2968, %broadcast_in_dim3A_2971, %select_n3A_2591 : vector<16xi1>, vector<16xf32>
      %eq3A_2973 = arith.constant 2.000000e+00 : f32
      %eq3A_2974 = vector.broadcast %eq3A_2973 : f32 to vector<16xf32>
      %eq3A_2975 = arith.cmpf oeq, %select_n3A_2958, %eq3A_2974 : vector<16xf32>
      %or3A_2976 = arith.ori %or3A_2595, %eq3A_2975 : vector<16xi1>
      %jit3A_2977 = arith.constant -1.000000e+30 : f32
      %broadcast_in_dim3A_2978 = vector.broadcast %jit3A_2977 : f32 to vector<16xf32>
      %select_n3A_2979 = arith.select %eq3A_2975, %broadcast_in_dim3A_2978, %select_n3A_2598 : vector<16xi1>, vector<16xf32>
      %eq3A_2980 = arith.constant 3.000000e+00 : f32
      %eq3A_2981 = vector.broadcast %eq3A_2980 : f32 to vector<16xf32>
      %eq3A_2982 = arith.cmpf oeq, %select_n3A_2958, %eq3A_2981 : vector<16xf32>
      %or3A_2983 = arith.ori %or3A_2602, %eq3A_2982 : vector<16xi1>
      %jit3A_2984 = arith.constant -1.000000e+30 : f32
      %broadcast_in_dim3A_2985 = vector.broadcast %jit3A_2984 : f32 to vector<16xf32>
      %select_n3A_2986 = arith.select %eq3A_2982, %broadcast_in_dim3A_2985, %select_n3A_2605 : vector<16xi1>, vector<16xf32>
      %eq3A_2987 = arith.constant 4.000000e+00 : f32
      %eq3A_2988 = vector.broadcast %eq3A_2987 : f32 to vector<16xf32>
      %eq3A_2989 = arith.cmpf oeq, %select_n3A_2958, %eq3A_2988 : vector<16xf32>
      %or3A_2990 = arith.ori %or3A_2609, %eq3A_2989 : vector<16xi1>
      %jit3A_2991 = arith.constant -1.000000e+30 : f32
      %broadcast_in_dim3A_2992 = vector.broadcast %jit3A_2991 : f32 to vector<16xf32>
      %select_n3A_2993 = arith.select %eq3A_2989, %broadcast_in_dim3A_2992, %select_n3A_2612 : vector<16xi1>, vector<16xf32>
      %eq3A_2994 = arith.constant 5.000000e+00 : f32
      %eq3A_2995 = vector.broadcast %eq3A_2994 : f32 to vector<16xf32>
      %eq3A_2996 = arith.cmpf oeq, %select_n3A_2958, %eq3A_2995 : vector<16xf32>
      %or3A_2997 = arith.ori %or3A_2616, %eq3A_2996 : vector<16xi1>
      %jit3A_2998 = arith.constant -1.000000e+30 : f32
      %broadcast_in_dim3A_2999 = vector.broadcast %jit3A_2998 : f32 to vector<16xf32>
      %select_n3A_3000 = arith.select %eq3A_2996, %broadcast_in_dim3A_2999, %select_n3A_2619 : vector<16xi1>, vector<16xf32>
      %eq3A_3001 = arith.constant 6.000000e+00 : f32
      %eq3A_3002 = vector.broadcast %eq3A_3001 : f32 to vector<16xf32>
      %eq3A_3003 = arith.cmpf oeq, %select_n3A_2958, %eq3A_3002 : vector<16xf32>
      %or3A_3004 = arith.ori %or3A_2623, %eq3A_3003 : vector<16xi1>
      %jit3A_3005 = arith.constant -1.000000e+30 : f32
      %broadcast_in_dim3A_3006 = vector.broadcast %jit3A_3005 : f32 to vector<16xf32>
      %select_n3A_3007 = arith.select %eq3A_3003, %broadcast_in_dim3A_3006, %select_n3A_2626 : vector<16xi1>, vector<16xf32>
      %eq3A_3008 = arith.constant 7.000000e+00 : f32
      %eq3A_3009 = vector.broadcast %eq3A_3008 : f32 to vector<16xf32>
      %eq3A_3010 = arith.cmpf oeq, %select_n3A_2958, %eq3A_3009 : vector<16xf32>
      %or3A_3011 = arith.ori %or3A_2630, %eq3A_3010 : vector<16xi1>
      %jit3A_3012 = arith.constant -1.000000e+30 : f32
      %broadcast_in_dim3A_3013 = vector.broadcast %jit3A_3012 : f32 to vector<16xf32>
      %select_n3A_3014 = arith.select %eq3A_3010, %broadcast_in_dim3A_3013, %select_n3A_2633 : vector<16xi1>, vector<16xf32>
      %eq3A_3015 = arith.constant 8.000000e+00 : f32
      %eq3A_3016 = vector.broadcast %eq3A_3015 : f32 to vector<16xf32>
      %eq3A_3017 = arith.cmpf oeq, %select_n3A_2958, %eq3A_3016 : vector<16xf32>
      %or3A_3018 = arith.ori %or3A_2637, %eq3A_3017 : vector<16xi1>
      %jit3A_3019 = arith.constant -1.000000e+30 : f32
      %broadcast_in_dim3A_3020 = vector.broadcast %jit3A_3019 : f32 to vector<16xf32>
      %select_n3A_3021 = arith.select %eq3A_3017, %broadcast_in_dim3A_3020, %select_n3A_2640 : vector<16xi1>, vector<16xf32>
      %eq3A_3022 = arith.constant 9.000000e+00 : f32
      %eq3A_3023 = vector.broadcast %eq3A_3022 : f32 to vector<16xf32>
      %eq3A_3024 = arith.cmpf oeq, %select_n3A_2958, %eq3A_3023 : vector<16xf32>
      %or3A_3025 = arith.ori %or3A_2644, %eq3A_3024 : vector<16xi1>
      %jit3A_3026 = arith.constant -1.000000e+30 : f32
      %broadcast_in_dim3A_3027 = vector.broadcast %jit3A_3026 : f32 to vector<16xf32>
      %select_n3A_3028 = arith.select %eq3A_3024, %broadcast_in_dim3A_3027, %select_n3A_2647 : vector<16xi1>, vector<16xf32>
      %eq3A_3029 = arith.constant 1.000000e+01 : f32
      %eq3A_3030 = vector.broadcast %eq3A_3029 : f32 to vector<16xf32>
      %eq3A_3031 = arith.cmpf oeq, %select_n3A_2958, %eq3A_3030 : vector<16xf32>
      %or3A_3032 = arith.ori %or3A_2651, %eq3A_3031 : vector<16xi1>
      %jit3A_3033 = arith.constant -1.000000e+30 : f32
      %broadcast_in_dim3A_3034 = vector.broadcast %jit3A_3033 : f32 to vector<16xf32>
      %select_n3A_3035 = arith.select %eq3A_3031, %broadcast_in_dim3A_3034, %select_n3A_2654 : vector<16xi1>, vector<16xf32>
      %eq3A_3036 = arith.constant 1.100000e+01 : f32
      %eq3A_3037 = vector.broadcast %eq3A_3036 : f32 to vector<16xf32>
      %eq3A_3038 = arith.cmpf oeq, %select_n3A_2958, %eq3A_3037 : vector<16xf32>
      %or3A_3039 = arith.ori %or3A_2658, %eq3A_3038 : vector<16xi1>
      %jit3A_3040 = arith.constant -1.000000e+30 : f32
      %broadcast_in_dim3A_3041 = vector.broadcast %jit3A_3040 : f32 to vector<16xf32>
      %select_n3A_3042 = arith.select %eq3A_3038, %broadcast_in_dim3A_3041, %select_n3A_2661 : vector<16xi1>, vector<16xf32>
      %eq3A_3043 = arith.constant 1.200000e+01 : f32
      %eq3A_3044 = vector.broadcast %eq3A_3043 : f32 to vector<16xf32>
      %eq3A_3045 = arith.cmpf oeq, %select_n3A_2958, %eq3A_3044 : vector<16xf32>
      %or3A_3046 = arith.ori %or3A_2665, %eq3A_3045 : vector<16xi1>
      %jit3A_3047 = arith.constant -1.000000e+30 : f32
      %broadcast_in_dim3A_3048 = vector.broadcast %jit3A_3047 : f32 to vector<16xf32>
      %select_n3A_3049 = arith.select %eq3A_3045, %broadcast_in_dim3A_3048, %select_n3A_2668 : vector<16xi1>, vector<16xf32>
      %eq3A_3050 = arith.constant 1.300000e+01 : f32
      %eq3A_3051 = vector.broadcast %eq3A_3050 : f32 to vector<16xf32>
      %eq3A_3052 = arith.cmpf oeq, %select_n3A_2958, %eq3A_3051 : vector<16xf32>
      %or3A_3053 = arith.ori %or3A_2672, %eq3A_3052 : vector<16xi1>
      %jit3A_3054 = arith.constant -1.000000e+30 : f32
      %broadcast_in_dim3A_3055 = vector.broadcast %jit3A_3054 : f32 to vector<16xf32>
      %select_n3A_3056 = arith.select %eq3A_3052, %broadcast_in_dim3A_3055, %select_n3A_2675 : vector<16xi1>, vector<16xf32>
      %eq3A_3057 = arith.constant 1.400000e+01 : f32
      %eq3A_3058 = vector.broadcast %eq3A_3057 : f32 to vector<16xf32>
      %eq3A_3059 = arith.cmpf oeq, %select_n3A_2958, %eq3A_3058 : vector<16xf32>
      %or3A_3060 = arith.ori %or3A_2679, %eq3A_3059 : vector<16xi1>
      %jit3A_3061 = arith.constant -1.000000e+30 : f32
      %broadcast_in_dim3A_3062 = vector.broadcast %jit3A_3061 : f32 to vector<16xf32>
      %select_n3A_3063 = arith.select %eq3A_3059, %broadcast_in_dim3A_3062, %select_n3A_2682 : vector<16xi1>, vector<16xf32>
      %eq3A_3064 = arith.constant 1.500000e+01 : f32
      %eq3A_3065 = vector.broadcast %eq3A_3064 : f32 to vector<16xf32>
      %eq3A_3066 = arith.cmpf oeq, %select_n3A_2958, %eq3A_3065 : vector<16xf32>
      %or3A_3067 = arith.ori %or3A_2686, %eq3A_3066 : vector<16xi1>
      %jit3A_3068 = arith.constant -1.000000e+30 : f32
      %broadcast_in_dim3A_3069 = vector.broadcast %jit3A_3068 : f32 to vector<16xf32>
      %select_n3A_3070 = arith.select %eq3A_3066, %broadcast_in_dim3A_3069, %select_n3A_2689 : vector<16xi1>, vector<16xf32>
      %eq3A_3071 = arith.constant 1.600000e+01 : f32
      %eq3A_3072 = vector.broadcast %eq3A_3071 : f32 to vector<16xf32>
      %eq3A_3073 = arith.cmpf oeq, %select_n3A_2958, %eq3A_3072 : vector<16xf32>
      %or3A_3074 = arith.ori %or3A_2693, %eq3A_3073 : vector<16xi1>
      %jit3A_3075 = arith.constant -1.000000e+30 : f32
      %broadcast_in_dim3A_3076 = vector.broadcast %jit3A_3075 : f32 to vector<16xf32>
      %select_n3A_3077 = arith.select %eq3A_3073, %broadcast_in_dim3A_3076, %select_n3A_2696 : vector<16xi1>, vector<16xf32>
      %eq3A_3078 = arith.constant 1.700000e+01 : f32
      %eq3A_3079 = vector.broadcast %eq3A_3078 : f32 to vector<16xf32>
      %eq3A_3080 = arith.cmpf oeq, %select_n3A_2958, %eq3A_3079 : vector<16xf32>
      %or3A_3081 = arith.ori %or3A_2700, %eq3A_3080 : vector<16xi1>
      %jit3A_3082 = arith.constant -1.000000e+30 : f32
      %broadcast_in_dim3A_3083 = vector.broadcast %jit3A_3082 : f32 to vector<16xf32>
      %select_n3A_3084 = arith.select %eq3A_3080, %broadcast_in_dim3A_3083, %select_n3A_2703 : vector<16xi1>, vector<16xf32>
      %eq3A_3085 = arith.constant 1.800000e+01 : f32
      %eq3A_3086 = vector.broadcast %eq3A_3085 : f32 to vector<16xf32>
      %eq3A_3087 = arith.cmpf oeq, %select_n3A_2958, %eq3A_3086 : vector<16xf32>
      %or3A_3088 = arith.ori %or3A_2707, %eq3A_3087 : vector<16xi1>
      %jit3A_3089 = arith.constant -1.000000e+30 : f32
      %broadcast_in_dim3A_3090 = vector.broadcast %jit3A_3089 : f32 to vector<16xf32>
      %select_n3A_3091 = arith.select %eq3A_3087, %broadcast_in_dim3A_3090, %select_n3A_2710 : vector<16xi1>, vector<16xf32>
      %eq3A_3092 = arith.constant 1.900000e+01 : f32
      %eq3A_3093 = vector.broadcast %eq3A_3092 : f32 to vector<16xf32>
      %eq3A_3094 = arith.cmpf oeq, %select_n3A_2958, %eq3A_3093 : vector<16xf32>
      %or3A_3095 = arith.ori %or3A_2714, %eq3A_3094 : vector<16xi1>
      %jit3A_3096 = arith.constant -1.000000e+30 : f32
      %broadcast_in_dim3A_3097 = vector.broadcast %jit3A_3096 : f32 to vector<16xf32>
      %select_n3A_3098 = arith.select %eq3A_3094, %broadcast_in_dim3A_3097, %select_n3A_2717 : vector<16xi1>, vector<16xf32>
      %eq3A_3099 = arith.constant 2.000000e+01 : f32
      %eq3A_3100 = vector.broadcast %eq3A_3099 : f32 to vector<16xf32>
      %eq3A_3101 = arith.cmpf oeq, %select_n3A_2958, %eq3A_3100 : vector<16xf32>
      %or3A_3102 = arith.ori %or3A_2721, %eq3A_3101 : vector<16xi1>
      %jit3A_3103 = arith.constant -1.000000e+30 : f32
      %broadcast_in_dim3A_3104 = vector.broadcast %jit3A_3103 : f32 to vector<16xf32>
      %select_n3A_3105 = arith.select %eq3A_3101, %broadcast_in_dim3A_3104, %select_n3A_2724 : vector<16xi1>, vector<16xf32>
      %eq3A_3106 = arith.constant 2.100000e+01 : f32
      %eq3A_3107 = vector.broadcast %eq3A_3106 : f32 to vector<16xf32>
      %eq3A_3108 = arith.cmpf oeq, %select_n3A_2958, %eq3A_3107 : vector<16xf32>
      %or3A_3109 = arith.ori %or3A_2728, %eq3A_3108 : vector<16xi1>
      %jit3A_3110 = arith.constant -1.000000e+30 : f32
      %broadcast_in_dim3A_3111 = vector.broadcast %jit3A_3110 : f32 to vector<16xf32>
      %select_n3A_3112 = arith.select %eq3A_3108, %broadcast_in_dim3A_3111, %select_n3A_2731 : vector<16xi1>, vector<16xf32>
      %eq3A_3113 = arith.constant 2.200000e+01 : f32
      %eq3A_3114 = vector.broadcast %eq3A_3113 : f32 to vector<16xf32>
      %eq3A_3115 = arith.cmpf oeq, %select_n3A_2958, %eq3A_3114 : vector<16xf32>
      %or3A_3116 = arith.ori %or3A_2735, %eq3A_3115 : vector<16xi1>
      %jit3A_3117 = arith.constant -1.000000e+30 : f32
      %broadcast_in_dim3A_3118 = vector.broadcast %jit3A_3117 : f32 to vector<16xf32>
      %select_n3A_3119 = arith.select %eq3A_3115, %broadcast_in_dim3A_3118, %select_n3A_2738 : vector<16xi1>, vector<16xf32>
      %eq3A_3120 = arith.constant 2.300000e+01 : f32
      %eq3A_3121 = vector.broadcast %eq3A_3120 : f32 to vector<16xf32>
      %eq3A_3122 = arith.cmpf oeq, %select_n3A_2958, %eq3A_3121 : vector<16xf32>
      %or3A_3123 = arith.ori %or3A_2742, %eq3A_3122 : vector<16xi1>
      %jit3A_3124 = arith.constant -1.000000e+30 : f32
      %broadcast_in_dim3A_3125 = vector.broadcast %jit3A_3124 : f32 to vector<16xf32>
      %select_n3A_3126 = arith.select %eq3A_3122, %broadcast_in_dim3A_3125, %select_n3A_2745 : vector<16xi1>, vector<16xf32>
      %eq3A_3127 = arith.constant 2.400000e+01 : f32
      %eq3A_3128 = vector.broadcast %eq3A_3127 : f32 to vector<16xf32>
      %eq3A_3129 = arith.cmpf oeq, %select_n3A_2958, %eq3A_3128 : vector<16xf32>
      %or3A_3130 = arith.ori %or3A_2749, %eq3A_3129 : vector<16xi1>
      %jit3A_3131 = arith.constant -1.000000e+30 : f32
      %broadcast_in_dim3A_3132 = vector.broadcast %jit3A_3131 : f32 to vector<16xf32>
      %select_n3A_3133 = arith.select %eq3A_3129, %broadcast_in_dim3A_3132, %select_n3A_2752 : vector<16xi1>, vector<16xf32>
      %eq3A_3134 = arith.constant 2.500000e+01 : f32
      %eq3A_3135 = vector.broadcast %eq3A_3134 : f32 to vector<16xf32>
      %eq3A_3136 = arith.cmpf oeq, %select_n3A_2958, %eq3A_3135 : vector<16xf32>
      %or3A_3137 = arith.ori %or3A_2756, %eq3A_3136 : vector<16xi1>
      %jit3A_3138 = arith.constant -1.000000e+30 : f32
      %broadcast_in_dim3A_3139 = vector.broadcast %jit3A_3138 : f32 to vector<16xf32>
      %select_n3A_3140 = arith.select %eq3A_3136, %broadcast_in_dim3A_3139, %select_n3A_2759 : vector<16xi1>, vector<16xf32>
      %eq3A_3141 = arith.constant 2.600000e+01 : f32
      %eq3A_3142 = vector.broadcast %eq3A_3141 : f32 to vector<16xf32>
      %eq3A_3143 = arith.cmpf oeq, %select_n3A_2958, %eq3A_3142 : vector<16xf32>
      %or3A_3144 = arith.ori %or3A_2763, %eq3A_3143 : vector<16xi1>
      %jit3A_3145 = arith.constant -1.000000e+30 : f32
      %broadcast_in_dim3A_3146 = vector.broadcast %jit3A_3145 : f32 to vector<16xf32>
      %select_n3A_3147 = arith.select %eq3A_3143, %broadcast_in_dim3A_3146, %select_n3A_2766 : vector<16xi1>, vector<16xf32>
      %eq3A_3148 = arith.constant 2.700000e+01 : f32
      %eq3A_3149 = vector.broadcast %eq3A_3148 : f32 to vector<16xf32>
      %eq3A_3150 = arith.cmpf oeq, %select_n3A_2958, %eq3A_3149 : vector<16xf32>
      %or3A_3151 = arith.ori %or3A_2770, %eq3A_3150 : vector<16xi1>
      %jit3A_3152 = arith.constant -1.000000e+30 : f32
      %broadcast_in_dim3A_3153 = vector.broadcast %jit3A_3152 : f32 to vector<16xf32>
      %select_n3A_3154 = arith.select %eq3A_3150, %broadcast_in_dim3A_3153, %select_n3A_2773 : vector<16xi1>, vector<16xf32>
      %eq3A_3155 = arith.constant 2.800000e+01 : f32
      %eq3A_3156 = vector.broadcast %eq3A_3155 : f32 to vector<16xf32>
      %eq3A_3157 = arith.cmpf oeq, %select_n3A_2958, %eq3A_3156 : vector<16xf32>
      %or3A_3158 = arith.ori %or3A_2777, %eq3A_3157 : vector<16xi1>
      %jit3A_3159 = arith.constant -1.000000e+30 : f32
      %broadcast_in_dim3A_3160 = vector.broadcast %jit3A_3159 : f32 to vector<16xf32>
      %select_n3A_3161 = arith.select %eq3A_3157, %broadcast_in_dim3A_3160, %select_n3A_2780 : vector<16xi1>, vector<16xf32>
      %eq3A_3162 = arith.constant 2.900000e+01 : f32
      %eq3A_3163 = vector.broadcast %eq3A_3162 : f32 to vector<16xf32>
      %eq3A_3164 = arith.cmpf oeq, %select_n3A_2958, %eq3A_3163 : vector<16xf32>
      %or3A_3165 = arith.ori %or3A_2784, %eq3A_3164 : vector<16xi1>
      %jit3A_3166 = arith.constant -1.000000e+30 : f32
      %broadcast_in_dim3A_3167 = vector.broadcast %jit3A_3166 : f32 to vector<16xf32>
      %select_n3A_3168 = arith.select %eq3A_3164, %broadcast_in_dim3A_3167, %select_n3A_2787 : vector<16xi1>, vector<16xf32>
      %eq3A_3169 = arith.constant 3.000000e+01 : f32
      %eq3A_3170 = vector.broadcast %eq3A_3169 : f32 to vector<16xf32>
      %eq3A_3171 = arith.cmpf oeq, %select_n3A_2958, %eq3A_3170 : vector<16xf32>
      %or3A_3172 = arith.ori %or3A_2791, %eq3A_3171 : vector<16xi1>
      %jit3A_3173 = arith.constant -1.000000e+30 : f32
      %broadcast_in_dim3A_3174 = vector.broadcast %jit3A_3173 : f32 to vector<16xf32>
      %select_n3A_3175 = arith.select %eq3A_3171, %broadcast_in_dim3A_3174, %select_n3A_2794 : vector<16xi1>, vector<16xf32>
      %eq3A_3176 = arith.constant 3.100000e+01 : f32
      %eq3A_3177 = vector.broadcast %eq3A_3176 : f32 to vector<16xf32>
      %eq3A_3178 = arith.cmpf oeq, %select_n3A_2958, %eq3A_3177 : vector<16xf32>
      %or3A_3179 = arith.ori %or3A_2798, %eq3A_3178 : vector<16xi1>
      %jit3A_3180 = arith.constant -1.000000e+30 : f32
      %broadcast_in_dim3A_3181 = vector.broadcast %jit3A_3180 : f32 to vector<16xf32>
      %select_n3A_3182 = arith.select %eq3A_3178, %broadcast_in_dim3A_3181, %select_n3A_2801 : vector<16xi1>, vector<16xf32>
      %broadcast_in_dim3A_3183 = arith.constant 0.000000e+00 : f32
      %broadcast_in_dim3A_3184 = vector.broadcast %broadcast_in_dim3A_3183 : f32 to vector<16xf32>
      %sub3A = arith.subf %get3A_17, %select_n3A_322 : vector<16xf32>
      %exp3A = math.exp %sub3A : vector<16xf32>
      %jit3A_3185 = arith.constant 0.000000e+00 : f32
      %broadcast_in_dim3A_3186 = vector.broadcast %jit3A_3185 : f32 to vector<16xf32>
      %select_n3A_3187 = arith.select %or3A_2962, %exp3A, %broadcast_in_dim3A_3186 : vector<16xi1>, vector<16xf32>
      %add3A_3188 = arith.addf %broadcast_in_dim3A_3184, %select_n3A_3187 : vector<16xf32>
      %sub3A_3189 = arith.subf %get3A_22, %select_n3A_322 : vector<16xf32>
      %exp3A_3190 = math.exp %sub3A_3189 : vector<16xf32>
      %jit3A_3191 = arith.constant 0.000000e+00 : f32
      %broadcast_in_dim3A_3192 = vector.broadcast %jit3A_3191 : f32 to vector<16xf32>
      %select_n3A_3193 = arith.select %or3A_2969, %exp3A_3190, %broadcast_in_dim3A_3192 : vector<16xi1>, vector<16xf32>
      %add3A_3194 = arith.addf %add3A_3188, %select_n3A_3193 : vector<16xf32>
      %sub3A_3195 = arith.subf %get3A_27, %select_n3A_322 : vector<16xf32>
      %exp3A_3196 = math.exp %sub3A_3195 : vector<16xf32>
      %jit3A_3197 = arith.constant 0.000000e+00 : f32
      %broadcast_in_dim3A_3198 = vector.broadcast %jit3A_3197 : f32 to vector<16xf32>
      %select_n3A_3199 = arith.select %or3A_2976, %exp3A_3196, %broadcast_in_dim3A_3198 : vector<16xi1>, vector<16xf32>
      %add3A_3200 = arith.addf %add3A_3194, %select_n3A_3199 : vector<16xf32>
      %sub3A_3201 = arith.subf %get3A_32, %select_n3A_322 : vector<16xf32>
      %exp3A_3202 = math.exp %sub3A_3201 : vector<16xf32>
      %jit3A_3203 = arith.constant 0.000000e+00 : f32
      %broadcast_in_dim3A_3204 = vector.broadcast %jit3A_3203 : f32 to vector<16xf32>
      %select_n3A_3205 = arith.select %or3A_2983, %exp3A_3202, %broadcast_in_dim3A_3204 : vector<16xi1>, vector<16xf32>
      %add3A_3206 = arith.addf %add3A_3200, %select_n3A_3205 : vector<16xf32>
      %sub3A_3207 = arith.subf %get3A_37, %select_n3A_322 : vector<16xf32>
      %exp3A_3208 = math.exp %sub3A_3207 : vector<16xf32>
      %jit3A_3209 = arith.constant 0.000000e+00 : f32
      %broadcast_in_dim3A_3210 = vector.broadcast %jit3A_3209 : f32 to vector<16xf32>
      %select_n3A_3211 = arith.select %or3A_2990, %exp3A_3208, %broadcast_in_dim3A_3210 : vector<16xi1>, vector<16xf32>
      %add3A_3212 = arith.addf %add3A_3206, %select_n3A_3211 : vector<16xf32>
      %sub3A_3213 = arith.subf %get3A_42, %select_n3A_322 : vector<16xf32>
      %exp3A_3214 = math.exp %sub3A_3213 : vector<16xf32>
      %jit3A_3215 = arith.constant 0.000000e+00 : f32
      %broadcast_in_dim3A_3216 = vector.broadcast %jit3A_3215 : f32 to vector<16xf32>
      %select_n3A_3217 = arith.select %or3A_2997, %exp3A_3214, %broadcast_in_dim3A_3216 : vector<16xi1>, vector<16xf32>
      %add3A_3218 = arith.addf %add3A_3212, %select_n3A_3217 : vector<16xf32>
      %sub3A_3219 = arith.subf %get3A_47, %select_n3A_322 : vector<16xf32>
      %exp3A_3220 = math.exp %sub3A_3219 : vector<16xf32>
      %jit3A_3221 = arith.constant 0.000000e+00 : f32
      %broadcast_in_dim3A_3222 = vector.broadcast %jit3A_3221 : f32 to vector<16xf32>
      %select_n3A_3223 = arith.select %or3A_3004, %exp3A_3220, %broadcast_in_dim3A_3222 : vector<16xi1>, vector<16xf32>
      %add3A_3224 = arith.addf %add3A_3218, %select_n3A_3223 : vector<16xf32>
      %sub3A_3225 = arith.subf %get3A_52, %select_n3A_322 : vector<16xf32>
      %exp3A_3226 = math.exp %sub3A_3225 : vector<16xf32>
      %jit3A_3227 = arith.constant 0.000000e+00 : f32
      %broadcast_in_dim3A_3228 = vector.broadcast %jit3A_3227 : f32 to vector<16xf32>
      %select_n3A_3229 = arith.select %or3A_3011, %exp3A_3226, %broadcast_in_dim3A_3228 : vector<16xi1>, vector<16xf32>
      %add3A_3230 = arith.addf %add3A_3224, %select_n3A_3229 : vector<16xf32>
      %sub3A_3231 = arith.subf %get3A_57, %select_n3A_322 : vector<16xf32>
      %exp3A_3232 = math.exp %sub3A_3231 : vector<16xf32>
      %jit3A_3233 = arith.constant 0.000000e+00 : f32
      %broadcast_in_dim3A_3234 = vector.broadcast %jit3A_3233 : f32 to vector<16xf32>
      %select_n3A_3235 = arith.select %or3A_3018, %exp3A_3232, %broadcast_in_dim3A_3234 : vector<16xi1>, vector<16xf32>
      %add3A_3236 = arith.addf %add3A_3230, %select_n3A_3235 : vector<16xf32>
      %sub3A_3237 = arith.subf %get3A_62, %select_n3A_322 : vector<16xf32>
      %exp3A_3238 = math.exp %sub3A_3237 : vector<16xf32>
      %jit3A_3239 = arith.constant 0.000000e+00 : f32
      %broadcast_in_dim3A_3240 = vector.broadcast %jit3A_3239 : f32 to vector<16xf32>
      %select_n3A_3241 = arith.select %or3A_3025, %exp3A_3238, %broadcast_in_dim3A_3240 : vector<16xi1>, vector<16xf32>
      %add3A_3242 = arith.addf %add3A_3236, %select_n3A_3241 : vector<16xf32>
      %sub3A_3243 = arith.subf %get3A_67, %select_n3A_322 : vector<16xf32>
      %exp3A_3244 = math.exp %sub3A_3243 : vector<16xf32>
      %jit3A_3245 = arith.constant 0.000000e+00 : f32
      %broadcast_in_dim3A_3246 = vector.broadcast %jit3A_3245 : f32 to vector<16xf32>
      %select_n3A_3247 = arith.select %or3A_3032, %exp3A_3244, %broadcast_in_dim3A_3246 : vector<16xi1>, vector<16xf32>
      %add3A_3248 = arith.addf %add3A_3242, %select_n3A_3247 : vector<16xf32>
      %sub3A_3249 = arith.subf %get3A_72, %select_n3A_322 : vector<16xf32>
      %exp3A_3250 = math.exp %sub3A_3249 : vector<16xf32>
      %jit3A_3251 = arith.constant 0.000000e+00 : f32
      %broadcast_in_dim3A_3252 = vector.broadcast %jit3A_3251 : f32 to vector<16xf32>
      %select_n3A_3253 = arith.select %or3A_3039, %exp3A_3250, %broadcast_in_dim3A_3252 : vector<16xi1>, vector<16xf32>
      %add3A_3254 = arith.addf %add3A_3248, %select_n3A_3253 : vector<16xf32>
      %sub3A_3255 = arith.subf %get3A_77, %select_n3A_322 : vector<16xf32>
      %exp3A_3256 = math.exp %sub3A_3255 : vector<16xf32>
      %jit3A_3257 = arith.constant 0.000000e+00 : f32
      %broadcast_in_dim3A_3258 = vector.broadcast %jit3A_3257 : f32 to vector<16xf32>
      %select_n3A_3259 = arith.select %or3A_3046, %exp3A_3256, %broadcast_in_dim3A_3258 : vector<16xi1>, vector<16xf32>
      %add3A_3260 = arith.addf %add3A_3254, %select_n3A_3259 : vector<16xf32>
      %sub3A_3261 = arith.subf %get3A_82, %select_n3A_322 : vector<16xf32>
      %exp3A_3262 = math.exp %sub3A_3261 : vector<16xf32>
      %jit3A_3263 = arith.constant 0.000000e+00 : f32
      %broadcast_in_dim3A_3264 = vector.broadcast %jit3A_3263 : f32 to vector<16xf32>
      %select_n3A_3265 = arith.select %or3A_3053, %exp3A_3262, %broadcast_in_dim3A_3264 : vector<16xi1>, vector<16xf32>
      %add3A_3266 = arith.addf %add3A_3260, %select_n3A_3265 : vector<16xf32>
      %sub3A_3267 = arith.subf %get3A_87, %select_n3A_322 : vector<16xf32>
      %exp3A_3268 = math.exp %sub3A_3267 : vector<16xf32>
      %jit3A_3269 = arith.constant 0.000000e+00 : f32
      %broadcast_in_dim3A_3270 = vector.broadcast %jit3A_3269 : f32 to vector<16xf32>
      %select_n3A_3271 = arith.select %or3A_3060, %exp3A_3268, %broadcast_in_dim3A_3270 : vector<16xi1>, vector<16xf32>
      %add3A_3272 = arith.addf %add3A_3266, %select_n3A_3271 : vector<16xf32>
      %sub3A_3273 = arith.subf %get3A_92, %select_n3A_322 : vector<16xf32>
      %exp3A_3274 = math.exp %sub3A_3273 : vector<16xf32>
      %jit3A_3275 = arith.constant 0.000000e+00 : f32
      %broadcast_in_dim3A_3276 = vector.broadcast %jit3A_3275 : f32 to vector<16xf32>
      %select_n3A_3277 = arith.select %or3A_3067, %exp3A_3274, %broadcast_in_dim3A_3276 : vector<16xi1>, vector<16xf32>
      %add3A_3278 = arith.addf %add3A_3272, %select_n3A_3277 : vector<16xf32>
      %sub3A_3279 = arith.subf %get3A_97, %select_n3A_322 : vector<16xf32>
      %exp3A_3280 = math.exp %sub3A_3279 : vector<16xf32>
      %jit3A_3281 = arith.constant 0.000000e+00 : f32
      %broadcast_in_dim3A_3282 = vector.broadcast %jit3A_3281 : f32 to vector<16xf32>
      %select_n3A_3283 = arith.select %or3A_3074, %exp3A_3280, %broadcast_in_dim3A_3282 : vector<16xi1>, vector<16xf32>
      %add3A_3284 = arith.addf %add3A_3278, %select_n3A_3283 : vector<16xf32>
      %sub3A_3285 = arith.subf %get3A_102, %select_n3A_322 : vector<16xf32>
      %exp3A_3286 = math.exp %sub3A_3285 : vector<16xf32>
      %jit3A_3287 = arith.constant 0.000000e+00 : f32
      %broadcast_in_dim3A_3288 = vector.broadcast %jit3A_3287 : f32 to vector<16xf32>
      %select_n3A_3289 = arith.select %or3A_3081, %exp3A_3286, %broadcast_in_dim3A_3288 : vector<16xi1>, vector<16xf32>
      %add3A_3290 = arith.addf %add3A_3284, %select_n3A_3289 : vector<16xf32>
      %sub3A_3291 = arith.subf %get3A_107, %select_n3A_322 : vector<16xf32>
      %exp3A_3292 = math.exp %sub3A_3291 : vector<16xf32>
      %jit3A_3293 = arith.constant 0.000000e+00 : f32
      %broadcast_in_dim3A_3294 = vector.broadcast %jit3A_3293 : f32 to vector<16xf32>
      %select_n3A_3295 = arith.select %or3A_3088, %exp3A_3292, %broadcast_in_dim3A_3294 : vector<16xi1>, vector<16xf32>
      %add3A_3296 = arith.addf %add3A_3290, %select_n3A_3295 : vector<16xf32>
      %sub3A_3297 = arith.subf %get3A_112, %select_n3A_322 : vector<16xf32>
      %exp3A_3298 = math.exp %sub3A_3297 : vector<16xf32>
      %jit3A_3299 = arith.constant 0.000000e+00 : f32
      %broadcast_in_dim3A_3300 = vector.broadcast %jit3A_3299 : f32 to vector<16xf32>
      %select_n3A_3301 = arith.select %or3A_3095, %exp3A_3298, %broadcast_in_dim3A_3300 : vector<16xi1>, vector<16xf32>
      %add3A_3302 = arith.addf %add3A_3296, %select_n3A_3301 : vector<16xf32>
      %sub3A_3303 = arith.subf %get3A_117, %select_n3A_322 : vector<16xf32>
      %exp3A_3304 = math.exp %sub3A_3303 : vector<16xf32>
      %jit3A_3305 = arith.constant 0.000000e+00 : f32
      %broadcast_in_dim3A_3306 = vector.broadcast %jit3A_3305 : f32 to vector<16xf32>
      %select_n3A_3307 = arith.select %or3A_3102, %exp3A_3304, %broadcast_in_dim3A_3306 : vector<16xi1>, vector<16xf32>
      %add3A_3308 = arith.addf %add3A_3302, %select_n3A_3307 : vector<16xf32>
      %sub3A_3309 = arith.subf %get3A_122, %select_n3A_322 : vector<16xf32>
      %exp3A_3310 = math.exp %sub3A_3309 : vector<16xf32>
      %jit3A_3311 = arith.constant 0.000000e+00 : f32
      %broadcast_in_dim3A_3312 = vector.broadcast %jit3A_3311 : f32 to vector<16xf32>
      %select_n3A_3313 = arith.select %or3A_3109, %exp3A_3310, %broadcast_in_dim3A_3312 : vector<16xi1>, vector<16xf32>
      %add3A_3314 = arith.addf %add3A_3308, %select_n3A_3313 : vector<16xf32>
      %sub3A_3315 = arith.subf %get3A_127, %select_n3A_322 : vector<16xf32>
      %exp3A_3316 = math.exp %sub3A_3315 : vector<16xf32>
      %jit3A_3317 = arith.constant 0.000000e+00 : f32
      %broadcast_in_dim3A_3318 = vector.broadcast %jit3A_3317 : f32 to vector<16xf32>
      %select_n3A_3319 = arith.select %or3A_3116, %exp3A_3316, %broadcast_in_dim3A_3318 : vector<16xi1>, vector<16xf32>
      %add3A_3320 = arith.addf %add3A_3314, %select_n3A_3319 : vector<16xf32>
      %sub3A_3321 = arith.subf %get3A_132, %select_n3A_322 : vector<16xf32>
      %exp3A_3322 = math.exp %sub3A_3321 : vector<16xf32>
      %jit3A_3323 = arith.constant 0.000000e+00 : f32
      %broadcast_in_dim3A_3324 = vector.broadcast %jit3A_3323 : f32 to vector<16xf32>
      %select_n3A_3325 = arith.select %or3A_3123, %exp3A_3322, %broadcast_in_dim3A_3324 : vector<16xi1>, vector<16xf32>
      %add3A_3326 = arith.addf %add3A_3320, %select_n3A_3325 : vector<16xf32>
      %sub3A_3327 = arith.subf %get3A_137, %select_n3A_322 : vector<16xf32>
      %exp3A_3328 = math.exp %sub3A_3327 : vector<16xf32>
      %jit3A_3329 = arith.constant 0.000000e+00 : f32
      %broadcast_in_dim3A_3330 = vector.broadcast %jit3A_3329 : f32 to vector<16xf32>
      %select_n3A_3331 = arith.select %or3A_3130, %exp3A_3328, %broadcast_in_dim3A_3330 : vector<16xi1>, vector<16xf32>
      %add3A_3332 = arith.addf %add3A_3326, %select_n3A_3331 : vector<16xf32>
      %sub3A_3333 = arith.subf %get3A_142, %select_n3A_322 : vector<16xf32>
      %exp3A_3334 = math.exp %sub3A_3333 : vector<16xf32>
      %jit3A_3335 = arith.constant 0.000000e+00 : f32
      %broadcast_in_dim3A_3336 = vector.broadcast %jit3A_3335 : f32 to vector<16xf32>
      %select_n3A_3337 = arith.select %or3A_3137, %exp3A_3334, %broadcast_in_dim3A_3336 : vector<16xi1>, vector<16xf32>
      %add3A_3338 = arith.addf %add3A_3332, %select_n3A_3337 : vector<16xf32>
      %sub3A_3339 = arith.subf %get3A_147, %select_n3A_322 : vector<16xf32>
      %exp3A_3340 = math.exp %sub3A_3339 : vector<16xf32>
      %jit3A_3341 = arith.constant 0.000000e+00 : f32
      %broadcast_in_dim3A_3342 = vector.broadcast %jit3A_3341 : f32 to vector<16xf32>
      %select_n3A_3343 = arith.select %or3A_3144, %exp3A_3340, %broadcast_in_dim3A_3342 : vector<16xi1>, vector<16xf32>
      %add3A_3344 = arith.addf %add3A_3338, %select_n3A_3343 : vector<16xf32>
      %sub3A_3345 = arith.subf %get3A_152, %select_n3A_322 : vector<16xf32>
      %exp3A_3346 = math.exp %sub3A_3345 : vector<16xf32>
      %jit3A_3347 = arith.constant 0.000000e+00 : f32
      %broadcast_in_dim3A_3348 = vector.broadcast %jit3A_3347 : f32 to vector<16xf32>
      %select_n3A_3349 = arith.select %or3A_3151, %exp3A_3346, %broadcast_in_dim3A_3348 : vector<16xi1>, vector<16xf32>
      %add3A_3350 = arith.addf %add3A_3344, %select_n3A_3349 : vector<16xf32>
      %sub3A_3351 = arith.subf %get3A_157, %select_n3A_322 : vector<16xf32>
      %exp3A_3352 = math.exp %sub3A_3351 : vector<16xf32>
      %jit3A_3353 = arith.constant 0.000000e+00 : f32
      %broadcast_in_dim3A_3354 = vector.broadcast %jit3A_3353 : f32 to vector<16xf32>
      %select_n3A_3355 = arith.select %or3A_3158, %exp3A_3352, %broadcast_in_dim3A_3354 : vector<16xi1>, vector<16xf32>
      %add3A_3356 = arith.addf %add3A_3350, %select_n3A_3355 : vector<16xf32>
      %sub3A_3357 = arith.subf %get3A_162, %select_n3A_322 : vector<16xf32>
      %exp3A_3358 = math.exp %sub3A_3357 : vector<16xf32>
      %jit3A_3359 = arith.constant 0.000000e+00 : f32
      %broadcast_in_dim3A_3360 = vector.broadcast %jit3A_3359 : f32 to vector<16xf32>
      %select_n3A_3361 = arith.select %or3A_3165, %exp3A_3358, %broadcast_in_dim3A_3360 : vector<16xi1>, vector<16xf32>
      %add3A_3362 = arith.addf %add3A_3356, %select_n3A_3361 : vector<16xf32>
      %sub3A_3363 = arith.subf %get3A_167, %select_n3A_322 : vector<16xf32>
      %exp3A_3364 = math.exp %sub3A_3363 : vector<16xf32>
      %jit3A_3365 = arith.constant 0.000000e+00 : f32
      %broadcast_in_dim3A_3366 = vector.broadcast %jit3A_3365 : f32 to vector<16xf32>
      %select_n3A_3367 = arith.select %or3A_3172, %exp3A_3364, %broadcast_in_dim3A_3366 : vector<16xi1>, vector<16xf32>
      %add3A_3368 = arith.addf %add3A_3362, %select_n3A_3367 : vector<16xf32>
      %sub3A_3369 = arith.subf %get3A_172, %select_n3A_322 : vector<16xf32>
      %exp3A_3370 = math.exp %sub3A_3369 : vector<16xf32>
      %jit3A_3371 = arith.constant 0.000000e+00 : f32
      %broadcast_in_dim3A_3372 = vector.broadcast %jit3A_3371 : f32 to vector<16xf32>
      %select_n3A_3373 = arith.select %or3A_3179, %exp3A_3370, %broadcast_in_dim3A_3372 : vector<16xi1>, vector<16xf32>
      %add3A_3374 = arith.addf %add3A_3368, %select_n3A_3373 : vector<16xf32>
      %div3A = arith.constant 1.000000e+00 : f32
      %div3A_3375 = vector.broadcast %div3A : f32 to vector<16xf32>
      %div3A_3376 = arith.divf %div3A_3375, %add3A_3374 : vector<16xf32>
      %mul3A_3377 = arith.mulf %select_n3A_3187, %div3A_3376 : vector<16xf32>
      %swap3A = arith.constant 0 : i32
      %swap3A_3378 = arith.index_cast %swap3A : i32 to index
      %swap3A_3379 = arith.index_cast %mul3A_13 : i32 to index
      %swap3A_3380 = tpu.vector_load %arg5[%swap3A_3378, %swap3A_3379] {strides = array<i32>} : memref<32x128xf32, #tpu.memory_space<vmem>>, vector<1x16xf32>,
      %swap3A_3381 = vector.shape_cast %swap3A_3380 : vector<1x16xf32> to vector<16xf32>
      %swap3A_3382 = vector.shape_cast %mul3A_3377 : vector<16xf32> to vector<1x16xf32>
      tpu.vector_store %arg5[%swap3A_3378, %swap3A_3379], %swap3A_3382 {strides = array<i32>} : memref<32x128xf32, #tpu.memory_space<vmem>>, vector<1x16xf32>,
      %mul3A_3383 = arith.mulf %select_n3A_3193, %div3A_3376 : vector<16xf32>
      %swap3A_3384 = arith.constant 1 : i32
      %swap3A_3385 = arith.index_cast %swap3A_3384 : i32 to index
      %swap3A_3386 = arith.index_cast %mul3A_13 : i32 to index
      %swap3A_3387 = tpu.vector_load %arg5[%swap3A_3385, %swap3A_3386] {strides = array<i32>} : memref<32x128xf32, #tpu.memory_space<vmem>>, vector<1x16xf32>,
      %swap3A_3388 = vector.shape_cast %swap3A_3387 : vector<1x16xf32> to vector<16xf32>
      %swap3A_3389 = vector.shape_cast %mul3A_3383 : vector<16xf32> to vector<1x16xf32>
      tpu.vector_store %arg5[%swap3A_3385, %swap3A_3386], %swap3A_3389 {strides = array<i32>} : memref<32x128xf32, #tpu.memory_space<vmem>>, vector<1x16xf32>,
      %mul3A_3390 = arith.mulf %select_n3A_3199, %div3A_3376 : vector<16xf32>
      %swap3A_3391 = arith.constant 2 : i32
      %swap3A_3392 = arith.index_cast %swap3A_3391 : i32 to index
      %swap3A_3393 = arith.index_cast %mul3A_13 : i32 to index
      %swap3A_3394 = tpu.vector_load %arg5[%swap3A_3392, %swap3A_3393] {strides = array<i32>} : memref<32x128xf32, #tpu.memory_space<vmem>>, vector<1x16xf32>,
      %swap3A_3395 = vector.shape_cast %swap3A_3394 : vector<1x16xf32> to vector<16xf32>
      %swap3A_3396 = vector.shape_cast %mul3A_3390 : vector<16xf32> to vector<1x16xf32>
      tpu.vector_store %arg5[%swap3A_3392, %swap3A_3393], %swap3A_3396 {strides = array<i32>} : memref<32x128xf32, #tpu.memory_space<vmem>>, vector<1x16xf32>,
      %mul3A_3397 = arith.mulf %select_n3A_3205, %div3A_3376 : vector<16xf32>
      %swap3A_3398 = arith.constant 3 : i32
      %swap3A_3399 = arith.index_cast %swap3A_3398 : i32 to index
      %swap3A_3400 = arith.index_cast %mul3A_13 : i32 to index
      %swap3A_3401 = tpu.vector_load %arg5[%swap3A_3399, %swap3A_3400] {strides = array<i32>} : memref<32x128xf32, #tpu.memory_space<vmem>>, vector<1x16xf32>,
      %swap3A_3402 = vector.shape_cast %swap3A_3401 : vector<1x16xf32> to vector<16xf32>
      %swap3A_3403 = vector.shape_cast %mul3A_3397 : vector<16xf32> to vector<1x16xf32>
      tpu.vector_store %arg5[%swap3A_3399, %swap3A_3400], %swap3A_3403 {strides = array<i32>} : memref<32x128xf32, #tpu.memory_space<vmem>>, vector<1x16xf32>,
      %mul3A_3404 = arith.mulf %select_n3A_3211, %div3A_3376 : vector<16xf32>
      %swap3A_3405 = arith.constant 4 : i32
      %swap3A_3406 = arith.index_cast %swap3A_3405 : i32 to index
      %swap3A_3407 = arith.index_cast %mul3A_13 : i32 to index
      %swap3A_3408 = tpu.vector_load %arg5[%swap3A_3406, %swap3A_3407] {strides = array<i32>} : memref<32x128xf32, #tpu.memory_space<vmem>>, vector<1x16xf32>,
      %swap3A_3409 = vector.shape_cast %swap3A_3408 : vector<1x16xf32> to vector<16xf32>
      %swap3A_3410 = vector.shape_cast %mul3A_3404 : vector<16xf32> to vector<1x16xf32>
      tpu.vector_store %arg5[%swap3A_3406, %swap3A_3407], %swap3A_3410 {strides = array<i32>} : memref<32x128xf32, #tpu.memory_space<vmem>>, vector<1x16xf32>,
      %mul3A_3411 = arith.mulf %select_n3A_3217, %div3A_3376 : vector<16xf32>
      %swap3A_3412 = arith.constant 5 : i32
      %swap3A_3413 = arith.index_cast %swap3A_3412 : i32 to index
      %swap3A_3414 = arith.index_cast %mul3A_13 : i32 to index
      %swap3A_3415 = tpu.vector_load %arg5[%swap3A_3413, %swap3A_3414] {strides = array<i32>} : memref<32x128xf32, #tpu.memory_space<vmem>>, vector<1x16xf32>,
      %swap3A_3416 = vector.shape_cast %swap3A_3415 : vector<1x16xf32> to vector<16xf32>
      %swap3A_3417 = vector.shape_cast %mul3A_3411 : vector<16xf32> to vector<1x16xf32>
      tpu.vector_store %arg5[%swap3A_3413, %swap3A_3414], %swap3A_3417 {strides = array<i32>} : memref<32x128xf32, #tpu.memory_space<vmem>>, vector<1x16xf32>,
      %mul3A_3418 = arith.mulf %select_n3A_3223, %div3A_3376 : vector<16xf32>
      %swap3A_3419 = arith.constant 6 : i32
      %swap3A_3420 = arith.index_cast %swap3A_3419 : i32 to index
      %swap3A_3421 = arith.index_cast %mul3A_13 : i32 to index
      %swap3A_3422 = tpu.vector_load %arg5[%swap3A_3420, %swap3A_3421] {strides = array<i32>} : memref<32x128xf32, #tpu.memory_space<vmem>>, vector<1x16xf32>,
      %swap3A_3423 = vector.shape_cast %swap3A_3422 : vector<1x16xf32> to vector<16xf32>
      %swap3A_3424 = vector.shape_cast %mul3A_3418 : vector<16xf32> to vector<1x16xf32>
      tpu.vector_store %arg5[%swap3A_3420, %swap3A_3421], %swap3A_3424 {strides = array<i32>} : memref<32x128xf32, #tpu.memory_space<vmem>>, vector<1x16xf32>,
      %mul3A_3425 = arith.mulf %select_n3A_3229, %div3A_3376 : vector<16xf32>
      %swap3A_3426 = arith.constant 7 : i32
      %swap3A_3427 = arith.index_cast %swap3A_3426 : i32 to index
      %swap3A_3428 = arith.index_cast %mul3A_13 : i32 to index
      %swap3A_3429 = tpu.vector_load %arg5[%swap3A_3427, %swap3A_3428] {strides = array<i32>} : memref<32x128xf32, #tpu.memory_space<vmem>>, vector<1x16xf32>,
      %swap3A_3430 = vector.shape_cast %swap3A_3429 : vector<1x16xf32> to vector<16xf32>
      %swap3A_3431 = vector.shape_cast %mul3A_3425 : vector<16xf32> to vector<1x16xf32>
      tpu.vector_store %arg5[%swap3A_3427, %swap3A_3428], %swap3A_3431 {strides = array<i32>} : memref<32x128xf32, #tpu.memory_space<vmem>>, vector<1x16xf32>,
      %mul3A_3432 = arith.mulf %select_n3A_3235, %div3A_3376 : vector<16xf32>
      %swap3A_3433 = arith.constant 8 : i32
      %swap3A_3434 = arith.index_cast %swap3A_3433 : i32 to index
      %swap3A_3435 = arith.index_cast %mul3A_13 : i32 to index
      %swap3A_3436 = tpu.vector_load %arg5[%swap3A_3434, %swap3A_3435] {strides = array<i32>} : memref<32x128xf32, #tpu.memory_space<vmem>>, vector<1x16xf32>,
      %swap3A_3437 = vector.shape_cast %swap3A_3436 : vector<1x16xf32> to vector<16xf32>
      %swap3A_3438 = vector.shape_cast %mul3A_3432 : vector<16xf32> to vector<1x16xf32>
      tpu.vector_store %arg5[%swap3A_3434, %swap3A_3435], %swap3A_3438 {strides = array<i32>} : memref<32x128xf32, #tpu.memory_space<vmem>>, vector<1x16xf32>,
      %mul3A_3439 = arith.mulf %select_n3A_3241, %div3A_3376 : vector<16xf32>
      %swap3A_3440 = arith.constant 9 : i32
      %swap3A_3441 = arith.index_cast %swap3A_3440 : i32 to index
      %swap3A_3442 = arith.index_cast %mul3A_13 : i32 to index
      %swap3A_3443 = tpu.vector_load %arg5[%swap3A_3441, %swap3A_3442] {strides = array<i32>} : memref<32x128xf32, #tpu.memory_space<vmem>>, vector<1x16xf32>,
      %swap3A_3444 = vector.shape_cast %swap3A_3443 : vector<1x16xf32> to vector<16xf32>
      %swap3A_3445 = vector.shape_cast %mul3A_3439 : vector<16xf32> to vector<1x16xf32>
      tpu.vector_store %arg5[%swap3A_3441, %swap3A_3442], %swap3A_3445 {strides = array<i32>} : memref<32x128xf32, #tpu.memory_space<vmem>>, vector<1x16xf32>,
      %mul3A_3446 = arith.mulf %select_n3A_3247, %div3A_3376 : vector<16xf32>
      %swap3A_3447 = arith.constant 10 : i32
      %swap3A_3448 = arith.index_cast %swap3A_3447 : i32 to index
      %swap3A_3449 = arith.index_cast %mul3A_13 : i32 to index
      %swap3A_3450 = tpu.vector_load %arg5[%swap3A_3448, %swap3A_3449] {strides = array<i32>} : memref<32x128xf32, #tpu.memory_space<vmem>>, vector<1x16xf32>,
      %swap3A_3451 = vector.shape_cast %swap3A_3450 : vector<1x16xf32> to vector<16xf32>
      %swap3A_3452 = vector.shape_cast %mul3A_3446 : vector<16xf32> to vector<1x16xf32>
      tpu.vector_store %arg5[%swap3A_3448, %swap3A_3449], %swap3A_3452 {strides = array<i32>} : memref<32x128xf32, #tpu.memory_space<vmem>>, vector<1x16xf32>,
      %mul3A_3453 = arith.mulf %select_n3A_3253, %div3A_3376 : vector<16xf32>
      %swap3A_3454 = arith.constant 11 : i32
      %swap3A_3455 = arith.index_cast %swap3A_3454 : i32 to index
      %swap3A_3456 = arith.index_cast %mul3A_13 : i32 to index
      %swap3A_3457 = tpu.vector_load %arg5[%swap3A_3455, %swap3A_3456] {strides = array<i32>} : memref<32x128xf32, #tpu.memory_space<vmem>>, vector<1x16xf32>,
      %swap3A_3458 = vector.shape_cast %swap3A_3457 : vector<1x16xf32> to vector<16xf32>
      %swap3A_3459 = vector.shape_cast %mul3A_3453 : vector<16xf32> to vector<1x16xf32>
      tpu.vector_store %arg5[%swap3A_3455, %swap3A_3456], %swap3A_3459 {strides = array<i32>} : memref<32x128xf32, #tpu.memory_space<vmem>>, vector<1x16xf32>,
      %mul3A_3460 = arith.mulf %select_n3A_3259, %div3A_3376 : vector<16xf32>
      %swap3A_3461 = arith.constant 12 : i32
      %swap3A_3462 = arith.index_cast %swap3A_3461 : i32 to index
      %swap3A_3463 = arith.index_cast %mul3A_13 : i32 to index
      %swap3A_3464 = tpu.vector_load %arg5[%swap3A_3462, %swap3A_3463] {strides = array<i32>} : memref<32x128xf32, #tpu.memory_space<vmem>>, vector<1x16xf32>,
      %swap3A_3465 = vector.shape_cast %swap3A_3464 : vector<1x16xf32> to vector<16xf32>
      %swap3A_3466 = vector.shape_cast %mul3A_3460 : vector<16xf32> to vector<1x16xf32>
      tpu.vector_store %arg5[%swap3A_3462, %swap3A_3463], %swap3A_3466 {strides = array<i32>} : memref<32x128xf32, #tpu.memory_space<vmem>>, vector<1x16xf32>,
      %mul3A_3467 = arith.mulf %select_n3A_3265, %div3A_3376 : vector<16xf32>
      %swap3A_3468 = arith.constant 13 : i32
      %swap3A_3469 = arith.index_cast %swap3A_3468 : i32 to index
      %swap3A_3470 = arith.index_cast %mul3A_13 : i32 to index
      %swap3A_3471 = tpu.vector_load %arg5[%swap3A_3469, %swap3A_3470] {strides = array<i32>} : memref<32x128xf32, #tpu.memory_space<vmem>>, vector<1x16xf32>,
      %swap3A_3472 = vector.shape_cast %swap3A_3471 : vector<1x16xf32> to vector<16xf32>
      %swap3A_3473 = vector.shape_cast %mul3A_3467 : vector<16xf32> to vector<1x16xf32>
      tpu.vector_store %arg5[%swap3A_3469, %swap3A_3470], %swap3A_3473 {strides = array<i32>} : memref<32x128xf32, #tpu.memory_space<vmem>>, vector<1x16xf32>,
      %mul3A_3474 = arith.mulf %select_n3A_3271, %div3A_3376 : vector<16xf32>
      %swap3A_3475 = arith.constant 14 : i32
      %swap3A_3476 = arith.index_cast %swap3A_3475 : i32 to index
      %swap3A_3477 = arith.index_cast %mul3A_13 : i32 to index
      %swap3A_3478 = tpu.vector_load %arg5[%swap3A_3476, %swap3A_3477] {strides = array<i32>} : memref<32x128xf32, #tpu.memory_space<vmem>>, vector<1x16xf32>,
      %swap3A_3479 = vector.shape_cast %swap3A_3478 : vector<1x16xf32> to vector<16xf32>
      %swap3A_3480 = vector.shape_cast %mul3A_3474 : vector<16xf32> to vector<1x16xf32>
      tpu.vector_store %arg5[%swap3A_3476, %swap3A_3477], %swap3A_3480 {strides = array<i32>} : memref<32x128xf32, #tpu.memory_space<vmem>>, vector<1x16xf32>,
      %mul3A_3481 = arith.mulf %select_n3A_3277, %div3A_3376 : vector<16xf32>
      %swap3A_3482 = arith.constant 15 : i32
      %swap3A_3483 = arith.index_cast %swap3A_3482 : i32 to index
      %swap3A_3484 = arith.index_cast %mul3A_13 : i32 to index
      %swap3A_3485 = tpu.vector_load %arg5[%swap3A_3483, %swap3A_3484] {strides = array<i32>} : memref<32x128xf32, #tpu.memory_space<vmem>>, vector<1x16xf32>,
      %swap3A_3486 = vector.shape_cast %swap3A_3485 : vector<1x16xf32> to vector<16xf32>
      %swap3A_3487 = vector.shape_cast %mul3A_3481 : vector<16xf32> to vector<1x16xf32>
      tpu.vector_store %arg5[%swap3A_3483, %swap3A_3484], %swap3A_3487 {strides = array<i32>} : memref<32x128xf32, #tpu.memory_space<vmem>>, vector<1x16xf32>,
      %mul3A_3488 = arith.mulf %select_n3A_3283, %div3A_3376 : vector<16xf32>
      %swap3A_3489 = arith.constant 16 : i32
      %swap3A_3490 = arith.index_cast %swap3A_3489 : i32 to index
      %swap3A_3491 = arith.index_cast %mul3A_13 : i32 to index
      %swap3A_3492 = tpu.vector_load %arg5[%swap3A_3490, %swap3A_3491] {strides = array<i32>} : memref<32x128xf32, #tpu.memory_space<vmem>>, vector<1x16xf32>,
      %swap3A_3493 = vector.shape_cast %swap3A_3492 : vector<1x16xf32> to vector<16xf32>
      %swap3A_3494 = vector.shape_cast %mul3A_3488 : vector<16xf32> to vector<1x16xf32>
      tpu.vector_store %arg5[%swap3A_3490, %swap3A_3491], %swap3A_3494 {strides = array<i32>} : memref<32x128xf32, #tpu.memory_space<vmem>>, vector<1x16xf32>,
      %mul3A_3495 = arith.mulf %select_n3A_3289, %div3A_3376 : vector<16xf32>
      %swap3A_3496 = arith.constant 17 : i32
      %swap3A_3497 = arith.index_cast %swap3A_3496 : i32 to index
      %swap3A_3498 = arith.index_cast %mul3A_13 : i32 to index
      %swap3A_3499 = tpu.vector_load %arg5[%swap3A_3497, %swap3A_3498] {strides = array<i32>} : memref<32x128xf32, #tpu.memory_space<vmem>>, vector<1x16xf32>,
      %swap3A_3500 = vector.shape_cast %swap3A_3499 : vector<1x16xf32> to vector<16xf32>
      %swap3A_3501 = vector.shape_cast %mul3A_3495 : vector<16xf32> to vector<1x16xf32>
      tpu.vector_store %arg5[%swap3A_3497, %swap3A_3498], %swap3A_3501 {strides = array<i32>} : memref<32x128xf32, #tpu.memory_space<vmem>>, vector<1x16xf32>,
      %mul3A_3502 = arith.mulf %select_n3A_3295, %div3A_3376 : vector<16xf32>
      %swap3A_3503 = arith.constant 18 : i32
      %swap3A_3504 = arith.index_cast %swap3A_3503 : i32 to index
      %swap3A_3505 = arith.index_cast %mul3A_13 : i32 to index
      %swap3A_3506 = tpu.vector_load %arg5[%swap3A_3504, %swap3A_3505] {strides = array<i32>} : memref<32x128xf32, #tpu.memory_space<vmem>>, vector<1x16xf32>,
      %swap3A_3507 = vector.shape_cast %swap3A_3506 : vector<1x16xf32> to vector<16xf32>
      %swap3A_3508 = vector.shape_cast %mul3A_3502 : vector<16xf32> to vector<1x16xf32>
      tpu.vector_store %arg5[%swap3A_3504, %swap3A_3505], %swap3A_3508 {strides = array<i32>} : memref<32x128xf32, #tpu.memory_space<vmem>>, vector<1x16xf32>,
      %mul3A_3509 = arith.mulf %select_n3A_3301, %div3A_3376 : vector<16xf32>
      %swap3A_3510 = arith.constant 19 : i32
      %swap3A_3511 = arith.index_cast %swap3A_3510 : i32 to index
      %swap3A_3512 = arith.index_cast %mul3A_13 : i32 to index
      %swap3A_3513 = tpu.vector_load %arg5[%swap3A_3511, %swap3A_3512] {strides = array<i32>} : memref<32x128xf32, #tpu.memory_space<vmem>>, vector<1x16xf32>,
      %swap3A_3514 = vector.shape_cast %swap3A_3513 : vector<1x16xf32> to vector<16xf32>
      %swap3A_3515 = vector.shape_cast %mul3A_3509 : vector<16xf32> to vector<1x16xf32>
      tpu.vector_store %arg5[%swap3A_3511, %swap3A_3512], %swap3A_3515 {strides = array<i32>} : memref<32x128xf32, #tpu.memory_space<vmem>>, vector<1x16xf32>,
      %mul3A_3516 = arith.mulf %select_n3A_3307, %div3A_3376 : vector<16xf32>
      %swap3A_3517 = arith.constant 20 : i32
      %swap3A_3518 = arith.index_cast %swap3A_3517 : i32 to index
      %swap3A_3519 = arith.index_cast %mul3A_13 : i32 to index
      %swap3A_3520 = tpu.vector_load %arg5[%swap3A_3518, %swap3A_3519] {strides = array<i32>} : memref<32x128xf32, #tpu.memory_space<vmem>>, vector<1x16xf32>,
      %swap3A_3521 = vector.shape_cast %swap3A_3520 : vector<1x16xf32> to vector<16xf32>
      %swap3A_3522 = vector.shape_cast %mul3A_3516 : vector<16xf32> to vector<1x16xf32>
      tpu.vector_store %arg5[%swap3A_3518, %swap3A_3519], %swap3A_3522 {strides = array<i32>} : memref<32x128xf32, #tpu.memory_space<vmem>>, vector<1x16xf32>,
      %mul3A_3523 = arith.mulf %select_n3A_3313, %div3A_3376 : vector<16xf32>
      %swap3A_3524 = arith.constant 21 : i32
      %swap3A_3525 = arith.index_cast %swap3A_3524 : i32 to index
      %swap3A_3526 = arith.index_cast %mul3A_13 : i32 to index
      %swap3A_3527 = tpu.vector_load %arg5[%swap3A_3525, %swap3A_3526] {strides = array<i32>} : memref<32x128xf32, #tpu.memory_space<vmem>>, vector<1x16xf32>,
      %swap3A_3528 = vector.shape_cast %swap3A_3527 : vector<1x16xf32> to vector<16xf32>
      %swap3A_3529 = vector.shape_cast %mul3A_3523 : vector<16xf32> to vector<1x16xf32>
      tpu.vector_store %arg5[%swap3A_3525, %swap3A_3526], %swap3A_3529 {strides = array<i32>} : memref<32x128xf32, #tpu.memory_space<vmem>>, vector<1x16xf32>,
      %mul3A_3530 = arith.mulf %select_n3A_3319, %div3A_3376 : vector<16xf32>
      %swap3A_3531 = arith.constant 22 : i32
      %swap3A_3532 = arith.index_cast %swap3A_3531 : i32 to index
      %swap3A_3533 = arith.index_cast %mul3A_13 : i32 to index
      %swap3A_3534 = tpu.vector_load %arg5[%swap3A_3532, %swap3A_3533] {strides = array<i32>} : memref<32x128xf32, #tpu.memory_space<vmem>>, vector<1x16xf32>,
      %swap3A_3535 = vector.shape_cast %swap3A_3534 : vector<1x16xf32> to vector<16xf32>
      %swap3A_3536 = vector.shape_cast %mul3A_3530 : vector<16xf32> to vector<1x16xf32>
      tpu.vector_store %arg5[%swap3A_3532, %swap3A_3533], %swap3A_3536 {strides = array<i32>} : memref<32x128xf32, #tpu.memory_space<vmem>>, vector<1x16xf32>,
      %mul3A_3537 = arith.mulf %select_n3A_3325, %div3A_3376 : vector<16xf32>
      %swap3A_3538 = arith.constant 23 : i32
      %swap3A_3539 = arith.index_cast %swap3A_3538 : i32 to index
      %swap3A_3540 = arith.index_cast %mul3A_13 : i32 to index
      %swap3A_3541 = tpu.vector_load %arg5[%swap3A_3539, %swap3A_3540] {strides = array<i32>} : memref<32x128xf32, #tpu.memory_space<vmem>>, vector<1x16xf32>,
      %swap3A_3542 = vector.shape_cast %swap3A_3541 : vector<1x16xf32> to vector<16xf32>
      %swap3A_3543 = vector.shape_cast %mul3A_3537 : vector<16xf32> to vector<1x16xf32>
      tpu.vector_store %arg5[%swap3A_3539, %swap3A_3540], %swap3A_3543 {strides = array<i32>} : memref<32x128xf32, #tpu.memory_space<vmem>>, vector<1x16xf32>,
      %mul3A_3544 = arith.mulf %select_n3A_3331, %div3A_3376 : vector<16xf32>
      %swap3A_3545 = arith.constant 24 : i32
      %swap3A_3546 = arith.index_cast %swap3A_3545 : i32 to index
      %swap3A_3547 = arith.index_cast %mul3A_13 : i32 to index
      %swap3A_3548 = tpu.vector_load %arg5[%swap3A_3546, %swap3A_3547] {strides = array<i32>} : memref<32x128xf32, #tpu.memory_space<vmem>>, vector<1x16xf32>,
      %swap3A_3549 = vector.shape_cast %swap3A_3548 : vector<1x16xf32> to vector<16xf32>
      %swap3A_3550 = vector.shape_cast %mul3A_3544 : vector<16xf32> to vector<1x16xf32>
      tpu.vector_store %arg5[%swap3A_3546, %swap3A_3547], %swap3A_3550 {strides = array<i32>} : memref<32x128xf32, #tpu.memory_space<vmem>>, vector<1x16xf32>,
      %mul3A_3551 = arith.mulf %select_n3A_3337, %div3A_3376 : vector<16xf32>
      %swap3A_3552 = arith.constant 25 : i32
      %swap3A_3553 = arith.index_cast %swap3A_3552 : i32 to index
      %swap3A_3554 = arith.index_cast %mul3A_13 : i32 to index
      %swap3A_3555 = tpu.vector_load %arg5[%swap3A_3553, %swap3A_3554] {strides = array<i32>} : memref<32x128xf32, #tpu.memory_space<vmem>>, vector<1x16xf32>,
      %swap3A_3556 = vector.shape_cast %swap3A_3555 : vector<1x16xf32> to vector<16xf32>
      %swap3A_3557 = vector.shape_cast %mul3A_3551 : vector<16xf32> to vector<1x16xf32>
      tpu.vector_store %arg5[%swap3A_3553, %swap3A_3554], %swap3A_3557 {strides = array<i32>} : memref<32x128xf32, #tpu.memory_space<vmem>>, vector<1x16xf32>,
      %mul3A_3558 = arith.mulf %select_n3A_3343, %div3A_3376 : vector<16xf32>
      %swap3A_3559 = arith.constant 26 : i32
      %swap3A_3560 = arith.index_cast %swap3A_3559 : i32 to index
      %swap3A_3561 = arith.index_cast %mul3A_13 : i32 to index
      %swap3A_3562 = tpu.vector_load %arg5[%swap3A_3560, %swap3A_3561] {strides = array<i32>} : memref<32x128xf32, #tpu.memory_space<vmem>>, vector<1x16xf32>,
      %swap3A_3563 = vector.shape_cast %swap3A_3562 : vector<1x16xf32> to vector<16xf32>
      %swap3A_3564 = vector.shape_cast %mul3A_3558 : vector<16xf32> to vector<1x16xf32>
      tpu.vector_store %arg5[%swap3A_3560, %swap3A_3561], %swap3A_3564 {strides = array<i32>} : memref<32x128xf32, #tpu.memory_space<vmem>>, vector<1x16xf32>,
      %mul3A_3565 = arith.mulf %select_n3A_3349, %div3A_3376 : vector<16xf32>
      %swap3A_3566 = arith.constant 27 : i32
      %swap3A_3567 = arith.index_cast %swap3A_3566 : i32 to index
      %swap3A_3568 = arith.index_cast %mul3A_13 : i32 to index
      %swap3A_3569 = tpu.vector_load %arg5[%swap3A_3567, %swap3A_3568] {strides = array<i32>} : memref<32x128xf32, #tpu.memory_space<vmem>>, vector<1x16xf32>,
      %swap3A_3570 = vector.shape_cast %swap3A_3569 : vector<1x16xf32> to vector<16xf32>
      %swap3A_3571 = vector.shape_cast %mul3A_3565 : vector<16xf32> to vector<1x16xf32>
      tpu.vector_store %arg5[%swap3A_3567, %swap3A_3568], %swap3A_3571 {strides = array<i32>} : memref<32x128xf32, #tpu.memory_space<vmem>>, vector<1x16xf32>,
      %mul3A_3572 = arith.mulf %select_n3A_3355, %div3A_3376 : vector<16xf32>
      %swap3A_3573 = arith.constant 28 : i32
      %swap3A_3574 = arith.index_cast %swap3A_3573 : i32 to index
      %swap3A_3575 = arith.index_cast %mul3A_13 : i32 to index
      %swap3A_3576 = tpu.vector_load %arg5[%swap3A_3574, %swap3A_3575] {strides = array<i32>} : memref<32x128xf32, #tpu.memory_space<vmem>>, vector<1x16xf32>,
      %swap3A_3577 = vector.shape_cast %swap3A_3576 : vector<1x16xf32> to vector<16xf32>
      %swap3A_3578 = vector.shape_cast %mul3A_3572 : vector<16xf32> to vector<1x16xf32>
      tpu.vector_store %arg5[%swap3A_3574, %swap3A_3575], %swap3A_3578 {strides = array<i32>} : memref<32x128xf32, #tpu.memory_space<vmem>>, vector<1x16xf32>,
      %mul3A_3579 = arith.mulf %select_n3A_3361, %div3A_3376 : vector<16xf32>
      %swap3A_3580 = arith.constant 29 : i32
      %swap3A_3581 = arith.index_cast %swap3A_3580 : i32 to index
      %swap3A_3582 = arith.index_cast %mul3A_13 : i32 to index
      %swap3A_3583 = tpu.vector_load %arg5[%swap3A_3581, %swap3A_3582] {strides = array<i32>} : memref<32x128xf32, #tpu.memory_space<vmem>>, vector<1x16xf32>,
      %swap3A_3584 = vector.shape_cast %swap3A_3583 : vector<1x16xf32> to vector<16xf32>
      %swap3A_3585 = vector.shape_cast %mul3A_3579 : vector<16xf32> to vector<1x16xf32>
      tpu.vector_store %arg5[%swap3A_3581, %swap3A_3582], %swap3A_3585 {strides = array<i32>} : memref<32x128xf32, #tpu.memory_space<vmem>>, vector<1x16xf32>,
      %mul3A_3586 = arith.mulf %select_n3A_3367, %div3A_3376 : vector<16xf32>
      %swap3A_3587 = arith.constant 30 : i32
      %swap3A_3588 = arith.index_cast %swap3A_3587 : i32 to index
      %swap3A_3589 = arith.index_cast %mul3A_13 : i32 to index
      %swap3A_3590 = tpu.vector_load %arg5[%swap3A_3588, %swap3A_3589] {strides = array<i32>} : memref<32x128xf32, #tpu.memory_space<vmem>>, vector<1x16xf32>,
      %swap3A_3591 = vector.shape_cast %swap3A_3590 : vector<1x16xf32> to vector<16xf32>
      %swap3A_3592 = vector.shape_cast %mul3A_3586 : vector<16xf32> to vector<1x16xf32>
      tpu.vector_store %arg5[%swap3A_3588, %swap3A_3589], %swap3A_3592 {strides = array<i32>} : memref<32x128xf32, #tpu.memory_space<vmem>>, vector<1x16xf32>,
      %mul3A_3593 = arith.mulf %select_n3A_3373, %div3A_3376 : vector<16xf32>
      %swap3A_3594 = arith.constant 31 : i32
      %swap3A_3595 = arith.index_cast %swap3A_3594 : i32 to index
      %swap3A_3596 = arith.index_cast %mul3A_13 : i32 to index
      %swap3A_3597 = tpu.vector_load %arg5[%swap3A_3595, %swap3A_3596] {strides = array<i32>} : memref<32x128xf32, #tpu.memory_space<vmem>>, vector<1x16xf32>,
      %swap3A_3598 = vector.shape_cast %swap3A_3597 : vector<1x16xf32> to vector<16xf32>
      %swap3A_3599 = vector.shape_cast %mul3A_3593 : vector<16xf32> to vector<1x16xf32>
      tpu.vector_store %arg5[%swap3A_3595, %swap3A_3596], %swap3A_3599 {strides = array<i32>} : memref<32x128xf32, #tpu.memory_space<vmem>>, vector<1x16xf32>,
    }
    %scan3A_6 = arith.constant 8 : i32
    "tpu.region"() ({
      %run_scoped3A = tpu.sem_alloc : memref<!tpu.dma_semaphore, #tpu.memory_space<semaphore_mem>>
      %dma_start3A = arith.constant 0 : i32
      %dma_start3A_7 = tpu.memref_slice %arg3[%dma_start3A, %mul3A_2] : memref<32x4096xf32, #tpu.memory_space<hbm>> -> memref<32x128xf32, #tpu.memory_space<hbm>>
      %dma_start3A_8 = arith.constant 0 : i32
      %dma_start3A_9 = tpu.memref_slice %arg3[%dma_start3A_8, %mul3A_2] : memref<32x4096xf32, #tpu.memory_space<hbm>> -> memref<32x128xf32, #tpu.memory_space<hbm>>
      tpu.enqueue_dma source(%arg5 : memref<32x128xf32, #tpu.memory_space<vmem>>) target(%dma_start3A_9 : memref<32x128xf32, #tpu.memory_space<hbm>>) target_semaphore(%run_scoped3A : memref<!tpu.dma_semaphore, #tpu.memory_space<semaphore_mem>>)
      %dma_wait3A = arith.constant 0 : i32
      %dma_wait3A_10 = tpu.memref_slice %arg3[%dma_wait3A, %mul3A_2] : memref<32x4096xf32, #tpu.memory_space<hbm>> -> memref<32x128xf32, #tpu.memory_space<hbm>>
      %dma_wait3A_11 = arith.constant 0 : i32
      %dma_wait3A_12 = tpu.memref_slice %arg3[%dma_wait3A_11, %mul3A_2] : memref<32x4096xf32, #tpu.memory_space<hbm>> -> memref<32x128xf32, #tpu.memory_space<hbm>>
      tpu.wait_dma2 semaphore(%run_scoped3A : memref<!tpu.dma_semaphore, #tpu.memory_space<semaphore_mem>>) src(%arg5 : memref<32x128xf32, #tpu.memory_space<vmem>>) dst(%dma_wait3A_12 : memref<32x128xf32, #tpu.memory_space<hbm>>)
      tpu.yield
    }) : () -> ()
    return
  }
}

module attributes {stable_mosaic.version = 14 : i64} {
  func.func @_logits_kernel(%arg0: i32, %arg1: memref<512x1024xf32, #tpu.memory_space<vmem>>, %arg2: memref<1024x32xf32, #tpu.memory_space<vmem>>, %arg3: memref<1x32xf32, #tpu.memory_space<vmem>>, %arg4: memref<32x512xf32, #tpu.memory_space<vmem>>) attributes {dimension_semantics = [#tpu.dimension_semantics<arbitrary>], iteration_bounds = array<i64: 8>, scalar_prefetch = 0 : i64, scratch_operands = 0 : i64, tpu.core_type = #tpu.core_type<tc>, window_params = [{transform_indices = @transform_0, window_bounds = array<i64: 512, 1024>}, {pipeline_mode = #tpu.pipeline_mode<synchronous>, transform_indices = @transform_1, window_bounds = array<i64: 1024, 32>}, {pipeline_mode = #tpu.pipeline_mode<synchronous>, transform_indices = @transform_2, window_bounds = array<i64: 1, 32>}, {transform_indices = @transform_3, window_bounds = array<i64: 32, 512>}]} {
    %get3A = arith.constant 0 : index
    %get3A_0 = arith.constant 0 : index
    %get3A_1 = vector.load %arg1[%get3A, %get3A_0] : memref<512x1024xf32, #tpu.memory_space<vmem>>, vector<512x1024xf32>
    %get3A_2 = arith.constant 0 : index
    %get3A_3 = arith.constant 0 : index
    %get3A_4 = vector.load %arg2[%get3A_2, %get3A_3] : memref<1024x32xf32, #tpu.memory_space<vmem>>, vector<1024x32xf32>
    %dot_general3A = arith.constant dense<0.000000e+00> : vector<512x32xf32>
    %dot_general3A_5 = tpu.matmul %get3A_1, %get3A_4, %dot_general3A {dimension_numbers = #tpu.dot_dimension_numbers<[1], [0], [0], [1], [0, 0, 1, 1], [], []>, transpose_lhs_hint = false} : vector<512x1024xf32>, vector<1024x32xf32>, vector<512x32xf32> -> vector<512x32xf32>
    %get3A_6 = arith.constant 0 : index
    %get3A_7 = arith.constant 0 : index
    %get3A_8 = vector.load %arg3[%get3A_6, %get3A_7] : memref<1x32xf32, #tpu.memory_space<vmem>>, vector<1x32xf32>
    %add3A = vector.broadcast %get3A_8 : vector<1x32xf32> to vector<512x32xf32>
    %add3A_9 = arith.addf %dot_general3A_5, %add3A : vector<512x32xf32>
    %transpose3A = tpu.transpose %add3A_9, [1, 0] : vector<512x32xf32> -> vector<32x512xf32>
    %swap3A = arith.constant 0 : index
    %swap3A_10 = arith.constant 0 : index
    %swap3A_11 = vector.load %arg4[%swap3A, %swap3A_10] : memref<32x512xf32, #tpu.memory_space<vmem>>, vector<32x512xf32>
    tpu.vector_store %arg4[%swap3A, %swap3A_10], %transpose3A {strides = array<i32>} : memref<32x512xf32, #tpu.memory_space<vmem>>, vector<32x512xf32>,
    return
  }
  func.func @transform_0(%arg0: i32) -> (i32, i32) {
    %c0_i32 = arith.constant 0 : i32
    %c0_i32_0 = arith.constant 0 : i32
    return %arg0, %c0_i32 : i32, i32
  }
  func.func @transform_1(%arg0: i32) -> (i32, i32) {
    %c0_i32 = arith.constant 0 : i32
    %c0_i32_0 = arith.constant 0 : i32
    %c0_i32_1 = arith.constant 0 : i32
    return %c0_i32, %c0_i32_0 : i32, i32
  }
  func.func @transform_2(%arg0: i32) -> (i32, i32) {
    %c0_i32 = arith.constant 0 : i32
    %c0_i32_0 = arith.constant 0 : i32
    %c0_i32_1 = arith.constant 0 : i32
    return %c0_i32, %c0_i32_0 : i32, i32
  }
  func.func @transform_3(%arg0: i32) -> (i32, i32) {
    %c0_i32 = arith.constant 0 : i32
    %c0_i32_0 = arith.constant 0 : i32
    return %c0_i32, %arg0 : i32, i32
  }
}

module attributes {stable_mosaic.version = 14 : i64} {
  func.func @_layer1_kernel(%arg0: i32, %arg1: memref<4096x1024xbf16, #tpu.memory_space<vmem>>, %arg2: memref<1024x256xbf16, #tpu.memory_space<vmem>>, %arg3: memref<4096x256xbf16, #tpu.memory_space<vmem>>) attributes {dimension_semantics = [#tpu.dimension_semantics<arbitrary>], iteration_bounds = array<i64: 143>, scalar_prefetch = 0 : i64, scratch_operands = 0 : i64, tpu.core_type = #tpu.core_type<tc>, window_params = [{pipeline_mode = #tpu.pipeline_mode<synchronous>, transform_indices = @transform_0, window_bounds = array<i64: 4096, 1024>}, {transform_indices = @transform_1, window_bounds = array<i64: 1024, 256>}, {transform_indices = @transform_2, window_bounds = array<i64: 4096, 256>}]} {
    %get3A = arith.constant 0 : index
    %get3A_0 = arith.constant 0 : index
    %get3A_1 = vector.load %arg1[%get3A, %get3A_0] : memref<4096x1024xbf16, #tpu.memory_space<vmem>>, vector<4096x1024xbf16>
    %get3A_2 = arith.constant 0 : index
    %get3A_3 = arith.constant 0 : index
    %get3A_4 = vector.load %arg2[%get3A_2, %get3A_3] : memref<1024x256xbf16, #tpu.memory_space<vmem>>, vector<1024x256xbf16>
    %dot_general3A = arith.constant dense<0.000000e+00> : vector<4096x256xf32>
    %dot_general3A_5 = tpu.matmul %get3A_1, %get3A_4, %dot_general3A {dimension_numbers = #tpu.dot_dimension_numbers<[1], [0], [0], [1], [0, 0, 1, 1], [], []>, transpose_lhs_hint = false} : vector<4096x1024xbf16>, vector<1024x256xbf16>, vector<4096x256xf32> -> vector<4096x256xf32>
    %reduce_sum3A = arith.constant dense<0.000000e+00> : vector<256xf32>
    %reduce_sum3A_6 = vector.multi_reduction <add>, %dot_general3A_5, %reduce_sum3A [0] : vector<4096x256xf32> to vector<256xf32>
    %broadcast_in_dim3A = vector.shape_cast %reduce_sum3A_6 : vector<256xf32> to vector<1x256xf32>
    %div3A = arith.constant 4.096000e+03 : f32
    %div3A_7 = vector.broadcast %div3A : f32 to vector<1x256xf32>
    %div3A_8 = arith.divf %broadcast_in_dim3A, %div3A_7 : vector<1x256xf32>
    %sub3A = vector.broadcast %div3A_8 : vector<1x256xf32> to vector<4096x256xf32>
    %sub3A_9 = arith.subf %dot_general3A_5, %sub3A : vector<4096x256xf32>
    %square3A = arith.mulf %sub3A_9, %sub3A_9 : vector<4096x256xf32>
    %reduce_sum3A_10 = arith.constant dense<0.000000e+00> : vector<256xf32>
    %reduce_sum3A_11 = vector.multi_reduction <add>, %square3A, %reduce_sum3A_10 [0] : vector<4096x256xf32> to vector<256xf32>
    %broadcast_in_dim3A_12 = vector.shape_cast %reduce_sum3A_11 : vector<256xf32> to vector<1x256xf32>
    %div3A_13 = arith.constant 4.096000e+03 : f32
    %div3A_14 = vector.broadcast %div3A_13 : f32 to vector<1x256xf32>
    %div3A_15 = arith.divf %broadcast_in_dim3A_12, %div3A_14 : vector<1x256xf32>
    %sub3A_16 = vector.broadcast %div3A_8 : vector<1x256xf32> to vector<4096x256xf32>
    %sub3A_17 = arith.subf %dot_general3A_5, %sub3A_16 : vector<4096x256xf32>
    %add3A = arith.constant 9.99999974E-6 : f32
    %add3A_18 = vector.broadcast %add3A : f32 to vector<1x256xf32>
    %add3A_19 = arith.addf %div3A_15, %add3A_18 : vector<1x256xf32>
    %rsqrt3A = math.rsqrt %add3A_19 : vector<1x256xf32>
    %mul3A = vector.broadcast %rsqrt3A : vector<1x256xf32> to vector<4096x256xf32>
    %mul3A_20 = arith.mulf %sub3A_17, %mul3A : vector<4096x256xf32>
    %max3A = arith.constant 0.000000e+00 : f32
    %max3A_21 = vector.broadcast %max3A : f32 to vector<4096x256xf32>
    %max3A_22 = arith.maximumf %mul3A_20, %max3A_21 : vector<4096x256xf32>
    %convert_element_type3A = arith.truncf %max3A_22 : vector<4096x256xf32> to vector<4096x256xbf16>
    %swap3A = arith.constant 0 : index
    %swap3A_23 = arith.constant 0 : index
    %swap3A_24 = vector.load %arg3[%swap3A, %swap3A_23] : memref<4096x256xbf16, #tpu.memory_space<vmem>>, vector<4096x256xbf16>
    tpu.vector_store %arg3[%swap3A, %swap3A_23], %convert_element_type3A {strides = array<i32>} : memref<4096x256xbf16, #tpu.memory_space<vmem>>, vector<4096x256xbf16>,
    return
  }
  func.func @transform_0(%arg0: i32) -> (i32, i32) {
    %c0_i32 = arith.constant 0 : i32
    %c0_i32_0 = arith.constant 0 : i32
    %c0_i32_1 = arith.constant 0 : i32
    return %c0_i32, %c0_i32_0 : i32, i32
  }
  func.func @transform_1(%arg0: i32) -> (i32, i32) {
    %c0_i32 = arith.constant 0 : i32
    %c0_i32_0 = arith.constant 0 : i32
    return %c0_i32, %arg0 : i32, i32
  }
  func.func @transform_2(%arg0: i32) -> (i32, i32) {
    %c0_i32 = arith.constant 0 : i32
    %c0_i32_0 = arith.constant 0 : i32
    return %c0_i32, %arg0 : i32, i32
  }
}

module attributes {stable_mosaic.version = 14 : i64} {
  func.func @_layer2_kernel(%arg0: i32, %arg1: memref<143xi32, #tpu.memory_space<smem>>, %arg2: memref<143xi32, #tpu.memory_space<smem>>, %arg3: memref<143xi32, #tpu.memory_space<smem>>, %arg4: memref<143xi32, #tpu.memory_space<smem>>, %arg5: memref<4096x256xbf16, #tpu.memory_space<vmem>>, %arg6: memref<256x1024xbf16, #tpu.memory_space<vmem>>, %arg7: memref<1x4096x1xf32, #tpu.memory_space<vmem>>, %arg8: memref<4096x1024xf32, #tpu.memory_space<vmem>>, %arg9: memref<4096x1024xf32, #tpu.memory_space<vmem>>) attributes {dimension_semantics = [#tpu.dimension_semantics<arbitrary>], iteration_bounds = array<i64: 143>, scalar_prefetch = 4 : i64, scratch_operands = 1 : i64, tpu.core_type = #tpu.core_type<tc>, window_params = [{transform_indices = @transform_0, window_bounds = array<i64: 4096, 256>}, {transform_indices = @transform_1, window_bounds = array<i64: 256, 1024>}, {transform_indices = @transform_2, window_bounds = array<i64: 1, 4096, 1>}, {pipeline_mode = #tpu.pipeline_mode<synchronous>, transform_indices = @transform_3, window_bounds = array<i64: 4096, 1024>}]} {
    %get3A = arith.index_cast %arg0 : i32 to index
    %get3A_0 = memref.load %arg2[%get3A] : memref<143xi32, #tpu.memory_space<smem>>
    %eq3A = arith.constant 1 : i32
    %eq3A_1 = arith.cmpi eq, %get3A_0, %eq3A : i32
    %convert_element_type3A = arith.extui %eq3A_1 : i1 to i32
    %cond3A = arith.constant 0 : i32
    %cond3A_2 = arith.cmpi ne, %convert_element_type3A, %cond3A : i32
    scf.if %cond3A_2 {
      %broadcast_in_dim3A = arith.constant 0.000000e+00 : f32
      %broadcast_in_dim3A_39 = vector.broadcast %broadcast_in_dim3A : f32 to vector<4096x1024xf32>
      %swap3A_40 = arith.constant 0 : index
      %swap3A_41 = arith.constant 0 : index
      %swap3A_42 = vector.load %arg9[%swap3A_40, %swap3A_41] : memref<4096x1024xf32, #tpu.memory_space<vmem>>, vector<4096x1024xf32>
      tpu.vector_store %arg9[%swap3A_40, %swap3A_41], %broadcast_in_dim3A_39 {strides = array<i32>} : memref<4096x1024xf32, #tpu.memory_space<vmem>>, vector<4096x1024xf32>,
    } else {
    }
    %eq3A_3 = arith.constant 0 : i32
    %eq3A_4 = arith.cmpi eq, %arg0, %eq3A_3 : i32
    %convert_element_type3A_5 = arith.extui %eq3A_4 : i1 to i32
    %cond3A_6 = arith.constant 0 : i32
    %cond3A_7 = arith.cmpi ne, %convert_element_type3A_5, %cond3A_6 : i32
    scf.if %cond3A_7 {
      %broadcast_in_dim3A = arith.constant 0.000000e+00 : f32
      %broadcast_in_dim3A_39 = vector.broadcast %broadcast_in_dim3A : f32 to vector<4096x1024xf32>
      %swap3A_40 = arith.constant 0 : index
      %swap3A_41 = arith.constant 0 : index
      %swap3A_42 = vector.load %arg8[%swap3A_40, %swap3A_41] : memref<4096x1024xf32, #tpu.memory_space<vmem>>, vector<4096x1024xf32>
      tpu.vector_store %arg8[%swap3A_40, %swap3A_41], %broadcast_in_dim3A_39 {strides = array<i32>} : memref<4096x1024xf32, #tpu.memory_space<vmem>>, vector<4096x1024xf32>,
    } else {
    }
    %get3A_8 = arith.constant 0 : index
    %get3A_9 = arith.constant 0 : index
    %get3A_10 = vector.load %arg5[%get3A_8, %get3A_9] : memref<4096x256xbf16, #tpu.memory_space<vmem>>, vector<4096x256xbf16>
    %get3A_11 = arith.constant 0 : index
    %get3A_12 = arith.constant 0 : index
    %get3A_13 = vector.load %arg9[%get3A_11, %get3A_12] : memref<4096x1024xf32, #tpu.memory_space<vmem>>, vector<4096x512xf32>
    %get3A_14 = arith.constant 0 : index
    %get3A_15 = arith.constant 0 : index
    %get3A_16 = vector.load %arg6[%get3A_14, %get3A_15] : memref<256x1024xbf16, #tpu.memory_space<vmem>>, vector<256x512xbf16>
    %dot_general3A = arith.constant dense<0.000000e+00> : vector<4096x512xf32>
    %dot_general3A_17 = tpu.matmul %get3A_10, %get3A_16, %dot_general3A {dimension_numbers = #tpu.dot_dimension_numbers<[1], [0], [0], [1], [0, 0, 1, 1], [], []>, transpose_lhs_hint = false} : vector<4096x256xbf16>, vector<256x512xbf16>, vector<4096x512xf32> -> vector<4096x512xf32>
    %add3A = arith.addf %get3A_13, %dot_general3A_17 : vector<4096x512xf32>
    %swap3A = arith.constant 0 : index
    %swap3A_18 = arith.constant 0 : index
    %swap3A_19 = vector.load %arg9[%swap3A, %swap3A_18] : memref<4096x1024xf32, #tpu.memory_space<vmem>>, vector<4096x512xf32>
    tpu.vector_store %arg9[%swap3A, %swap3A_18], %add3A {strides = array<i32>} : memref<4096x1024xf32, #tpu.memory_space<vmem>>, vector<4096x512xf32>,
    %get3A_20 = arith.constant 0 : index
    %get3A_21 = arith.constant 512 : index
    %get3A_22 = vector.load %arg9[%get3A_20, %get3A_21] : memref<4096x1024xf32, #tpu.memory_space<vmem>>, vector<4096x512xf32>
    %get3A_23 = arith.constant 0 : index
    %get3A_24 = arith.constant 512 : index
    %get3A_25 = vector.load %arg6[%get3A_23, %get3A_24] : memref<256x1024xbf16, #tpu.memory_space<vmem>>, vector<256x512xbf16>
    %dot_general3A_26 = arith.constant dense<0.000000e+00> : vector<4096x512xf32>
    %dot_general3A_27 = tpu.matmul %get3A_10, %get3A_25, %dot_general3A_26 {dimension_numbers = #tpu.dot_dimension_numbers<[1], [0], [0], [1], [0, 0, 1, 1], [], []>, transpose_lhs_hint = false} : vector<4096x256xbf16>, vector<256x512xbf16>, vector<4096x512xf32> -> vector<4096x512xf32>
    %add3A_28 = arith.addf %get3A_22, %dot_general3A_27 : vector<4096x512xf32>
    %swap3A_29 = arith.constant 0 : index
    %swap3A_30 = arith.constant 512 : index
    %swap3A_31 = vector.load %arg9[%swap3A_29, %swap3A_30] : memref<4096x1024xf32, #tpu.memory_space<vmem>>, vector<4096x512xf32>
    tpu.vector_store %arg9[%swap3A_29, %swap3A_30], %add3A_28 {strides = array<i32>} : memref<4096x1024xf32, #tpu.memory_space<vmem>>, vector<4096x512xf32>,
    %get3A_32 = arith.index_cast %arg0 : i32 to index
    %get3A_33 = memref.load %arg3[%get3A_32] : memref<143xi32, #tpu.memory_space<smem>>
    %eq3A_34 = arith.constant 1 : i32
    %eq3A_35 = arith.cmpi eq, %get3A_33, %eq3A_34 : i32
    %convert_element_type3A_36 = arith.extui %eq3A_35 : i1 to i32
    %cond3A_37 = arith.constant 0 : i32
    %cond3A_38 = arith.cmpi ne, %convert_element_type3A_36, %cond3A_37 : i32
    scf.if %cond3A_38 {
      %get3A_39 = arith.constant 0 : index
      %get3A_40 = arith.constant 0 : index
      %get3A_41 = arith.constant 0 : index
      %get3A_42 = vector.load %arg7[%get3A_39, %get3A_40, %get3A_41] : memref<1x4096x1xf32, #tpu.memory_space<vmem>>, vector<1x4096x1xf32>
      %get3A_43 = vector.shape_cast %get3A_42 : vector<1x4096x1xf32> to vector<4096x1xf32>
      %get3A_44 = arith.constant 0 : index
      %get3A_45 = arith.constant 0 : index
      %get3A_46 = vector.load %arg9[%get3A_44, %get3A_45] : memref<4096x1024xf32, #tpu.memory_space<vmem>>, vector<4096x512xf32>
      %reduce_sum3A = arith.constant dense<0.000000e+00> : vector<512xf32>
      %reduce_sum3A_47 = vector.multi_reduction <add>, %get3A_46, %reduce_sum3A [0] : vector<4096x512xf32> to vector<512xf32>
      %broadcast_in_dim3A = vector.shape_cast %reduce_sum3A_47 : vector<512xf32> to vector<1x512xf32>
      %div3A = arith.constant 4.096000e+03 : f32
      %div3A_48 = vector.broadcast %div3A : f32 to vector<1x512xf32>
      %div3A_49 = arith.divf %broadcast_in_dim3A, %div3A_48 : vector<1x512xf32>
      %sub3A = vector.broadcast %div3A_49 : vector<1x512xf32> to vector<4096x512xf32>
      %sub3A_50 = arith.subf %get3A_46, %sub3A : vector<4096x512xf32>
      %square3A = arith.mulf %sub3A_50, %sub3A_50 : vector<4096x512xf32>
      %reduce_sum3A_51 = arith.constant dense<0.000000e+00> : vector<512xf32>
      %reduce_sum3A_52 = vector.multi_reduction <add>, %square3A, %reduce_sum3A_51 [0] : vector<4096x512xf32> to vector<512xf32>
      %broadcast_in_dim3A_53 = vector.shape_cast %reduce_sum3A_52 : vector<512xf32> to vector<1x512xf32>
      %div3A_54 = arith.constant 4.096000e+03 : f32
      %div3A_55 = vector.broadcast %div3A_54 : f32 to vector<1x512xf32>
      %div3A_56 = arith.divf %broadcast_in_dim3A_53, %div3A_55 : vector<1x512xf32>
      %sub3A_57 = vector.broadcast %div3A_49 : vector<1x512xf32> to vector<4096x512xf32>
      %sub3A_58 = arith.subf %get3A_46, %sub3A_57 : vector<4096x512xf32>
      %add3A_59 = arith.constant 9.99999974E-6 : f32
      %add3A_60 = vector.broadcast %add3A_59 : f32 to vector<1x512xf32>
      %add3A_61 = arith.addf %div3A_56, %add3A_60 : vector<1x512xf32>
      %rsqrt3A = math.rsqrt %add3A_61 : vector<1x512xf32>
      %mul3A = vector.broadcast %rsqrt3A : vector<1x512xf32> to vector<4096x512xf32>
      %mul3A_62 = arith.mulf %sub3A_58, %mul3A : vector<4096x512xf32>
      %get3A_63 = arith.constant 0 : index
      %get3A_64 = arith.constant 0 : index
      %get3A_65 = vector.load %arg8[%get3A_63, %get3A_64] : memref<4096x1024xf32, #tpu.memory_space<vmem>>, vector<4096x512xf32>
      %mul3A_66 = vector.broadcast %get3A_43 : vector<4096x1xf32> to vector<4096x512xf32>
      %mul3A_67 = arith.mulf %mul3A_66, %mul3A_62 : vector<4096x512xf32>
      %add3A_68 = arith.addf %get3A_65, %mul3A_67 : vector<4096x512xf32>
      %swap3A_69 = arith.constant 0 : index
      %swap3A_70 = arith.constant 0 : index
      %swap3A_71 = vector.load %arg8[%swap3A_69, %swap3A_70] : memref<4096x1024xf32, #tpu.memory_space<vmem>>, vector<4096x512xf32>
      tpu.vector_store %arg8[%swap3A_69, %swap3A_70], %add3A_68 {strides = array<i32>} : memref<4096x1024xf32, #tpu.memory_space<vmem>>, vector<4096x512xf32>,
      %get3A_72 = arith.constant 0 : index
      %get3A_73 = arith.constant 512 : index
      %get3A_74 = vector.load %arg9[%get3A_72, %get3A_73] : memref<4096x1024xf32, #tpu.memory_space<vmem>>, vector<4096x512xf32>
      %reduce_sum3A_75 = arith.constant dense<0.000000e+00> : vector<512xf32>
      %reduce_sum3A_76 = vector.multi_reduction <add>, %get3A_74, %reduce_sum3A_75 [0] : vector<4096x512xf32> to vector<512xf32>
      %broadcast_in_dim3A_77 = vector.shape_cast %reduce_sum3A_76 : vector<512xf32> to vector<1x512xf32>
      %div3A_78 = arith.constant 4.096000e+03 : f32
      %div3A_79 = vector.broadcast %div3A_78 : f32 to vector<1x512xf32>
      %div3A_80 = arith.divf %broadcast_in_dim3A_77, %div3A_79 : vector<1x512xf32>
      %sub3A_81 = vector.broadcast %div3A_80 : vector<1x512xf32> to vector<4096x512xf32>
      %sub3A_82 = arith.subf %get3A_74, %sub3A_81 : vector<4096x512xf32>
      %square3A_83 = arith.mulf %sub3A_82, %sub3A_82 : vector<4096x512xf32>
      %reduce_sum3A_84 = arith.constant dense<0.000000e+00> : vector<512xf32>
      %reduce_sum3A_85 = vector.multi_reduction <add>, %square3A_83, %reduce_sum3A_84 [0] : vector<4096x512xf32> to vector<512xf32>
      %broadcast_in_dim3A_86 = vector.shape_cast %reduce_sum3A_85 : vector<512xf32> to vector<1x512xf32>
      %div3A_87 = arith.constant 4.096000e+03 : f32
      %div3A_88 = vector.broadcast %div3A_87 : f32 to vector<1x512xf32>
      %div3A_89 = arith.divf %broadcast_in_dim3A_86, %div3A_88 : vector<1x512xf32>
      %sub3A_90 = vector.broadcast %div3A_80 : vector<1x512xf32> to vector<4096x512xf32>
      %sub3A_91 = arith.subf %get3A_74, %sub3A_90 : vector<4096x512xf32>
      %add3A_92 = arith.constant 9.99999974E-6 : f32
      %add3A_93 = vector.broadcast %add3A_92 : f32 to vector<1x512xf32>
      %add3A_94 = arith.addf %div3A_89, %add3A_93 : vector<1x512xf32>
      %rsqrt3A_95 = math.rsqrt %add3A_94 : vector<1x512xf32>
      %mul3A_96 = vector.broadcast %rsqrt3A_95 : vector<1x512xf32> to vector<4096x512xf32>
      %mul3A_97 = arith.mulf %sub3A_91, %mul3A_96 : vector<4096x512xf32>
      %get3A_98 = arith.constant 0 : index
      %get3A_99 = arith.constant 512 : index
      %get3A_100 = vector.load %arg8[%get3A_98, %get3A_99] : memref<4096x1024xf32, #tpu.memory_space<vmem>>, vector<4096x512xf32>
      %mul3A_101 = vector.broadcast %get3A_43 : vector<4096x1xf32> to vector<4096x512xf32>
      %mul3A_102 = arith.mulf %mul3A_101, %mul3A_97 : vector<4096x512xf32>
      %add3A_103 = arith.addf %get3A_100, %mul3A_102 : vector<4096x512xf32>
      %swap3A_104 = arith.constant 0 : index
      %swap3A_105 = arith.constant 512 : index
      %swap3A_106 = vector.load %arg8[%swap3A_104, %swap3A_105] : memref<4096x1024xf32, #tpu.memory_space<vmem>>, vector<4096x512xf32>
      tpu.vector_store %arg8[%swap3A_104, %swap3A_105], %add3A_103 {strides = array<i32>} : memref<4096x1024xf32, #tpu.memory_space<vmem>>, vector<4096x512xf32>,
    } else {
    }
    return
  }
  func.func @transform_0(%arg0: i32, %arg1: memref<143xi32, #tpu.memory_space<smem>>, %arg2: memref<143xi32, #tpu.memory_space<smem>>, %arg3: memref<143xi32, #tpu.memory_space<smem>>, %arg4: memref<143xi32, #tpu.memory_space<smem>>) -> (i32, i32) {
    %get3A = arith.index_cast %arg0 : i32 to index
    %get3A_0 = memref.load %arg1[%get3A] : memref<143xi32, #tpu.memory_space<smem>>
    %c0_i32 = arith.constant 0 : i32
    %c0_i32_1 = arith.constant 0 : i32
    return %c0_i32, %get3A_0 : i32, i32
  }
  func.func @transform_1(%arg0: i32, %arg1: memref<143xi32, #tpu.memory_space<smem>>, %arg2: memref<143xi32, #tpu.memory_space<smem>>, %arg3: memref<143xi32, #tpu.memory_space<smem>>, %arg4: memref<143xi32, #tpu.memory_space<smem>>) -> (i32, i32) {
    %get3A = arith.index_cast %arg0 : i32 to index
    %get3A_0 = memref.load %arg1[%get3A] : memref<143xi32, #tpu.memory_space<smem>>
    %c0_i32 = arith.constant 0 : i32
    %c0_i32_1 = arith.constant 0 : i32
    return %get3A_0, %c0_i32 : i32, i32
  }
  func.func @transform_2(%arg0: i32, %arg1: memref<143xi32, #tpu.memory_space<smem>>, %arg2: memref<143xi32, #tpu.memory_space<smem>>, %arg3: memref<143xi32, #tpu.memory_space<smem>>, %arg4: memref<143xi32, #tpu.memory_space<smem>>) -> (i32, i32, i32) {
    %get3A = arith.index_cast %arg0 : i32 to index
    %get3A_0 = memref.load %arg4[%get3A] : memref<143xi32, #tpu.memory_space<smem>>
    %c0_i32 = arith.constant 0 : i32
    %c0_i32_1 = arith.constant 0 : i32
    %c0_i32_2 = arith.constant 0 : i32
    return %get3A_0, %c0_i32, %c0_i32_1 : i32, i32, i32
  }
  func.func @transform_3(%arg0: i32, %arg1: memref<143xi32, #tpu.memory_space<smem>>, %arg2: memref<143xi32, #tpu.memory_space<smem>>, %arg3: memref<143xi32, #tpu.memory_space<smem>>, %arg4: memref<143xi32, #tpu.memory_space<smem>>) -> (i32, i32) {
    %c0_i32 = arith.constant 0 : i32
    %c0_i32_0 = arith.constant 0 : i32
    %c0_i32_1 = arith.constant 0 : i32
    return %c0_i32, %c0_i32_0 : i32, i32
  }
}

</mosaic_0001>

<sc_bundles>
// kernel: kernel.6.cloned.1.call-start
scs
__scs_entry_jumppad:
0x0: {  	(pc) =	sbr.rel $0x88, $3  }
0x1: {  	(tag) =	ssettag $0x0;
	lr =	simm.s32 $0x1  }
0x2: {  	[smem:$0x3F5E] =	sst lr;
	_ =	strace $0xD0000000  }
0x3: {  	_ = 	snop  }
0x4: {  	_ = 	snop  }
0x5: {  	_ = 	snop  }
0x6: {  	_ = 	snop  }
0x7: {  	_ = 	snop  }
__scs_overlays_trampoline_lowered:
0x8: {  	[smem:$0x3F6D] =	sst s0  }
0x9: {  	[smem:$0x3F6E] =	sst s1  }
0xa: {  	[smem:$0x3F6F] =	sst s2  }
0xb: {  	[smem:$0x3F70] =	sst s3  }
0xc: {  	[smem:$0x3F71] =	sst s4  }
0xd: {  	[smem:$0x3F72] =	sst s5  }
0xe: {  	[smem:$0x3F73] =	sst s6  }
0xf: {  	[smem:$0x3F74] =	sst s7  }
0x10: {  	[smem:$0x3F75] =	sst s8  }
0x11: {  	[smem:$0x3F76] =	sst s9;
	s0 =	simm.s32 @!p0 $0x0  }
0x12: {  	s1 =	sld [smem:$0x3F5C];
	s0 =	simm.s32 @p0 $0x1  }
0x13: {  	[smem:$0x3F77] =	sst s0;
	s0 =	simm.s32 @!p1 $0x0  }
0x14: {  	s2 =	sld [smem:$0x3F5B];
	s0 =	simm.s32 @p1 $0x1  }
0x15: {  	[smem:$0x3F78] =	sst s0;
	s0 =	simm.s32 @!p2 $0x0  }
0x16: {  	s3 =	sld [smem:$0x3FDB];
	s0 =	simm.s32 @p2 $0x1  }
0x17: {  	s4 =	simm.s32 $0x1BF5;
	[smem:$0x3F7A] =	sst s0  }
0x18: {  	s0 =	sld [smem:$0x3F5D];
	_ =	swait.ge [sflag:s4], $0x0  }
0x19: {  	s7 =	sld [smem:$0x3F5E]  }
0x1a: {  	s8 =	sadd.s32 $0xFFFFE003, lr  }
0x1b: {  	s9 =	sadd.s32 $0xFFFFFEF7, lr;
	s5 =	simm.s32 $0xFFFFFFFF;
	p2 =	slt.u32 s8, $0xFFFFF086  }
0x1c: {  	p1 =	slt.u32 s9, $0xF7A;
	s5 =	simm.s32 @!p2 $0x0  }
0x1d: {  	s5 =	simm.s32 @p1 $0x1;
	p0 =	seq.s32 s7, s2  }
0x1e: {  	s7 =	smul.u32 @!p0 $0xF7A, s2;
	p2 =	seq.s32 @!p0 s5, $0x0  }
0x1f: {  	s9 =	smul.u32 $0xF7A, s1;
	s8 =	simm.s32 @!p0 $0x1BF5;
	p2 =	por !p2, p0  }
0x20: {  	[sflag:s8] =	ssyncset.s32 @!p0 $0xFFFFF086;
	s6 =	sadd.s32 @!p0 s3, s7;
	s7 =	simm.s32 @!p0 $0x108  }
0x21: {  	s3 =	sadd.s32 s3, s9;
	s6 =	sadd.s32 @!p0 $0x88, s6;
	s7 =	simm.s32 @p2 $0x1082  }
0x22: {  	[simem:s7], [sflag:s8] =	dma.local @!p0 [hbm:s6], $0xF7A  }
0x23: {  	s9 =	sor.u32 $0xD0000000, s2;
	s6 =	simm.s32 $0x108;
	_ =	swait.ge @!p0 [sflag:s8], $0x0  }
0x24: {  	s3 =	sadd.s32 $0x88, s3;
	s6 =	simm.s32 @!p1 $0x1082;
	[sflag:s4] =	ssyncset.s32 $0xFFFFF086  }
0x25: {  	[simem:s6], [sflag:s4] =	dma.local [hbm:s3], $0xF7A  }
0x26: {  	[smem:$0x3F5E] =	sst s1;
	(tag) =	ssettag s2;
	_ =	strace s9  }
0x27: {  	s1 =	sld [smem:$0x3F6E]  }
0x28: {  	s2 =	sld [smem:$0x3F6F]  }
0x29: {  	s4 =	sld [smem:$0x3F71]  }
0x2a: {  	p0 =	seq.s32 s5, $0x0;
	s5 =	sld [smem:$0x3F72]  }
0x2b: {  	s6 =	sld [smem:$0x3F73]  }
0x2c: {  	s7 =	sld [smem:$0x3F74]  }
0x2d: {  	s3 =	simm.s32 $0x108;
	s8 =	sld [smem:$0x3F75]  }
0x2e: {  	s3 =	simm.s32 @!p0 $0x1082;
	s9 =	sld [smem:$0x3F76]  }
0x2f: {  	lr =	sadd.s32 s0, s3;
	s0 =	sld [smem:$0x3F6D]  }
0x30: {  	s3 =	sld [smem:$0x3F70]  }
0x31: {  	[smem:$0x3F79] =	sst s10  }
0x32: {  	s10 =	sld [smem:$0x3F77];
	_ =	sdelay $0x3  }
0x33: {  	p0 =	seq.s32 s10, $0x1;
	s10 =	sld [smem:$0x3F79];
	_ =	sdelay $0x3  }
0x34: {  	[smem:$0x3F79] =	sst s10  }
0x35: {  	s10 =	sld [smem:$0x3F78];
	_ =	sdelay $0x3  }
0x36: {  	p1 =	seq.s32 s10, $0x1;
	s10 =	sld [smem:$0x3F79];
	_ =	sdelay $0x3  }
0x37: {  	[smem:$0x3F79] =	sst s10  }
0x38: {  	s10 =	sld [smem:$0x3F7A]  }
0x39: {  	_ = 	snop;
	(pc) =	sbr.ind lr, $3  }
0x3a: {  	_ = 	snop  }
0x3b: {  	_ = 	snop  }
0x3c: {  	p2 =	seq.s32 s10, $0x1;
	s10 =	sld [smem:$0x3F79]  }
0x3d: {  	_ =	shalt  }
0x3e: {  	_ =	shalt  }
0x3f: {  	_ =	shalt  }
0x40: {  	_ =	shalt  }
0x41: {  	_ =	shalt  }
0x42: {  	_ =	shalt  }
0x43: {  	_ =	shalt  }
0x44: {  	_ =	shalt  }
0x45: {  	_ =	shalt  }
0x46: {  	_ =	shalt  }
0x47: {  	_ =	shalt  }
0x48: {  	_ =	shalt  }
0x49: {  	_ =	shalt  }
0x4a: {  	_ =	shalt  }
0x4b: {  	_ =	shalt  }
0x4c: {  	_ =	shalt  }
0x4d: {  	_ =	shalt  }
0x4e: {  	_ =	shalt  }
0x4f: {  	_ =	shalt  }
0x50: {  	_ =	shalt  }
0x51: {  	_ =	shalt  }
0x52: {  	_ =	shalt  }
0x53: {  	_ =	shalt  }
0x54: {  	_ =	shalt  }
0x55: {  	_ =	shalt  }
0x56: {  	_ =	shalt  }
0x57: {  	_ =	shalt  }
0x58: {  	_ =	shalt  }
0x59: {  	_ =	shalt  }
0x5a: {  	_ =	shalt  }
0x5b: {  	_ =	shalt  }
0x5c: {  	_ =	shalt  }
0x5d: {  	_ =	shalt  }
0x5e: {  	_ =	shalt  }
0x5f: {  	_ =	shalt  }
0x60: {  	_ =	shalt  }
0x61: {  	_ =	shalt  }
0x62: {  	_ =	shalt  }
0x63: {  	_ =	shalt  }
0x64: {  	_ =	shalt  }
0x65: {  	_ =	shalt  }
0x66: {  	_ =	shalt  }
0x67: {  	_ =	shalt  }
0x68: {  	_ =	shalt  }
0x69: {  	_ =	shalt  }
0x6a: {  	_ =	shalt  }
0x6b: {  	_ =	shalt  }
0x6c: {  	_ =	shalt  }
0x6d: {  	_ =	shalt  }
0x6e: {  	_ =	shalt  }
0x6f: {  	_ =	shalt  }
0x70: {  	_ =	shalt  }
0x71: {  	_ =	shalt  }
0x72: {  	_ =	shalt  }
0x73: {  	_ =	shalt  }
0x74: {  	_ =	shalt  }
0x75: {  	_ =	shalt  }
0x76: {  	_ =	shalt  }
0x77: {  	_ =	shalt  }
0x78: {  	_ =	shalt  }
0x79: {  	_ =	shalt  }
0x7a: {  	_ =	shalt  }
0x7b: {  	_ =	shalt  }
0x7c: {  	_ =	shalt  }
0x7d: {  	_ =	shalt  }
0x7e: {  	_ =	shalt  }
0x7f: {  	_ =	shalt  }
0x80: {  	_ =	shalt  }
0x81: {  	_ =	shalt  }
0x82: {  	_ =	shalt  }
0x83: {  	_ =	shalt  }
0x84: {  	_ =	shalt  }
0x85: {  	_ =	shalt  }
0x86: {  	_ =	shalt  }
0x87: {  	_ =	shalt  }
.Lfunc_end0:
.L_simem_size_0:
called_computation_lowered:
.L_overlay_start_0:
0x88: {  	s2 =	sld [smem:$0x3FD9]  }
0x89: {  	s3 =	sld [smem:$0x3FFE];
	_ =	sdelay $0x1  }
0x8a: {  	s1 =	srdreg.scid  }
0x8b: {  	s0 =	sand.u32 $0x1, s1  }
0x8c: {  	s16 =	sshll.u32 s0, $0xA;
	s2 =	sadd.s32 s3, s2  }
0x8d: {  	s2 =	sadd.s32 s2, s16  }
0x8e: {  	[smem:$0x3F85] =	sst s2  }
0x8f: {  	_ = 	snop  }
0x90: {  	(tm) =	ssettm $0x1  }
0x91: {  	s17 =	sld [smem:$0x3FFB];
	_ =	sdelay $0x3  }
0x92: {  	_ =	strace s17  }
0x93: {  	s2 =	sld [smem:$0x3FFC];
	_ =	sdelay $0x3  }
0x94: {  	_ =	strace s2  }
0x95: {  	s2 =	sld [smem:$0x3FFD];
	_ =	sdelay $0x3  }
0x96: {  	_ =	strace s2  }
0x97: {  	_ =	strace $0x8FFFFFFF  }
0x98: {  	s18 =	sld [smem:$0x3FDB];
	_ =	sdelay $0x1  }
0x99: {  	s19 =	simm.s32 $_scs_section_size  }
0x9a: {  	s4 =	simm.s32 $_size__tile_overlayer_lowered;
	s5 =	simm.s32 $_tile_overlayer_lowered  }
0x9b: {  	s22 =	simm.s32 $0x1BFF;
	s21 =	sshll.u32 s5, $0x1;
	s2 =	sadd.s32 s19, s18  }
0x9c: {  	s6 =	simm.s32 $0x0;
	s20 =	sshll.u32 s4, $0x1;
	s4 =	sadd.s32 s21, s2  }
0x9d: {  	[timem:s6], [sflag:s22] =	dma.local [hbm:s4], s20  }
0x9e: {  	_ =	swait.ge [sflag:s22], s20  }
0x9f: {  	s3 =	ssub.s32 $0x0, s20;
	[sflag:s22] =	ssyncset.done $0x0  }
0xa0: {  	[sflag:s22] =	ssyncadd.s32 s3;
	_ =	sdelay $0x1  }
0xa1: {  	s23 =	simm.s32 $0x1B8B  }
0xa2: {  	_ =	swait.ge [sflag:s23], $0x1  }
0xa3: {  	[sflag:s23] =	ssyncset.done $0x0  }
0xa4: {  	s25 =	simm.s32 $0x1B8E;
	s24 =	sld [smem:$0x3FFE];
	[sflag:s23] =	ssyncadd.s32 $0xFFFFFFFF  }
0xa5: {  	s26 =	simm.s32 $execute0_lowered;
	[smem:$0x3FD2] =	sst s25  }
0xa6: {  	s4 =	sshll.u32 s26, $0x1;
	_ =	strace $0x80000046;
	[dreg:$0x1] =	wrdreg $0xFFFFFFFF  }
0xa7: {  	s28 =	simm.s32 $_size_execute0_lowered;
	s2 =	sadd.s32 s2, s4;
	[dreg:$0x0] =	wrdreg $0x0  }
0xa8: {  	s4 =	sshll.u32 s28, $0x1;
	[dreg:$0x2] =	wrdreg s2  }
0xa9: {  	[dreg:$0x3] =	wrdreg s4  }
0xaa: {  	[dreg:$0x4] =	wrdreg $0xC0  }
0xab: {  	_ =	task [dreg:s6], $0x5FFFF  }
0xac: {  	[dreg:$0x1] =	wrdreg $0xFFFFFFFF  }
0xad: {  	[dreg:$0x0] =	wrdreg $0x60  }
0xae: {  	[dreg:$0x2] =	wrdreg s24  }
0xaf: {  	[dreg:$0x3] =	wrdreg $0x9  }
0xb0: {  	_ =	task.clear_ibuf [dreg:s6], $0x4FFFF;
	_ =	strace $0x90000046  }
0xb1: {  	s29 =	simm.s32 $0x9;
	_ =	strace $0x80000048  }
0xb2: {  	_ =	swait.ge [sflag:s29], $0x1  }
0xb3: {  	[sflag:s29] =	ssyncadd.s32 $0xFFFFFFFF  }
0xb4: {  	_ =	strace $0x90000048  }
0xb5: {  	_ =	sfence  }
0xb6: {  	s30 =	sld [smem:$0x0];
	_ =	sdelay $0x2  }
0xb7: {  	s31 =	sshll.u32 s1, $0xD;
	s1 =	sshrl.u32 s1, $0x2  }
0xb8: {  	s3 =	sand.u32 $0x4000, s31;
	s1 =	sadd.s32 s1, s30  }
0xb9: {  	s0 =	sor.u32 s3, s0;
	s1 =	sshll.u32 s1, $0x11  }
0xba: {  	s0 =	sor.u32 s1, s0  }
0xbb: {  	s0 =	sadd.s32 $0x8F2B, s0  }
0xbc: {  	[sflag:s0] =	ssyncadd.remote.s32 $0x1  }
0xbd: {  	_ =	sfence.sel $0xFFFF  }
0xbe: {  	[dreg:$0x0] =	wrdreg $0xFFFFFFFF;
	(pc) =	sbr.abs _section_cstart, $3  }
0xbf: {  	[dreg:$0x1] =	wrdreg $0xFFFFFFFF  }
0xc0: {  	_ =	task.clear_ibuf [dreg:s6], $0x2FFFF;
	_ =	strace $0x9FFFFFFF  }
0xc1: {  	(tm) =	ssettm $0x7FFFFFFF  }
tec
execute0_lowered:
.L_overlay_start_1:
0x0: {  	(tag) =	ssettag $0x1  }
0x1: {  	s3 =	rddreg [dreg:$0x0];
	s2 =	srdreg.scid  }
0x2: {  	s0 =	rddreg [dreg:$0x1];
	s1 =	stileid.u32;
	s7 =	simm.s32 $0x8000  }
0x3: {  	s8 =	simm.s32 $0x1;
	s9 =	simm.s32 $0x1000;
	s10 =	simm.s32 $0x0  }
0x4: {  	s4 =	sand.u32 $0x1, s2;
	s2 =	simm.s32 $0x0;
	s5 =	sshll.u32 s1, $0x8  }
0x5: {  	s6 =	sshll.u32 s4, $0x7;
	[smem:$0x7FF] =	sst s2;
	s4 =	ssub.s32 $0x2, s4  }
0x6: {  	s5 =	sor.u32 s6, s5;
	_ =	strace $0x80000047;
	s30 =	sshrl.u32 s4, $0x1  }
0x7: {  	s6 =	simm.s32 $0x400;
	s5 =	sadd.s32 s5, s3;
	s31 =	ssub.s32 s4, s30  }
0x8: {  	v35 =	vimm.f32 $0.0e+00;
	s3 =	sadd.s32 $0x14C00, s5;
	s4 =	sadd.s32 $0x18C00, s5;
	s5 =	smax.u32 s31, $0x1  }
.LBB2_1:
0x9: {  	[tilespmem:s2], [sflag:$0x1] =	stream.strided.gather [hbm4b:s3+s6], $0x1000, s7, s6, $0x38;
	[tilespmem:$0x2000] =	vst v63  }
0xa: {  	_ =	swait.ge [sflag:s8], $0x1000  }
0xb: {  	[sflag:s8] =	ssyncset.done $0x0  }
0xc: {  	s11 =	simm.s32 $0xFFFFFE00;
	[sflag:s8] =	ssyncadd.s32 $0xFFFFF000  }
.LBB2_2:
0xd: {  	s12 =	sshra.s32 s11, $0x2  }
0xe: {  	v32 =	vld [tilespmem:s12+$0x80]  }
0xf: {  	v31 =	vld [tilespmem:s12+$0x100];
	_ =	sdelay $0x1  }
0x10: {  	v30 =	vld [tilespmem:s12+$0x180];
	_ =	sdelay $0x1  }
0x11: {  	v29 =	vld [tilespmem:s12+$0x200]  }
0x12: {  	vm0 =	vgt.f32 v31, v32  }
0x13: {  	v28 =	vld [tilespmem:s12+$0x280];
	v0 =	vsel vm0, v31, v32  }
0x14: {  	vm1 =	vgt.f32 v30, v0  }
0x15: {  	v26 =	vld [tilespmem:s12+$0x300];
	v0 =	vsel vm1, v30, v0  }
0x16: {  	vm2 =	vgt.f32 v29, v0  }
0x17: {  	v27 =	vld [tilespmem:s12+$0x380];
	v0 =	vsel vm2, v29, v0  }
0x18: {  	vm3 =	vgt.f32 v28, v0  }
0x19: {  	v25 =	vld [tilespmem:s12+$0x400];
	v0 =	vsel vm3, v28, v0  }
0x1a: {  	vm4 =	vgt.f32 v26, v0  }
0x1b: {  	v23 =	vld [tilespmem:s12+$0x480];
	v0 =	vsel vm4, v26, v0  }
0x1c: {  	vm5 =	vgt.f32 v27, v0  }
0x1d: {  	v24 =	vld [tilespmem:s12+$0x500];
	v0 =	vsel vm5, v27, v0  }
0x1e: {  	vm6 =	vgt.f32 v25, v0  }
0x1f: {  	v22 =	vld [tilespmem:s12+$0x580];
	v0 =	vsel vm6, v25, v0  }
0x20: {  	vm7 =	vgt.f32 v23, v0  }
0x21: {  	v21 =	vld [tilespmem:s12+$0x600];
	v0 =	vsel vm7, v23, v0  }
0x22: {  	vm8 =	vgt.f32 v24, v0  }
0x23: {  	v20 =	vld [tilespmem:s12+$0x680];
	v0 =	vsel vm8, v24, v0  }
0x24: {  	vm9 =	vgt.f32 v22, v0  }
0x25: {  	v19 =	vld [tilespmem:s12+$0x700];
	v0 =	vsel vm9, v22, v0  }
0x26: {  	vm10 =	vgt.f32 v21, v0  }
0x27: {  	v17 =	vld [tilespmem:s12+$0x780];
	v0 =	vsel vm10, v21, v0  }
0x28: {  	vm11 =	vgt.f32 v20, v0  }
0x29: {  	v18 =	vld [tilespmem:s12+$0x800];
	v0 =	vsel vm11, v20, v0  }
0x2a: {  	vm12 =	vgt.f32 v19, v0  }
0x2b: {  	v16 =	vld [tilespmem:s12+$0x880];
	v0 =	vsel vm12, v19, v0  }
0x2c: {  	vm13 =	vgt.f32 v17, v0  }
0x2d: {  	v15 =	vld [tilespmem:s12+$0x900];
	v0 =	vsel vm13, v17, v0  }
0x2e: {  	vm14 =	vgt.f32 v18, v0  }
0x2f: {  	v12 =	vld [tilespmem:s12+$0x980];
	v0 =	vsel vm14, v18, v0  }
0x30: {  	vm15 =	vgt.f32 v16, v0  }
0x31: {  	v13 =	vld [tilespmem:s12+$0xA00];
	v1 =	vsel vm0, $0x3F800000, v35;
	v0 =	vsel vm15, v16, v0  }
0x32: {  	v1 =	vsel vm1, $0x40000000, v1;
	vm0 =	vgt.f32 v15, v0  }
0x33: {  	v14 =	vld [tilespmem:s12+$0xA80];
	v1 =	vsel vm2, $0x40400000, v1;
	v0 =	vsel vm0, v15, v0  }
0x34: {  	v1 =	vsel vm3, $0x40800000, v1;
	vm1 =	vgt.f32 v12, v0  }
0x35: {  	v11 =	vld [tilespmem:s12+$0xB00];
	v1 =	vsel vm4, $0x40A00000, v1;
	v0 =	vsel vm1, v12, v0  }
0x36: {  	v1 =	vsel vm5, $0x40C00000, v1;
	vm2 =	vgt.f32 v13, v0  }
0x37: {  	v10 =	vld [tilespmem:s12+$0xB80];
	v1 =	vsel vm6, $0x40E00000, v1;
	v0 =	vsel vm2, v13, v0  }
0x38: {  	v1 =	vsel vm7, $0x41000000, v1;
	vm3 =	vgt.f32 v14, v0  }
0x39: {  	v57 =	vld [tilespmem:s12+$0xC00];
	v1 =	vsel vm8, $0x41100000, v1;
	v0 =	vsel vm3, v14, v0  }
0x3a: {  	v1 =	vsel vm9, $0x41200000, v1;
	vm4 =	vgt.f32 v11, v0  }
0x3b: {  	v52 =	vimm.s32 $0x0;
	v59 =	vld [tilespmem:s12+$0xC80];
	v1 =	vsel vm10, $0x41300000, v1;
	v0 =	vsel vm4, v11, v0  }
0x3c: {  	v53 =	vimm.s32 $0x0;
	v1 =	vsel vm11, $0x41400000, v1;
	vm11 =	vgt.f32 v10, v0  }
0x3d: {  	v54 =	vimm.s32 $0x0;
	v6 =	vld [tilespmem:s12+$0xD00];
	v1 =	vsel vm12, $0x41500000, v1;
	v0 =	vsel vm11, v10, v0  }
0x3e: {  	v9 =	vimm.f32 $0.0e+00;
	v1 =	vsel vm13, $0x41600000, v1;
	vm13 =	vgt.f32 v57, v0  }
0x3f: {  	v55 =	vimm.s32 $0x0;
	v7 =	vld [tilespmem:s12+$0xD80];
	v1 =	vsel vm14, $0x41700000, v1;
	v0 =	vsel vm13, v57, v0  }
0x40: {  	v56 =	vimm.s32 $0x0;
	v1 =	vsel vm15, $0x41800000, v1;
	vm15 =	vgt.f32 v59, v0  }
0x41: {  	v4 =	vimm.s32 $0x0;
	v8 =	vld [tilespmem:s12+$0xE00];
	v1 =	vsel vm0, $0x41880000, v1;
	v0 =	vsel vm15, v59, v0  }
0x42: {  	v37 =	vimm.s32 $0x0;
	v1 =	vsel vm1, $0x41900000, v1;
	vm8 =	vgt.f32 v6, v0  }
0x43: {  	v38 =	vimm.s32 $0x0;
	v60 =	vld [tilespmem:s12+$0xE80];
	v1 =	vsel vm2, $0x41980000, v1;
	v0 =	vsel vm8, v6, v0  }
0x44: {  	v39 =	vimm.s32 $0x0;
	v1 =	vsel vm3, $0x41A00000, v1;
	vm9 =	vgt.f32 v7, v0  }
0x45: {  	v40 =	vimm.s32 $0x0;
	v61 =	vld [tilespmem:s12+$0xF00];
	v1 =	vsel vm4, $0x41A80000, v1;
	v0 =	vsel vm9, v7, v0  }
0x46: {  	v41 =	vimm.s32 $0x0;
	v1 =	vsel vm11, $0x41B00000, v1;
	vm10 =	vgt.f32 v8, v0  }
0x47: {  	v42 =	vimm.s32 $0x0;
	v63 =	vld [tilespmem:s12+$0xF80];
	v1 =	vsel vm13, $0x41B80000, v1;
	v0 =	vsel vm10, v8, v0  }
0x48: {  	v43 =	vimm.s32 $0x0;
	v1 =	vsel vm15, $0x41C00000, v1;
	vm11 =	vgt.f32 v60, v0  }
0x49: {  	v44 =	vimm.s32 $0x0;
	v62 =	vld [tilespmem:s12+$0x1000];
	v1 =	vsel vm8, $0x41C80000, v1;
	v0 =	vsel vm11, v60, v0  }
0x4a: {  	v45 =	vimm.s32 $0x0;
	v1 =	vsel vm9, $0x41D00000, v1;
	vm12 =	vgt.f32 v61, v0  }
0x4b: {  	v46 =	vimm.s32 $0x0;
	v1 =	vsel vm10, $0x41D80000, v1;
	v0 =	vsel vm12, v61, v0  }
0x4c: {  	v47 =	vimm.s32 $0x0;
	v1 =	vsel vm11, $0x41E00000, v1;
	vm13 =	vgt.f32 v63, v0  }
0x4d: {  	v48 =	vimm.s32 $0x0;
	v1 =	vsel vm12, $0x41E80000, v1;
	v33 =	vsel vm13, v63, v0  }
0x4e: {  	v49 =	vimm.s32 $0x0;
	v51 =	vsel vm13, $0x41F00000, v1;
	vm14 =	vgt.f32 v62, v33  }
0x4f: {  	v50 =	vimm.s32 $0x0;
	v3 =	vimm.s32 $0x0;
	v5 =	vsel vm14, $0x41F80000, v51  }
0x50: {  	v1 =	vsel vm14, $0xFFFFFFFF, v52;
	v51 =	vimm.s32 $0x0;
	vm15 =	veq.f32 v5, $0.0e+00  }
0x51: {  	vm0 =	veq.f32 v5, $1.000000000e+00;
	vm4 =	veq.f32 v5, $2.000000000e+00;
	vm5 =	veq.f32 v5, $3.000000000e+00  }
0x52: {  	vm6 =	veq.f32 v5, $4.000000000e+00;
	vm7 =	veq.f32 v5, $5.000000000e+00;
	vm8 =	veq.f32 v5, $6.000000000e+00  }
0x53: {  	vm9 =	veq.f32 v5, $7.000000000e+00;
	vm10 =	veq.f32 v5, $8.000000000e+00;
	vm11 =	veq.f32 v5, $9.000000000e+00  }
0x54: {  	vm12 =	veq.f32 v5, $1.000000000e+01;
	vm13 =	veq.f32 v5, $1.100000000e+01;
	vm14 =	veq.f32 v5, $1.200000000e+01  }
0x55: {  	[tilespmem:$0x1F120] =	vst v1;
	v0 =	vsel vm15, $0xFFFFFFFF, v53;
	v34 =	vsel vm15, $0xF149F2CA, v32;
	v35 =	vsel vm0, $0xF149F2CA, v31  }
0x56: {  	v36 =	vsel vm4, $0xF149F2CA, v30;
	v1 =	vsel vm5, $0xFFFFFFFF, v4;
	vm15 =	veq.f32 v5, $1.300000000e+01;
	[tilespmem:$0x1F0E0] =	vst v0  }
0x57: {  	v53 =	vimm.s32 $0x0;
	v0 =	vsel vm0, $0xFFFFFFFF, v54;
	vm1 =	vgt.f32 v35, v34;
	[tilespmem:$0x1F1D0] =	vst v1  }
0x58: {  	v4 =	vimm.s32 $0x0;
	[tilespmem:$0x1F160] =	vst v0;
	v0 =	vsel vm4, $0xFFFFFFFF, v55;
	v58 =	vsel vm1, v35, v34  }
0x59: {  	vm0 =	veq.f32 v5, $1.400000000e+01;
	[tilespmem:$0x1F190] =	vst v0;
	v0 =	vsel vm1, $0xFFFFFFFF, v56;
	vm1 =	vgt.f32 v36, v58  }
0x5a: {  	[tilespmem:$0x1EFF0] =	vst v0;
	v1 =	vsel vm1, $0xFFFFFFFF, v37;
	v37 =	vsel vm5, $0xF149F2CA, v29;
	v0 =	vsel vm1, v36, v58  }
0x5b: {  	v54 =	vimm.s32 $0x0;
	v55 =	vimm.s32 $0x0;
	vm2 =	vgt.f32 v37, v0  }
0x5c: {  	[tilespmem:$0x1F000] =	vst v1;
	v1 =	vsel vm6, $0xFFFFFFFF, v38;
	v38 =	vsel vm6, $0xF149F2CA, v28;
	v0 =	vsel vm2, v37, v0  }
0x5d: {  	v56 =	vimm.s32 $0x0;
	[tilespmem:$0x1F2B0] =	vst v1;
	v1 =	vsel vm7, $0xFFFFFFFF, v39;
	vm3 =	vgt.f32 v38, v0  }
0x5e: {  	v39 =	vsel vm7, $0xF149F2CA, v26;
	[tilespmem:$0x1F2E0] =	vst v1;
	v1 =	vsel vm8, $0xFFFFFFFF, v40;
	v0 =	vsel vm3, v38, v0  }
0x5f: {  	v58 =	vimm.s32 $0x0;
	v52 =	vld [tilespmem:$0x1EFF0];
	[tilespmem:$0x1F320] =	vst v1;
	v1 =	vsel vm9, $0xFFFFFFFF, v41;
	vm4 =	vgt.f32 v39, v0  }
0x60: {  	v40 =	vsel vm8, $0xF149F2CA, v27;
	[tilespmem:$0x1F400] =	vst v1;
	v1 =	vsel vm10, $0xFFFFFFFF, v42;
	v0 =	vsel vm4, v39, v0  }
0x61: {  	v41 =	vsel vm9, $0xF149F2CA, v25;
	[tilespmem:$0x1F430] =	vst v1;
	v1 =	vsel vm11, $0xFFFFFFFF, v43;
	vm5 =	vgt.f32 v40, v0  }
0x62: {  	v42 =	vsel vm10, $0xF149F2CA, v23;
	[tilespmem:$0x1F470] =	vst v1;
	v1 =	vsel vm12, $0xFFFFFFFF, v44;
	v0 =	vsel vm5, v40, v0  }
0x63: {  	v43 =	vsel vm11, $0xF149F2CA, v24;
	[tilespmem:$0x1F550] =	vst v1;
	v1 =	vsel vm13, $0xFFFFFFFF, v45;
	vm6 =	vgt.f32 v41, v0  }
0x64: {  	vm1 =	vnez.u8 v52;
	[tilespmem:$0x1F580] =	vst v1;
	v1 =	vsel vm14, $0xFFFFFFFF, v46;
	v0 =	vsel vm6, v41, v0  }
0x65: {  	v44 =	vsel vm12, $0xF149F2CA, v22;
	[tilespmem:$0x1F5C0] =	vst v1;
	v1 =	vsel vm15, $0xFFFFFFFF, v47;
	vm7 =	vgt.f32 v42, v0  }
0x66: {  	v45 =	vsel vm13, $0xF149F2CA, v21;
	[tilespmem:$0x1F6A0] =	vst v1;
	v1 =	vsel vm0, $0xFFFFFFFF, v48;
	v0 =	vsel vm7, v42, v0  }
0x67: {  	v48 =	vsel vm0, $0xF149F2CA, v17;
	vm0 =	veq.f32 v5, $1.500000000e+01;
	vm8 =	vgt.f32 v43, v0  }
0x68: {  	v2 =	vld [tilespmem:$0x1F000];
	v46 =	vsel vm14, $0xF149F2CA, v20;
	[tilespmem:$0x1F6D0] =	vst v1;
	v1 =	vsel vm0, $0xFFFFFFFF, v49;
	v0 =	vsel vm8, v43, v0  }
0x69: {  	v49 =	vsel vm0, $0xF149F2CA, v18;
	vm0 =	veq.f32 v5, $1.600000000e+01;
	vm9 =	vgt.f32 v44, v0  }
0x6a: {  	v47 =	vsel vm15, $0xF149F2CA, v19;
	[tilespmem:$0x1F710] =	vst v1;
	v1 =	vsel vm0, $0xFFFFFFFF, v50;
	v0 =	vsel vm9, v44, v0  }
0x6b: {  	v50 =	vsel vm0, $0xF149F2CA, v16;
	vm0 =	veq.f32 v5, $1.700000000e+01;
	vm10 =	vgt.f32 v45, v0  }
0x6c: {  	[tilespmem:$0x1F7F0] =	vst v1;
	v1 =	vsel vm0, $0xFFFFFFFF, v51;
	v51 =	vsel vm0, $0xF149F2CA, v15;
	v0 =	vsel vm10, v45, v0  }
0x6d: {  	vm0 =	vnez.u8 v2;
	[tilespmem:$0x1F820] =	vst v1;
	v1 =	vsel vm1, $0x3F800000, v9;
	vm11 =	vgt.f32 v46, v0  }
0x6e: {  	vm1 =	veq.f32 v5, $1.800000000e+01;
	v1 =	vsel vm0, $0x40000000, v1;
	v0 =	vsel vm11, v46, v0  }
0x6f: {  	v2 =	vsel vm1, $0xFFFFFFFF, v53;
	v52 =	vsel vm1, $0xF149F2CA, v12;
	vm12 =	vgt.f32 v47, v0  }
0x70: {  	v1 =	vsel vm2, $0x40400000, v1;
	vm2 =	veq.f32 v5, $1.900000000e+01;
	v0 =	vsel vm12, v47, v0  }
0x71: {  	[tilespmem:$0x1F860] =	vst v2;
	v1 =	vsel vm3, $0x40800000, v1;
	v2 =	vsel vm2, $0xFFFFFFFF, v54;
	vm13 =	vgt.f32 v48, v0  }
0x72: {  	v53 =	vsel vm2, $0xF149F2CA, v13;
	vm3 =	veq.f32 v5, $2.000000000e+01;
	v0 =	vsel vm13, v48, v0  }
0x73: {  	[tilespmem:$0x1F940] =	vst v2;
	v1 =	vsel vm4, $0x40A00000, v1;
	v2 =	vsel vm3, $0xFFFFFFFF, v55;
	vm14 =	vgt.f32 v49, v0  }
0x74: {  	v54 =	vsel vm3, $0xF149F2CA, v14;
	v1 =	vsel vm5, $0x40C00000, v1;
	v0 =	vsel vm14, v49, v0  }
0x75: {  	vm4 =	veq.f32 v5, $2.100000000e+01;
	v1 =	vsel vm6, $0x40E00000, v1;
	vm15 =	vgt.f32 v50, v0  }
0x76: {  	[tilespmem:$0x1F970] =	vst v2;
	v2 =	vsel vm4, $0xFFFFFFFF, v56;
	v1 =	vsel vm7, $0x41000000, v1;
	v0 =	vsel vm15, v50, v0  }
0x77: {  	v55 =	vsel vm4, $0xF149F2CA, v11;
	v1 =	vsel vm8, $0x41100000, v1;
	vm0 =	vgt.f32 v51, v0  }
0x78: {  	vm8 =	veq.f32 v5, $2.700000000e+01;
	v1 =	vsel vm9, $0x41200000, v1;
	v0 =	vsel vm0, v51, v0  }
0x79: {  	vm9 =	veq.f32 v5, $2.200000000e+01;
	v3 =	vsel vm8, $0xFFFFFFFF, v3;
	vm1 =	vgt.f32 v52, v0  }
0x7a: {  	[tilespmem:$0x1F9B0] =	vst v2;
	v2 =	vsel vm9, $0xFFFFFFFF, v58;
	v1 =	vsel vm10, $0x41300000, v1;
	v0 =	vsel vm1, v52, v0  }
0x7b: {  	v56 =	vsel vm9, $0xF149F2CA, v10;
	v58 =	vimm.s32 $0x0;
	vm2 =	vgt.f32 v53, v0  }
0x7c: {  	vm9 =	veq.f32 v5, $2.800000000e+01;
	vm10 =	veq.f32 v5, $2.900000000e+01;
	v0 =	vsel vm2, v53, v0  }
0x7d: {  	v1 =	vsel vm11, $0x41400000, v1;
	vm11 =	veq.f32 v5, $2.300000000e+01;
	vm3 =	vgt.f32 v54, v0  }
0x7e: {  	[tilespmem:$0x1FA80] =	vst v2;
	v2 =	vsel vm11, $0xFFFFFFFF, v4;
	v1 =	vsel vm12, $0x41500000, v1;
	v0 =	vsel vm3, v54, v0  }
0x7f: {  	[tilespmem:$0x1FDB0] =	vst v57;
	v57 =	vsel vm11, $0xF149F2CA, v57;
	vm12 =	veq.f32 v5, $2.400000000e+01;
	vm4 =	vgt.f32 v55, v0  }
0x80: {  	v4 =	vimm.s32 $0x0;
	vm11 =	veq.f32 v5, $3.000000000e+01;
	v0 =	vsel vm4, v55, v0  }
0x81: {  	[tilespmem:$0x1FAB0] =	vst v2;
	v1 =	vsel vm13, $0x41600000, v1;
	v2 =	vsel vm12, $0xFFFFFFFF, v58;
	vm5 =	vgt.f32 v56, v0  }
0x82: {  	v58 =	vsel vm12, $0xF149F2CA, v59;
	vm13 =	veq.f32 v5, $2.500000000e+01;
	v0 =	vsel vm5, v56, v0  }
0x83: {  	[tilespmem:$0x1FDD0] =	vst v59;
	v59 =	vimm.s32 $0x0;
	v1 =	vsel vm14, $0x41700000, v1;
	vm6 =	vgt.f32 v57, v0  }
0x84: {  	[tilespmem:$0x1FAF0] =	vst v2;
	v2 =	vsel vm13, $0xFFFFFFFF, v59;
	v1 =	vsel vm15, $0x41800000, v1;
	v0 =	vsel vm6, v57, v0  }
0x85: {  	v59 =	vsel vm13, $0xF149F2CA, v6;
	v1 =	vsel vm0, $0x41880000, v1;
	vm7 =	vgt.f32 v58, v0  }
0x86: {  	vm14 =	veq.f32 v5, $2.600000000e+01;
	v1 =	vsel vm1, $0x41900000, v1;
	v0 =	vsel vm7, v58, v0  }
0x87: {  	[tilespmem:$0x1FBE0] =	vst v2;
	v2 =	vsel vm14, $0xFFFFFFFF, v4;
	v1 =	vsel vm2, $0x41980000, v1;
	vm15 =	vgt.f32 v59, v0  }
0x88: {  	[tilespmem:$0x1FC80] =	vst v2;
	v1 =	vsel vm3, $0x41A00000, v1;
	v2 =	vsel vm15, v59, v0;
	v0 =	vsel vm14, $0xF149F2CA, v7  }
0x89: {  	[tilespmem:$0x1FE40] =	vst v7;
	v4 =	vimm.s32 $0x0;
	v7 =	vsel vm4, $0x41A80000, v1;
	vm1 =	vgt.f32 v0, v2  }
0x8a: {  	[tilespmem:$0x1FD30] =	vst v3;
	v1 =	vsel vm8, $0xF149F2CA, v8;
	v3 =	vsel vm5, $0x41B00000, v7;
	v2 =	vsel vm1, v0, v2  }
0x8b: {  	[tilespmem:$0x1FE50] =	vst v8;
	v4 =	vsel vm9, $0xFFFFFFFF, v4;
	v3 =	vsel vm6, $0x41B80000, v3;
	vm2 =	vgt.f32 v1, v2  }
0x8c: {  	vm13 =	veq.f32 v5, $3.100000000e+01;
	[tilespmem:$0x1FDC0] =	vst v4;
	v3 =	vsel vm7, $0x41C00000, v3;
	v4 =	vsel vm2, v1, v2  }
0x8d: {  	[tilespmem:$0x1FE70] =	vst v60;
	v2 =	vsel vm9, $0xF149F2CA, v60;
	v60 =	vimm.s32 $0x0;
	v8 =	vsel vm15, $0x41C80000, v3  }
0x8e: {  	[tilespmem:$0x1FE90] =	vst v61;
	v3 =	vsel vm10, $0xF149F2CA, v61;
	v61 =	vimm.s32 $0x0;
	vm3 =	vgt.f32 v2, v4  }
0x8f: {  	v7 =	vsel vm10, $0xFFFFFFFF, v60;
	v60 =	vsel vm1, $0x41D00000, v8;
	v4 =	vsel vm3, v2, v4  }
0x90: {  	v8 =	vimm.s32 $0x0;
	[tilespmem:$0x1FE80] =	vst v7;
	v7 =	vsel vm11, $0xFFFFFFFF, v61;
	vm12 =	vgt.f32 v3, v4  }
0x91: {  	v60 =	vsel vm2, $0x41D80000, v60;
	v61 =	vsel vm12, v3, v4;
	v4 =	vsel vm11, $0xF149F2CA, v63  }
0x92: {  	v5 =	vsel vm13, $0xFFFFFFFF, v8;
	v60 =	vsel vm3, $0x41E00000, v60;
	vm1 =	vgt.f32 v4, v61  }
0x93: {  	[tilespmem:$0x1FF70] =	vst v5;
	v5 =	vsel vm13, $0xF149F2CA, v62;
	v60 =	vsel vm12, $0x41E80000, v60;
	v61 =	vsel vm1, v4, v61  }
0x94: {  	[tilespmem:$0x1FEB0] =	vst v63;
	v60 =	vsel vm1, $0x41F00000, v60;
	vm14 =	vgt.f32 v5, v61  }
0x95: {  	[tilespmem:$0x1FF30] =	vst v7;
	v63 =	vimm.s32 $0x0;
	v7 =	vmovc v62;
	v61 =	vimm.s32 $0x0;
	v62 =	vsel vm14, $0x41F80000, v60  }
0x96: {  	v60 =	vimm.s32 $0x0;
	vm15 =	veq.f32 v62, $0.0e+00;
	vm0 =	veq.f32 v62, $1.000000000e+00  }
0x97: {  	vm4 =	veq.f32 v62, $2.000000000e+00;
	vm5 =	veq.f32 v62, $3.000000000e+00;
	vm6 =	veq.f32 v62, $4.000000000e+00  }
0x98: {  	vm7 =	veq.f32 v62, $5.000000000e+00;
	vm8 =	veq.f32 v62, $6.000000000e+00;
	vm9 =	veq.f32 v62, $7.000000000e+00  }
0x99: {  	vm10 =	veq.f32 v62, $8.000000000e+00;
	vm11 =	veq.f32 v62, $9.000000000e+00;
	vm12 =	veq.f32 v62, $1.000000000e+01  }
0x9a: {  	vm13 =	veq.f32 v62, $1.100000000e+01;
	vm14 =	veq.f32 v62, $1.200000000e+01;
	v8 =	vsel vm15, $0xFFFFFFFF, v60  }
0x9b: {  	v34 =	vsel vm15, $0xF149F2CA, v34;
	v35 =	vsel vm0, $0xF149F2CA, v35;
	v60 =	vimm.s32 $0x0  }
0x9c: {  	v36 =	vsel vm4, $0xF149F2CA, v36;
	v37 =	vsel vm5, $0xF149F2CA, v37;
	v38 =	vsel vm6, $0xF149F2CA, v38  }
0x9d: {  	v39 =	vsel vm7, $0xF149F2CA, v39;
	v40 =	vsel vm8, $0xF149F2CA, v40;
	v41 =	vsel vm9, $0xF149F2CA, v41  }
0x9e: {  	v42 =	vsel vm10, $0xF149F2CA, v42;
	v43 =	vsel vm11, $0xF149F2CA, v43;
	v44 =	vsel vm12, $0xF149F2CA, v44  }
0x9f: {  	vm15 =	veq.f32 v62, $1.300000000e+01;
	[tilespmem:$0x1F0D0] =	vst v8;
	v8 =	vsel vm0, $0xFFFFFFFF, v61;
	vm1 =	vgt.f32 v35, v34  }
0xa0: {  	v61 =	vimm.s32 $0x0;
	vm0 =	veq.f32 v62, $1.400000000e+01;
	[tilespmem:$0x1F150] =	vst v8;
	v8 =	vsel vm4, $0xFFFFFFFF, v63  }
0xa1: {  	v63 =	vimm.s32 $0x0;
	[tilespmem:$0x1F170] =	vst v8;
	v8 =	vsel vm1, $0xFFFFFFFF, v60;
	v60 =	vsel vm1, v35, v34  }
0xa2: {  	v48 =	vsel vm0, $0xF149F2CA, v48;
	[tilespmem:$0x1F010] =	vst v8;
	v8 =	vsel vm5, $0xFFFFFFFF, v61;
	vm1 =	vgt.f32 v36, v60  }
0xa3: {  	v61 =	vimm.s32 $0x0;
	[tilespmem:$0x1F1A0] =	vst v8;
	v8 =	vsel vm1, $0xFFFFFFFF, v63;
	v60 =	vsel vm1, v36, v60  }
0xa4: {  	v63 =	vimm.s32 $0x0;
	[tilespmem:$0x1F020] =	vst v8;
	v8 =	vsel vm6, $0xFFFFFFFF, v61;
	vm2 =	vgt.f32 v37, v60  }
0xa5: {  	v61 =	vimm.s32 $0x0;
	[tilespmem:$0x1F2A0] =	vst v8;
	v60 =	vsel vm2, v37, v60;
	v8 =	vsel vm7, $0xFFFFFFFF, v63  }
0xa6: {  	v63 =	vimm.s32 $0x0;
	[tilespmem:$0x1F2C0] =	vst v8;
	vm3 =	vgt.f32 v38, v60;
	v8 =	vsel vm8, $0xFFFFFFFF, v61  }
0xa7: {  	v61 =	vimm.s32 $0x0;
	v60 =	vsel vm3, v38, v60;
	[tilespmem:$0x1F2F0] =	vst v8;
	v8 =	vsel vm9, $0xFFFFFFFF, v63  }
0xa8: {  	v63 =	vimm.s32 $0x0;
	vm4 =	vgt.f32 v39, v60;
	[tilespmem:$0x1F3F0] =	vst v8;
	v8 =	vsel vm10, $0xFFFFFFFF, v61  }
0xa9: {  	v61 =	vimm.s32 $0x0;
	v60 =	vsel vm4, v39, v60;
	[tilespmem:$0x1F410] =	vst v8;
	v8 =	vsel vm11, $0xFFFFFFFF, v63  }
0xaa: {  	v63 =	vimm.s32 $0x0;
	vm5 =	vgt.f32 v40, v60;
	[tilespmem:$0x1F440] =	vst v8;
	v8 =	vsel vm12, $0xFFFFFFFF, v61  }
0xab: {  	v61 =	vimm.s32 $0x0;
	v60 =	vsel vm5, v40, v60;
	[tilespmem:$0x1F540] =	vst v8;
	v8 =	vsel vm13, $0xFFFFFFFF, v63  }
0xac: {  	v63 =	vimm.s32 $0x0;
	vm6 =	vgt.f32 v41, v60;
	[tilespmem:$0x1F560] =	vst v8;
	v8 =	vsel vm14, $0xFFFFFFFF, v61  }
0xad: {  	v61 =	vimm.s32 $0x0;
	v60 =	vsel vm6, v41, v60;
	[tilespmem:$0x1F590] =	vst v8;
	v8 =	vsel vm15, $0xFFFFFFFF, v63  }
0xae: {  	v63 =	vimm.s32 $0x0;
	vm7 =	vgt.f32 v42, v60;
	[tilespmem:$0x1F690] =	vst v8;
	v8 =	vsel vm0, $0xFFFFFFFF, v61  }
0xaf: {  	vm0 =	veq.f32 v62, $1.500000000e+01;
	v61 =	vimm.s32 $0x0;
	v60 =	vsel vm7, v42, v60  }
0xb0: {  	[tilespmem:$0x1F6B0] =	vst v8;
	v8 =	vsel vm0, $0xFFFFFFFF, v63;
	v49 =	vsel vm0, $0xF149F2CA, v49;
	vm0 =	veq.f32 v62, $1.600000000e+01  }
0xb1: {  	v63 =	vimm.s32 $0x0;
	vm8 =	vgt.f32 v43, v60;
	[tilespmem:$0x1F6E0] =	vst v8;
	v8 =	vsel vm0, $0xFFFFFFFF, v61;
	v61 =	vld [tilespmem:$0x1F010]  }
0xb2: {  	v50 =	vsel vm0, $0xF149F2CA, v50;
	vm0 =	veq.f32 v62, $1.700000000e+01;
	v60 =	vsel vm8, v43, v60  }
0xb3: {  	[tilespmem:$0x1F7E0] =	vst v8;
	v8 =	vsel vm0, $0xFFFFFFFF, v63;
	v63 =	vld [tilespmem:$0x1F020];
	vm9 =	vgt.f32 v44, v60  }
0xb4: {  	v45 =	vsel vm13, $0xF149F2CA, v45;
	v60 =	vsel vm9, v44, v60  }
0xb5: {  	v46 =	vsel vm14, $0xF149F2CA, v46;
	vm10 =	vgt.f32 v45, v60  }
0xb6: {  	v47 =	vsel vm15, $0xF149F2CA, v47;
	v60 =	vsel vm10, v45, v60;
	vm1 =	vnez.u8 v61  }
0xb7: {  	v51 =	vsel vm0, $0xF149F2CA, v51;
	vm11 =	vgt.f32 v46, v60;
	v61 =	vsel vm1, $0x3F800000, v9  }
0xb8: {  	vm0 =	vnez.u8 v63;
	vm1 =	veq.f32 v62, $1.800000000e+01;
	v63 =	vimm.s32 $0x0  }
0xb9: {  	[tilespmem:$0x1F800] =	vst v8;
	v60 =	vsel vm11, v46, v60;
	v61 =	vsel vm0, $0x40000000, v61;
	v8 =	vsel vm1, $0xFFFFFFFF, v63  }
0xba: {  	v52 =	vsel vm1, $0xF149F2CA, v52;
	v63 =	vimm.s32 $0x0;
	vm12 =	vgt.f32 v47, v60  }
0xbb: {  	v61 =	vsel vm2, $0x40400000, v61;
	vm2 =	veq.f32 v62, $1.900000000e+01;
	v60 =	vsel vm12, v47, v60  }
0xbc: {  	[tilespmem:$0x1F830] =	vst v8;
	v61 =	vsel vm3, $0x40800000, v61;
	v8 =	vsel vm2, $0xFFFFFFFF, v63;
	v53 =	vsel vm2, $0xF149F2CA, v53  }
0xbd: {  	vm3 =	veq.f32 v62, $2.000000000e+01;
	v63 =	vimm.s32 $0x0;
	vm13 =	vgt.f32 v48, v60  }
0xbe: {  	[tilespmem:$0x1F930] =	vst v8;
	v61 =	vsel vm4, $0x40A00000, v61;
	v8 =	vsel vm3, $0xFFFFFFFF, v63;
	v60 =	vsel vm13, v48, v60  }
0xbf: {  	v54 =	vsel vm3, $0xF149F2CA, v54;
	vm4 =	veq.f32 v62, $2.100000000e+01;
	vm14 =	vgt.f32 v49, v60  }
0xc0: {  	v63 =	vimm.s32 $0x0;
	v61 =	vsel vm5, $0x40C00000, v61;
	v60 =	vsel vm14, v49, v60  }
0xc1: {  	[tilespmem:$0x1F950] =	vst v8;
	v8 =	vsel vm4, $0xFFFFFFFF, v63;
	v61 =	vsel vm6, $0x40E00000, v61;
	vm15 =	vgt.f32 v50, v60  }
0xc2: {  	v55 =	vsel vm4, $0xF149F2CA, v55;
	v61 =	vsel vm7, $0x41000000, v61;
	v60 =	vsel vm15, v50, v60  }
0xc3: {  	v63 =	vimm.s32 $0x0;
	v61 =	vsel vm8, $0x41100000, v61;
	vm0 =	vgt.f32 v51, v60  }
0xc4: {  	v61 =	vsel vm9, $0x41200000, v61;
	vm9 =	veq.f32 v62, $2.200000000e+01;
	v60 =	vsel vm0, v51, v60  }
0xc5: {  	[tilespmem:$0x1F980] =	vst v8;
	vm8 =	veq.f32 v62, $2.700000000e+01;
	v8 =	vsel vm9, $0xFFFFFFFF, v63;
	vm1 =	vgt.f32 v52, v60  }
0xc6: {  	v61 =	vsel vm10, $0x41300000, v61;
	v56 =	vsel vm9, $0xF149F2CA, v56;
	v60 =	vsel vm1, v52, v60  }
0xc7: {  	v63 =	vimm.s32 $0x0;
	vm9 =	veq.f32 v62, $2.800000000e+01;
	vm2 =	vgt.f32 v53, v60  }
0xc8: {  	vm10 =	veq.f32 v62, $2.900000000e+01;
	v61 =	vsel vm11, $0x41400000, v61;
	v60 =	vsel vm2, v53, v60  }
0xc9: {  	vm11 =	veq.f32 v62, $2.300000000e+01;
	v2 =	vsel vm9, $0xF149F2CA, v2;
	vm3 =	vgt.f32 v54, v60  }
0xca: {  	[tilespmem:$0x1FA70] =	vst v8;
	v8 =	vsel vm11, $0xFFFFFFFF, v63;
	v61 =	vsel vm12, $0x41500000, v61;
	v60 =	vsel vm3, v54, v60  }
0xcb: {  	v57 =	vsel vm11, $0xF149F2CA, v57;
	vm12 =	veq.f32 v62, $2.400000000e+01;
	vm4 =	vgt.f32 v55, v60  }
0xcc: {  	v63 =	vimm.s32 $0x0;
	vm11 =	veq.f32 v62, $3.000000000e+01;
	v60 =	vsel vm4, v55, v60  }
0xcd: {  	[tilespmem:$0x1FA90] =	vst v8;
	v61 =	vsel vm13, $0x41600000, v61;
	v8 =	vsel vm12, $0xFFFFFFFF, v63;
	vm5 =	vgt.f32 v56, v60  }
0xce: {  	v58 =	vsel vm12, $0xF149F2CA, v58;
	vm13 =	veq.f32 v62, $2.500000000e+01;
	v60 =	vsel vm5, v56, v60  }
0xcf: {  	v63 =	vimm.s32 $0x0;
	v61 =	vsel vm14, $0x41700000, v61;
	vm6 =	vgt.f32 v57, v60  }
0xd0: {  	[tilespmem:$0x1FAC0] =	vst v8;
	v8 =	vsel vm13, $0xFFFFFFFF, v63;
	v61 =	vsel vm15, $0x41800000, v61;
	v60 =	vsel vm6, v57, v60  }
0xd1: {  	vm14 =	veq.f32 v62, $2.600000000e+01;
	v61 =	vsel vm0, $0x41880000, v61;
	vm7 =	vgt.f32 v58, v60  }
0xd2: {  	v63 =	vsel vm7, v58, v60;
	v60 =	vsel vm1, $0x41900000, v61;
	v61 =	vimm.s32 $0x0  }
0xd3: {  	v59 =	vsel vm13, $0xF149F2CA, v59;
	vm13 =	veq.f32 v62, $3.100000000e+01;
	[tilespmem:$0x1FBC0] =	vst v8;
	v8 =	vsel vm14, $0xFFFFFFFF, v61  }
0xd4: {  	vm15 =	vgt.f32 v59, v63;
	v61 =	vsel vm2, $0x41980000, v60;
	v60 =	vsel vm14, $0xF149F2CA, v0  }
0xd5: {  	v0 =	vsel vm15, v59, v63;
	v61 =	vsel vm3, $0x41A00000, v61;
	v63 =	vimm.s32 $0x0  }
0xd6: {  	[tilespmem:$0x1FC50] =	vst v8;
	v8 =	vsel vm8, $0xFFFFFFFF, v63;
	vm1 =	vgt.f32 v60, v0;
	v63 =	vimm.s32 $0x0  }
0xd7: {  	[tilespmem:$0x1FD10] =	vst v8;
	v8 =	vsel vm4, $0x41A80000, v61;
	v61 =	vsel vm8, $0xF149F2CA, v1;
	v0 =	vsel vm1, v60, v0  }
0xd8: {  	v1 =	vsel vm5, $0x41B00000, v8;
	v8 =	vsel vm9, $0xFFFFFFFF, v63;
	vm2 =	vgt.f32 v61, v0  }
0xd9: {  	v63 =	vimm.s32 $0x0;
	v1 =	vsel vm6, $0x41B80000, v1;
	v0 =	vsel vm2, v61, v0  }
0xda: {  	[tilespmem:$0x1FDA0] =	vst v8;
	v8 =	vsel vm10, $0xFFFFFFFF, v63;
	v63 =	vsel vm10, $0xF149F2CA, v3;
	v1 =	vsel vm7, $0x41C00000, v1  }
0xdb: {  	[tilespmem:$0x1FE60] =	vst v8;
	vm3 =	vgt.f32 v2, v0;
	v8 =	vimm.s32 $0x0;
	v1 =	vsel vm15, $0x41C80000, v1  }
0xdc: {  	v3 =	vsel vm3, v2, v0;
	v0 =	vsel vm1, $0x41D00000, v1;
	v1 =	vsel vm11, $0xFFFFFFFF, v8  }
0xdd: {  	vm12 =	vgt.f32 v63, v3;
	v8 =	vsel vm2, $0x41D80000, v0;
	v0 =	vsel vm11, $0xF149F2CA, v4  }
0xde: {  	[tilespmem:$0x1FF20] =	vst v1;
	v3 =	vsel vm12, v63, v3;
	v1 =	vsel vm3, $0x41E00000, v8;
	v8 =	vimm.s32 $0x0  }
0xdf: {  	vm1 =	vgt.f32 v0, v3;
	v4 =	vsel vm13, $0xFFFFFFFF, v8  }
0xe0: {  	v62 =	vsel vm12, $0x41E80000, v1;
	v1 =	vsel vm13, $0xF149F2CA, v5;
	v3 =	vsel vm1, v0, v3  }
0xe1: {  	[tilespmem:$0x1FF50] =	vst v4;
	v4 =	vsel vm1, $0x41F00000, v62;
	vm14 =	vgt.f32 v1, v3  }
0xe2: {  	v8 =	vimm.s32 $0x0;
	v62 =	vimm.s32 $0x0;
	v3 =	vsel vm14, $0x41F80000, v4  }
0xe3: {  	vm15 =	veq.f32 v3, $0.0e+00;
	vm0 =	veq.f32 v3, $1.000000000e+00;
	vm4 =	veq.f32 v3, $2.000000000e+00  }
0xe4: {  	vm5 =	veq.f32 v3, $3.000000000e+00;
	vm6 =	veq.f32 v3, $4.000000000e+00;
	vm7 =	veq.f32 v3, $5.000000000e+00  }
0xe5: {  	vm8 =	veq.f32 v3, $6.000000000e+00;
	vm9 =	veq.f32 v3, $7.000000000e+00;
	vm10 =	veq.f32 v3, $8.000000000e+00  }
0xe6: {  	vm11 =	veq.f32 v3, $9.000000000e+00;
	vm12 =	veq.f32 v3, $1.000000000e+01;
	vm13 =	veq.f32 v3, $1.100000000e+01  }
0xe7: {  	vm14 =	veq.f32 v3, $1.200000000e+01;
	v4 =	vsel vm15, $0xFFFFFFFF, v8;
	v34 =	vsel vm15, $0xF149F2CA, v34  }
0xe8: {  	v35 =	vsel vm0, $0xF149F2CA, v35;
	v8 =	vimm.s32 $0x0;
	v36 =	vsel vm4, $0xF149F2CA, v36  }
0xe9: {  	v37 =	vsel vm5, $0xF149F2CA, v37;
	v38 =	vsel vm6, $0xF149F2CA, v38;
	v39 =	vsel vm7, $0xF149F2CA, v39  }
0xea: {  	v40 =	vsel vm8, $0xF149F2CA, v40;
	v41 =	vsel vm9, $0xF149F2CA, v41;
	v42 =	vsel vm10, $0xF149F2CA, v42  }
0xeb: {  	v43 =	vsel vm11, $0xF149F2CA, v43;
	v44 =	vsel vm12, $0xF149F2CA, v44;
	[tilespmem:$0x1F0F0] =	vst v4;
	v4 =	vsel vm0, $0xFFFFFFFF, v62  }
0xec: {  	vm1 =	vgt.f32 v35, v34;
	v62 =	vimm.s32 $0x0;
	[tilespmem:$0x1F180] =	vst v4;
	v4 =	vsel vm4, $0xFFFFFFFF, v8  }
0xed: {  	vm15 =	veq.f32 v3, $1.300000000e+01;
	vm0 =	veq.f32 v3, $1.400000000e+01;
	[tilespmem:$0x1F1C0] =	vst v4;
	v4 =	vsel vm1, $0xFFFFFFFF, v62  }
0xee: {  	v8 =	vimm.s32 $0x0;
	v48 =	vsel vm0, $0xF149F2CA, v48;
	[tilespmem:$0x1F030] =	vst v4;
	v4 =	vsel vm1, v35, v34  }
0xef: {  	v5 =	vsel vm5, $0xFFFFFFFF, v8;
	v62 =	vimm.s32 $0x0;
	vm1 =	vgt.f32 v36, v4  }
0xf0: {  	v8 =	vimm.s32 $0x0;
	[tilespmem:$0x1F200] =	vst v5;
	v5 =	vsel vm1, $0xFFFFFFFF, v62;
	v4 =	vsel vm1, v36, v4  }
0xf1: {  	v62 =	vimm.s32 $0x0;
	[tilespmem:$0x1F040] =	vst v5;
	v5 =	vsel vm6, $0xFFFFFFFF, v8;
	vm2 =	vgt.f32 v37, v4  }
0xf2: {  	v8 =	vimm.s32 $0x0;
	[tilespmem:$0x1F2D0] =	vst v5;
	v4 =	vsel vm2, v37, v4;
	v5 =	vsel vm7, $0xFFFFFFFF, v62  }
0xf3: {  	v62 =	vimm.s32 $0x0;
	[tilespmem:$0x1F310] =	vst v5;
	vm3 =	vgt.f32 v38, v4;
	v5 =	vsel vm8, $0xFFFFFFFF, v8  }
0xf4: {  	v8 =	vimm.s32 $0x0;
	v4 =	vsel vm3, v38, v4;
	[tilespmem:$0x1F350] =	vst v5;
	v5 =	vsel vm9, $0xFFFFFFFF, v62  }
0xf5: {  	v62 =	vimm.s32 $0x0;
	vm4 =	vgt.f32 v39, v4;
	[tilespmem:$0x1F420] =	vst v5;
	v5 =	vsel vm10, $0xFFFFFFFF, v8  }
0xf6: {  	v8 =	vimm.s32 $0x0;
	v4 =	vsel vm4, v39, v4;
	[tilespmem:$0x1F460] =	vst v5;
	v5 =	vsel vm11, $0xFFFFFFFF, v62  }
0xf7: {  	v62 =	vimm.s32 $0x0;
	vm5 =	vgt.f32 v40, v4;
	[tilespmem:$0x1F4A0] =	vst v5;
	v5 =	vsel vm12, $0xFFFFFFFF, v8  }
0xf8: {  	v8 =	vimm.s32 $0x0;
	v4 =	vsel vm5, v40, v4;
	[tilespmem:$0x1F570] =	vst v5;
	v5 =	vsel vm13, $0xFFFFFFFF, v62  }
0xf9: {  	v62 =	vimm.s32 $0x0;
	vm6 =	vgt.f32 v41, v4;
	[tilespmem:$0x1F5B0] =	vst v5;
	v5 =	vsel vm14, $0xFFFFFFFF, v8  }
0xfa: {  	v8 =	vimm.s32 $0x0;
	v4 =	vsel vm6, v41, v4;
	[tilespmem:$0x1F5F0] =	vst v5;
	v5 =	vsel vm15, $0xFFFFFFFF, v62  }
0xfb: {  	v62 =	vimm.s32 $0x0;
	vm7 =	vgt.f32 v42, v4;
	[tilespmem:$0x1F6C0] =	vst v5;
	v5 =	vsel vm0, $0xFFFFFFFF, v8  }
0xfc: {  	vm0 =	veq.f32 v3, $1.500000000e+01;
	v8 =	vimm.s32 $0x0;
	v4 =	vsel vm7, v42, v4  }
0xfd: {  	[tilespmem:$0x1F700] =	vst v5;
	v5 =	vsel vm0, $0xFFFFFFFF, v62;
	v49 =	vsel vm0, $0xF149F2CA, v49;
	vm0 =	veq.f32 v3, $1.600000000e+01  }
0xfe: {  	v62 =	vimm.s32 $0x0;
	vm8 =	vgt.f32 v43, v4;
	[tilespmem:$0x1F740] =	vst v5;
	v5 =	vsel vm0, $0xFFFFFFFF, v8  }
0xff: {  	v50 =	vsel vm0, $0xF149F2CA, v50;
	vm0 =	veq.f32 v3, $1.700000000e+01;
	v8 =	vld [tilespmem:$0x1F030];
	v4 =	vsel vm8, v43, v4  }
0x100: {  	[tilespmem:$0x1F810] =	vst v5;
	v5 =	vsel vm0, $0xFFFFFFFF, v62;
	v62 =	vld [tilespmem:$0x1F040];
	vm9 =	vgt.f32 v44, v4  }
0x101: {  	v45 =	vsel vm13, $0xF149F2CA, v45;
	v4 =	vsel vm9, v44, v4  }
0x102: {  	vm10 =	vgt.f32 v45, v4  }
0x103: {  	v46 =	vsel vm14, $0xF149F2CA, v46;
	v47 =	vsel vm15, $0xF149F2CA, v47;
	v4 =	vsel vm10, v45, v4  }
0x104: {  	v51 =	vsel vm0, $0xF149F2CA, v51;
	vm1 =	vnez.u8 v8;
	vm11 =	vgt.f32 v46, v4  }
0x105: {  	[tilespmem:$0x1F850] =	vst v5;
	v5 =	vsel vm1, $0x3F800000, v9;
	vm0 =	vnez.u8 v62;
	vm1 =	veq.f32 v3, $1.800000000e+01  }
0x106: {  	v62 =	vimm.s32 $0x0;
	v4 =	vsel vm11, v46, v4;
	v5 =	vsel vm0, $0x40000000, v5  }
0x107: {  	v8 =	vsel vm1, $0xFFFFFFFF, v62;
	v52 =	vsel vm1, $0xF149F2CA, v52;
	v62 =	vimm.s32 $0x0  }
0x108: {  	vm12 =	vgt.f32 v47, v4;
	v5 =	vsel vm2, $0x40400000, v5;
	vm2 =	veq.f32 v3, $1.900000000e+01  }
0x109: {  	[tilespmem:$0x1F890] =	vst v8;
	v4 =	vsel vm12, v47, v4;
	v5 =	vsel vm3, $0x40800000, v5;
	v8 =	vsel vm2, $0xFFFFFFFF, v62  }
0x10a: {  	v53 =	vsel vm2, $0xF149F2CA, v53;
	vm3 =	veq.f32 v3, $2.000000000e+01;
	v62 =	vimm.s32 $0x0  }
0x10b: {  	vm13 =	vgt.f32 v48, v4;
	[tilespmem:$0x1F960] =	vst v8;
	v5 =	vsel vm4, $0x40A00000, v5;
	v8 =	vsel vm3, $0xFFFFFFFF, v62  }
0x10c: {  	v54 =	vsel vm3, $0xF149F2CA, v54;
	vm4 =	veq.f32 v3, $2.100000000e+01;
	v62 =	vimm.s32 $0x0  }
0x10d: {  	v4 =	vsel vm13, v48, v4;
	v5 =	vsel vm5, $0x40C00000, v5;
	[tilespmem:$0x1F9A0] =	vst v8;
	v8 =	vsel vm4, $0xFFFFFFFF, v62  }
0x10e: {  	v55 =	vsel vm4, $0xF149F2CA, v55;
	vm14 =	vgt.f32 v49, v4;
	v5 =	vsel vm6, $0x40E00000, v5  }
0x10f: {  	v62 =	vimm.s32 $0x0;
	v4 =	vsel vm14, v49, v4;
	v5 =	vsel vm7, $0x41000000, v5  }
0x110: {  	vm15 =	vgt.f32 v50, v4;
	v5 =	vsel vm8, $0x41100000, v5;
	vm8 =	veq.f32 v3, $2.700000000e+01  }
0x111: {  	v4 =	vsel vm15, v50, v4;
	v5 =	vsel vm9, $0x41200000, v5;
	vm9 =	veq.f32 v3, $2.200000000e+01  }
0x112: {  	[tilespmem:$0x1F9E0] =	vst v8;
	v61 =	vsel vm8, $0xF149F2CA, v61;
	vm0 =	vgt.f32 v51, v4;
	v8 =	vsel vm9, $0xFFFFFFFF, v62  }
0x113: {  	v5 =	vsel vm10, $0x41300000, v5;
	v56 =	vsel vm9, $0xF149F2CA, v56;
	v4 =	vsel vm0, v51, v4  }
0x114: {  	v62 =	vimm.s32 $0x0;
	vm9 =	veq.f32 v3, $2.800000000e+01;
	vm1 =	vgt.f32 v52, v4  }
0x115: {  	vm10 =	veq.f32 v3, $2.900000000e+01;
	v5 =	vsel vm11, $0x41400000, v5;
	v4 =	vsel vm1, v52, v4  }
0x116: {  	vm11 =	veq.f32 v3, $2.300000000e+01;
	v63 =	vsel vm10, $0xF149F2CA, v63;
	vm2 =	vgt.f32 v53, v4  }
0x117: {  	[tilespmem:$0x1FAA0] =	vst v8;
	v8 =	vsel vm11, $0xFFFFFFFF, v62;
	v5 =	vsel vm12, $0x41500000, v5;
	v4 =	vsel vm2, v53, v4  }
0x118: {  	v57 =	vsel vm11, $0xF149F2CA, v57;
	vm12 =	veq.f32 v3, $2.400000000e+01;
	vm3 =	vgt.f32 v54, v4  }
0x119: {  	v62 =	vimm.s32 $0x0;
	vm11 =	veq.f32 v3, $3.000000000e+01;
	v4 =	vsel vm3, v54, v4  }
0x11a: {  	[tilespmem:$0x1FAE0] =	vst v8;
	v5 =	vsel vm13, $0x41600000, v5;
	v8 =	vsel vm12, $0xFFFFFFFF, v62;
	vm4 =	vgt.f32 v55, v4  }
0x11b: {  	v58 =	vsel vm12, $0xF149F2CA, v58;
	vm13 =	veq.f32 v3, $2.500000000e+01;
	v4 =	vsel vm4, v55, v4  }
0x11c: {  	v62 =	vimm.s32 $0x0;
	v0 =	vsel vm11, $0xF149F2CA, v0;
	vm5 =	vgt.f32 v56, v4  }
0x11d: {  	[tilespmem:$0x1FB20] =	vst v8;
	v5 =	vsel vm14, $0x41700000, v5;
	v8 =	vsel vm13, $0xFFFFFFFF, v62;
	v4 =	vsel vm5, v56, v4  }
0x11e: {  	v59 =	vsel vm13, $0xF149F2CA, v59;
	vm14 =	veq.f32 v3, $2.600000000e+01;
	vm6 =	vgt.f32 v57, v4  }
0x11f: {  	v62 =	vimm.s32 $0x0;
	vm13 =	veq.f32 v3, $3.100000000e+01;
	v4 =	vsel vm6, v57, v4  }
0x120: {  	v5 =	vsel vm15, $0x41800000, v5;
	[tilespmem:$0x1FC00] =	vst v8;
	v8 =	vsel vm14, $0xFFFFFFFF, v62;
	vm7 =	vgt.f32 v58, v4  }
0x121: {  	v60 =	vsel vm14, $0xF149F2CA, v60;
	v5 =	vsel vm0, $0x41880000, v5;
	v4 =	vsel vm7, v58, v4  }
0x122: {  	v62 =	vimm.s32 $0x0;
	v5 =	vsel vm1, $0x41900000, v5;
	vm15 =	vgt.f32 v59, v4  }
0x123: {  	v1 =	vsel vm13, $0xF149F2CA, v1;
	v5 =	vsel vm2, $0x41980000, v5;
	v4 =	vsel vm15, v59, v4  }
0x124: {  	[tilespmem:$0x1FCA0] =	vst v8;
	v8 =	vsel vm8, $0xFFFFFFFF, v62;
	v5 =	vsel vm3, $0x41A00000, v5;
	vm1 =	vgt.f32 v60, v4  }
0x125: {  	v62 =	vimm.s32 $0x0;
	v5 =	vsel vm4, $0x41A80000, v5;
	v4 =	vsel vm1, v60, v4  }
0x126: {  	[tilespmem:$0x1FD50] =	vst v8;
	v8 =	vsel vm9, $0xFFFFFFFF, v62;
	v5 =	vsel vm5, $0x41B00000, v5;
	vm2 =	vgt.f32 v61, v4  }
0x127: {  	v62 =	vsel vm9, $0xF149F2CA, v2;
	v5 =	vsel vm6, $0x41B80000, v5;
	v2 =	vsel vm2, v61, v4  }
0x128: {  	[tilespmem:$0x1FDF0] =	vst v8;
	v8 =	vimm.s32 $0x0;
	v4 =	vsel vm7, $0x41C00000, v5;
	vm3 =	vgt.f32 v62, v2  }
0x129: {  	v5 =	vsel vm10, $0xFFFFFFFF, v8;
	v4 =	vsel vm15, $0x41C80000, v4;
	v2 =	vsel vm3, v62, v2  }
0x12a: {  	v8 =	vimm.s32 $0x0;
	v4 =	vsel vm1, $0x41D00000, v4;
	vm12 =	vgt.f32 v63, v2  }
0x12b: {  	[tilespmem:$0x1FEA0] =	vst v5;
	v5 =	vsel vm11, $0xFFFFFFFF, v8;
	v4 =	vsel vm2, $0x41D80000, v4;
	v2 =	vsel vm12, v63, v2  }
0x12c: {  	v8 =	vimm.s32 $0x0;
	v4 =	vsel vm3, $0x41E00000, v4;
	vm1 =	vgt.f32 v0, v2  }
0x12d: {  	v3 =	vsel vm13, $0xFFFFFFFF, v8;
	v8 =	vsel vm12, $0x41E80000, v4;
	v2 =	vsel vm1, v0, v2  }
0x12e: {  	[tilespmem:$0x1FF90] =	vst v3;
	v3 =	vsel vm1, $0x41F00000, v8;
	vm14 =	vgt.f32 v1, v2  }
0x12f: {  	v8 =	vimm.s32 $0x0;
	v2 =	vsel vm14, $0x41F80000, v3  }
0x130: {  	vm15 =	veq.f32 v2, $0.0e+00;
	vm0 =	veq.f32 v2, $1.000000000e+00;
	vm4 =	veq.f32 v2, $2.000000000e+00  }
0x131: {  	vm5 =	veq.f32 v2, $3.000000000e+00;
	vm6 =	veq.f32 v2, $4.000000000e+00;
	vm7 =	veq.f32 v2, $5.000000000e+00  }
0x132: {  	vm8 =	veq.f32 v2, $6.000000000e+00;
	vm9 =	veq.f32 v2, $7.000000000e+00;
	vm10 =	veq.f32 v2, $8.000000000e+00  }
0x133: {  	vm11 =	veq.f32 v2, $9.000000000e+00;
	vm12 =	veq.f32 v2, $1.000000000e+01;
	vm13 =	veq.f32 v2, $1.100000000e+01  }
0x134: {  	vm14 =	veq.f32 v2, $1.200000000e+01;
	v3 =	vsel vm15, $0xFFFFFFFF, v8;
	v8 =	vimm.s32 $0x0  }
0x135: {  	v34 =	vsel vm15, $0xF149F2CA, v34;
	v35 =	vsel vm0, $0xF149F2CA, v35;
	v36 =	vsel vm4, $0xF149F2CA, v36  }
0x136: {  	v37 =	vsel vm5, $0xF149F2CA, v37;
	v38 =	vsel vm6, $0xF149F2CA, v38;
	v39 =	vsel vm7, $0xF149F2CA, v39  }
0x137: {  	v40 =	vsel vm8, $0xF149F2CA, v40;
	[tilespmem:$0x1F100] =	vst v3;
	v3 =	vsel vm0, $0xFFFFFFFF, v8;
	v8 =	vimm.s32 $0x0  }
0x138: {  	vm1 =	vgt.f32 v35, v34;
	[tilespmem:$0x1F1B0] =	vst v3;
	v3 =	vsel vm4, $0xFFFFFFFF, v8;
	v8 =	vimm.s32 $0x0  }
0x139: {  	v41 =	vsel vm9, $0xF149F2CA, v41;
	v42 =	vsel vm10, $0xF149F2CA, v42;
	[tilespmem:$0x1F1F0] =	vst v3;
	v3 =	vsel vm1, $0xFFFFFFFF, v8  }
0x13a: {  	vm15 =	veq.f32 v2, $1.300000000e+01;
	vm0 =	veq.f32 v2, $1.400000000e+01;
	[tilespmem:$0x1F050] =	vst v3;
	v3 =	vsel vm1, v35, v34  }
0x13b: {  	v48 =	vsel vm0, $0xF149F2CA, v48;
	v8 =	vimm.s32 $0x0;
	vm1 =	vgt.f32 v36, v3  }
0x13c: {  	v4 =	vsel vm5, $0xFFFFFFFF, v8;
	v8 =	vimm.s32 $0x0;
	v3 =	vsel vm1, v36, v3  }
0x13d: {  	[tilespmem:$0x1F230] =	vst v4;
	v4 =	vsel vm1, $0xFFFFFFFF, v8;
	v8 =	vimm.s32 $0x0;
	vm2 =	vgt.f32 v37, v3  }
0x13e: {  	[tilespmem:$0x1F060] =	vst v4;
	v4 =	vsel vm6, $0xFFFFFFFF, v8;
	v8 =	vimm.s32 $0x0;
	v3 =	vsel vm2, v37, v3  }
0x13f: {  	[tilespmem:$0x1F300] =	vst v4;
	v4 =	vsel vm7, $0xFFFFFFFF, v8;
	v8 =	vimm.s32 $0x0;
	vm3 =	vgt.f32 v38, v3  }
0x140: {  	[tilespmem:$0x1F340] =	vst v4;
	v4 =	vsel vm8, $0xFFFFFFFF, v8;
	v8 =	vimm.s32 $0x0;
	v3 =	vsel vm3, v38, v3  }
0x141: {  	[tilespmem:$0x1F380] =	vst v4;
	v4 =	vsel vm9, $0xFFFFFFFF, v8;
	v8 =	vimm.s32 $0x0;
	vm4 =	vgt.f32 v39, v3  }
0x142: {  	[tilespmem:$0x1F450] =	vst v4;
	v4 =	vsel vm10, $0xFFFFFFFF, v8;
	v8 =	vimm.s32 $0x0;
	v3 =	vsel vm4, v39, v3  }
0x143: {  	[tilespmem:$0x1F490] =	vst v4;
	v4 =	vsel vm11, $0xFFFFFFFF, v8;
	v8 =	vimm.s32 $0x0;
	vm5 =	vgt.f32 v40, v3  }
0x144: {  	[tilespmem:$0x1F4D0] =	vst v4;
	v4 =	vsel vm12, $0xFFFFFFFF, v8;
	v8 =	vimm.s32 $0x0;
	v3 =	vsel vm5, v40, v3  }
0x145: {  	[tilespmem:$0x1F5A0] =	vst v4;
	v4 =	vsel vm13, $0xFFFFFFFF, v8;
	v8 =	vimm.s32 $0x0;
	vm6 =	vgt.f32 v41, v3  }
0x146: {  	[tilespmem:$0x1F5E0] =	vst v4;
	v4 =	vsel vm14, $0xFFFFFFFF, v8;
	v8 =	vimm.s32 $0x0;
	v3 =	vsel vm6, v41, v3  }
0x147: {  	[tilespmem:$0x1F620] =	vst v4;
	v4 =	vsel vm15, $0xFFFFFFFF, v8;
	v8 =	vimm.s32 $0x0;
	vm7 =	vgt.f32 v42, v3  }
0x148: {  	[tilespmem:$0x1F6F0] =	vst v4;
	v4 =	vsel vm0, $0xFFFFFFFF, v8;
	vm0 =	veq.f32 v2, $1.500000000e+01;
	v8 =	vimm.s32 $0x0  }
0x149: {  	v43 =	vsel vm11, $0xF149F2CA, v43;
	v3 =	vsel vm7, v42, v3;
	[tilespmem:$0x1F730] =	vst v4;
	v4 =	vsel vm0, $0xFFFFFFFF, v8  }
0x14a: {  	v49 =	vsel vm0, $0xF149F2CA, v49;
	vm0 =	veq.f32 v2, $1.600000000e+01;
	v8 =	vimm.s32 $0x0  }
0x14b: {  	vm8 =	vgt.f32 v43, v3;
	[tilespmem:$0x1F770] =	vst v4;
	v4 =	vsel vm0, $0xFFFFFFFF, v8  }
0x14c: {  	v50 =	vsel vm0, $0xF149F2CA, v50;
	vm0 =	veq.f32 v2, $1.700000000e+01;
	v8 =	vimm.s32 $0x0  }
0x14d: {  	v44 =	vsel vm12, $0xF149F2CA, v44;
	v3 =	vsel vm8, v43, v3;
	[tilespmem:$0x1F840] =	vst v4;
	v4 =	vsel vm0, $0xFFFFFFFF, v8;
	v8 =	vld [tilespmem:$0x1F050]  }
0x14e: {  	vm9 =	vgt.f32 v44, v3  }
0x14f: {  	v45 =	vsel vm13, $0xF149F2CA, v45;
	v3 =	vsel vm9, v44, v3  }
0x150: {  	vm10 =	vgt.f32 v45, v3  }
0x151: {  	v46 =	vsel vm14, $0xF149F2CA, v46;
	v3 =	vsel vm10, v45, v3  }
0x152: {  	vm11 =	vgt.f32 v46, v3;
	vm1 =	vnez.u8 v8;
	v8 =	vld [tilespmem:$0x1F060]  }
0x153: {  	v47 =	vsel vm15, $0xF149F2CA, v47;
	v3 =	vsel vm11, v46, v3  }
0x154: {  	vm12 =	vgt.f32 v47, v3  }
0x155: {  	v51 =	vsel vm0, $0xF149F2CA, v51;
	v3 =	vsel vm12, v47, v3  }
0x156: {  	[tilespmem:$0x1F880] =	vst v4;
	v4 =	vsel vm1, $0x3F800000, v9;
	vm1 =	veq.f32 v2, $1.800000000e+01;
	vm13 =	vgt.f32 v48, v3  }
0x157: {  	v52 =	vsel vm1, $0xF149F2CA, v52;
	v3 =	vsel vm13, v48, v3;
	vm0 =	vnez.u8 v8  }
0x158: {  	v8 =	vimm.s32 $0x0;
	vm14 =	vgt.f32 v49, v3;
	v4 =	vsel vm0, $0x40000000, v4  }
0x159: {  	[tilespmem:$0x1FF40] =	vst v5;
	v5 =	vsel vm1, $0xFFFFFFFF, v8;
	v8 =	vimm.s32 $0x0;
	v3 =	vsel vm14, v49, v3  }
0x15a: {  	v4 =	vsel vm2, $0x40400000, v4;
	vm2 =	veq.f32 v2, $1.900000000e+01;
	vm15 =	vgt.f32 v50, v3  }
0x15b: {  	[tilespmem:$0x1F8C0] =	vst v5;
	v4 =	vsel vm3, $0x40800000, v4;
	v5 =	vsel vm2, $0xFFFFFFFF, v8;
	v53 =	vsel vm2, $0xF149F2CA, v53  }
0x15c: {  	vm3 =	veq.f32 v2, $2.000000000e+01;
	v8 =	vimm.s32 $0x0;
	v3 =	vsel vm15, v50, v3  }
0x15d: {  	[tilespmem:$0x1F990] =	vst v5;
	v4 =	vsel vm4, $0x40A00000, v4;
	v5 =	vsel vm3, $0xFFFFFFFF, v8;
	v54 =	vsel vm3, $0xF149F2CA, v54  }
0x15e: {  	vm4 =	veq.f32 v2, $2.100000000e+01;
	v8 =	vimm.s32 $0x0;
	vm0 =	vgt.f32 v51, v3  }
0x15f: {  	v4 =	vsel vm5, $0x40C00000, v4;
	[tilespmem:$0x1F9D0] =	vst v5;
	v5 =	vsel vm4, $0xFFFFFFFF, v8;
	v3 =	vsel vm0, v51, v3  }
0x160: {  	v55 =	vsel vm4, $0xF149F2CA, v55;
	v4 =	vsel vm6, $0x40E00000, v4;
	vm1 =	vgt.f32 v52, v3  }
0x161: {  	v8 =	vimm.s32 $0x0;
	v4 =	vsel vm7, $0x41000000, v4;
	v3 =	vsel vm1, v52, v3  }
0x162: {  	v4 =	vsel vm8, $0x41100000, v4;
	vm8 =	veq.f32 v2, $2.700000000e+01;
	vm2 =	vgt.f32 v53, v3  }
0x163: {  	v4 =	vsel vm9, $0x41200000, v4;
	vm9 =	veq.f32 v2, $2.200000000e+01;
	v61 =	vsel vm8, $0xF149F2CA, v61  }
0x164: {  	[tilespmem:$0x1FA10] =	vst v5;
	v3 =	vsel vm2, v53, v3;
	v5 =	vsel vm9, $0xFFFFFFFF, v8;
	v4 =	vsel vm10, $0x41300000, v4  }
0x165: {  	v56 =	vsel vm9, $0xF149F2CA, v56;
	v8 =	vimm.s32 $0x0;
	vm9 =	veq.f32 v2, $2.800000000e+01  }
0x166: {  	vm10 =	veq.f32 v2, $2.900000000e+01;
	vm3 =	vgt.f32 v54, v3;
	v4 =	vsel vm11, $0x41400000, v4  }
0x167: {  	vm11 =	veq.f32 v2, $2.300000000e+01;
	v62 =	vsel vm9, $0xF149F2CA, v62;
	v63 =	vsel vm10, $0xF149F2CA, v63  }
0x168: {  	[tilespmem:$0x1FAD0] =	vst v5;
	v3 =	vsel vm3, v54, v3;
	v5 =	vsel vm11, $0xFFFFFFFF, v8;
	v4 =	vsel vm12, $0x41500000, v4  }
0x169: {  	v57 =	vsel vm11, $0xF149F2CA, v57;
	vm12 =	veq.f32 v2, $2.400000000e+01;
	v8 =	vimm.s32 $0x0  }
0x16a: {  	vm11 =	veq.f32 v2, $3.000000000e+01;
	vm4 =	vgt.f32 v55, v3;
	v4 =	vsel vm13, $0x41600000, v4  }
0x16b: {  	[tilespmem:$0x1FB10] =	vst v5;
	v5 =	vsel vm12, $0xFFFFFFFF, v8;
	v58 =	vsel vm12, $0xF149F2CA, v58;
	v3 =	vsel vm4, v55, v3  }
0x16c: {  	vm13 =	veq.f32 v2, $2.500000000e+01;
	v8 =	vimm.s32 $0x0;
	vm5 =	vgt.f32 v56, v3  }
0x16d: {  	v0 =	vsel vm11, $0xF149F2CA, v0;
	v4 =	vsel vm14, $0x41700000, v4;
	v3 =	vsel vm5, v56, v3  }
0x16e: {  	[tilespmem:$0x1FB50] =	vst v5;
	v5 =	vsel vm13, $0xFFFFFFFF, v8;
	v59 =	vsel vm13, $0xF149F2CA, v59;
	vm6 =	vgt.f32 v57, v3  }
0x16f: {  	vm14 =	veq.f32 v2, $2.600000000e+01;
	v8 =	vimm.s32 $0x0;
	v3 =	vsel vm6, v57, v3  }
0x170: {  	vm13 =	veq.f32 v2, $3.100000000e+01;
	v4 =	vsel vm15, $0x41800000, v4;
	vm7 =	vgt.f32 v58, v3  }
0x171: {  	[tilespmem:$0x1FC20] =	vst v5;
	v5 =	vsel vm14, $0xFFFFFFFF, v8;
	v4 =	vsel vm0, $0x41880000, v4;
	v3 =	vsel vm7, v58, v3  }
0x172: {  	v60 =	vsel vm14, $0xF149F2CA, v60;
	v4 =	vsel vm1, $0x41900000, v4;
	vm15 =	vgt.f32 v59, v3  }
0x173: {  	v8 =	vimm.s32 $0x0;
	v4 =	vsel vm2, $0x41980000, v4;
	v3 =	vsel vm15, v59, v3  }
0x174: {  	v1 =	vsel vm13, $0xF149F2CA, v1;
	v4 =	vsel vm3, $0x41A00000, v4;
	vm1 =	vgt.f32 v60, v3  }
0x175: {  	[tilespmem:$0x1FCC0] =	vst v5;
	v5 =	vsel vm8, $0xFFFFFFFF, v8;
	v4 =	vsel vm4, $0x41A80000, v4;
	v3 =	vsel vm1, v60, v3  }
0x176: {  	v8 =	vimm.s32 $0x0;
	v4 =	vsel vm5, $0x41B00000, v4;
	vm2 =	vgt.f32 v61, v3  }
0x177: {  	[tilespmem:$0x1FD70] =	vst v5;
	v5 =	vsel vm9, $0xFFFFFFFF, v8;
	v4 =	vsel vm6, $0x41B80000, v4;
	v3 =	vsel vm2, v61, v3  }
0x178: {  	v8 =	vimm.s32 $0x0;
	v4 =	vsel vm7, $0x41C00000, v4;
	vm3 =	vgt.f32 v62, v3  }
0x179: {  	[tilespmem:$0x1FE10] =	vst v5;
	v5 =	vsel vm10, $0xFFFFFFFF, v8;
	v4 =	vsel vm15, $0x41C80000, v4;
	v3 =	vsel vm3, v62, v3  }
0x17a: {  	v8 =	vimm.s32 $0x0;
	v4 =	vsel vm1, $0x41D00000, v4;
	vm12 =	vgt.f32 v63, v3  }
0x17b: {  	[tilespmem:$0x1FEC0] =	vst v5;
	v5 =	vsel vm11, $0xFFFFFFFF, v8;
	v4 =	vsel vm2, $0x41D80000, v4;
	v3 =	vsel vm12, v63, v3  }
0x17c: {  	[tilespmem:$0x1FF60] =	vst v5;
	v5 =	vimm.s32 $0x0;
	v4 =	vsel vm3, $0x41E00000, v4;
	vm1 =	vgt.f32 v0, v3  }
0x17d: {  	v2 =	vsel vm13, $0xFFFFFFFF, v5;
	v8 =	vsel vm12, $0x41E80000, v4;
	v3 =	vsel vm1, v0, v3  }
0x17e: {  	[tilespmem:$0x1FFB0] =	vst v2;
	v2 =	vsel vm1, $0x41F00000, v8;
	vm14 =	vgt.f32 v1, v3  }
0x17f: {  	v8 =	vimm.s32 $0x0;
	v2 =	vsel vm14, $0x41F80000, v2  }
0x180: {  	vm15 =	veq.f32 v2, $0.0e+00;
	vm0 =	veq.f32 v2, $1.000000000e+00;
	vm4 =	veq.f32 v2, $2.000000000e+00  }
0x181: {  	vm5 =	veq.f32 v2, $3.000000000e+00;
	vm6 =	veq.f32 v2, $4.000000000e+00;
	vm7 =	veq.f32 v2, $5.000000000e+00  }
0x182: {  	vm8 =	veq.f32 v2, $6.000000000e+00;
	vm9 =	veq.f32 v2, $7.000000000e+00;
	vm10 =	veq.f32 v2, $8.000000000e+00  }
0x183: {  	vm11 =	veq.f32 v2, $9.000000000e+00;
	vm12 =	veq.f32 v2, $1.000000000e+01;
	vm13 =	veq.f32 v2, $1.100000000e+01  }
0x184: {  	vm14 =	veq.f32 v2, $1.200000000e+01;
	v3 =	vsel vm15, $0xFFFFFFFF, v8;
	v8 =	vimm.s32 $0x0  }
0x185: {  	v34 =	vsel vm15, $0xF149F2CA, v34;
	v35 =	vsel vm0, $0xF149F2CA, v35;
	v36 =	vsel vm4, $0xF149F2CA, v36  }
0x186: {  	v37 =	vsel vm5, $0xF149F2CA, v37;
	v38 =	vsel vm6, $0xF149F2CA, v38;
	v39 =	vsel vm7, $0xF149F2CA, v39  }
0x187: {  	v40 =	vsel vm8, $0xF149F2CA, v40;
	[tilespmem:$0x1F110] =	vst v3;
	v3 =	vsel vm0, $0xFFFFFFFF, v8;
	v8 =	vimm.s32 $0x0  }
0x188: {  	vm1 =	vgt.f32 v35, v34;
	[tilespmem:$0x1F1E0] =	vst v3;
	v3 =	vsel vm4, $0xFFFFFFFF, v8;
	v8 =	vimm.s32 $0x0  }
0x189: {  	v41 =	vsel vm9, $0xF149F2CA, v41;
	v42 =	vsel vm10, $0xF149F2CA, v42;
	[tilespmem:$0x1F220] =	vst v3;
	v3 =	vsel vm1, $0xFFFFFFFF, v8  }
0x18a: {  	vm15 =	veq.f32 v2, $1.300000000e+01;
	vm0 =	veq.f32 v2, $1.400000000e+01;
	[tilespmem:$0x1F070] =	vst v3;
	v3 =	vsel vm1, v35, v34  }
0x18b: {  	v48 =	vsel vm0, $0xF149F2CA, v48;
	v8 =	vimm.s32 $0x0;
	vm1 =	vgt.f32 v36, v3  }
0x18c: {  	v4 =	vsel vm5, $0xFFFFFFFF, v8;
	v8 =	vimm.s32 $0x0;
	v3 =	vsel vm1, v36, v3  }
0x18d: {  	[tilespmem:$0x1F260] =	vst v4;
	v4 =	vsel vm1, $0xFFFFFFFF, v8;
	v8 =	vimm.s32 $0x0;
	vm2 =	vgt.f32 v37, v3  }
0x18e: {  	[tilespmem:$0x1F080] =	vst v4;
	v4 =	vsel vm6, $0xFFFFFFFF, v8;
	v8 =	vimm.s32 $0x0;
	v3 =	vsel vm2, v37, v3  }
0x18f: {  	[tilespmem:$0x1F330] =	vst v4;
	v4 =	vsel vm7, $0xFFFFFFFF, v8;
	v8 =	vimm.s32 $0x0;
	vm3 =	vgt.f32 v38, v3  }
0x190: {  	[tilespmem:$0x1F370] =	vst v4;
	v4 =	vsel vm8, $0xFFFFFFFF, v8;
	v8 =	vimm.s32 $0x0;
	v3 =	vsel vm3, v38, v3  }
0x191: {  	[tilespmem:$0x1F3B0] =	vst v4;
	v4 =	vsel vm9, $0xFFFFFFFF, v8;
	v8 =	vimm.s32 $0x0;
	vm4 =	vgt.f32 v39, v3  }
0x192: {  	[tilespmem:$0x1F480] =	vst v4;
	v4 =	vsel vm10, $0xFFFFFFFF, v8;
	v8 =	vimm.s32 $0x0;
	v3 =	vsel vm4, v39, v3  }
0x193: {  	[tilespmem:$0x1F4C0] =	vst v4;
	v4 =	vsel vm11, $0xFFFFFFFF, v8;
	v8 =	vimm.s32 $0x0;
	vm5 =	vgt.f32 v40, v3  }
0x194: {  	[tilespmem:$0x1F500] =	vst v4;
	v4 =	vsel vm12, $0xFFFFFFFF, v8;
	v8 =	vimm.s32 $0x0;
	v3 =	vsel vm5, v40, v3  }
0x195: {  	[tilespmem:$0x1F5D0] =	vst v4;
	v4 =	vsel vm13, $0xFFFFFFFF, v8;
	v8 =	vimm.s32 $0x0;
	vm6 =	vgt.f32 v41, v3  }
0x196: {  	[tilespmem:$0x1F610] =	vst v4;
	v4 =	vsel vm14, $0xFFFFFFFF, v8;
	v8 =	vimm.s32 $0x0;
	v3 =	vsel vm6, v41, v3  }
0x197: {  	[tilespmem:$0x1F650] =	vst v4;
	v4 =	vsel vm15, $0xFFFFFFFF, v8;
	v8 =	vimm.s32 $0x0;
	vm7 =	vgt.f32 v42, v3  }
0x198: {  	[tilespmem:$0x1F720] =	vst v4;
	v4 =	vsel vm0, $0xFFFFFFFF, v8;
	vm0 =	veq.f32 v2, $1.500000000e+01;
	v8 =	vimm.s32 $0x0  }
0x199: {  	v43 =	vsel vm11, $0xF149F2CA, v43;
	v3 =	vsel vm7, v42, v3;
	[tilespmem:$0x1F760] =	vst v4;
	v4 =	vsel vm0, $0xFFFFFFFF, v8  }
0x19a: {  	v49 =	vsel vm0, $0xF149F2CA, v49;
	vm0 =	veq.f32 v2, $1.600000000e+01;
	v8 =	vimm.s32 $0x0  }
0x19b: {  	vm8 =	vgt.f32 v43, v3;
	[tilespmem:$0x1F7A0] =	vst v4;
	v4 =	vsel vm0, $0xFFFFFFFF, v8  }
0x19c: {  	v50 =	vsel vm0, $0xF149F2CA, v50;
	vm0 =	veq.f32 v2, $1.700000000e+01;
	v8 =	vimm.s32 $0x0  }
0x19d: {  	v44 =	vsel vm12, $0xF149F2CA, v44;
	v3 =	vsel vm8, v43, v3;
	[tilespmem:$0x1F870] =	vst v4;
	v4 =	vsel vm0, $0xFFFFFFFF, v8;
	v8 =	vld [tilespmem:$0x1F070]  }
0x19e: {  	vm9 =	vgt.f32 v44, v3  }
0x19f: {  	v45 =	vsel vm13, $0xF149F2CA, v45;
	v3 =	vsel vm9, v44, v3  }
0x1a0: {  	vm10 =	vgt.f32 v45, v3  }
0x1a1: {  	v46 =	vsel vm14, $0xF149F2CA, v46;
	v3 =	vsel vm10, v45, v3  }
0x1a2: {  	vm11 =	vgt.f32 v46, v3;
	vm1 =	vnez.u8 v8;
	v8 =	vld [tilespmem:$0x1F080]  }
0x1a3: {  	v47 =	vsel vm15, $0xF149F2CA, v47;
	v3 =	vsel vm11, v46, v3  }
0x1a4: {  	vm12 =	vgt.f32 v47, v3  }
0x1a5: {  	[tilespmem:$0x1F8B0] =	vst v4;
	v4 =	vsel vm1, $0x3F800000, v9;
	vm1 =	veq.f32 v2, $1.800000000e+01;
	v3 =	vsel vm12, v47, v3  }
0x1a6: {  	v51 =	vsel vm0, $0xF149F2CA, v51;
	v52 =	vsel vm1, $0xF149F2CA, v52;
	vm13 =	vgt.f32 v48, v3  }
0x1a7: {  	v3 =	vsel vm13, v48, v3;
	vm0 =	vnez.u8 v8;
	v8 =	vimm.s32 $0x0  }
0x1a8: {  	vm14 =	vgt.f32 v49, v3;
	v4 =	vsel vm0, $0x40000000, v4;
	v5 =	vsel vm1, $0xFFFFFFFF, v8  }
0x1a9: {  	v8 =	vimm.s32 $0x0;
	v3 =	vsel vm14, v49, v3;
	v4 =	vsel vm2, $0x40400000, v4  }
0x1aa: {  	vm2 =	veq.f32 v2, $1.900000000e+01;
	vm15 =	vgt.f32 v50, v3;
	v4 =	vsel vm3, $0x40800000, v4  }
0x1ab: {  	[tilespmem:$0x1F8F0] =	vst v5;
	v5 =	vsel vm2, $0xFFFFFFFF, v8;
	v53 =	vsel vm2, $0xF149F2CA, v53;
	vm3 =	veq.f32 v2, $2.000000000e+01  }
0x1ac: {  	v8 =	vimm.s32 $0x0;
	v3 =	vsel vm15, v50, v3;
	v4 =	vsel vm4, $0x40A00000, v4  }
0x1ad: {  	[tilespmem:$0x1F9C0] =	vst v5;
	v5 =	vsel vm3, $0xFFFFFFFF, v8;
	v54 =	vsel vm3, $0xF149F2CA, v54;
	vm4 =	veq.f32 v2, $2.100000000e+01  }
0x1ae: {  	v8 =	vimm.s32 $0x0;
	vm0 =	vgt.f32 v51, v3;
	v4 =	vsel vm5, $0x40C00000, v4  }
0x1af: {  	[tilespmem:$0x1FA00] =	vst v5;
	v5 =	vsel vm4, $0xFFFFFFFF, v8;
	v3 =	vsel vm0, v51, v3;
	v4 =	vsel vm6, $0x40E00000, v4  }
0x1b0: {  	v55 =	vsel vm4, $0xF149F2CA, v55;
	vm1 =	vgt.f32 v52, v3;
	v4 =	vsel vm7, $0x41000000, v4  }
0x1b1: {  	v8 =	vimm.s32 $0x0;
	v3 =	vsel vm1, v52, v3;
	v4 =	vsel vm8, $0x41100000, v4  }
0x1b2: {  	vm8 =	veq.f32 v2, $2.700000000e+01;
	vm2 =	vgt.f32 v53, v3;
	v4 =	vsel vm9, $0x41200000, v4  }
0x1b3: {  	vm9 =	veq.f32 v2, $2.200000000e+01;
	v61 =	vsel vm8, $0xF149F2CA, v61;
	v3 =	vsel vm2, v53, v3  }
0x1b4: {  	[tilespmem:$0x1FA30] =	vst v5;
	v5 =	vsel vm9, $0xFFFFFFFF, v8;
	v4 =	vsel vm10, $0x41300000, v4;
	v56 =	vsel vm9, $0xF149F2CA, v56  }
0x1b5: {  	v8 =	vimm.s32 $0x0;
	vm9 =	veq.f32 v2, $2.800000000e+01;
	vm10 =	veq.f32 v2, $2.900000000e+01  }
0x1b6: {  	vm3 =	vgt.f32 v54, v3;
	v4 =	vsel vm11, $0x41400000, v4;
	vm11 =	veq.f32 v2, $2.300000000e+01  }
0x1b7: {  	v62 =	vsel vm9, $0xF149F2CA, v62;
	v63 =	vsel vm10, $0xF149F2CA, v63;
	v3 =	vsel vm3, v54, v3  }
0x1b8: {  	[tilespmem:$0x1FB00] =	vst v5;
	v5 =	vsel vm11, $0xFFFFFFFF, v8;
	v4 =	vsel vm12, $0x41500000, v4;
	v57 =	vsel vm11, $0xF149F2CA, v57  }
0x1b9: {  	vm12 =	veq.f32 v2, $2.400000000e+01;
	v8 =	vimm.s32 $0x0;
	vm11 =	veq.f32 v2, $3.000000000e+01  }
0x1ba: {  	vm4 =	vgt.f32 v55, v3;
	[tilespmem:$0x1FB40] =	vst v5;
	v4 =	vsel vm13, $0x41600000, v4;
	v5 =	vsel vm12, $0xFFFFFFFF, v8  }
0x1bb: {  	v58 =	vsel vm12, $0xF149F2CA, v58;
	vm13 =	veq.f32 v2, $2.500000000e+01;
	v3 =	vsel vm4, v55, v3  }
0x1bc: {  	v8 =	vimm.s32 $0x0;
	v0 =	vsel vm11, $0xF149F2CA, v0;
	vm5 =	vgt.f32 v56, v3  }
0x1bd: {  	[tilespmem:$0x1FB80] =	vst v5;
	v4 =	vsel vm14, $0x41700000, v4;
	v5 =	vsel vm13, $0xFFFFFFFF, v8;
	v3 =	vsel vm5, v56, v3  }
0x1be: {  	v59 =	vsel vm13, $0xF149F2CA, v59;
	vm14 =	veq.f32 v2, $2.600000000e+01;
	vm6 =	vgt.f32 v57, v3  }
0x1bf: {  	v8 =	vimm.s32 $0x0;
	v4 =	vsel vm15, $0x41800000, v4;
	v3 =	vsel vm6, v57, v3  }
0x1c0: {  	vm13 =	veq.f32 v2, $3.100000000e+01;
	v4 =	vsel vm0, $0x41880000, v4;
	vm7 =	vgt.f32 v58, v3  }
0x1c1: {  	[tilespmem:$0x1FC30] =	vst v5;
	v5 =	vsel vm14, $0xFFFFFFFF, v8;
	v4 =	vsel vm1, $0x41900000, v4;
	v3 =	vsel vm7, v58, v3  }
0x1c2: {  	v60 =	vsel vm14, $0xF149F2CA, v60;
	v4 =	vsel vm2, $0x41980000, v4;
	vm15 =	vgt.f32 v59, v3  }
0x1c3: {  	v8 =	vimm.s32 $0x0;
	v4 =	vsel vm3, $0x41A00000, v4;
	v3 =	vsel vm15, v59, v3  }
0x1c4: {  	[tilespmem:$0x1FCF0] =	vst v5;
	v5 =	vsel vm8, $0xFFFFFFFF, v8;
	v4 =	vsel vm4, $0x41A80000, v4;
	vm1 =	vgt.f32 v60, v3  }
0x1c5: {  	v8 =	vimm.s32 $0x0;
	v4 =	vsel vm5, $0x41B00000, v4;
	v3 =	vsel vm1, v60, v3  }
0x1c6: {  	[tilespmem:$0x1FD90] =	vst v5;
	v5 =	vsel vm9, $0xFFFFFFFF, v8;
	v4 =	vsel vm6, $0x41B80000, v4;
	vm2 =	vgt.f32 v61, v3  }
0x1c7: {  	v8 =	vimm.s32 $0x0;
	v4 =	vsel vm7, $0x41C00000, v4;
	v3 =	vsel vm2, v61, v3  }
0x1c8: {  	[tilespmem:$0x1FE30] =	vst v5;
	v5 =	vsel vm10, $0xFFFFFFFF, v8;
	v4 =	vsel vm15, $0x41C80000, v4;
	vm3 =	vgt.f32 v62, v3  }
0x1c9: {  	v8 =	vimm.s32 $0x0;
	v4 =	vsel vm1, $0x41D00000, v4;
	v3 =	vsel vm3, v62, v3  }
0x1ca: {  	[tilespmem:$0x1FEE0] =	vst v5;
	v5 =	vsel vm11, $0xFFFFFFFF, v8;
	v4 =	vsel vm2, $0x41D80000, v4;
	vm12 =	vgt.f32 v63, v3  }
0x1cb: {  	[tilespmem:$0x1FF80] =	vst v5;
	v8 =	vsel vm3, $0x41E00000, v4;
	v4 =	vimm.s32 $0x0;
	v5 =	vsel vm12, v63, v3  }
0x1cc: {  	v2 =	vsel vm13, $0xFFFFFFFF, v4;
	vm1 =	vgt.f32 v0, v5  }
0x1cd: {  	v8 =	vsel vm12, $0x41E80000, v8;
	v3 =	vsel vm13, $0xF149F2CA, v1;
	v4 =	vsel vm1, v0, v5  }
0x1ce: {  	[tilespmem:$0x1FFD0] =	vst v2;
	v2 =	vsel vm1, $0x41F00000, v8;
	vm14 =	vgt.f32 v3, v4  }
0x1cf: {  	v5 =	vimm.s32 $0x0;
	v4 =	vsel vm14, $0x41F80000, v2  }
0x1d0: {  	v8 =	vimm.s32 $0x0;
	vm15 =	veq.f32 v4, $0.0e+00;
	vm0 =	veq.f32 v4, $1.000000000e+00  }
0x1d1: {  	vm4 =	veq.f32 v4, $2.000000000e+00;
	vm5 =	veq.f32 v4, $3.000000000e+00;
	vm6 =	veq.f32 v4, $4.000000000e+00  }
0x1d2: {  	vm7 =	veq.f32 v4, $5.000000000e+00;
	vm8 =	veq.f32 v4, $6.000000000e+00;
	vm9 =	veq.f32 v4, $7.000000000e+00  }
0x1d3: {  	vm10 =	veq.f32 v4, $8.000000000e+00;
	vm11 =	veq.f32 v4, $9.000000000e+00;
	v1 =	vsel vm15, $0xFFFFFFFF, v5  }
0x1d4: {  	vm12 =	veq.f32 v4, $1.000000000e+01;
	vm13 =	veq.f32 v4, $1.100000000e+01;
	[tilespmem:$0x1F130] =	vst v1;
	v1 =	vsel vm0, $0xFFFFFFFF, v8  }
0x1d5: {  	v2 =	vsel vm0, $0xF149F2CA, v35;
	[tilespmem:$0x1F210] =	vst v1;
	v1 =	vsel vm15, $0xF149F2CA, v34;
	v34 =	vimm.s32 $0x0  }
0x1d6: {  	v35 =	vimm.s32 $0x0;
	v5 =	vsel vm4, $0xFFFFFFFF, v34;
	vm1 =	vgt.f32 v2, v1  }
0x1d7: {  	vm14 =	veq.f32 v4, $1.200000000e+01;
	vm0 =	veq.f32 v4, $1.400000000e+01;
	[tilespmem:$0x1F250] =	vst v5;
	v5 =	vsel vm1, $0xFFFFFFFF, v35  }
0x1d8: {  	v34 =	vsel vm4, $0xF149F2CA, v36;
	v36 =	vimm.s32 $0x0;
	[tilespmem:$0x1F090] =	vst v5;
	v5 =	vsel vm1, v2, v1  }
0x1d9: {  	v8 =	vsel vm5, $0xFFFFFFFF, v36;
	v35 =	vimm.s32 $0x0;
	vm1 =	vgt.f32 v34, v5  }
0x1da: {  	vm15 =	veq.f32 v4, $1.300000000e+01;
	v36 =	vimm.s32 $0x0;
	[tilespmem:$0x1F280] =	vst v8;
	v8 =	vsel vm1, $0xFFFFFFFF, v35  }
0x1db: {  	v35 =	vsel vm5, $0xF149F2CA, v37;
	v5 =	vsel vm1, v34, v5;
	v37 =	vimm.s32 $0x0  }
0x1dc: {  	[tilespmem:$0x1F0A0] =	vst v8;
	v8 =	vsel vm6, $0xFFFFFFFF, v36;
	vm2 =	vgt.f32 v35, v5;
	v36 =	vsel vm6, $0xF149F2CA, v38  }
0x1dd: {  	v38 =	vimm.s32 $0x0;
	[tilespmem:$0x1F360] =	vst v8;
	v5 =	vsel vm2, v35, v5;
	v8 =	vsel vm7, $0xFFFFFFFF, v37  }
0x1de: {  	v37 =	vsel vm7, $0xF149F2CA, v39;
	v39 =	vimm.s32 $0x0;
	vm3 =	vgt.f32 v36, v5  }
0x1df: {  	[tilespmem:$0x1F3A0] =	vst v8;
	v8 =	vsel vm8, $0xFFFFFFFF, v38;
	v38 =	vsel vm8, $0xF149F2CA, v40;
	v40 =	vimm.s32 $0x0  }
0x1e0: {  	v5 =	vsel vm3, v36, v5;
	[tilespmem:$0x1F3D0] =	vst v8;
	v8 =	vsel vm9, $0xFFFFFFFF, v39;
	v39 =	vsel vm9, $0xF149F2CA, v41  }
0x1e1: {  	v41 =	vimm.s32 $0x0;
	vm4 =	vgt.f32 v37, v5;
	[tilespmem:$0x1F4B0] =	vst v8;
	v8 =	vsel vm10, $0xFFFFFFFF, v40  }
0x1e2: {  	v40 =	vsel vm10, $0xF149F2CA, v42;
	v42 =	vimm.s32 $0x0;
	v5 =	vsel vm4, v37, v5  }
0x1e3: {  	[tilespmem:$0x1F4F0] =	vst v8;
	v8 =	vsel vm11, $0xFFFFFFFF, v41;
	v41 =	vsel vm11, $0xF149F2CA, v43;
	v43 =	vimm.s32 $0x0  }
0x1e4: {  	vm5 =	vgt.f32 v38, v5;
	[tilespmem:$0x1F520] =	vst v8;
	v8 =	vsel vm12, $0xFFFFFFFF, v42;
	v42 =	vsel vm12, $0xF149F2CA, v44  }
0x1e5: {  	v44 =	vimm.s32 $0x0;
	v5 =	vsel vm5, v38, v5;
	[tilespmem:$0x1F600] =	vst v8;
	v8 =	vsel vm13, $0xFFFFFFFF, v43  }
0x1e6: {  	v43 =	vsel vm13, $0xF149F2CA, v45;
	v45 =	vimm.s32 $0x0;
	vm6 =	vgt.f32 v39, v5  }
0x1e7: {  	[tilespmem:$0x1F640] =	vst v8;
	v8 =	vsel vm14, $0xFFFFFFFF, v44;
	v44 =	vsel vm14, $0xF149F2CA, v46;
	v46 =	vimm.s32 $0x0  }
0x1e8: {  	v5 =	vsel vm6, v39, v5;
	[tilespmem:$0x1F670] =	vst v8;
	v8 =	vsel vm15, $0xFFFFFFFF, v45;
	v45 =	vsel vm15, $0xF149F2CA, v47  }
0x1e9: {  	v47 =	vimm.s32 $0x0;
	vm7 =	vgt.f32 v40, v5;
	[tilespmem:$0x1F750] =	vst v8;
	v8 =	vsel vm0, $0xFFFFFFFF, v46  }
0x1ea: {  	v46 =	vsel vm0, $0xF149F2CA, v48;
	vm0 =	veq.f32 v4, $1.500000000e+01;
	v48 =	vimm.s32 $0x0  }
0x1eb: {  	v5 =	vsel vm7, v40, v5;
	[tilespmem:$0x1F790] =	vst v8;
	v8 =	vsel vm0, $0xFFFFFFFF, v47;
	v47 =	vsel vm0, $0xF149F2CA, v49  }
0x1ec: {  	vm0 =	veq.f32 v4, $1.600000000e+01;
	v49 =	vimm.s32 $0x0;
	vm8 =	vgt.f32 v41, v5  }
0x1ed: {  	[tilespmem:$0x1F7C0] =	vst v8;
	v8 =	vsel vm0, $0xFFFFFFFF, v48;
	v48 =	vsel vm0, $0xF149F2CA, v50;
	vm0 =	veq.f32 v4, $1.700000000e+01;
	v50 =	vld [tilespmem:$0x1F090]  }
0x1ee: {  	v5 =	vsel vm8, v41, v5;
	[tilespmem:$0x1F8A0] =	vst v8;
	v8 =	vsel vm0, $0xFFFFFFFF, v49;
	v49 =	vsel vm0, $0xF149F2CA, v51;
	v51 =	vld [tilespmem:$0x1F0A0]  }
0x1ef: {  	vm9 =	vgt.f32 v42, v5  }
0x1f0: {  	v5 =	vsel vm9, v42, v5  }
0x1f1: {  	vm10 =	vgt.f32 v43, v5  }
0x1f2: {  	v5 =	vsel vm10, v43, v5;
	vm1 =	vnez.u8 v50  }
0x1f3: {  	vm11 =	vgt.f32 v44, v5;
	v50 =	vsel vm1, $0x3F800000, v9;
	vm0 =	vnez.u8 v51  }
0x1f4: {  	vm1 =	veq.f32 v4, $1.800000000e+01;
	v51 =	vimm.s32 $0x0;
	v5 =	vsel vm11, v44, v5  }
0x1f5: {  	[tilespmem:$0x1F8E0] =	vst v8;
	v50 =	vsel vm0, $0x40000000, v50;
	v8 =	vsel vm1, $0xFFFFFFFF, v51;
	vm12 =	vgt.f32 v45, v5  }
0x1f6: {  	v9 =	vsel vm2, $0x40400000, v50;
	v50 =	vsel vm1, $0xF149F2CA, v52;
	vm2 =	veq.f32 v4, $1.900000000e+01  }
0x1f7: {  	v52 =	vimm.s32 $0x0;
	v5 =	vsel vm12, v45, v5;
	v51 =	vsel vm3, $0x40800000, v9  }
0x1f8: {  	[tilespmem:$0x1F910] =	vst v8;
	v8 =	vsel vm2, $0xFFFFFFFF, v52;
	vm3 =	veq.f32 v4, $2.000000000e+01;
	vm13 =	vgt.f32 v46, v5  }
0x1f9: {  	v9 =	vsel vm4, $0x40A00000, v51;
	v51 =	vsel vm2, $0xF149F2CA, v53;
	v53 =	vimm.s32 $0x0  }
0x1fa: {  	vm4 =	veq.f32 v4, $2.100000000e+01;
	v5 =	vsel vm13, v46, v5;
	v52 =	vsel vm5, $0x40C00000, v9  }
0x1fb: {  	[tilespmem:$0x1F9F0] =	vst v8;
	v8 =	vsel vm3, $0xFFFFFFFF, v53;
	vm14 =	vgt.f32 v47, v5;
	v9 =	vsel vm6, $0x40E00000, v52  }
0x1fc: {  	v52 =	vsel vm3, $0xF149F2CA, v54;
	v54 =	vimm.s32 $0x0;
	v5 =	vsel vm14, v47, v5  }
0x1fd: {  	[tilespmem:$0x1FA20] =	vst v8;
	v53 =	vsel vm7, $0x41000000, v9;
	v8 =	vsel vm4, $0xFFFFFFFF, v54;
	vm15 =	vgt.f32 v48, v5  }
0x1fe: {  	v9 =	vsel vm8, $0x41100000, v53;
	v53 =	vsel vm4, $0xF149F2CA, v55;
	v55 =	vimm.s32 $0x0  }
0x1ff: {  	v5 =	vsel vm15, v48, v5;
	v54 =	vsel vm9, $0x41200000, v9;
	vm9 =	veq.f32 v4, $2.200000000e+01  }
0x200: {  	[tilespmem:$0x1FA50] =	vst v8;
	vm0 =	vgt.f32 v49, v5;
	v8 =	vsel vm9, $0xFFFFFFFF, v55;
	v9 =	vsel vm10, $0x41300000, v54  }
0x201: {  	v54 =	vsel vm9, $0xF149F2CA, v56;
	v56 =	vimm.s32 $0x0;
	v5 =	vsel vm0, v49, v5  }
0x202: {  	v55 =	vsel vm11, $0x41400000, v9;
	vm11 =	veq.f32 v4, $2.300000000e+01;
	vm1 =	vgt.f32 v50, v5  }
0x203: {  	[tilespmem:$0x1FB30] =	vst v8;
	v8 =	vsel vm11, $0xFFFFFFFF, v56;
	v9 =	vsel vm12, $0x41500000, v55;
	v5 =	vsel vm1, v50, v5  }
0x204: {  	v55 =	vsel vm11, $0xF149F2CA, v57;
	v57 =	vimm.s32 $0x0;
	vm2 =	vgt.f32 v51, v5  }
0x205: {  	v56 =	vsel vm13, $0x41600000, v9;
	vm13 =	veq.f32 v4, $2.400000000e+01;
	v5 =	vsel vm2, v51, v5  }
0x206: {  	vm11 =	veq.f32 v4, $2.600000000e+01;
	[tilespmem:$0x1FB70] =	vst v8;
	v8 =	vsel vm13, $0xFFFFFFFF, v57;
	vm3 =	vgt.f32 v52, v5  }
0x207: {  	v9 =	vsel vm14, $0x41700000, v56;
	v56 =	vsel vm13, $0xF149F2CA, v58;
	v5 =	vsel vm3, v52, v5  }
0x208: {  	v58 =	vimm.s32 $0x0;
	vm13 =	veq.f32 v4, $2.700000000e+01;
	vm4 =	vgt.f32 v53, v5  }
0x209: {  	v57 =	vsel vm15, $0x41800000, v9;
	vm15 =	veq.f32 v4, $2.500000000e+01;
	v5 =	vsel vm4, v53, v5  }
0x20a: {  	vm14 =	veq.f32 v4, $2.800000000e+01;
	[tilespmem:$0x1FBA0] =	vst v8;
	v8 =	vsel vm15, $0xFFFFFFFF, v58;
	vm5 =	vgt.f32 v54, v5  }
0x20b: {  	v9 =	vsel vm0, $0x41880000, v57;
	v57 =	vsel vm15, $0xF149F2CA, v59;
	v5 =	vsel vm5, v54, v5  }
0x20c: {  	v59 =	vimm.s32 $0x0;
	vm15 =	veq.f32 v4, $2.900000000e+01;
	vm6 =	vgt.f32 v55, v5  }
0x20d: {  	[tilespmem:$0x1FC70] =	vst v8;
	v58 =	vsel vm1, $0x41900000, v9;
	v8 =	vsel vm11, $0xFFFFFFFF, v59;
	v5 =	vsel vm6, v55, v5  }
0x20e: {  	v9 =	vsel vm2, $0x41980000, v58;
	v58 =	vsel vm11, $0xF149F2CA, v60;
	vm7 =	vgt.f32 v56, v5  }
0x20f: {  	v60 =	vimm.s32 $0x0;
	v59 =	vsel vm3, $0x41A00000, v9;
	v5 =	vsel vm7, v56, v5  }
0x210: {  	[tilespmem:$0x1FD20] =	vst v8;
	v8 =	vsel vm13, $0xFFFFFFFF, v60;
	v9 =	vsel vm4, $0x41A80000, v59;
	vm12 =	vgt.f32 v57, v5  }
0x211: {  	v59 =	vsel vm13, $0xF149F2CA, v61;
	v61 =	vimm.s32 $0x0;
	v5 =	vsel vm12, v57, v5  }
0x212: {  	vm4 =	veq.f32 v4, $3.000000000e+01;
	v60 =	vsel vm5, $0x41B00000, v9;
	vm1 =	vgt.f32 v58, v5  }
0x213: {  	[tilespmem:$0x1FDE0] =	vst v8;
	v8 =	vsel vm14, $0xFFFFFFFF, v61;
	v9 =	vsel vm6, $0x41B80000, v60;
	v5 =	vsel vm1, v58, v5  }
0x214: {  	v60 =	vsel vm14, $0xF149F2CA, v62;
	v62 =	vimm.s32 $0x0;
	vm2 =	vgt.f32 v59, v5  }
0x215: {  	vm6 =	veq.f32 v4, $3.100000000e+01;
	v61 =	vsel vm7, $0x41C00000, v9;
	v5 =	vsel vm2, v59, v5  }
0x216: {  	[tilespmem:$0x1FED0] =	vst v8;
	v8 =	vsel vm15, $0xFFFFFFFF, v62;
	v9 =	vsel vm12, $0x41C80000, v61;
	vm3 =	vgt.f32 v60, v5  }
0x217: {  	v61 =	vsel vm15, $0xF149F2CA, v63;
	v63 =	vimm.s32 $0x0;
	v5 =	vsel vm3, v60, v5  }
0x218: {  	[tilespmem:$0x1FF00] =	vst v8;
	v8 =	vsel vm4, $0xFFFFFFFF, v63;
	v62 =	vsel vm1, $0x41D00000, v9;
	vm5 =	vgt.f32 v61, v5  }
0x219: {  	v9 =	vsel vm2, $0x41D80000, v62;
	v62 =	vsel vm4, $0xF149F2CA, v0;
	v0 =	vsel vm5, v61, v5  }
0x21a: {  	[tilespmem:$0x1FFA0] =	vst v8;
	v8 =	vimm.s32 $0x0;
	v63 =	vsel vm3, $0x41E00000, v9;
	vm1 =	vgt.f32 v62, v0  }
0x21b: {  	v9 =	vsel vm5, $0x41E80000, v63;
	v63 =	vsel vm6, $0xF149F2CA, v3;
	v0 =	vsel vm1, v62, v0  }
0x21c: {  	v4 =	vsel vm6, $0xFFFFFFFF, v8;
	v8 =	vsel vm1, $0x41F00000, v9;
	vm7 =	vgt.f32 v63, v0  }
0x21d: {  	v0 =	vsel vm7, $0x41F80000, v8  }
0x21e: {  	v9 =	vimm.s32 $0x0;
	v8 =	vimm.s32 $0x0;
	vm8 =	veq.f32 v0, $0.0e+00  }
0x21f: {  	vm0 =	veq.f32 v0, $1.000000000e+00;
	vm9 =	veq.f32 v0, $2.000000000e+00;
	vm10 =	veq.f32 v0, $3.000000000e+00  }
0x220: {  	vm11 =	veq.f32 v0, $4.000000000e+00;
	vm4 =	veq.f32 v0, $5.000000000e+00;
	vm5 =	veq.f32 v0, $6.000000000e+00  }
0x221: {  	vm6 =	veq.f32 v0, $7.000000000e+00;
	vm7 =	veq.f32 v0, $8.000000000e+00;
	vm13 =	veq.f32 v0, $9.000000000e+00  }
0x222: {  	vm14 =	veq.f32 v0, $1.000000000e+01;
	v3 =	vsel vm8, $0xFFFFFFFF, v9;
	v1 =	vsel vm8, $0xF149F2CA, v1  }
0x223: {  	v2 =	vsel vm0, $0xF149F2CA, v2;
	v9 =	vimm.s32 $0x0;
	v39 =	vsel vm6, $0xF149F2CA, v39  }
0x224: {  	[tilespmem:$0x1F140] =	vst v3;
	v3 =	vsel vm0, $0xFFFFFFFF, v8;
	vm1 =	vgt.f32 v2, v1;
	v8 =	vimm.s32 $0x0  }
0x225: {  	vm0 =	veq.f32 v0, $1.600000000e+01;
	[tilespmem:$0x1F240] =	vst v3;
	v3 =	vsel vm9, $0xFFFFFFFF, v9;
	v1 =	vsel vm1, v2, v1  }
0x226: {  	v9 =	vsel vm9, $0xF149F2CA, v34;
	v34 =	vimm.s32 $0x0;
	[tilespmem:$0x1F270] =	vst v3;
	v3 =	vsel vm1, $0xFFFFFFFF, v8  }
0x227: {  	vm1 =	vgt.f32 v9, v1;
	v8 =	vimm.s32 $0x0;
	[tilespmem:$0x1F0B0] =	vst v3;
	v3 =	vsel vm10, $0xFFFFFFFF, v34  }
0x228: {  	v1 =	vsel vm1, v9, v1;
	v9 =	vsel vm10, $0xF149F2CA, v35;
	v35 =	vimm.f32 $0.0e+00  }
0x229: {  	v34 =	vimm.s32 $0x0;
	[tilespmem:$0x1F290] =	vst v3;
	v3 =	vsel vm1, $0xFFFFFFFF, v8;
	vm15 =	vgt.f32 v9, v1  }
0x22a: {  	v8 =	vsel vm11, $0xF149F2CA, v36;
	v36 =	vimm.s32 $0x0;
	[tilespmem:$0x1F0C0] =	vst v3;
	v3 =	vsel vm11, $0xFFFFFFFF, v34  }
0x22b: {  	v1 =	vsel vm15, v9, v1;
	v9 =	vimm.s32 $0x0;
	v34 =	vsel vm4, $0xF149F2CA, v37  }
0x22c: {  	v37 =	vsel vm5, $0xF149F2CA, v38;
	v38 =	vimm.s32 $0x0;
	vm12 =	vgt.f32 v8, v1  }
0x22d: {  	[tilespmem:$0x1F390] =	vst v3;
	v3 =	vsel vm4, $0xFFFFFFFF, v9;
	v9 =	vsel vm7, $0xF149F2CA, v40;
	v1 =	vsel vm12, v8, v1  }
0x22e: {  	[tilespmem:$0x1F3C0] =	vst v3;
	v3 =	vsel vm5, $0xFFFFFFFF, v36;
	v8 =	vimm.s32 $0x0;
	v36 =	vsel vm13, $0xF149F2CA, v41  }
0x22f: {  	v41 =	vimm.s32 $0x0;
	[tilespmem:$0x1F3E0] =	vst v3;
	vm11 =	vgt.f32 v34, v1;
	v3 =	vsel vm6, $0xFFFFFFFF, v38  }
0x230: {  	v38 =	vsel vm14, $0xF149F2CA, v42;
	v1 =	vsel vm11, v34, v1;
	[tilespmem:$0x1F4E0] =	vst v3;
	v3 =	vsel vm7, $0xFFFFFFFF, v8  }
0x231: {  	v34 =	vimm.s32 $0x0;
	v8 =	vimm.s32 $0x0;
	vm10 =	vgt.f32 v37, v1  }
0x232: {  	[tilespmem:$0x1F510] =	vst v3;
	v3 =	vsel vm13, $0xFFFFFFFF, v34;
	vm13 =	veq.f32 v0, $1.100000000e+01;
	v34 =	vimm.s32 $0x0  }
0x233: {  	v1 =	vsel vm10, v37, v1;
	v37 =	vimm.s32 $0x0;
	v40 =	vsel vm13, $0xF149F2CA, v43  }
0x234: {  	[tilespmem:$0x1F530] =	vst v3;
	v43 =	vimm.s32 $0x0;
	vm9 =	vgt.f32 v39, v1;
	v3 =	vsel vm14, $0xFFFFFFFF, v37  }
0x235: {  	vm14 =	veq.f32 v0, $1.200000000e+01;
	v37 =	vimm.s32 $0x0;
	v1 =	vsel vm9, v39, v1  }
0x236: {  	v39 =	vimm.s32 $0x0;
	v42 =	vsel vm14, $0xF149F2CA, v44;
	vm8 =	vgt.f32 v9, v1  }
0x237: {  	[tilespmem:$0x1F630] =	vst v3;
	v3 =	vsel vm13, $0xFFFFFFFF, v39;
	vm13 =	veq.f32 v0, $1.300000000e+01;
	v1 =	vsel vm8, v9, v1  }
0x238: {  	[tilespmem:$0x1F660] =	vst v3;
	v3 =	vsel vm14, $0xFFFFFFFF, v41;
	v44 =	vsel vm13, $0xF149F2CA, v45;
	vm14 =	veq.f32 v0, $1.400000000e+01  }
0x239: {  	v45 =	vimm.s32 $0x0;
	v41 =	vimm.s32 $0x0;
	vm7 =	vgt.f32 v36, v1  }
0x23a: {  	[tilespmem:$0x1F680] =	vst v3;
	v3 =	vsel vm13, $0xFFFFFFFF, v43;
	v46 =	vsel vm14, $0xF149F2CA, v46;
	v1 =	vsel vm7, v36, v1  }
0x23b: {  	vm13 =	veq.f32 v0, $1.500000000e+01;
	[tilespmem:$0x1F780] =	vst v3;
	v3 =	vsel vm14, $0xFFFFFFFF, v45;
	vm6 =	vgt.f32 v38, v1  }
0x23c: {  	v36 =	vsel vm0, $0xF149F2CA, v48;
	[tilespmem:$0x1F7B0] =	vst v3;
	v3 =	vsel vm13, $0xFFFFFFFF, v8;
	v1 =	vsel vm6, v38, v1  }
0x23d: {  	[tilespmem:$0x1F7D0] =	vst v3;
	v3 =	vsel vm0, $0xFFFFFFFF, v34;
	vm0 =	veq.f32 v0, $1.700000000e+01;
	v38 =	vld [tilespmem:$0x1F0B0];
	vm5 =	vgt.f32 v40, v1  }
0x23e: {  	v9 =	vsel vm13, $0xF149F2CA, v47;
	[tilespmem:$0x1F8D0] =	vst v3;
	v3 =	vsel vm0, $0xFFFFFFFF, v37;
	v1 =	vsel vm5, v40, v1  }
0x23f: {  	v39 =	vsel vm0, $0xF149F2CA, v49;
	vm0 =	veq.f32 v0, $1.800000000e+01;
	v40 =	vld [tilespmem:$0x1F0C0];
	vm4 =	vgt.f32 v42, v1  }
0x240: {  	[tilespmem:$0x1FFE0] =	vst v4;
	v48 =	vimm.s32 $0x0;
	v4 =	vsel vm0, $0xFFFFFFFF, v41;
	v1 =	vsel vm4, v42, v1  }
0x241: {  	v42 =	vsel vm0, $0xF149F2CA, v50;
	vm0 =	veq.f32 v0, $2.000000000e+01;
	v50 =	vimm.s32 $0x0  }
0x242: {  	vm3 =	vgt.f32 v44, v1;
	vm14 =	vnez.u8 v38;
	v45 =	vsel vm0, $0xF149F2CA, v52  }
0x243: {  	[tilespmem:$0x1F900] =	vst v3;
	v52 =	vimm.s32 $0x0;
	v1 =	vsel vm3, v44, v1;
	v3 =	vsel vm14, $0x3F800000, v35  }
0x244: {  	v44 =	vimm.s32 $0x0;
	vm2 =	vgt.f32 v46, v1;
	vm14 =	vnez.u8 v40  }
0x245: {  	[tilespmem:$0x1F920] =	vst v4;
	v4 =	vsel vm0, $0xFFFFFFFF, v44;
	vm0 =	veq.f32 v0, $2.100000000e+01;
	v1 =	vsel vm2, v46, v1  }
0x246: {  	v3 =	vsel vm14, $0x40000000, v3;
	v46 =	vimm.s32 $0x0;
	v47 =	vsel vm0, $0xF149F2CA, v53  }
0x247: {  	vm13 =	vgt.f32 v9, v1;
	v3 =	vsel vm15, $0x40400000, v3;
	vm15 =	veq.f32 v0, $1.900000000e+01  }
0x248: {  	[tilespmem:$0x1FA40] =	vst v4;
	v4 =	vsel vm0, $0xFFFFFFFF, v46;
	vm0 =	veq.f32 v0, $2.200000000e+01;
	v1 =	vsel vm13, v9, v1  }
0x249: {  	v3 =	vsel vm12, $0x40800000, v3;
	v43 =	vsel vm15, $0xF149F2CA, v51;
	[tilespmem:$0x1FA60] =	vst v4;
	v4 =	vsel vm0, $0xFFFFFFFF, v48  }
0x24a: {  	v49 =	vsel vm0, $0xF149F2CA, v54;
	v54 =	vimm.s32 $0x0;
	vm1 =	vgt.f32 v36, v1  }
0x24b: {  	v3 =	vsel vm11, $0x40A00000, v3;
	vm11 =	veq.f32 v0, $2.400000000e+01;
	v1 =	vsel vm1, v36, v1  }
0x24c: {  	v3 =	vsel vm10, $0x40C00000, v3;
	v53 =	vsel vm11, $0xF149F2CA, v56;
	v56 =	vimm.s32 $0x0  }
0x24d: {  	v5 =	vld [tilespmem:$0x1F230];
	vm14 =	vgt.f32 v39, v1;
	v3 =	vsel vm9, $0x40E00000, v3;
	vm9 =	veq.f32 v0, $2.300000000e+01  }
0x24e: {  	v44 =	vld [tilespmem:$0x1F0F0];
	[tilespmem:$0x1FB60] =	vst v4;
	v1 =	vsel vm14, v39, v1;
	v3 =	vsel vm8, $0x41000000, v3;
	v4 =	vsel vm9, $0xFFFFFFFF, v50  }
0x24f: {  	v46 =	vld [tilespmem:$0x1F110];
	v51 =	vsel vm9, $0xF149F2CA, v55;
	vm9 =	veq.f32 v0, $2.600000000e+01;
	vm12 =	vgt.f32 v42, v1  }
0x250: {  	v48 =	vld [tilespmem:$0x1F130];
	v3 =	vsel vm7, $0x41100000, v3;
	[tilespmem:$0x1FB90] =	vst v4;
	v4 =	vsel vm11, $0xFFFFFFFF, v52;
	vm7 =	veq.f32 v0, $2.500000000e+01  }
0x251: {  	vm11 =	veq.f32 v0, $2.700000000e+01;
	v52 =	vld [tilespmem:$0x1F160];
	v1 =	vsel vm12, v42, v1;
	v3 =	vsel vm6, $0x41200000, v3  }
0x252: {  	[tilespmem:$0x1FBB0] =	vst v4;
	v4 =	vsel vm7, $0xFFFFFFFF, v54;
	v55 =	vsel vm7, $0xF149F2CA, v57;
	v42 =	vld [tilespmem:$0x1F0D0];
	vm10 =	vgt.f32 v43, v1  }
0x253: {  	v57 =	vsel vm9, $0xF149F2CA, v58;
	v54 =	vld [tilespmem:$0x1F180];
	v3 =	vsel vm5, $0x41300000, v3;
	v1 =	vsel vm10, v43, v1  }
0x254: {  	[tilespmem:$0x1FCE0] =	vst v4;
	v4 =	vsel vm9, $0xFFFFFFFF, v56;
	v56 =	vld [tilespmem:$0x1F1A0];
	v3 =	vsel vm4, $0x41400000, v3;
	vm8 =	vgt.f32 v45, v1  }
0x255: {  	v58 =	vimm.s32 $0x0;
	v43 =	vld [tilespmem:$0x1F0E0];
	v3 =	vsel vm3, $0x41500000, v3;
	v1 =	vsel vm8, v45, v1  }
0x256: {  	[tilespmem:$0x1FD40] =	vst v4;
	v4 =	vsel vm11, $0xFFFFFFFF, v58;
	v58 =	vld [tilespmem:$0x1F1C0];
	v3 =	vsel vm2, $0x41600000, v3;
	vm6 =	vgt.f32 v47, v1  }
0x257: {  	v45 =	vld [tilespmem:$0x1F100];
	v3 =	vsel vm13, $0x41700000, v3;
	v1 =	vsel vm6, v47, v1  }
0x258: {  	v3 =	vsel vm1, $0x41800000, v3;
	v47 =	vld [tilespmem:$0x1F120];
	vm4 =	vgt.f32 v49, v1  }
0x259: {  	v3 =	vsel vm14, $0x41880000, v3;
	vm14 =	veq.f32 v0, $2.900000000e+01;
	v1 =	vsel vm4, v49, v1;
	v49 =	vld [tilespmem:$0x1F140]  }
0x25a: {  	v3 =	vsel vm12, $0x41900000, v3;
	vm12 =	veq.f32 v0, $2.800000000e+01;
	v36 =	vsel vm14, $0xF149F2CA, v61;
	v61 =	vld [tilespmem:$0x1F1F0]  }
0x25b: {  	v8 =	vimm.s32 $0x0;
	vm2 =	vgt.f32 v51, v1;
	v9 =	vsel vm12, $0xF149F2CA, v60;
	v60 =	vld [tilespmem:$0x1F1E0]  }
0x25c: {  	[tilespmem:$0x1FE00] =	vst v4;
	v3 =	vsel vm10, $0x41980000, v3;
	v4 =	vsel vm12, $0xFFFFFFFF, v8;
	vm12 =	vnez.u8 v43;
	v43 =	vld [tilespmem:$0x1F2A0]  }
0x25d: {  	v34 =	vimm.s32 $0x0;
	v1 =	vsel vm2, v51, v1;
	v3 =	vsel vm8, $0x41A00000, v3;
	v51 =	vld [tilespmem:$0x1F150]  }
0x25e: {  	[tilespmem:$0x1FEF0] =	vst v4;
	v4 =	vsel vm14, $0xFFFFFFFF, v34;
	vm8 =	veq.f32 v0, $3.100000000e+01;
	vm14 =	vnez.u8 v45;
	v45 =	vld [tilespmem:$0x1F2C0]  }
0x25f: {  	vm0 =	vgt.f32 v53, v1;
	v41 =	vsel vm8, $0xF149F2CA, v63;
	v63 =	vld [tilespmem:$0x1F210]  }
0x260: {  	v3 =	vsel vm6, $0x41A80000, v3;
	vm6 =	veq.f32 v0, $3.000000000e+01;
	v1 =	vsel vm0, v53, v1;
	v53 =	vld [tilespmem:$0x1F170]  }
0x261: {  	v37 =	vimm.s32 $0x0;
	v38 =	vsel vm6, $0xF149F2CA, v62;
	v62 =	vld [tilespmem:$0x1F200]  }
0x262: {  	[tilespmem:$0x1FF10] =	vst v4;
	v4 =	vsel vm6, $0xFFFFFFFF, v37;
	v37 =	vld [tilespmem:$0x1F260]  }
0x263: {  	v3 =	vsel vm4, $0x41B00000, v3;
	vm4 =	vnez.u8 v46;
	v46 =	vld [tilespmem:$0x1F2D0];
	vm1 =	vgt.f32 v55, v1  }
0x264: {  	v39 =	vimm.s32 $0x0;
	vm6 =	vnez.u8 v48;
	v48 =	vld [tilespmem:$0x1F2F0];
	v1 =	vsel vm1, v55, v1  }
0x265: {  	v59 =	vsel vm11, $0xF149F2CA, v59;
	v0 =	vsel vm8, $0xFFFFFFFF, v39;
	[tilespmem:$0x1FFC0] =	vst v4;
	v4 =	vld [tilespmem:$0x1F220];
	vm3 =	vgt.f32 v57, v1  }
0x266: {  	v3 =	vsel vm2, $0x41B80000, v3;
	vm8 =	vnez.u8 v49;
	v49 =	vld [tilespmem:$0x1F300];
	v1 =	vsel vm3, v57, v1  }
0x267: {  	v3 =	vsel vm0, $0x41C00000, v3;
	v55 =	vld [tilespmem:$0x1F190];
	vm13 =	vgt.f32 v59, v1  }
0x268: {  	v3 =	vsel vm1, $0x41C80000, v3;
	v57 =	vld [tilespmem:$0x1F1B0];
	v1 =	vsel vm13, v59, v1  }
0x269: {  	v3 =	vsel vm3, $0x41D00000, v3;
	v59 =	vld [tilespmem:$0x1F1D0];
	vm5 =	vgt.f32 v9, v1  }
0x26a: {  	v3 =	vsel vm13, $0x41D80000, v3;
	vm13 =	vnez.u8 v44;
	v44 =	vld [tilespmem:$0x1F2B0];
	v1 =	vsel vm5, v9, v1  }
0x26b: {  	v9 =	vld [tilespmem:$0x1F250];
	vm7 =	vgt.f32 v36, v1  }
0x26c: {  	v3 =	vsel vm5, $0x41E00000, v3;
	vm5 =	vnez.u8 v47;
	v47 =	vld [tilespmem:$0x1F2E0];
	v1 =	vsel vm7, v36, v1  }
0x26d: {  	v33 =	vsel vm5, v7, v33;
	v36 =	vmov v7;
	v7 =	vld [tilespmem:$0x1F240];
	vm9 =	vgt.f32 v38, v1  }
0x26e: {  	v40 =	vsel vm7, $0x41E80000, v3;
	v1 =	vsel vm9, v38, v1;
	v38 =	vld [tilespmem:$0x1F270]  }
0x26f: {  	[tilespmem:$0x1FFF0] =	vst v0;
	v0 =	vsel vm9, $0x41F00000, v40;
	v40 =	vld [tilespmem:$0x1F280];
	vm10 =	vgt.f32 v41, v1  }
0x270: {  	vm9 =	vnez.u8 v51;
	v51 =	vld [tilespmem:$0x1F320];
	v34 =	vsel vm10, $0x41F80000, v0  }
0x271: {  	vm11 =	vnez.u8 v42;
	v41 =	vld [tilespmem:$0x1F290];
	vm0 =	veq.f32 v34, $0.0e+00  }
0x272: {  	vm0 =	vmor vm11, vm0;
	vm11 =	vnez.u8 v52;
	v52 =	vld [tilespmem:$0x1F330]  }
0x273: {  	vm10 =	veq.f32 v34, $2.000000000e+00;
	vm0 =	vmor vm12, vm0;
	vm12 =	vnez.u8 v53;
	v53 =	vld [tilespmem:$0x1F340]  }
0x274: {  	vm0 =	vmor vm13, vm0;
	vm1 =	vmor vm12, vm10;
	vm12 =	vnez.u8 v61;
	v61 =	vld [tilespmem:$0x1F3B0]  }
0x275: {  	vm0 =	vmor vm14, vm0;
	vm14 =	vnez.u8 v54;
	v54 =	vld [tilespmem:$0x1F350]  }
0x276: {  	vm0 =	vmor vm4, vm0;
	vm4 =	vnez.u8 v43;
	v43 =	vld [tilespmem:$0x1F470]  }
0x277: {  	vm0 =	vmor vm6, vm0;
	vm6 =	vnez.u8 v55;
	v55 =	vld [tilespmem:$0x1F360]  }
0x278: {  	vm0 =	vmor vm8, vm0;
	vm8 =	vnez.u8 v57;
	v57 =	vld [tilespmem:$0x1F380]  }
0x279: {  	v50 =	vimm.s32 $0x0;
	vm1 =	vmor vm6, vm1;
	vm6 =	vnez.u8 v4;
	v4 =	vld [tilespmem:$0x1F3D0]  }
0x27a: {  	vm7 =	veq.f32 v34, $1.000000000e+00;
	v0 =	vsel vm0, $0xFFFFFFFF, v50;
	v50 =	vld [tilespmem:$0x1F310]  }
0x27b: {  	vm0 =	vmor vm9, vm7;
	vm7 =	vnez.u8 v56;
	v56 =	vld [tilespmem:$0x1F370]  }
0x27c: {  	vm9 =	vnez.u8 v58;
	v58 =	vld [tilespmem:$0x1F390]  }
0x27d: {  	vm13 =	veq.f32 v34, $3.000000000e+00;
	vm0 =	vmor vm11, vm0;
	vm11 =	vnez.u8 v60;
	v60 =	vld [tilespmem:$0x1F3A0]  }
0x27e: {  	vm2 =	vmor vm7, vm13;
	vm13 =	vnez.u8 v62;
	v62 =	vld [tilespmem:$0x1F3C0]  }
0x27f: {  	v42 =	vimm.s32 $0x0;
	vm10 =	vnez.u8 v59;
	vm7 =	vnez.u8 v5;
	v5 =	vld [tilespmem:$0x1F3E0]  }
0x280: {  	vm1 =	vmor vm9, vm1;
	vm9 =	vnez.u8 v9;
	v9 =	vld [tilespmem:$0x1F400];
	vm0 =	vmor vm14, vm0  }
0x281: {  	vm2 =	vmor vm10, vm2;
	vm1 =	vmor vm12, vm1;
	vm10 =	vnez.u8 v37;
	v37 =	vld [tilespmem:$0x1F410]  }
0x282: {  	vm14 =	vnez.u8 v63;
	vm12 =	vnez.u8 v40;
	v40 =	vld [tilespmem:$0x1F440];
	vm0 =	vmor vm8, vm0  }
0x283: {  	vm2 =	vmor vm13, vm2;
	vm1 =	vmor vm6, vm1;
	vm6 =	vnez.u8 v44;
	v44 =	vld [tilespmem:$0x1F480]  }
0x284: {  	vm8 =	vnez.u8 v7;
	vm0 =	vmor vm11, vm0;
	vm11 =	vnez.u8 v38;
	v38 =	vld [tilespmem:$0x1F420]  }
0x285: {  	vm2 =	vmor vm7, vm2;
	vm7 =	vnez.u8 v45;
	v45 =	vld [tilespmem:$0x1F490];
	vm0 =	vmor vm14, vm0  }
0x286: {  	v8 =	vimm.s32 $0x0;
	vm14 =	vnez.u8 v41;
	v41 =	vld [tilespmem:$0x1F450];
	vm0 =	vmor vm8, vm0  }
0x287: {  	v39 =	vimm.s32 $0x0;
	vm5 =	veq.f32 v34, $5.000000000e+00;
	[tilespmem:$0x1FBD0] =	vst v0;
	v0 =	vsel vm0, $0xFFFFFFFF, v8;
	v8 =	vld [tilespmem:$0x1F3F0]  }
0x288: {  	v59 =	vimm.s32 $0x0;
	vm0 =	vmor vm9, vm1;
	vm9 =	vnez.u8 v46;
	v46 =	vld [tilespmem:$0x1F4A0]  }
0x289: {  	v63 =	vimm.s32 $0x0;
	vm1 =	vmor vm10, vm2;
	vm10 =	vnez.u8 v47;
	v47 =	vld [tilespmem:$0x1F4B0]  }
0x28a: {  	vm13 =	veq.f32 v34, $4.000000000e+00;
	vm0 =	vmor vm11, vm0;
	vm11 =	vnez.u8 v48;
	v48 =	vld [tilespmem:$0x1F4C0]  }
0x28b: {  	v7 =	vimm.s32 $0x0;
	vm8 =	veq.f32 v34, $6.000000000e+00;
	[tilespmem:$0x1FBF0] =	vst v0;
	v0 =	vsel vm0, $0xFFFFFFFF, v39;
	v39 =	vld [tilespmem:$0x1F430]  }
0x28c: {  	vm0 =	vmor vm12, vm1;
	vm1 =	vmor vm7, vm5;
	vm12 =	vnez.u8 v49;
	v49 =	vld [tilespmem:$0x1F4D0]  }
0x28d: {  	vm2 =	vmor vm11, vm8;
	vm7 =	vnez.u8 v53;
	vm8 =	vnez.u8 v54;
	v53 =	vld [tilespmem:$0x1F500]  }
0x28e: {  	vm11 =	vnez.u8 v57;
	vm5 =	vnez.u8 v4;
	v54 =	vld [tilespmem:$0x1F510];
	v57 =	vimm.s32 $0x0  }
0x28f: {  	v4 =	vld [tilespmem:$0x1F5A0];
	vm0 =	vmor vm14, vm0;
	vm1 =	vmor vm10, vm1;
	vm14 =	vnez.u8 v51  }
0x290: {  	[tilespmem:$0x1FC10] =	vst v0;
	vm10 =	vnez.u8 v56;
	v51 =	vimm.s32 $0x0;
	v56 =	vld [tilespmem:$0x1F530];
	v0 =	vsel vm0, $0xFFFFFFFF, v42  }
0x291: {  	vm0 =	vmor vm4, vm13;
	vm13 =	vnez.u8 v50;
	vm2 =	vmor vm14, vm2;
	v42 =	vld [tilespmem:$0x1F460]  }
0x292: {  	vm14 =	vnez.u8 v61;
	vm4 =	vnez.u8 v62;
	v50 =	vld [tilespmem:$0x1F4E0];
	vm0 =	vmor vm6, vm0  }
0x293: {  	v61 =	vld [tilespmem:$0x1F570];
	vm1 =	vmor vm13, vm1;
	vm6 =	vnez.u8 v52;
	vm2 =	vmor vm8, vm2  }
0x294: {  	v62 =	vld [tilespmem:$0x1F580];
	vm13 =	vnez.u8 v60;
	vm8 =	vnez.u8 v8;
	vm0 =	vmor vm9, vm0  }
0x295: {  	v52 =	vld [tilespmem:$0x1F4F0];
	vm1 =	vmor vm7, vm1;
	vm9 =	vnez.u8 v55;
	vm2 =	vmor vm11, vm2  }
0x296: {  	v60 =	vld [tilespmem:$0x1F560];
	vm7 =	vnez.u8 v5;
	vm11 =	vnez.u8 v37;
	vm0 =	vmor vm12, vm0  }
0x297: {  	v8 =	vld [tilespmem:$0x1F5D0];
	vm1 =	vmor vm10, vm1;
	vm12 =	vnez.u8 v58;
	vm0 =	vmor vm6, vm0  }
0x298: {  	v55 =	vld [tilespmem:$0x1F520];
	vm10 =	vnez.u8 v9;
	vm6 =	veq.f32 v34, $7.000000000e+00;
	vm0 =	vmor vm9, vm0  }
0x299: {  	v5 =	vld [tilespmem:$0x1F5B0];
	vm9 =	veq.f32 v34, $8.000000000e+00;
	vm0 =	vmor vm12, vm0;
	vm12 =	veq.f32 v34, $9.000000000e+00  }
0x29a: {  	[tilespmem:$0x1FC40] =	vst v0;
	v37 =	vld [tilespmem:$0x1F5F0];
	v0 =	vsel vm0, $0xFFFFFFFF, v59;
	vm0 =	vmor vm13, vm1;
	vm1 =	vmor vm14, vm2  }
0x29b: {  	v58 =	vld [tilespmem:$0x1F540];
	vm13 =	vnez.u8 v38;
	vm14 =	vnez.u8 v39;
	vm0 =	vmor vm4, vm0  }
0x29c: {  	v9 =	vld [tilespmem:$0x1F5E0];
	[tilespmem:$0x1FC60] =	vst v0;
	v0 =	vsel vm0, $0xFFFFFFFF, v63;
	vm0 =	vmor vm5, vm1;
	vm1 =	vmor vm11, vm9  }
0x29d: {  	v59 =	vld [tilespmem:$0x1F550];
	vm9 =	vnez.u8 v43;
	vm11 =	vnez.u8 v45;
	v45 =	vimm.s32 $0x0  }
0x29e: {  	v38 =	vld [tilespmem:$0x1F600];
	vm0 =	vmor vm7, vm0;
	vm1 =	vmor vm14, vm1;
	vm7 =	vnez.u8 v41  }
0x29f: {  	v39 =	vld [tilespmem:$0x1F610];
	[tilespmem:$0x1FC90] =	vst v0;
	vm14 =	vnez.u8 v48;
	v48 =	vimm.s32 $0x0;
	v0 =	vsel vm0, $0xFFFFFFFF, v7  }
0x2a0: {  	v63 =	vld [tilespmem:$0x1F590];
	vm0 =	vmor vm8, vm6;
	vm6 =	vnez.u8 v40;
	vm8 =	vnez.u8 v42  }
0x2a1: {  	v43 =	vld [tilespmem:$0x1F650];
	vm0 =	vmor vm10, vm0;
	vm2 =	vmor vm6, vm12;
	vm1 =	vmor vm8, vm1  }
0x2a2: {  	v41 =	vld [tilespmem:$0x1F630];
	vm10 =	vnez.u8 v44;
	vm12 =	vnez.u8 v46;
	vm6 =	vnez.u8 v49  }
0x2a3: {  	v7 =	vld [tilespmem:$0x1F5C0];
	vm8 =	vnez.u8 v52;
	vm0 =	vmor vm13, vm0;
	vm2 =	vmor vm9, vm2  }
0x2a4: {  	v40 =	vld [tilespmem:$0x1F620];
	vm1 =	vmor vm11, vm1;
	vm13 =	vnez.u8 v47;
	vm9 =	vnez.u8 v53  }
0x2a5: {  	v42 =	vld [tilespmem:$0x1F640];
	vm11 =	vnez.u8 v54;
	vm0 =	vmor vm7, vm0;
	vm2 =	vmor vm12, vm2  }
0x2a6: {  	v44 =	vld [tilespmem:$0x1F660];
	vm1 =	vmor vm14, vm1;
	vm7 =	vnez.u8 v50;
	vm12 =	vnez.u8 v55  }
0x2a7: {  	v46 =	vld [tilespmem:$0x1F670];
	vm14 =	veq.f32 v34, $1.000000000e+01;
	vm5 =	vnez.u8 v63;
	vm0 =	vmor vm10, vm0  }
0x2a8: {  	v49 =	vld [tilespmem:$0x1F690];
	vm2 =	vmor vm6, vm2;
	vm1 =	vmor vm8, vm1;
	vm6 =	vnez.u8 v56  }
0x2a9: {  	v52 =	vld [tilespmem:$0x1F6C0];
	vm0 =	vmor vm13, vm0;
	vm10 =	vmor vm9, vm2;
	vm2 =	vmor vm11, vm1  }
0x2aa: {  	v47 =	vld [tilespmem:$0x1F680];
	vm9 =	veq.f32 v34, $1.100000000e+01;
	vm11 =	vnez.u8 v60;
	vm0 =	vmor vm7, vm0  }
0x2ab: {  	v53 =	vld [tilespmem:$0x1F6D0];
	vm13 =	vmor vm12, vm10;
	vm7 =	vnez.u8 v58;
	vm10 =	vnez.u8 v59  }
0x2ac: {  	v54 =	vld [tilespmem:$0x1F6E0];
	vm3 =	vmor vm11, vm9;
	vm12 =	veq.f32 v34, $1.200000000e+01;
	vm9 =	vnez.u8 v8  }
0x2ad: {  	[tilespmem:$0x1FCB0] =	vst v0;
	v50 =	vld [tilespmem:$0x1F6A0];
	vm11 =	vnez.u8 v37;
	v0 =	vsel vm0, $0xFFFFFFFF, v51;
	vm0 =	vmor vm6, vm13  }
0x2ae: {  	v55 =	vld [tilespmem:$0x1F6F0];
	vm8 =	vmor vm7, vm14;
	vm13 =	vnez.u8 v61;
	vm14 =	vnez.u8 v62  }
0x2af: {  	v63 =	vld [tilespmem:$0x1F770];
	vm4 =	vmor vm5, vm12;
	vm6 =	vnez.u8 v4;
	vm7 =	vnez.u8 v5  }
0x2b0: {  	v56 =	vld [tilespmem:$0x1F700];
	vm12 =	vnez.u8 v38;
	vm5 =	vnez.u8 v41;
	[tilespmem:$0x1FCD0] =	vst v0;
	v0 =	vsel vm0, $0xFFFFFFFF, v57  }
0x2b1: {  	v60 =	vld [tilespmem:$0x1F740];
	vm1 =	vmor vm10, vm8;
	vm3 =	vmor vm14, vm3;
	vm8 =	vnez.u8 v7  }
0x2b2: {  	v58 =	vld [tilespmem:$0x1F720];
	vm10 =	vnez.u8 v9;
	vm14 =	vnez.u8 v40;
	vm1 =	vmor vm13, vm1  }
0x2b3: {  	v59 =	vld [tilespmem:$0x1F730];
	vm3 =	vmor vm7, vm3;
	vm4 =	vmor vm8, vm4;
	vm13 =	vnez.u8 v39  }
0x2b4: {  	v8 =	vld [tilespmem:$0x1F7B0];
	vm7 =	vnez.u8 v43;
	vm8 =	vnez.u8 v44;
	vm1 =	vmor vm6, vm1  }
0x2b5: {  	v37 =	vld [tilespmem:$0x1F7D0];
	vm3 =	vmor vm10, vm3;
	vm4 =	vmor vm11, vm4;
	vm6 =	vnez.u8 v42  }
0x2b6: {  	v51 =	vld [tilespmem:$0x1F6B0];
	vm11 =	veq.f32 v34, $1.300000000e+01;
	vm1 =	vmor vm9, vm1;
	vm3 =	vmor vm13, vm3  }
0x2b7: {  	v61 =	vld [tilespmem:$0x1F750];
	vm4 =	vmor vm14, vm4;
	vm9 =	vnez.u8 v46;
	vm13 =	vnez.u8 v49  }
0x2b8: {  	v62 =	vld [tilespmem:$0x1F760];
	vm1 =	vmor vm12, vm1;
	vm3 =	vmor vm6, vm3;
	vm4 =	vmor vm7, vm4  }
0x2b9: {  	v4 =	vld [tilespmem:$0x1F780];
	vm12 =	vnez.u8 v47;
	vm14 =	vmor vm13, vm11;
	vm11 =	veq.f32 v34, $1.500000000e+01  }
0x2ba: {  	v5 =	vld [tilespmem:$0x1F790];
	vm13 =	vnez.u8 v53;
	vm7 =	vnez.u8 v56;
	vm1 =	vmor vm5, vm1  }
0x2bb: {  	v57 =	vld [tilespmem:$0x1F710];
	vm0 =	vmor vm8, vm3;
	vm10 =	vmor vm9, vm4;
	vm8 =	veq.f32 v34, $1.400000000e+01  }
0x2bc: {  	v38 =	vld [tilespmem:$0x1F7E0];
	[tilespmem:$0x1FD00] =	vst v0;
	vm9 =	vnez.u8 v50;
	vm4 =	vnez.u8 v55;
	v0 =	vsel vm0, $0xFFFFFFFF, v45  }
0x2bd: {  	v41 =	vld [tilespmem:$0x1F810];
	vm0 =	vmor vm12, vm10;
	vm3 =	vmor vm9, vm14;
	vm10 =	vnez.u8 v51  }
0x2be: {  	v7 =	vld [tilespmem:$0x1F7A0];
	vm12 =	vnez.u8 v52;
	vm14 =	vnez.u8 v54;
	vm9 =	vnez.u8 v58  }
0x2bf: {  	v9 =	vld [tilespmem:$0x1F7C0];
	[tilespmem:$0x1FD60] =	vst v0;
	v0 =	vsel vm0, $0xFFFFFFFF, v48;
	vm5 =	vmor vm10, vm8;
	vm3 =	vmor vm12, vm3  }
0x2c0: {  	v40 =	vld [tilespmem:$0x1F800];
	vm6 =	vmor vm14, vm11;
	vm8 =	vnez.u8 v57;
	vm10 =	vnez.u8 v59  }
0x2c1: {  	v39 =	vld [tilespmem:$0x1F7F0];
	vm11 =	vnez.u8 v60;
	vm12 =	vnez.u8 v61;
	vm14 =	vnez.u8 v63  }
0x2c2: {  	v43 =	vld [tilespmem:$0x1F830];
	v59 =	vimm.s32 $0x0;
	vm5 =	vmor vm13, vm5;
	vm3 =	vmor vm4, vm3  }
0x2c3: {  	v44 =	vld [tilespmem:$0x1F840];
	vm6 =	vmor vm8, vm6;
	vm13 =	vnez.u8 v62;
	vm4 =	vnez.u8 v4  }
0x2c4: {  	v42 =	vld [tilespmem:$0x1F820];
	vm8 =	vnez.u8 v7;
	vm5 =	vmor vm7, vm5;
	vm3 =	vmor vm9, vm3  }
0x2c5: {  	v46 =	vld [tilespmem:$0x1F860];
	vm6 =	vmor vm11, vm6;
	vm7 =	vnez.u8 v5;
	vm9 =	vnez.u8 v8  }
0x2c6: {  	v49 =	vld [tilespmem:$0x1F890];
	vm11 =	veq.f32 v34, $1.600000000e+01;
	vm5 =	vmor vm10, vm5;
	vm3 =	vmor vm12, vm3  }
0x2c7: {  	v47 =	vld [tilespmem:$0x1F870];
	vm6 =	vmor vm14, vm6;
	vm10 =	vnez.u8 v9;
	vm12 =	vnez.u8 v37  }
0x2c8: {  	v53 =	vld [tilespmem:$0x1F8D0];
	vm14 =	veq.f32 v34, $1.700000000e+01;
	vm5 =	vmor vm13, vm5;
	vm3 =	vmor vm4, vm3  }
0x2c9: {  	v45 =	vld [tilespmem:$0x1F850];
	vm6 =	vmor vm8, vm6;
	vm13 =	vnez.u8 v38;
	vm4 =	vnez.u8 v44  }
0x2ca: {  	v50 =	vld [tilespmem:$0x1F8A0];
	vm5 =	vmor vm7, vm5;
	vm6 =	vmor vm10, vm6;
	vm7 =	vmor vm13, vm11  }
0x2cb: {  	v48 =	vld [tilespmem:$0x1F880];
	vm10 =	vnez.u8 v39;
	vm11 =	vnez.u8 v40;
	vm13 =	vnez.u8 v42  }
0x2cc: {  	v51 =	vld [tilespmem:$0x1F8B0];
	vm5 =	vmor vm9, vm5;
	vm6 =	vmor vm12, vm6;
	vm7 =	vmor vm10, vm7  }
0x2cd: {  	v52 =	vld [tilespmem:$0x1F8C0];
	vm8 =	vmor vm11, vm14;
	vm9 =	veq.f32 v34, $1.800000000e+01;
	vm12 =	vnez.u8 v41  }
0x2ce: {  	v56 =	vld [tilespmem:$0x1F900];
	vm14 =	vnez.u8 v43;
	vm10 =	vnez.u8 v45;
	vm11 =	vnez.u8 v46  }
0x2cf: {  	v54 =	vld [tilespmem:$0x1F8E0];
	vm7 =	vmor vm12, vm7;
	vm8 =	vmor vm13, vm8;
	vm9 =	vmor vm14, vm9  }
0x2d0: {  	v55 =	vld [tilespmem:$0x1F8F0];
	vm12 =	vnez.u8 v47;
	vm13 =	vnez.u8 v48;
	vm14 =	vnez.u8 v49  }
0x2d1: {  	v58 =	vld [tilespmem:$0x1F920];
	vm7 =	vmor vm4, vm7;
	vm8 =	vmor vm10, vm8;
	vm9 =	vmor vm11, vm9  }
0x2d2: {  	v57 =	vld [tilespmem:$0x1F910];
	vm4 =	vnez.u8 v50;
	vm10 =	vnez.u8 v51;
	vm11 =	vnez.u8 v52  }
0x2d3: {  	v63 =	vld [tilespmem:$0x1F960];
	v51 =	vsub.f32 v32, v33;
	vm7 =	vmor vm12, vm7;
	vm8 =	vmor vm13, vm8  }
0x2d4: {  	v60 =	vld [tilespmem:$0x1F930];
	vm9 =	vmor vm14, vm9;
	vm12 =	vnez.u8 v53;
	vm13 =	vnez.u8 v54  }
0x2d5: {  	v61 =	vld [tilespmem:$0x1F940];
	vm7 =	vmor vm4, vm7;
	vm8 =	vmor vm10, vm8;
	vm9 =	vmor vm11, vm9  }
0x2d6: {  	v62 =	vld [tilespmem:$0x1F950];
	vm11 =	vnez.u8 v55;
	vm4 =	veq.f32 v34, $1.900000000e+01;
	v55 =	vsub.f32 v31, v33  }
0x2d7: {  	v4 =	vld [tilespmem:$0x1F970];
	vm12 =	vmor vm12, vm7;
	vm14 =	vmor vm13, vm8;
	vm8 =	vmor vm11, vm9  }
0x2d8: {  	v7 =	vld [tilespmem:$0x1F990];
	vm13 =	vnez.u8 v56;
	vm11 =	vnez.u8 v58;
	vm9 =	vnez.u8 v63  }
0x2d9: {  	v5 =	vld [tilespmem:$0x1F980];
	vm7 =	vmor vm13, vm14;
	vm14 =	vnez.u8 v57;
	vm13 =	vnez.u8 v60  }
0x2da: {  	v8 =	vld [tilespmem:$0x1F9A0];
	v60 =	vsub.f32 v30, v33;
	v30 =	vsub.f32 v28, v33;
	vm8 =	vmor vm14, vm8  }
0x2db: {  	v9 =	vld [tilespmem:$0x1F9B0];
	vm14 =	vmor vm13, vm4;
	vm4 =	veq.f32 v34, $2.000000000e+01;
	vm13 =	vnez.u8 v61  }
0x2dc: {  	v37 =	vld [tilespmem:$0x1F9C0];
	vm0 =	vmor vm11, vm8;
	vm8 =	vmor vm13, vm14;
	vm14 =	vnez.u8 v62  }
0x2dd: {  	[tilespmem:$0x1FD80] =	vst v0;
	v38 =	vld [tilespmem:$0x1F9D0];
	vm13 =	vnez.u8 v4;
	v4 =	vmul.f32 $1.442695020e+00, v60;
	v0 =	vsel vm0, $0xFFFFFFFF, v59  }
0x2de: {  	v39 =	vld [tilespmem:$0x1F9E0];
	vm10 =	vmor vm14, vm4;
	vm4 =	veq.f32 v34, $2.100000000e+01;
	vm8 =	vmor vm9, vm8  }
0x2df: {  	v40 =	vld [tilespmem:$0x1F9F0];
	vm14 =	vnez.u8 v5;
	vm9 =	vnez.u8 v8;
	v59 =	vmul.f32 $1.442695020e+00, v55  }
0x2e0: {  	v5 =	vsub.f32 v29, v33;
	v55 =	vsub.f32 v23, v33;
	vm10 =	vmor vm13, vm10  }
0x2e1: {  	v44 =	vld [tilespmem:$0x1FA30];
	vm11 =	vmor vm14, vm4;
	vm4 =	vnez.u8 v7;
	vm13 =	vnez.u8 v9  }
0x2e2: {  	v41 =	vld [tilespmem:$0x1FA00];
	[tilespmem:$0x1FE20] =	vst v0;
	vm14 =	vnez.u8 v37;
	v0 =	vmul.f32 $1.442695020e+00, v51;
	vm8 =	vmor vm4, vm8  }
0x2e3: {  	v42 =	vld [tilespmem:$0x1FA10];
	vm10 =	vmor vm9, vm10;
	vm11 =	vmor vm13, vm11;
	vm4 =	vnez.u8 v38  }
0x2e4: {  	v43 =	vld [tilespmem:$0x1FA20];
	vm9 =	vnez.u8 v39;
	vm13 =	vnez.u8 v40;
	v29 =	vmul.f32 $1.442695020e+00, v5  }
0x2e5: {  	v45 =	vld [tilespmem:$0x1FA40];
	v38 =	vmul.f32 $1.442695020e+00, v30;
	v39 =	vsub.f32 v26, v33;
	v2 =	vmul.f32 $1.442695020e+00, v55  }
0x2e6: {  	v46 =	vld [tilespmem:$0x1FA50];
	v55 =	vsub.f32 v18, v33;
	vm8 =	vmor vm14, vm8;
	vm10 =	vmor vm4, vm10  }
0x2e7: {  	v47 =	vld [tilespmem:$0x1FA60];
	vm11 =	vmor vm9, vm11;
	vm14 =	vnez.u8 v41;
	vm9 =	veq.f32 v34, $2.300000000e+01  }
0x2e8: {  	v48 =	vld [tilespmem:$0x1FA70];
	(erf) = vpow2.f32 v0;
	vm8 =	vmor vm13, vm8;
	vm4 =	vmor vm14, vm10  }
0x2e9: {  	v49 =	vld [tilespmem:$0x1FA80];
	vm10 =	vnez.u8 v42;
	vm14 =	vnez.u8 v43;
	vm13 =	veq.f32 v34, $2.200000000e+01  }
0x2ea: {  	v50 =	vld [tilespmem:$0x1FA90];
	(erf) = vpow2.f32 v59;
	v42 =	vsub.f32 v27, v33;
	vm11 =	vmor vm10, vm11  }
0x2eb: {  	v52 =	vld [tilespmem:$0x1FAA0];
	vm10 =	vmor vm15, vm8;
	vm8 =	vmor vm14, vm4;
	vm15 =	vnez.u8 v44  }
0x2ec: {  	v32 =	vld [tilespmem:$0x1FB70];
	vm14 =	vnez.u8 v45;
	(erf) = vpow2.f32 v4;
	v44 =	vmul.f32 $1.442695020e+00, v39  }
0x2ed: {  	v53 =	vld [tilespmem:$0x1FAB0];
	v39 =	vsub.f32 v21, v33;
	vm4 =	vmor vm15, vm11;
	vm11 =	vmor vm14, vm8  }
0x2ee: {  	v54 =	vld [tilespmem:$0x1FAC0];
	vm15 =	vnez.u8 v46;
	(erf) = vpow2.f32 v29;
	v45 =	vmul.f32 $1.442695020e+00, v42  }
0x2ef: {  	v31 =	vld [tilespmem:$0x1FB60];
	v46 =	vsub.f32 v25, v33;
	vm4 =	vmor vm15, vm4;
	vm15 =	vnez.u8 v47  }
0x2f0: {  	v56 =	vld [tilespmem:$0x1FAD0];
	v29 =	vsub.f32 v22, v33;
	vm8 =	vmor vm15, vm4;
	vm4 =	vnez.u8 v48  }
0x2f1: {  	v57 =	vld [tilespmem:$0x1FAE0];
	(erf) = vpow2.f32 v38;
	vm15 =	vnez.u8 v49;
	vm13 =	vmor vm4, vm13  }
0x2f2: {  	v58 =	vld [tilespmem:$0x1FAF0];
	vm4 =	vnez.u8 v50;
	v50 =	vmul.f32 $1.442695020e+00, v46;
	vm13 =	vmor vm15, vm13  }
0x2f3: {  	v61 =	vld [tilespmem:$0x1FB00];
	vm14 =	vmor vm4, vm9;
	vm9 =	vnez.u8 v52;
	vm15 =	vnez.u8 v53  }
0x2f4: {  	v62 =	vld [tilespmem:$0x1FB10];
	vm4 =	veq.f32 v34, $2.400000000e+01;
	vm13 =	vmor vm9, vm13;
	vm9 =	vnez.u8 v54  }
0x2f5: {  	v63 =	vld [tilespmem:$0x1FB20];
	vm14 =	vmor vm15, vm14;
	vm15 =	vmor vm9, vm4;
	vm4 =	vnez.u8 v56  }
0x2f6: {  	v8 =	vld [tilespmem:$0x1FB40];
	vm9 =	vnez.u8 v57;
	v47 =	vpop (erf);
	(erf) = vpow2.f32 v44;
	v57 =	vsub.f32 v24, v33  }
0x2f7: {  	v7 =	vld [tilespmem:$0x1FB30];
	v44 =	vsub.f32 v20, v33;
	vm13 =	vmor vm4, vm13;
	vm14 =	vmor vm9, vm14  }
0x2f8: {  	v9 =	vld [tilespmem:$0x1FB50];
	vm4 =	vnez.u8 v58;
	vm9 =	vnez.u8 v61;
	(erf) = vpow2.f32 v45  }
0x2f9: {  	v37 =	vld [tilespmem:$0x1FB80];
	vm15 =	vmor vm4, vm15;
	vm13 =	vmor vm9, vm13;
	vm4 =	vnez.u8 v62  }
0x2fa: {  	v40 =	vld [tilespmem:$0x1FB90];
	v52 =	vpop (erf);
	vm9 =	vnez.u8 v63;
	(erf) = vpow2.f32 v50;
	v1 =	vmul.f32 $1.442695020e+00, v57  }
0x2fb: {  	v41 =	vld [tilespmem:$0x1FBA0];
	v57 =	vsub.f32 v16, v33;
	vm14 =	vmor vm4, vm14;
	vm15 =	vmor vm9, vm15  }
0x2fc: {  	v43 =	vld [tilespmem:$0x1FBB0];
	v58 =	vpop (erf);
	vm4 =	vnez.u8 v7;
	vm9 =	vnez.u8 v8;
	(erf) = vpow2.f32 v2  }
0x2fd: {  	v48 =	vld [tilespmem:$0x1FBC0];
	vm13 =	vmor vm4, vm13;
	vm14 =	vmor vm9, vm14;
	vm4 =	vnez.u8 v9  }
0x2fe: {  	v62 =	vpop (erf);
	vm9 =	vnez.u8 v31;
	(erf) = vpow2.f32 v1;
	v1 =	vmul.f32 $1.442695020e+00, v29  }
0x2ff: {  	vm0 =	vmor vm4, vm15;
	vm15 =	vmor vm9, vm13;
	vm13 =	vnez.u8 v32  }
0x300: {  	v49 =	vld [tilespmem:$0x1FBD0];
	vm9 =	vnez.u8 v37;
	vm13 =	vmor vm13, vm14;
	vm14 =	vnez.u8 v40  }
0x301: {  	v53 =	vld [tilespmem:$0x1FBE0];
	vm0 =	vmor vm9, vm0;
	vm9 =	vnez.u8 v41;
	vm14 =	vmor vm14, vm13  }
0x302: {  	v54 =	vld [tilespmem:$0x1FBF0];
	vm0 =	vmor vm9, vm0;
	vm13 =	vnez.u8 v43;
	vm9 =	vnez.u8 v48  }
0x303: {  	v48 =	vsub.f32 v19, v33;
	vm13 =	vmor vm13, vm0;
	vm0 =	veq.f32 v34, $2.500000000e+01  }
0x304: {  	v59 =	vld [tilespmem:$0x1FC00];
	v9 =	vpop (erf);
	vm4 =	veq.f32 v34, $2.600000000e+01;
	v43 =	vmul.f32 $1.442695020e+00, v39;
	vm0 =	vmor vm9, vm0  }
0x305: {  	v60 =	vld [tilespmem:$0x1FC10];
	vm9 =	vnez.u8 v49;
	v32 =	vpop (erf);
	(erf) = vpow2.f32 v1;
	v2 =	vmul.f32 $1.442695020e+00, v48  }
0x306: {  	v61 =	vld [tilespmem:$0x1FC20];
	v1 =	vmul.f32 $1.442695020e+00, v55;
	v25 =	vnsel vm9, $0x0, v47;
	vm9 =	vnez.u8 v53  }
0x307: {  	v63 =	vld [tilespmem:$0x1FC30];
	v51 =	vadd.f32 $0.0e+00, v25;
	vm0 =	vmor vm9, vm0;
	vm9 =	vnez.u8 v54  }
0x308: {  	v38 =	vpop (erf);
	v47 =	vmul.f32 $1.442695020e+00, v44;
	v53 =	vsub.f32 v17, v33;
	v26 =	vnsel vm9, $0x0, v52  }
0x309: {  	v8 =	vld [tilespmem:$0x1FC40];
	v42 =	vpop (erf);
	(erf) = vpow2.f32 v43;
	vm9 =	vnez.u8 v59;
	v56 =	vadd.f32 v51, v26  }
0x30a: {  	v27 =	vld [tilespmem:$0x1FC50];
	vm0 =	vmor vm9, vm0;
	vm9 =	vnez.u8 v60;
	v60 =	vmul.f32 $1.442695020e+00, v57  }
0x30b: {  	v28 =	vld [tilespmem:$0x1FC60];
	v23 =	vnsel vm9, $0x0, v58;
	vm9 =	vnez.u8 v61;
	v61 =	vsub.f32 v15, v33  }
0x30c: {  	vm0 =	vmor vm9, vm0;
	v0 =	vadd.f32 v56, v23;
	vm9 =	vnez.u8 v63  }
0x30d: {  	v30 =	vld [tilespmem:$0x1FC70];
	v51 =	vpop (erf);
	(erf) = vpow2.f32 v47;
	v56 =	vmul.f32 $1.442695020e+00, v53;
	vm0 =	vmor vm9, vm0  }
0x30e: {  	v31 =	vld [tilespmem:$0x1FC80];
	vm9 =	vnez.u8 v8;
	v52 =	vpop (erf);
	v19 =	vnsel vm2, $0x0, v51;
	(erf) = vpow2.f32 v2  }
0x30f: {  	v37 =	vld [tilespmem:$0x1FC90];
	vm2 =	veq.f32 v34, $2.700000000e+01;
	v24 =	vnsel vm9, $0x0, v62;
	vm9 =	vnez.u8 v27  }
0x310: {  	v40 =	vld [tilespmem:$0x1FCA0];
	(erf) = vpow2.f32 v56;
	vm4 =	vmor vm9, vm4;
	vm9 =	vnez.u8 v28  }
0x311: {  	v0 =	vadd.f32 v0, v24;
	(erf) = vpow2.f32 v1;
	v59 =	vpop (erf);
	v27 =	vnsel vm9, $0x0, v9  }
0x312: {  	v41 =	vld [tilespmem:$0x1FCB0];
	vm9 =	vnez.u8 v30;
	v15 =	vnsel vm1, $0x0, v59;
	(erf) = vpow2.f32 v60  }
0x313: {  	v45 =	vld [tilespmem:$0x1FCC0];
	v9 =	vmul.f32 $1.442695020e+00, v61;
	vm0 =	vmor vm9, vm0;
	vm9 =	vnez.u8 v31  }
0x314: {  	v31 =	vsub.f32 v12, v33;
	vm4 =	vmor vm9, vm4;
	vm9 =	vnez.u8 v37  }
0x315: {  	v46 =	vld [tilespmem:$0x1FCD0];
	v0 =	vadd.f32 v0, v27;
	v22 =	vnsel vm9, $0x0, v32;
	vm9 =	vnez.u8 v40  }
0x316: {  	v49 =	vld [tilespmem:$0x1FCE0];
	v8 =	vpop (erf);
	(erf) = vpow2.f32 v9;
	v2 =	vmul.f32 $1.442695020e+00, v31;
	vm4 =	vmor vm9, vm4  }
0x317: {  	vm9 =	vnez.u8 v41;
	v0 =	vadd.f32 v0, v22;
	v41 =	vsub.f32 v14, v33  }
0x318: {  	v50 =	vld [tilespmem:$0x1FCF0];
	v21 =	vnsel vm9, $0x0, v38;
	vm9 =	vnez.u8 v45;
	v38 =	vsub.f32 v13, v33  }
0x319: {  	v18 =	vld [tilespmem:$0x1FD40];
	v30 =	vpop (erf);
	(erf) = vpow2.f32 v2;
	v13 =	vsub.f32 v6, v33;
	vm4 =	vmor vm9, vm4  }
0x31a: {  	v54 =	vld [tilespmem:$0x1FD00];
	vm9 =	vnez.u8 v46;
	v0 =	vadd.f32 v0, v21;
	v4 =	vmul.f32 $1.442695020e+00, v41  }
0x31b: {  	v58 =	vld [tilespmem:$0x1FD10];
	v40 =	vpop (erf);
	v46 =	vsub.f32 v11, v33;
	v20 =	vnsel vm9, $0x0, v42;
	vm9 =	vnez.u8 v49  }
0x31c: {  	v62 =	vld [tilespmem:$0x1FD20];
	v43 =	vmul.f32 $1.442695020e+00, v38;
	v44 =	vpop (erf);
	v7 =	vmul.f32 $1.442695020e+00, v13;
	vm0 =	vmor vm9, vm0  }
0x31d: {  	v41 =	vld [tilespmem:$0x1FE70];
	vm9 =	vnez.u8 v50;
	v0 =	vadd.f32 v0, v20;
	v1 =	vnsel vm5, $0x0, v44  }
0x31e: {  	v29 =	vld [tilespmem:$0x1FD60];
	v45 =	vpop (erf);
	v49 =	vmul.f32 $1.442695020e+00, v46;
	v50 =	vsub.f32 v10, v33;
	vm4 =	vmor vm9, vm4  }
0x31f: {  	v63 =	vld [tilespmem:$0x1FD30];
	vm9 =	vnez.u8 v54;
	(erf) = vpow2.f32 v43;
	v2 =	vnsel vm6, $0x0, v45  }
0x320: {  	v38 =	vld [tilespmem:$0x1FE50];
	v17 =	vnsel vm9, $0x0, v52;
	v0 =	vadd.f32 v0, v19;
	vm9 =	vnez.u8 v58  }
0x321: {  	v28 =	vld [tilespmem:$0x1FD50];
	(erf) = vpow2.f32 v4;
	v5 =	vmul.f32 $1.442695020e+00, v50;
	vm2 =	vmor vm9, vm2  }
0x322: {  	v48 =	vpop (erf);
	v54 =	vld [tilespmem:$0x1FDB0];
	vm9 =	vnez.u8 v62;
	(erf) = vpow2.f32 v49;
	v13 =	vsub.f32 v41, v33  }
0x323: {  	v58 =	vld [tilespmem:$0x1FDD0];
	v53 =	vpop (erf);
	v49 =	vsub.f32 v36, v33;
	v0 =	vadd.f32 v0, v17;
	vm4 =	vmor vm9, vm4  }
0x324: {  	v32 =	vld [tilespmem:$0x1FD70];
	vm9 =	vnez.u8 v63;
	v4 =	vnsel vm7, $0x0, v53;
	(erf) = vpow2.f32 v5  }
0x325: {  	v37 =	vld [tilespmem:$0x1FD80];
	v11 =	vsub.f32 v38, v33;
	vm2 =	vmor vm9, vm2;
	vm9 =	vnez.u8 v18  }
0x326: {  	v42 =	vld [tilespmem:$0x1FD90];
	v13 =	vmul.f32 $1.442695020e+00, v13;
	v0 =	vadd.f32 v0, v15;
	vm1 =	vmor vm9, vm4  }
0x327: {  	v51 =	vld [tilespmem:$0x1FDA0];
	vm9 =	vnez.u8 v28;
	v55 =	vsub.f32 v54, v33;
	v11 =	vmul.f32 $1.442695020e+00, v11  }
0x328: {  	v56 =	vld [tilespmem:$0x1FDC0];
	vm2 =	vmor vm9, vm2;
	vm9 =	vnez.u8 v29;
	v59 =	vsub.f32 v58, v33  }
0x329: {  	v60 =	vld [tilespmem:$0x1FDE0];
	v16 =	vnsel vm9, $0x0, v8;
	vm9 =	vnez.u8 v32;
	v57 =	vmul.f32 $1.442695020e+00, v55  }
0x32a: {  	v61 =	vld [tilespmem:$0x1FDF0];
	v0 =	vadd.f32 v0, v16;
	vm2 =	vmor vm9, vm2;
	vm9 =	vnez.u8 v37  }
0x32b: {  	v32 =	vld [tilespmem:$0x1FE40];
	v8 =	vmul.f32 $1.442695020e+00, v59;
	v12 =	vnsel vm9, $0x0, v30;
	vm9 =	vnez.u8 v42  }
0x32c: {  	v18 =	vld [tilespmem:$0x1FE10];
	v63 =	vpop (erf);
	(erf) = vpow2.f32 v57;
	v39 =	vadd.f32 v0, v12;
	vm2 =	vmor vm9, vm2  }
0x32d: {  	v14 =	vld [tilespmem:$0x1FE00];
	v29 =	vpop (erf);
	v0 =	vnsel vm3, $0x0, v40;
	vm3 =	veq.f32 v34, $2.800000000e+01;
	vm9 =	vnez.u8 v51  }
0x32e: {  	v30 =	vld [tilespmem:$0x1FE30];
	(erf) = vpow2.f32 v8;
	v8 =	vnsel vm10, $0x0, v29;
	vm3 =	vmor vm9, vm3  }
0x32f: {  	v42 =	vld [tilespmem:$0x1FE80];
	v31 =	vpop (erf);
	vm9 =	vnez.u8 v56;
	(erf) = vpow2.f32 v7;
	v3 =	vadd.f32 v39, v0  }
0x330: {  	v44 =	vld [tilespmem:$0x1FE90];
	v37 =	vpop (erf);
	vm3 =	vmor vm9, vm3;
	vm9 =	vnez.u8 v61;
	v6 =	vsub.f32 v32, v33  }
0x331: {  	v45 =	vld [tilespmem:$0x1FEA0];
	v7 =	vnsel vm8, $0x0, v37;
	vm3 =	vmor vm9, vm3;
	vm9 =	vnez.u8 v18  }
0x332: {  	v28 =	vld [tilespmem:$0x1FE20];
	v47 =	vadd.f32 v3, v1;
	v3 =	vnsel vm12, $0x0, v48;
	vm12 =	vnez.u8 v60  }
0x333: {  	vm3 =	vmor vm9, vm3;
	vm9 =	vnez.u8 v30;
	v6 =	vmul.f32 $1.442695020e+00, v6  }
0x334: {  	v39 =	vld [tilespmem:$0x1FE60];
	vm8 =	vnez.u8 v42;
	vm2 =	vmor vm12, vm2;
	v52 =	vadd.f32 v47, v2  }
0x335: {  	v50 =	vld [tilespmem:$0x1FED0];
	vm12 =	vnez.u8 v14;
	vm3 =	vmor vm9, vm3;
	v14 =	vsub.f32 v44, v33  }
0x336: {  	v40 =	vpop (erf);
	v48 =	vld [tilespmem:$0x1FEC0];
	vm9 =	vnez.u8 v45;
	vm2 =	vmor vm12, vm2;
	v10 =	vadd.f32 v52, v3  }
0x337: {  	v54 =	vld [tilespmem:$0x1FF00];
	vm12 =	vnez.u8 v28;
	(erf) = vpow2.f32 v6;
	v6 =	vnsel vm15, $0x0, v40  }
0x338: {  	v53 =	vld [tilespmem:$0x1FEF0];
	vm15 =	veq.f32 v34, $3.000000000e+01;
	v5 =	vnsel vm12, $0x0, v63;
	v62 =	vadd.f32 v10, v4  }
0x339: {  	v47 =	vld [tilespmem:$0x1FEB0];
	vm12 =	vnez.u8 v39;
	(erf) = vpow2.f32 v11;
	v14 =	vmul.f32 $1.442695020e+00, v14;
	v43 =	vpop (erf)  }
0x33a: {  	v51 =	vld [tilespmem:$0x1FEE0];
	(erf) = vpow2.f32 v13;
	v11 =	vnsel vm14, $0x0, v43;
	v9 =	vadd.f32 v62, v5  }
0x33b: {  	v36 =	vld [tilespmem:$0x1FF90];
	v46 =	vpop (erf);
	vm10 =	vnez.u8 v48;
	(erf) = vpow2.f32 v14;
	v14 =	vmul.f32 $1.442695020e+00, v49  }
0x33c: {  	v56 =	vld [tilespmem:$0x1FF10];
	vm14 =	vnez.u8 v54;
	v10 =	vnsel vm11, $0x0, v31;
	v9 =	vadd.f32 v9, v8  }
0x33d: {  	v57 =	vld [tilespmem:$0x1FF20];
	vm11 =	veq.f32 v34, $2.900000000e+01;
	v13 =	vnsel vm13, $0x0, v46;
	vm13 =	vnez.u8 v53  }
0x33e: {  	v61 =	vld [tilespmem:$0x1FF50];
	v52 =	vpop (erf);
	vm4 =	vmor vm12, vm11;
	v18 =	vsub.f32 v47, v33;
	v9 =	vadd.f32 v9, v10  }
0x33f: {  	v59 =	vld [tilespmem:$0x1FF30];
	vm11 =	vnez.u8 v50;
	vm12 =	vnez.u8 v51;
	v28 =	vnsel vm0, $0x0, v52  }
0x340: {  	v60 =	vld [tilespmem:$0x1FF40];
	vm4 =	vmor vm8, vm4;
	vm3 =	vmor vm11, vm3;
	v9 =	vadd.f32 v9, v7  }
0x341: {  	v63 =	vld [tilespmem:$0x1FF60];
	vm8 =	vnez.u8 v56;
	vm11 =	veq.f32 v34, $3.100000000e+01;
	vm4 =	vmor vm9, vm4  }
0x342: {  	v33 =	vld [tilespmem:$0x1FF70];
	v18 =	vmul.f32 $1.442695020e+00, v18;
	vm0 =	vmor vm13, vm3;
	v9 =	vadd.f32 v9, v6  }
0x343: {  	v41 =	vld [tilespmem:$0x1FFD0];
	vm9 =	vnez.u8 v57;
	vm13 =	vnez.u8 v61;
	vm4 =	vmor vm10, vm4  }
0x344: {  	v38 =	vld [tilespmem:$0x1FFA0];
	vm10 =	vnez.u8 v59;
	vm4 =	vmor vm12, vm4;
	v9 =	vadd.f32 v9, v11  }
0x345: {  	v34 =	vld [tilespmem:$0x1FF80];
	(erf) = vpow2.f32 v18;
	v55 =	vpop (erf);
	vm12 =	vnez.u8 v60;
	vm3 =	vmor vm14, vm4  }
0x346: {  	v39 =	vld [tilespmem:$0x1FFB0];
	v18 =	vnsel vm1, $0x0, v55;
	(erf) = vpow2.f32 v14;
	v9 =	vadd.f32 v9, v13  }
0x347: {  	vm1 =	vmor vm9, vm15;
	vm14 =	vnez.u8 v63;
	vm15 =	vnez.u8 v33  }
0x348: {  	v40 =	vld [tilespmem:$0x1FFC0];
	v58 =	vpop (erf);
	vm9 =	vnez.u8 v36;
	vm3 =	vmor vm8, vm3;
	v9 =	vadd.f32 v9, v28  }
0x349: {  	vm1 =	vmor vm10, vm1;
	v14 =	vnsel vm2, $0x0, v58;
	vm2 =	vmor vm13, vm11  }
0x34a: {  	v43 =	vld [tilespmem:$0x1FFE0];
	vm8 =	vnez.u8 v34;
	vm10 =	vnez.u8 v38;
	v9 =	vadd.f32 v9, v18  }
0x34b: {  	v62 =	vpop (erf);
	vm11 =	vnez.u8 v39;
	vm13 =	vnez.u8 v41;
	vm1 =	vmor vm12, vm1  }
0x34c: {  	v44 =	vld [tilespmem:$0x1FFF0];
	vm2 =	vmor vm15, vm2;
	v29 =	vnsel vm0, $0x0, v62;
	v37 =	vpop (erf);
	v9 =	vadd.f32 v9, v14  }
0x34d: {  	vm12 =	vnez.u8 v40;
	vm1 =	vmor vm14, vm1;
	v30 =	vnsel vm3, $0x0, v37  }
0x34e: {  	vm0 =	vmor vm8, vm1;
	vm1 =	vmor vm9, vm2;
	v9 =	vadd.f32 v9, v29  }
0x34f: {  	vm14 =	vnez.u8 v43;
	vm0 =	vmor vm10, vm0;
	vm1 =	vmor vm11, vm1  }
0x350: {  	vm0 =	vmor vm12, vm0;
	vm1 =	vmor vm13, vm1;
	v42 =	vpop (erf);
	v9 =	vadd.f32 v9, v30  }
0x351: {  	vm15 =	vnez.u8 v44;
	vm1 =	vmor vm14, vm1;
	v31 =	vnsel vm0, $0x0, v42  }
0x352: {  	vm0 =	vmor vm15, vm1;
	v45 =	vpop (erf);
	v9 =	vadd.f32 v9, v31  }
0x353: {  	v32 =	vnsel vm0, $0x0, v45  }
0x354: {  	v9 =	vadd.f32 v9, v32;
	_ =	sdelay $0x1  }
0x355: {  	(erf) = vrcp.f32 v9;
	_ =	sdelay $0x8  }
0x356: {  	v9 =	vpop (erf)  }
0x357: {  	v25 =	vmul.f32 v9, v25  }
0x358: {  	v26 =	vmul.f32 v9, v26  }
0x359: {  	v23 =	vmul.f32 v9, v23;
	[tilespmem:s12+$0x1080] =	vst v25  }
0x35a: {  	v24 =	vmul.f32 v9, v24;
	[tilespmem:s12+$0x1100] =	vst v26  }
0x35b: {  	v46 =	vmul.f32 v9, v27;
	[tilespmem:s12+$0x1180] =	vst v23  }
0x35c: {  	v22 =	vmul.f32 v9, v22;
	[tilespmem:s12+$0x1200] =	vst v24  }
0x35d: {  	v21 =	vmul.f32 v9, v21;
	[tilespmem:s12+$0x1280] =	vst v46  }
0x35e: {  	v20 =	vmul.f32 v9, v20;
	[tilespmem:s12+$0x1300] =	vst v22  }
0x35f: {  	v19 =	vmul.f32 v9, v19;
	[tilespmem:s12+$0x1380] =	vst v21  }
0x360: {  	v17 =	vmul.f32 v9, v17;
	[tilespmem:s12+$0x1400] =	vst v20  }
0x361: {  	v15 =	vmul.f32 v9, v15;
	[tilespmem:s12+$0x1480] =	vst v19  }
0x362: {  	v16 =	vmul.f32 v9, v16;
	[tilespmem:s12+$0x1500] =	vst v17  }
0x363: {  	v12 =	vmul.f32 v9, v12;
	[tilespmem:s12+$0x1580] =	vst v15  }
0x364: {  	v0 =	vmul.f32 v9, v0;
	[tilespmem:s12+$0x1600] =	vst v16  }
0x365: {  	v1 =	vmul.f32 v9, v1;
	[tilespmem:s12+$0x1680] =	vst v12  }
0x366: {  	v47 =	vmul.f32 v9, v2;
	[tilespmem:s12+$0x1700] =	vst v0  }
0x367: {  	v48 =	vmul.f32 v9, v3;
	[tilespmem:s12+$0x1780] =	vst v1  }
0x368: {  	v49 =	vmul.f32 v9, v4;
	[tilespmem:s12+$0x1800] =	vst v47  }
0x369: {  	v50 =	vmul.f32 v9, v5;
	[tilespmem:s12+$0x1880] =	vst v48  }
0x36a: {  	v51 =	vmul.f32 v9, v8;
	[tilespmem:s12+$0x1900] =	vst v49  }
0x36b: {  	v52 =	vmul.f32 v9, v10;
	[tilespmem:s12+$0x1980] =	vst v50  }
0x36c: {  	v53 =	vmul.f32 v9, v7;
	[tilespmem:s12+$0x1A00] =	vst v51  }
0x36d: {  	v54 =	vmul.f32 v9, v6;
	[tilespmem:s12+$0x1A80] =	vst v52  }
0x36e: {  	v55 =	vmul.f32 v9, v11;
	[tilespmem:s12+$0x1B00] =	vst v53  }
0x36f: {  	v56 =	vmul.f32 v9, v13;
	[tilespmem:s12+$0x1B80] =	vst v54  }
0x370: {  	v57 =	vmul.f32 v9, v28;
	[tilespmem:s12+$0x1C00] =	vst v55  }
0x371: {  	v58 =	vmul.f32 v9, v18;
	[tilespmem:s12+$0x1C80] =	vst v56  }
0x372: {  	v59 =	vmul.f32 v9, v14;
	[tilespmem:s12+$0x1D00] =	vst v57  }
0x373: {  	p0 =	sne.s32 s11, $0xFFFFFFC0;
	v60 =	vmul.f32 v9, v29;
	[tilespmem:s12+$0x1D80] =	vst v58  }
.Ltmp0:
0x374: {  	v61 =	vmul.f32 v9, v30;
	[tilespmem:s12+$0x1E00] =	vst v59;
	(pc) =	sbr.rel @p0 .LBB2_2-.Ltmp0, $4  }
0x375: {  	v62 =	vmul.f32 v9, v31;
	[tilespmem:s12+$0x1E80] =	vst v60  }
0x376: {  	v63 =	vmul.f32 v9, v32;
	[tilespmem:s12+$0x1F00] =	vst v61  }
0x377: {  	[tilespmem:s12+$0x1F80] =	vst v62  }
0x378: {  	s11 =	sadd.s32 $0x40, s11;
	[tilespmem:s12+$0x2000] =	vst v63  }
0x379: {  	s10 =	sadd.s32 $0x1, s10  }
0x37a: {  	p0 =	sne.s32 s10, s5  }
.Ltmp1:
0x37b: {  	_ = 	snop;
	(pc) =	sbr.rel @p0 .LBB2_1-.Ltmp1, $4  }
0x37c: {  	[hbm4b:s4+s6] =	stream.strided.scatter [tilespmem:s9], [sflag:$0x1], $0x1000, s7, s6, $0x38;
	[tilespmem:$0x2000] =	vst v63  }
0x37d: {  	_ =	swait.ge [sflag:s8], $0x1000  }
0x37e: {  	[sflag:s8] =	ssyncset.done $0x0  }
0x37f: {  	[sflag:s8] =	ssyncadd.s32 $0xFFFFF000  }
0x380: {  	_ =	sfence.sel $0x180000  }
0x381: {  	[bflag:$0x0] =	sbarrier.arrive $0xFFFF  }
0x382: {  	p0 =	sne.s32 s1, $0x0;
	_ =	strace $0x90000047  }
0x383: {  	s0 =	sadd.s32 @!p0 $0x100000, s0;
	[bflag:$0x2] =	sbarrier.arrive $0xFFFF  }
0x384: {  	[sflag:s0] =	ssyncadd.tile.s32 @!p0 $0x1;
	_ =	shalt  }
.Lfunc_end2:
_tile_overlayer_lowered:
.L_overlay_start_2:
0x385: {  	(tag) =	ssettag $0x2  }
0x386: {  	s0 =	rddreg [dreg:$0x0];
	s2 =	stileid.u32  }
0x387: {  	s1 =	rddreg [dreg:$0x1];
	p0 =	sne.s32 s2, $0x0  }
0x388: {  	s3 =	rddreg [dreg:$0x2];
	[bflag:$0x3] =	sbarrier.arrive $0xFFFF;
	s2 =	simm.s32 @!p0 $0x1C01  }
0x389: {  	[timem:s3], [sflag:s2] =	dma.local @!p0 [hbm:s0], s1  }
0x38a: {  	s0 =	simm.s32 @!p0 $0x1  }
0x38b: {  	_ =	swait.ge @!p0 [sflag:s0], s1  }
0x38c: {  	s1 =	ssub.s32 @!p0 $0x0, s1;
	[sflag:s0] =	ssyncset.done @!p0 $0x0  }
0x38d: {  	[sflag:s0] =	ssyncadd.s32 @!p0 s1  }
0x38e: {  	[bflag:$0x3] =	sbarrier.arrive $0xFFFF  }
0x38f: {  	_ =	shalt  }

</sc_bundles>
